<compile_context>
chip_gen: v7x
topology: tpu7x:2x2x1
jax: 0.10.2.dev20260603
libtpu: 0.0.44.dev20260713+nightly
codegen_flags: <defaults>
</compile_context>

<pallas_src>
import functools

import jax
import jax.numpy as jnp
from jax import lax
from jax.experimental import pallas as pl
from jax.experimental.pallas import tpu as pltpu
from jax.experimental.pallas import tpu_sc as plsc

N = 10000
E = 320000
G = 256
F = 128
H = 64
PRED = 256

NC = 2
NS = 16
NW = NC * NS

NHALF = N // 2

CH = 80
NCHUNK = 125
EREAL = E // NW
NBUF = 4
NACC = N
RPT = 624
RTAIL = N - NS * RPT

RW = 320
NPAD = NW * RW
GP = 272
GROWS = G // NS
FLAT = GP * H


def _sc_mesh():
    return plsc.VectorSubcoreMesh(
        core_axis_name="c", subcore_axis_name="s", num_cores=NC, num_subcores=NS)


@functools.lru_cache(maxsize=None)
def _build_sc_kernels():
    edge_agg = pl.kernel(
        _sc_edge_agg_body,
        out_type=jax.ShapeDtypeStruct((NC * N, H), jnp.float32),
        mesh=_sc_mesh(),
        compiler_params=pltpu.CompilerParams(
            use_tc_tiling_on_sc=False, needs_layout_passes=False),
        scratch_types=[
            pltpu.VMEM((EREAL,), jnp.int32),
            pltpu.VMEM((EREAL,), jnp.int32),
            [pltpu.VMEM((CH, H), jnp.float32) for _ in range(NBUF)],
            pltpu.VMEM_SHARED((NACC, H), jnp.float32),
            [pltpu.SemaphoreType.DMA for _ in range(NBUF)],
        ],
    )
    readout = pl.kernel(
        _sc_readout_body,
        out_type=[
            jax.ShapeDtypeStruct((NC * G, H), jnp.float32),
            jax.ShapeDtypeStruct((NW * FLAT,), jnp.float32),
        ],
        mesh=_sc_mesh(),
        compiler_params=pltpu.CompilerParams(
            use_tc_tiling_on_sc=False, needs_layout_passes=False),
        scratch_types=[
            pltpu.VMEM((RW,), jnp.int32),
            pltpu.VMEM((RW, H), jnp.float32),
            pltpu.VMEM((RW, H), jnp.float32),
            pltpu.VMEM((FLAT,), jnp.float32),
            pltpu.VMEM_SHARED((GP, H), jnp.float32),
        ],
    )
    return edge_agg, readout


def _sc_edge_agg_body(m_hbm, src_hbm, dst_hbm, zero_hbm, out_hbm,
                      src_v, dst_v, rows, acc_sh, gsem):
    c = lax.axis_index("c")
    s = lax.axis_index("s")
    wid = c * NS + s
    pltpu.sync_copy(zero_hbm.at[pl.ds(s * RPT, RPT)],
                    acc_sh.at[pl.ds(s * RPT, RPT)])

    @pl.when(s == 0)
    def _():
        pltpu.sync_copy(zero_hbm.at[pl.ds(NS * RPT, NACC - NS * RPT)],
                        acc_sh.at[pl.ds(NS * RPT, NACC - NS * RPT)])

    pltpu.sync_copy(src_hbm.at[pl.ds(wid * EREAL, EREAL)], src_v)
    pltpu.sync_copy(dst_hbm.at[pl.ds(wid * EREAL, EREAL)], dst_v)
    plsc.subcore_barrier()

    def sidx(j):
        return src_v.at[pl.ds(j * CH, CH)]

    def didx(j):
        return dst_v.at[pl.ds(j * CH, CH)]

    for b in range(NBUF):
        pltpu.async_copy(m_hbm.at[sidx(b)], rows[b], gsem[b])

    def step(j, b):
        pltpu.make_async_copy(m_hbm.at[sidx(j)], rows[b], gsem[b]).wait()
        pltpu.sync_copy(rows[b], acc_sh.at[didx(j)], add=True)

    def body(i, carry):
        j0 = NBUF * i
        for b in range(NBUF):
            step(j0 + b, b)

            @pl.when(j0 + b + NBUF < NCHUNK)
            def _():
                pltpu.async_copy(
                    m_hbm.at[sidx(j0 + b + NBUF)], rows[b], gsem[b])

        return carry

    nloop = NCHUNK // NBUF
    lax.fori_loop(0, nloop, body, 0)
    for j in range(NBUF * nloop, NCHUNK):
        step(j, j % NBUF)
    plsc.subcore_barrier()
    pltpu.sync_copy(acc_sh.at[pl.ds(s * RPT, RPT)],
                    out_hbm.at[pl.ds(c * N + s * RPT, RPT)])

    @pl.when(s == 0)
    def _():
        pltpu.sync_copy(acc_sh.at[pl.ds(NS * RPT, RTAIL)],
                        out_hbm.at[pl.ds(c * N + NS * RPT, RTAIL)])


def _sc_readout_body(h_hbm, wh_hbm, gid_hbm, zseg_hbm, neg_hbm,
                     sum_hbm, max_hbm,
                     gid_v, hrows, whrows, maxloc, acc_sh):
    c = lax.axis_index("c")
    s = lax.axis_index("s")
    wid = c * NS + s
    pltpu.sync_copy(gid_hbm.at[pl.ds(wid * RW, RW)], gid_v)
    pltpu.sync_copy(h_hbm.at[pl.ds(wid * RW, RW)], hrows)
    pltpu.sync_copy(wh_hbm.at[pl.ds(wid * RW, RW)], whrows)
    pltpu.sync_copy(neg_hbm, maxloc)

    @pl.when(s == 0)
    def _():
        pltpu.sync_copy(zseg_hbm, acc_sh)
    plsc.subcore_barrier()
    pltpu.sync_copy(whrows, acc_sh.at[gid_v], add=True)

    lanes = lax.broadcasted_iota(jnp.int32, (16,), 0)

    def row_group(jj, carry):
        gvec = gid_v[pl.ds(jj * 16, 16)]
        for i in range(16):
            g = jnp.sum(jnp.where(lanes == i, gvec, 0))
            r = jj * 16 + i
            for k in range(H // 16):
                off = g * H + k * 16
                cur = maxloc[pl.ds(off, 16)]
                row = hrows[r, pl.ds(k * 16, 16)]
                maxloc[pl.ds(off, 16)] = jnp.maximum(cur, row)
        return carry

    lax.fori_loop(0, RW // 16, row_group, 0)

    pltpu.sync_copy(maxloc, max_hbm.at[pl.ds(wid * FLAT, FLAT)])
    plsc.subcore_barrier()
    pltpu.sync_copy(acc_sh.at[pl.ds(s * GROWS, GROWS)],
                    sum_hbm.at[pl.ds(c * G + s * GROWS, GROWS)])


def _dot(a, b):
    return jnp.dot(a, b, preferred_element_type=jnp.float32)


def _pair_mm(h128, w_ref):
    w = w_ref[...]
    return jnp.concatenate(
        [_dot(h128[:, 0:H], w), _dot(h128[:, H:F], w)], axis=1)


def _tc_pre_body(x_ref, w_ref, rw_ref, rb_ref, m_ref, r_ref):
    xa = x_ref[pl.ds(0, NHALF), :]
    xb = x_ref[pl.ds(NHALF, NHALF), :]
    w = w_ref[...]
    rw = rw_ref[...]
    m_ref[...] = jnp.concatenate([_dot(xa, w), _dot(xb, w)], axis=1)
    r_ref[...] = jnp.maximum(
        jnp.concatenate([_dot(xa, rw), _dot(xb, rw)], axis=1) + rb_ref[...],
        0.0)


_tc_pre = pl.pallas_call(
    _tc_pre_body,
    out_shape=[jax.ShapeDtypeStruct((NHALF, F), jnp.float32),
               jax.ShapeDtypeStruct((NHALF, F), jnp.float32)],
)


def _halves_mean(v128):
    half = (v128[:, 0:H] + v128[:, H:F]) * 0.5
    return jnp.concatenate([half, half], axis=1)


def _bn(aggp_ref, b_ref, r_ref, g_ref, be_ref):
    agg = aggp_ref[pl.ds(0, NHALF), :] + aggp_ref[pl.ds(NHALF, NHALF), :]
    t = jnp.maximum(agg + b_ref[...], 0.0) + r_ref[...]
    mu = _halves_mean(jnp.mean(t, axis=0, keepdims=True))
    d = t - mu
    var = _halves_mean(jnp.mean(d * d, axis=0, keepdims=True))
    return d * lax.rsqrt(var + 1e-5) * g_ref[...] + be_ref[...]


def _tc_post_body(aggp_ref, b_ref, r_ref, g_ref, be_ref,
                  wn_ref, rnw_ref, rnb_ref, m_ref, r2_ref):
    h = _bn(aggp_ref, b_ref, r_ref, g_ref, be_ref)
    m_ref[...] = _pair_mm(h, wn_ref)
    r2_ref[...] = jnp.maximum(_pair_mm(h, rnw_ref) + rnb_ref[...], 0.0)


_tc_post = pl.pallas_call(
    _tc_post_body,
    out_shape=[jax.ShapeDtypeStruct((NHALF, F), jnp.float32),
               jax.ShapeDtypeStruct((NHALF, F), jnp.float32)],
)


def _tc_post3_body(aggp_ref, b_ref, r_ref, g_ref, be_ref,
                   awt_ref, awb_ref, h_ref, wh_ref):
    h = _bn(aggp_ref, b_ref, r_ref, g_ref, be_ref)
    awt = awt_ref[...]
    awb = awb_ref[...]
    wa = jax.nn.sigmoid(
        jnp.sum(h[:, 0:H] * awt, axis=1, keepdims=True) + awb)
    wb = jax.nn.sigmoid(
        jnp.sum(h[:, H:F] * awt, axis=1, keepdims=True) + awb)
    wh = jnp.concatenate([wa * h[:, 0:H], wb * h[:, H:F]], axis=1)
    zpad = jnp.zeros((NPAD // 2 - NHALF, F), jnp.float32)
    h_ref[pl.ds(0, NHALF), :] = h
    h_ref[pl.ds(NHALF, NPAD // 2 - NHALF), :] = zpad
    wh_ref[pl.ds(0, NHALF), :] = wh
    wh_ref[pl.ds(NHALF, NPAD // 2 - NHALF), :] = zpad


_tc_post3 = pl.pallas_call(
    _tc_post3_body,
    out_shape=[jax.ShapeDtypeStruct((NPAD // 2, F), jnp.float32),
               jax.ShapeDtypeStruct((NPAD // 2, F), jnp.float32)],
)


def _tc_final_body(sump_ref, maxp_ref, tw_ref, tb_ref, out_ref):
    hsum = sump_ref[pl.ds(0, G), :] + sump_ref[pl.ds(G, G), :]
    hmax = maxp_ref[0, pl.ds(0, G), :]
    for w in range(1, NW):
        hmax = jnp.maximum(hmax, maxp_ref[w, pl.ds(0, G), :])
    hg = jnp.concatenate([hsum, hmax], axis=1)
    out_ref[...] = _dot(hg, tw_ref[...]) + tb_ref[...]


_tc_final = pl.pallas_call(
    _tc_final_body,
    out_shape=jax.ShapeDtypeStruct((G, PRED), jnp.float32),
)


def kernel(x, edge_index, node_graph_ids,
           W1, b1, R1w, R1b, g1, be1,
           W2, b2, R2w, R2b, g2, be2,
           W3, b3, R3w, R3b, g3, be3,
           awW, awb, tW, tb):
    f32 = jnp.float32

    def to_pair_row(v):
        return jnp.where(v < NHALF, 2 * v, 2 * (v - NHALF) + 1)

    src2 = to_pair_row(edge_index[0])
    dst2 = to_pair_row(edge_index[1])
    zero_acc = jnp.zeros((NACC, H), f32)
    zero_seg = jnp.zeros((GP, H), f32)
    neg_seg = jnp.full((FLAT,), -jnp.inf, f32)
    gidp = jnp.concatenate(
        [jnp.stack([node_graph_ids[:NHALF], node_graph_ids[NHALF:]],
                   axis=1).reshape(-1),
         jnp.full((NPAD - N,), G, jnp.int32)])

    def row(v):
        r = v.reshape(1, -1).astype(f32)
        return jnp.concatenate([r, r], axis=1)

    _sc_edge_agg, _sc_readout = _build_sc_kernels()

    m1, r1 = _tc_pre(x, W1, R1w, row(R1b))
    agg1 = _sc_edge_agg(m1.reshape(N, H), src2, dst2, zero_acc).reshape(N, F)
    m2, r2 = _tc_post(agg1, row(b1), r1, row(g1), row(be1), W2, R2w, row(R2b))
    agg2 = _sc_edge_agg(m2.reshape(N, H), src2, dst2, zero_acc).reshape(N, F)
    m3, r3 = _tc_post(agg2, row(b2), r2, row(g2), row(be2), W3, R3w, row(R3b))
    agg3 = _sc_edge_agg(m3.reshape(N, H), src2, dst2, zero_acc).reshape(N, F)
    hp, whp = _tc_post3(agg3, row(b3), r3, row(g3), row(be3),
                        awW.reshape(1, H), awb.reshape(1, 1))

    sump, maxp = _sc_readout(hp.reshape(NPAD, H), whp.reshape(NPAD, H),
                             gidp, zero_seg, neg_seg)
    return _tc_final(sump, maxp.reshape(NW, GP, H), tW, tb.reshape(1, PRED))

# --- scband reference (transcript-rebuilt; emitter-appended) ---
"""Pipeline reference for scband-gcn-encoder-12386685682246 (READ-ONLY COPY).

The authoritative reference and input builder live on the scoring server;
editing this copy changes nothing except your own understanding.
"""

import jax, jax.numpy as jnp
import numpy as np

N = 10000
E = 320000
G = 256
IN_FEATS = 128
H = 64
PRED = 256


def setup_inputs(seed: int = 0) -> dict:
    key = jax.random.key(seed)
    ks = jax.random.split(key, 24)
    inp = {}
    inp['x'] = jax.random.normal(ks[0], (N, IN_FEATS), dtype=jnp.float32)
    inp['edge_index'] = jax.random.randint(ks[1], (2, E), 0, N, dtype=jnp.int32)
    inp['node_graph_ids'] = jnp.sort(jax.random.randint(ks[2], (N,), 0, G, dtype=jnp.int32))
    # GCN layer 1 (in 128 -> 64): GraphConv weight/bias, residual linear, batchnorm affine
    s = 0.05
    inp['W1'] = jax.random.normal(ks[3], (IN_FEATS, H), dtype=jnp.float32) * s
    inp['b1'] = jnp.zeros((H,), jnp.float32)
    inp['R1w'] = jax.random.normal(ks[4], (IN_FEATS, H), dtype=jnp.float32) * s
    inp['R1b'] = jnp.zeros((H,), jnp.float32)
    inp['g1'] = jnp.ones((H,), jnp.float32)
    inp['be1'] = jnp.zeros((H,), jnp.float32)
    # layer 2 (64 -> 64)
    inp['W2'] = jax.random.normal(ks[5], (H, H), dtype=jnp.float32) * s
    inp['b2'] = jnp.zeros((H,), jnp.float32)
    inp['R2w'] = jax.random.normal(ks[6], (H, H), dtype=jnp.float32) * s
    inp['R2b'] = jnp.zeros((H,), jnp.float32)
    inp['g2'] = jnp.ones((H,), jnp.float32)
    inp['be2'] = jnp.zeros((H,), jnp.float32)
    # layer 3 (64 -> 64)
    inp['W3'] = jax.random.normal(ks[7], (H, H), dtype=jnp.float32) * s
    inp['b3'] = jnp.zeros((H,), jnp.float32)
    inp['R3w'] = jax.random.normal(ks[8], (H, H), dtype=jnp.float32) * s
    inp['R3b'] = jnp.zeros((H,), jnp.float32)
    inp['g3'] = jnp.ones((H,), jnp.float32)
    inp['be3'] = jnp.zeros((H,), jnp.float32)
    # WeightedSumAndMax readout: atom weighting Linear(H, 1) + sigmoid
    inp['awW'] = jax.random.normal(ks[9], (H, 1), dtype=jnp.float32) * s
    inp['awb'] = jnp.zeros((1,), jnp.float32)
    # final transform Linear(2H, predictor_dim)
    inp['tW'] = jax.random.normal(ks[10], (2 * H, PRED), dtype=jnp.float32) * s
    inp['tb'] = jnp.zeros((PRED,), jnp.float32)
    return inp


def _gcn_layer(h, src, dst, W, b, Rw, Rb, gamma, beta):
    # GraphConv (norm='none'): project then sum-aggregate src->dst, + bias, relu
    m = h @ W
    agg = jax.ops.segment_sum(m[src], dst, num_segments=N)
    new = jax.nn.relu(agg + b)
    # residual connection: relu(Linear(h))
    new = new + jax.nn.relu(h @ Rw + Rb)
    # BatchNorm1d over nodes (training-mode batch stats)
    mean = jnp.mean(new, axis=0)
    var = jnp.var(new, axis=0)
    new = (new - mean) / jnp.sqrt(var + 1e-5) * gamma + beta
    return new


def reference(x, edge_index, node_graph_ids,
              W1, b1, R1w, R1b, g1, be1,
              W2, b2, R2w, R2b, g2, be2,
              W3, b3, R3w, R3b, g3, be3,
              awW, awb, tW, tb):
    src = edge_index[0]
    dst = edge_index[1]
    h = _gcn_layer(x, src, dst, W1, b1, R1w, R1b, g1, be1)
    h = _gcn_layer(h, src, dst, W2, b2, R2w, R2b, g2, be2)
    h = _gcn_layer(h, src, dst, W3, b3, R3w, R3b, g3, be3)
    # WeightedSumAndMax readout
    w = jax.nn.sigmoid(h @ awW + awb)  # [N, 1]
    h_sum = jax.ops.segment_sum(w * h, node_graph_ids, num_segments=G)
    h_max = jax.ops.segment_max(h, node_graph_ids, num_segments=G)
    hg = jnp.concatenate([h_sum, h_max], axis=1)  # [G, 2H]
    return hg @ tW + tb  # [G, PRED]

if __name__ == "__main__":
    import jax
    _d = setup_inputs()
    print(jax.jit(kernel)(*tuple(_d.values())))

</pallas_src>

<mosaic_0001>
#map = affine_map<(d0, d1) -> (0, 0)>
#map1 = affine_map<(d0, d1) -> (0)>
module attributes {stable_mosaic.version = 14 : i64} {
  func.func @_sc_edge_agg_body(%arg0: i32, %arg1: i32, %arg2: memref<10000x64xf32, #tpu.memory_space<hbm>>, %arg3: memref<320000xi32, #tpu.memory_space<hbm>>, %arg4: memref<320000xi32, #tpu.memory_space<hbm>>, %arg5: memref<10000x64xf32, #tpu.memory_space<hbm>>, %arg6: memref<20000x64xf32, #tpu.memory_space<hbm>>, %arg7: memref<10000xi32, #tpu.memory_space<vmem>>, %arg8: memref<10000xi32, #tpu.memory_space<vmem>>, %arg9: memref<80x64xf32, #tpu.memory_space<vmem>>, %arg10: memref<80x64xf32, #tpu.memory_space<vmem>>, %arg11: memref<80x64xf32, #tpu.memory_space<vmem>>, %arg12: memref<80x64xf32, #tpu.memory_space<vmem>>, %arg13: memref<10000x64xf32, #tpu.memory_space<vmem_shared>>, %arg14: memref<!tpu.dma_semaphore, #tpu.memory_space<semaphore_mem>>, %arg15: memref<!tpu.dma_semaphore, #tpu.memory_space<semaphore_mem>>, %arg16: memref<!tpu.dma_semaphore, #tpu.memory_space<semaphore_mem>>, %arg17: memref<!tpu.dma_semaphore, #tpu.memory_space<semaphore_mem>>) attributes {dimension_semantics = [#tpu.dimension_semantics<core_parallel>, #tpu.dimension_semantics<subcore_parallel>], iteration_bounds = array<i64: 2, 16>, scalar_prefetch = 0 : i64, scratch_operands = 11 : i64, tpu.core_type = #tpu.core_type<sc_vector_subcore>, window_params = [{transform_indices = #map}, {transform_indices = #map1}, {transform_indices = #map1}, {transform_indices = #map}, {transform_indices = #map}]} {
    %mul3A = arith.constant 16 : i32
    %mul3A_0 = arith.muli %arg0, %mul3A : i32
    %add3A = arith.addi %mul3A_0, %arg1 : i32
    %mul3A_1 = arith.constant 624 : i32
    %mul3A_2 = arith.muli %arg1, %mul3A_1 : i32
    %mul3A_3 = arith.constant 624 : i32
    %mul3A_4 = arith.muli %arg1, %mul3A_3 : i32
    "tpu.region"() ({
      %run_scoped3A = tpu.sem_alloc : memref<!tpu.dma_semaphore, #tpu.memory_space<semaphore_mem>>
      %dma_start3A_52 = arith.constant 0 : i32
      %dma_start3A_53 = tpu.memref_slice %arg13[%mul3A_4, %dma_start3A_52] : memref<10000x64xf32, #tpu.memory_space<vmem_shared>> -> memref<624x64xf32, #tpu.memory_space<vmem_shared>>
      %dma_start3A_54 = arith.constant 0 : i32
      %dma_start3A_55 = tpu.memref_slice %arg5[%mul3A_2, %dma_start3A_54] : memref<10000x64xf32, #tpu.memory_space<hbm>> -> memref<624x64xf32, #tpu.memory_space<hbm>>
      tpu.enqueue_dma source(%dma_start3A_55 : memref<624x64xf32, #tpu.memory_space<hbm>>) target(%dma_start3A_53 : memref<624x64xf32, #tpu.memory_space<vmem_shared>>) target_semaphore(%run_scoped3A : memref<!tpu.dma_semaphore, #tpu.memory_space<semaphore_mem>>)
      %dma_wait3A_56 = arith.constant 0 : i32
      %dma_wait3A_57 = tpu.memref_slice %arg13[%mul3A_4, %dma_wait3A_56] : memref<10000x64xf32, #tpu.memory_space<vmem_shared>> -> memref<624x64xf32, #tpu.memory_space<vmem_shared>>
      %dma_wait3A_58 = arith.constant 0 : i32
      %dma_wait3A_59 = tpu.memref_slice %arg5[%mul3A_2, %dma_wait3A_58] : memref<10000x64xf32, #tpu.memory_space<hbm>> -> memref<624x64xf32, #tpu.memory_space<hbm>>
      tpu.wait_dma2 semaphore(%run_scoped3A : memref<!tpu.dma_semaphore, #tpu.memory_space<semaphore_mem>>) src(%dma_wait3A_59 : memref<624x64xf32, #tpu.memory_space<hbm>>) dst(%dma_wait3A_57 : memref<624x64xf32, #tpu.memory_space<vmem_shared>>)
      tpu.yield
    }) : () -> ()
    %eq3A = arith.constant 0 : i32
    %eq3A_5 = arith.cmpi eq, %arg1, %eq3A : i32
    %convert_element_type3A = arith.extui %eq3A_5 : i1 to i32
    %cond3A = arith.constant 0 : i32
    %cond3A_6 = arith.cmpi ne, %convert_element_type3A, %cond3A : i32
    scf.if %cond3A_6 {
      "tpu.region"() ({
        %run_scoped3A = tpu.sem_alloc : memref<!tpu.dma_semaphore, #tpu.memory_space<semaphore_mem>>
        %dma_start3A_52 = arith.constant 9984 : i32
        %dma_start3A_53 = arith.constant 0 : i32
        %dma_start3A_54 = tpu.memref_slice %arg13[%dma_start3A_52, %dma_start3A_53] : memref<10000x64xf32, #tpu.memory_space<vmem_shared>> -> memref<16x64xf32, #tpu.memory_space<vmem_shared>>
        %dma_start3A_55 = arith.constant 9984 : i32
        %dma_start3A_56 = arith.constant 0 : i32
        %dma_start3A_57 = tpu.memref_slice %arg5[%dma_start3A_55, %dma_start3A_56] : memref<10000x64xf32, #tpu.memory_space<hbm>> -> memref<16x64xf32, #tpu.memory_space<hbm>>
        tpu.enqueue_dma source(%dma_start3A_57 : memref<16x64xf32, #tpu.memory_space<hbm>>) target(%dma_start3A_54 : memref<16x64xf32, #tpu.memory_space<vmem_shared>>) target_semaphore(%run_scoped3A : memref<!tpu.dma_semaphore, #tpu.memory_space<semaphore_mem>>)
        %dma_wait3A_58 = arith.constant 9984 : i32
        %dma_wait3A_59 = arith.constant 0 : i32
        %dma_wait3A_60 = tpu.memref_slice %arg13[%dma_wait3A_58, %dma_wait3A_59] : memref<10000x64xf32, #tpu.memory_space<vmem_shared>> -> memref<16x64xf32, #tpu.memory_space<vmem_shared>>
        %dma_wait3A_61 = arith.constant 9984 : i32
        %dma_wait3A_62 = arith.constant 0 : i32
        %dma_wait3A_63 = tpu.memref_slice %arg5[%dma_wait3A_61, %dma_wait3A_62] : memref<10000x64xf32, #tpu.memory_space<hbm>> -> memref<16x64xf32, #tpu.memory_space<hbm>>
        tpu.wait_dma2 semaphore(%run_scoped3A : memref<!tpu.dma_semaphore, #tpu.memory_space<semaphore_mem>>) src(%dma_wait3A_63 : memref<16x64xf32, #tpu.memory_space<hbm>>) dst(%dma_wait3A_60 : memref<16x64xf32, #tpu.memory_space<vmem_shared>>)
        tpu.yield
      }) : () -> ()
    } else {
    }
    %mul3A_7 = arith.constant 10000 : i32
    %mul3A_8 = arith.muli %add3A, %mul3A_7 : i32
    "tpu.region"() ({
      %run_scoped3A = tpu.sem_alloc : memref<!tpu.dma_semaphore, #tpu.memory_space<semaphore_mem>>
      %dma_start3A_52 = tpu.memref_slice %arg3[%mul3A_8] : memref<320000xi32, #tpu.memory_space<hbm>> -> memref<10000xi32, #tpu.memory_space<hbm>>
      %dma_start3A_53 = tpu.memref_slice %arg3[%mul3A_8] : memref<320000xi32, #tpu.memory_space<hbm>> -> memref<10000xi32, #tpu.memory_space<hbm>>
      tpu.enqueue_dma source(%dma_start3A_53 : memref<10000xi32, #tpu.memory_space<hbm>>) target(%arg7 : memref<10000xi32, #tpu.memory_space<vmem>>) target_semaphore(%run_scoped3A : memref<!tpu.dma_semaphore, #tpu.memory_space<semaphore_mem>>)
      %dma_wait3A_54 = tpu.memref_slice %arg3[%mul3A_8] : memref<320000xi32, #tpu.memory_space<hbm>> -> memref<10000xi32, #tpu.memory_space<hbm>>
      %dma_wait3A_55 = tpu.memref_slice %arg3[%mul3A_8] : memref<320000xi32, #tpu.memory_space<hbm>> -> memref<10000xi32, #tpu.memory_space<hbm>>
      tpu.wait_dma2 semaphore(%run_scoped3A : memref<!tpu.dma_semaphore, #tpu.memory_space<semaphore_mem>>) src(%dma_wait3A_55 : memref<10000xi32, #tpu.memory_space<hbm>>) dst(%arg7 : memref<10000xi32, #tpu.memory_space<vmem>>)
      tpu.yield
    }) : () -> ()
    %mul3A_9 = arith.constant 10000 : i32
    %mul3A_10 = arith.muli %add3A, %mul3A_9 : i32
    "tpu.region"() ({
      %run_scoped3A = tpu.sem_alloc : memref<!tpu.dma_semaphore, #tpu.memory_space<semaphore_mem>>
      %dma_start3A_52 = tpu.memref_slice %arg4[%mul3A_10] : memref<320000xi32, #tpu.memory_space<hbm>> -> memref<10000xi32, #tpu.memory_space<hbm>>
      %dma_start3A_53 = tpu.memref_slice %arg4[%mul3A_10] : memref<320000xi32, #tpu.memory_space<hbm>> -> memref<10000xi32, #tpu.memory_space<hbm>>
      tpu.enqueue_dma source(%dma_start3A_53 : memref<10000xi32, #tpu.memory_space<hbm>>) target(%arg8 : memref<10000xi32, #tpu.memory_space<vmem>>) target_semaphore(%run_scoped3A : memref<!tpu.dma_semaphore, #tpu.memory_space<semaphore_mem>>)
      %dma_wait3A_54 = tpu.memref_slice %arg4[%mul3A_10] : memref<320000xi32, #tpu.memory_space<hbm>> -> memref<10000xi32, #tpu.memory_space<hbm>>
      %dma_wait3A_55 = tpu.memref_slice %arg4[%mul3A_10] : memref<320000xi32, #tpu.memory_space<hbm>> -> memref<10000xi32, #tpu.memory_space<hbm>>
      tpu.wait_dma2 semaphore(%run_scoped3A : memref<!tpu.dma_semaphore, #tpu.memory_space<semaphore_mem>>) src(%dma_wait3A_55 : memref<10000xi32, #tpu.memory_space<hbm>>) dst(%arg8 : memref<10000xi32, #tpu.memory_space<vmem>>)
      tpu.yield
    }) : () -> ()
    %barrier3A = arith.constant 0 : index
    tpu.barrier barrier_id(%barrier3A)
    %dma_start3A = arith.constant 0 : i32
    %dma_start3A_11 = tpu.memref_slice %arg7[%dma_start3A] : memref<10000xi32, #tpu.memory_space<vmem>> -> memref<80xi32, #tpu.memory_space<vmem>>
    %dma_start3A_12 = arith.constant 0 : i32
    %dma_start3A_13 = arith.constant 0 : i32
    %dma_start3A_14 = tpu.memref_slice %arg2[%dma_start3A_12, %dma_start3A_13] : memref<10000x64xf32, #tpu.memory_space<hbm>> -> memref<10000x64xf32, #tpu.memory_space<hbm>>
    tpu.enqueue_indirect_dma source(%dma_start3A_14 : memref<10000x64xf32, #tpu.memory_space<hbm>>) target(%arg9 : memref<80x64xf32, #tpu.memory_space<vmem>>) offsets(%dma_start3A_11 : memref<80xi32, #tpu.memory_space<vmem>>) semaphore(%arg14 : memref<!tpu.dma_semaphore, #tpu.memory_space<semaphore_mem>>)
    %dma_start3A_15 = arith.constant 80 : i32
    %dma_start3A_16 = tpu.memref_slice %arg7[%dma_start3A_15] : memref<10000xi32, #tpu.memory_space<vmem>> -> memref<80xi32, #tpu.memory_space<vmem>>
    %dma_start3A_17 = arith.constant 0 : i32
    %dma_start3A_18 = arith.constant 0 : i32
    %dma_start3A_19 = tpu.memref_slice %arg2[%dma_start3A_17, %dma_start3A_18] : memref<10000x64xf32, #tpu.memory_space<hbm>> -> memref<10000x64xf32, #tpu.memory_space<hbm>>
    tpu.enqueue_indirect_dma source(%dma_start3A_19 : memref<10000x64xf32, #tpu.memory_space<hbm>>) target(%arg10 : memref<80x64xf32, #tpu.memory_space<vmem>>) offsets(%dma_start3A_16 : memref<80xi32, #tpu.memory_space<vmem>>) semaphore(%arg15 : memref<!tpu.dma_semaphore, #tpu.memory_space<semaphore_mem>>)
    %dma_start3A_20 = arith.constant 160 : i32
    %dma_start3A_21 = tpu.memref_slice %arg7[%dma_start3A_20] : memref<10000xi32, #tpu.memory_space<vmem>> -> memref<80xi32, #tpu.memory_space<vmem>>
    %dma_start3A_22 = arith.constant 0 : i32
    %dma_start3A_23 = arith.constant 0 : i32
    %dma_start3A_24 = tpu.memref_slice %arg2[%dma_start3A_22, %dma_start3A_23] : memref<10000x64xf32, #tpu.memory_space<hbm>> -> memref<10000x64xf32, #tpu.memory_space<hbm>>
    tpu.enqueue_indirect_dma source(%dma_start3A_24 : memref<10000x64xf32, #tpu.memory_space<hbm>>) target(%arg11 : memref<80x64xf32, #tpu.memory_space<vmem>>) offsets(%dma_start3A_21 : memref<80xi32, #tpu.memory_space<vmem>>) semaphore(%arg16 : memref<!tpu.dma_semaphore, #tpu.memory_space<semaphore_mem>>)
    %dma_start3A_25 = arith.constant 240 : i32
    %dma_start3A_26 = tpu.memref_slice %arg7[%dma_start3A_25] : memref<10000xi32, #tpu.memory_space<vmem>> -> memref<80xi32, #tpu.memory_space<vmem>>
    %dma_start3A_27 = arith.constant 0 : i32
    %dma_start3A_28 = arith.constant 0 : i32
    %dma_start3A_29 = tpu.memref_slice %arg2[%dma_start3A_27, %dma_start3A_28] : memref<10000x64xf32, #tpu.memory_space<hbm>> -> memref<10000x64xf32, #tpu.memory_space<hbm>>
    tpu.enqueue_indirect_dma source(%dma_start3A_29 : memref<10000x64xf32, #tpu.memory_space<hbm>>) target(%arg12 : memref<80x64xf32, #tpu.memory_space<vmem>>) offsets(%dma_start3A_26 : memref<80xi32, #tpu.memory_space<vmem>>) semaphore(%arg17 : memref<!tpu.dma_semaphore, #tpu.memory_space<semaphore_mem>>)
    %scan3A = arith.constant 0 : i32
    %scan3A_30 = arith.constant 0 : i32
    %scan3A_31 = arith.constant 31 : i32
    %scan3A_32 = arith.addi %scan3A_30, %scan3A_31 : i32
    %scan3A_33 = arith.constant 1 : i32
    scf.for %scan3A_52 = %scan3A_30 to %scan3A_32 step %scan3A_33  : i32 {
      %mul3A_53 = arith.constant 4 : i32
      %mul3A_54 = arith.muli %mul3A_53, %scan3A_52 : i32
      %add3A_55 = arith.constant 0 : i32
      %add3A_56 = arith.addi %mul3A_54, %add3A_55 : i32
      %mul3A_57 = arith.constant 80 : i32
      %mul3A_58 = arith.muli %add3A_56, %mul3A_57 : i32
      %dma_wait3A_59 = tpu.memref_slice %arg7[%mul3A_58] : memref<10000xi32, #tpu.memory_space<vmem>> -> memref<80xi32, #tpu.memory_space<vmem>>
      %dma_wait3A_60 = arith.constant 0 : i32
      %dma_wait3A_61 = arith.constant 0 : i32
      %dma_wait3A_62 = tpu.memref_slice %arg2[%dma_wait3A_60, %dma_wait3A_61] : memref<10000x64xf32, #tpu.memory_space<hbm>> -> memref<10000x64xf32, #tpu.memory_space<hbm>>
      tpu.wait_indirect_dma semaphore(%arg14 : memref<!tpu.dma_semaphore, #tpu.memory_space<semaphore_mem>>) src(%dma_wait3A_62 : memref<10000x64xf32, #tpu.memory_space<hbm>>) dst(%arg9 : memref<80x64xf32, #tpu.memory_space<vmem>>)
      %mul3A_63 = arith.constant 80 : i32
      %mul3A_64 = arith.muli %add3A_56, %mul3A_63 : i32
      "tpu.region"() ({
        %run_scoped3A = tpu.sem_alloc : memref<!tpu.dma_semaphore, #tpu.memory_space<semaphore_mem>>
        %dma_start3A_130 = tpu.memref_slice %arg8[%mul3A_64] : memref<10000xi32, #tpu.memory_space<vmem>> -> memref<80xi32, #tpu.memory_space<vmem>>
        %dma_start3A_131 = arith.constant 0 : i32
        %dma_start3A_132 = arith.constant 0 : i32
        %dma_start3A_133 = tpu.memref_slice %arg13[%dma_start3A_131, %dma_start3A_132] : memref<10000x64xf32, #tpu.memory_space<vmem_shared>> -> memref<10000x64xf32, #tpu.memory_space<vmem_shared>>
        tpu.enqueue_indirect_dma source(%arg9 : memref<80x64xf32, #tpu.memory_space<vmem>>) target(%dma_start3A_133 : memref<10000x64xf32, #tpu.memory_space<vmem_shared>>) offsets(%dma_start3A_130 : memref<80xi32, #tpu.memory_space<vmem>>) semaphore(%run_scoped3A : memref<!tpu.dma_semaphore, #tpu.memory_space<semaphore_mem>>) {add = true}
        %dma_wait3A_134 = tpu.memref_slice %arg8[%mul3A_64] : memref<10000xi32, #tpu.memory_space<vmem>> -> memref<80xi32, #tpu.memory_space<vmem>>
        %dma_wait3A_135 = arith.constant 0 : i32
        %dma_wait3A_136 = arith.constant 0 : i32
        %dma_wait3A_137 = tpu.memref_slice %arg13[%dma_wait3A_135, %dma_wait3A_136] : memref<10000x64xf32, #tpu.memory_space<vmem_shared>> -> memref<10000x64xf32, #tpu.memory_space<vmem_shared>>
        tpu.wait_indirect_dma semaphore(%run_scoped3A : memref<!tpu.dma_semaphore, #tpu.memory_space<semaphore_mem>>) src(%arg9 : memref<80x64xf32, #tpu.memory_space<vmem>>) dst(%dma_wait3A_137 : memref<10000x64xf32, #tpu.memory_space<vmem_shared>>)
        tpu.yield
      }) : () -> ()
      %add3A_65 = arith.constant 0 : i32
      %add3A_66 = arith.addi %mul3A_54, %add3A_65 : i32
      %add3A_67 = arith.constant 4 : i32
      %add3A_68 = arith.addi %add3A_66, %add3A_67 : i32
      %lt3A = arith.constant 125 : i32
      %lt3A_69 = arith.cmpi slt, %add3A_68, %lt3A : i32
      %convert_element_type3A_70 = arith.extui %lt3A_69 : i1 to i32
      %cond3A_71 = arith.constant 0 : i32
      %cond3A_72 = arith.cmpi ne, %convert_element_type3A_70, %cond3A_71 : i32
      scf.if %cond3A_72 {
        %add3A_130 = arith.constant 0 : i32
        %add3A_131 = arith.addi %mul3A_54, %add3A_130 : i32
        %add3A_132 = arith.constant 4 : i32
        %add3A_133 = arith.addi %add3A_131, %add3A_132 : i32
        %mul3A_134 = arith.constant 80 : i32
        %mul3A_135 = arith.muli %add3A_133, %mul3A_134 : i32
        %dma_start3A_136 = tpu.memref_slice %arg7[%mul3A_135] : memref<10000xi32, #tpu.memory_space<vmem>> -> memref<80xi32, #tpu.memory_space<vmem>>
        %dma_start3A_137 = arith.constant 0 : i32
        %dma_start3A_138 = arith.constant 0 : i32
        %dma_start3A_139 = tpu.memref_slice %arg2[%dma_start3A_137, %dma_start3A_138] : memref<10000x64xf32, #tpu.memory_space<hbm>> -> memref<10000x64xf32, #tpu.memory_space<hbm>>
        tpu.enqueue_indirect_dma source(%dma_start3A_139 : memref<10000x64xf32, #tpu.memory_space<hbm>>) target(%arg9 : memref<80x64xf32, #tpu.memory_space<vmem>>) offsets(%dma_start3A_136 : memref<80xi32, #tpu.memory_space<vmem>>) semaphore(%arg14 : memref<!tpu.dma_semaphore, #tpu.memory_space<semaphore_mem>>)
      } else {
      }
      %add3A_73 = arith.constant 1 : i32
      %add3A_74 = arith.addi %mul3A_54, %add3A_73 : i32
      %mul3A_75 = arith.constant 80 : i32
      %mul3A_76 = arith.muli %add3A_74, %mul3A_75 : i32
      %dma_wait3A_77 = tpu.memref_slice %arg7[%mul3A_76] : memref<10000xi32, #tpu.memory_space<vmem>> -> memref<80xi32, #tpu.memory_space<vmem>>
      %dma_wait3A_78 = arith.constant 0 : i32
      %dma_wait3A_79 = arith.constant 0 : i32
      %dma_wait3A_80 = tpu.memref_slice %arg2[%dma_wait3A_78, %dma_wait3A_79] : memref<10000x64xf32, #tpu.memory_space<hbm>> -> memref<10000x64xf32, #tpu.memory_space<hbm>>
      tpu.wait_indirect_dma semaphore(%arg15 : memref<!tpu.dma_semaphore, #tpu.memory_space<semaphore_mem>>) src(%dma_wait3A_80 : memref<10000x64xf32, #tpu.memory_space<hbm>>) dst(%arg10 : memref<80x64xf32, #tpu.memory_space<vmem>>)
      %mul3A_81 = arith.constant 80 : i32
      %mul3A_82 = arith.muli %add3A_74, %mul3A_81 : i32
      "tpu.region"() ({
        %run_scoped3A = tpu.sem_alloc : memref<!tpu.dma_semaphore, #tpu.memory_space<semaphore_mem>>
        %dma_start3A_130 = tpu.memref_slice %arg8[%mul3A_82] : memref<10000xi32, #tpu.memory_space<vmem>> -> memref<80xi32, #tpu.memory_space<vmem>>
        %dma_start3A_131 = arith.constant 0 : i32
        %dma_start3A_132 = arith.constant 0 : i32
        %dma_start3A_133 = tpu.memref_slice %arg13[%dma_start3A_131, %dma_start3A_132] : memref<10000x64xf32, #tpu.memory_space<vmem_shared>> -> memref<10000x64xf32, #tpu.memory_space<vmem_shared>>
        tpu.enqueue_indirect_dma source(%arg10 : memref<80x64xf32, #tpu.memory_space<vmem>>) target(%dma_start3A_133 : memref<10000x64xf32, #tpu.memory_space<vmem_shared>>) offsets(%dma_start3A_130 : memref<80xi32, #tpu.memory_space<vmem>>) semaphore(%run_scoped3A : memref<!tpu.dma_semaphore, #tpu.memory_space<semaphore_mem>>) {add = true}
        %dma_wait3A_134 = tpu.memref_slice %arg8[%mul3A_82] : memref<10000xi32, #tpu.memory_space<vmem>> -> memref<80xi32, #tpu.memory_space<vmem>>
        %dma_wait3A_135 = arith.constant 0 : i32
        %dma_wait3A_136 = arith.constant 0 : i32
        %dma_wait3A_137 = tpu.memref_slice %arg13[%dma_wait3A_135, %dma_wait3A_136] : memref<10000x64xf32, #tpu.memory_space<vmem_shared>> -> memref<10000x64xf32, #tpu.memory_space<vmem_shared>>
        tpu.wait_indirect_dma semaphore(%run_scoped3A : memref<!tpu.dma_semaphore, #tpu.memory_space<semaphore_mem>>) src(%arg10 : memref<80x64xf32, #tpu.memory_space<vmem>>) dst(%dma_wait3A_137 : memref<10000x64xf32, #tpu.memory_space<vmem_shared>>)
        tpu.yield
      }) : () -> ()
      %add3A_83 = arith.constant 1 : i32
      %add3A_84 = arith.addi %mul3A_54, %add3A_83 : i32
      %add3A_85 = arith.constant 4 : i32
      %add3A_86 = arith.addi %add3A_84, %add3A_85 : i32
      %lt3A_87 = arith.constant 125 : i32
      %lt3A_88 = arith.cmpi slt, %add3A_86, %lt3A_87 : i32
      %convert_element_type3A_89 = arith.extui %lt3A_88 : i1 to i32
      %cond3A_90 = arith.constant 0 : i32
      %cond3A_91 = arith.cmpi ne, %convert_element_type3A_89, %cond3A_90 : i32
      scf.if %cond3A_91 {
        %add3A_130 = arith.constant 1 : i32
        %add3A_131 = arith.addi %mul3A_54, %add3A_130 : i32
        %add3A_132 = arith.constant 4 : i32
        %add3A_133 = arith.addi %add3A_131, %add3A_132 : i32
        %mul3A_134 = arith.constant 80 : i32
        %mul3A_135 = arith.muli %add3A_133, %mul3A_134 : i32
        %dma_start3A_136 = tpu.memref_slice %arg7[%mul3A_135] : memref<10000xi32, #tpu.memory_space<vmem>> -> memref<80xi32, #tpu.memory_space<vmem>>
        %dma_start3A_137 = arith.constant 0 : i32
        %dma_start3A_138 = arith.constant 0 : i32
        %dma_start3A_139 = tpu.memref_slice %arg2[%dma_start3A_137, %dma_start3A_138] : memref<10000x64xf32, #tpu.memory_space<hbm>> -> memref<10000x64xf32, #tpu.memory_space<hbm>>
        tpu.enqueue_indirect_dma source(%dma_start3A_139 : memref<10000x64xf32, #tpu.memory_space<hbm>>) target(%arg10 : memref<80x64xf32, #tpu.memory_space<vmem>>) offsets(%dma_start3A_136 : memref<80xi32, #tpu.memory_space<vmem>>) semaphore(%arg15 : memref<!tpu.dma_semaphore, #tpu.memory_space<semaphore_mem>>)
      } else {
      }
      %add3A_92 = arith.constant 2 : i32
      %add3A_93 = arith.addi %mul3A_54, %add3A_92 : i32
      %mul3A_94 = arith.constant 80 : i32
      %mul3A_95 = arith.muli %add3A_93, %mul3A_94 : i32
      %dma_wait3A_96 = tpu.memref_slice %arg7[%mul3A_95] : memref<10000xi32, #tpu.memory_space<vmem>> -> memref<80xi32, #tpu.memory_space<vmem>>
      %dma_wait3A_97 = arith.constant 0 : i32
      %dma_wait3A_98 = arith.constant 0 : i32
      %dma_wait3A_99 = tpu.memref_slice %arg2[%dma_wait3A_97, %dma_wait3A_98] : memref<10000x64xf32, #tpu.memory_space<hbm>> -> memref<10000x64xf32, #tpu.memory_space<hbm>>
      tpu.wait_indirect_dma semaphore(%arg16 : memref<!tpu.dma_semaphore, #tpu.memory_space<semaphore_mem>>) src(%dma_wait3A_99 : memref<10000x64xf32, #tpu.memory_space<hbm>>) dst(%arg11 : memref<80x64xf32, #tpu.memory_space<vmem>>)
      %mul3A_100 = arith.constant 80 : i32
      %mul3A_101 = arith.muli %add3A_93, %mul3A_100 : i32
      "tpu.region"() ({
        %run_scoped3A = tpu.sem_alloc : memref<!tpu.dma_semaphore, #tpu.memory_space<semaphore_mem>>
        %dma_start3A_130 = tpu.memref_slice %arg8[%mul3A_101] : memref<10000xi32, #tpu.memory_space<vmem>> -> memref<80xi32, #tpu.memory_space<vmem>>
        %dma_start3A_131 = arith.constant 0 : i32
        %dma_start3A_132 = arith.constant 0 : i32
        %dma_start3A_133 = tpu.memref_slice %arg13[%dma_start3A_131, %dma_start3A_132] : memref<10000x64xf32, #tpu.memory_space<vmem_shared>> -> memref<10000x64xf32, #tpu.memory_space<vmem_shared>>
        tpu.enqueue_indirect_dma source(%arg11 : memref<80x64xf32, #tpu.memory_space<vmem>>) target(%dma_start3A_133 : memref<10000x64xf32, #tpu.memory_space<vmem_shared>>) offsets(%dma_start3A_130 : memref<80xi32, #tpu.memory_space<vmem>>) semaphore(%run_scoped3A : memref<!tpu.dma_semaphore, #tpu.memory_space<semaphore_mem>>) {add = true}
        %dma_wait3A_134 = tpu.memref_slice %arg8[%mul3A_101] : memref<10000xi32, #tpu.memory_space<vmem>> -> memref<80xi32, #tpu.memory_space<vmem>>
        %dma_wait3A_135 = arith.constant 0 : i32
        %dma_wait3A_136 = arith.constant 0 : i32
        %dma_wait3A_137 = tpu.memref_slice %arg13[%dma_wait3A_135, %dma_wait3A_136] : memref<10000x64xf32, #tpu.memory_space<vmem_shared>> -> memref<10000x64xf32, #tpu.memory_space<vmem_shared>>
        tpu.wait_indirect_dma semaphore(%run_scoped3A : memref<!tpu.dma_semaphore, #tpu.memory_space<semaphore_mem>>) src(%arg11 : memref<80x64xf32, #tpu.memory_space<vmem>>) dst(%dma_wait3A_137 : memref<10000x64xf32, #tpu.memory_space<vmem_shared>>)
        tpu.yield
      }) : () -> ()
      %add3A_102 = arith.constant 2 : i32
      %add3A_103 = arith.addi %mul3A_54, %add3A_102 : i32
      %add3A_104 = arith.constant 4 : i32
      %add3A_105 = arith.addi %add3A_103, %add3A_104 : i32
      %lt3A_106 = arith.constant 125 : i32
      %lt3A_107 = arith.cmpi slt, %add3A_105, %lt3A_106 : i32
      %convert_element_type3A_108 = arith.extui %lt3A_107 : i1 to i32
      %cond3A_109 = arith.constant 0 : i32
      %cond3A_110 = arith.cmpi ne, %convert_element_type3A_108, %cond3A_109 : i32
      scf.if %cond3A_110 {
        %add3A_130 = arith.constant 2 : i32
        %add3A_131 = arith.addi %mul3A_54, %add3A_130 : i32
        %add3A_132 = arith.constant 4 : i32
        %add3A_133 = arith.addi %add3A_131, %add3A_132 : i32
        %mul3A_134 = arith.constant 80 : i32
        %mul3A_135 = arith.muli %add3A_133, %mul3A_134 : i32
        %dma_start3A_136 = tpu.memref_slice %arg7[%mul3A_135] : memref<10000xi32, #tpu.memory_space<vmem>> -> memref<80xi32, #tpu.memory_space<vmem>>
        %dma_start3A_137 = arith.constant 0 : i32
        %dma_start3A_138 = arith.constant 0 : i32
        %dma_start3A_139 = tpu.memref_slice %arg2[%dma_start3A_137, %dma_start3A_138] : memref<10000x64xf32, #tpu.memory_space<hbm>> -> memref<10000x64xf32, #tpu.memory_space<hbm>>
        tpu.enqueue_indirect_dma source(%dma_start3A_139 : memref<10000x64xf32, #tpu.memory_space<hbm>>) target(%arg11 : memref<80x64xf32, #tpu.memory_space<vmem>>) offsets(%dma_start3A_136 : memref<80xi32, #tpu.memory_space<vmem>>) semaphore(%arg16 : memref<!tpu.dma_semaphore, #tpu.memory_space<semaphore_mem>>)
      } else {
      }
      %add3A_111 = arith.constant 3 : i32
      %add3A_112 = arith.addi %mul3A_54, %add3A_111 : i32
      %mul3A_113 = arith.constant 80 : i32
      %mul3A_114 = arith.muli %add3A_112, %mul3A_113 : i32
      %dma_wait3A_115 = tpu.memref_slice %arg7[%mul3A_114] : memref<10000xi32, #tpu.memory_space<vmem>> -> memref<80xi32, #tpu.memory_space<vmem>>
      %dma_wait3A_116 = arith.constant 0 : i32
      %dma_wait3A_117 = arith.constant 0 : i32
      %dma_wait3A_118 = tpu.memref_slice %arg2[%dma_wait3A_116, %dma_wait3A_117] : memref<10000x64xf32, #tpu.memory_space<hbm>> -> memref<10000x64xf32, #tpu.memory_space<hbm>>
      tpu.wait_indirect_dma semaphore(%arg17 : memref<!tpu.dma_semaphore, #tpu.memory_space<semaphore_mem>>) src(%dma_wait3A_118 : memref<10000x64xf32, #tpu.memory_space<hbm>>) dst(%arg12 : memref<80x64xf32, #tpu.memory_space<vmem>>)
      %mul3A_119 = arith.constant 80 : i32
      %mul3A_120 = arith.muli %add3A_112, %mul3A_119 : i32
      "tpu.region"() ({
        %run_scoped3A = tpu.sem_alloc : memref<!tpu.dma_semaphore, #tpu.memory_space<semaphore_mem>>
        %dma_start3A_130 = tpu.memref_slice %arg8[%mul3A_120] : memref<10000xi32, #tpu.memory_space<vmem>> -> memref<80xi32, #tpu.memory_space<vmem>>
        %dma_start3A_131 = arith.constant 0 : i32
        %dma_start3A_132 = arith.constant 0 : i32
        %dma_start3A_133 = tpu.memref_slice %arg13[%dma_start3A_131, %dma_start3A_132] : memref<10000x64xf32, #tpu.memory_space<vmem_shared>> -> memref<10000x64xf32, #tpu.memory_space<vmem_shared>>
        tpu.enqueue_indirect_dma source(%arg12 : memref<80x64xf32, #tpu.memory_space<vmem>>) target(%dma_start3A_133 : memref<10000x64xf32, #tpu.memory_space<vmem_shared>>) offsets(%dma_start3A_130 : memref<80xi32, #tpu.memory_space<vmem>>) semaphore(%run_scoped3A : memref<!tpu.dma_semaphore, #tpu.memory_space<semaphore_mem>>) {add = true}
        %dma_wait3A_134 = tpu.memref_slice %arg8[%mul3A_120] : memref<10000xi32, #tpu.memory_space<vmem>> -> memref<80xi32, #tpu.memory_space<vmem>>
        %dma_wait3A_135 = arith.constant 0 : i32
        %dma_wait3A_136 = arith.constant 0 : i32
        %dma_wait3A_137 = tpu.memref_slice %arg13[%dma_wait3A_135, %dma_wait3A_136] : memref<10000x64xf32, #tpu.memory_space<vmem_shared>> -> memref<10000x64xf32, #tpu.memory_space<vmem_shared>>
        tpu.wait_indirect_dma semaphore(%run_scoped3A : memref<!tpu.dma_semaphore, #tpu.memory_space<semaphore_mem>>) src(%arg12 : memref<80x64xf32, #tpu.memory_space<vmem>>) dst(%dma_wait3A_137 : memref<10000x64xf32, #tpu.memory_space<vmem_shared>>)
        tpu.yield
      }) : () -> ()
      %add3A_121 = arith.constant 3 : i32
      %add3A_122 = arith.addi %mul3A_54, %add3A_121 : i32
      %add3A_123 = arith.constant 4 : i32
      %add3A_124 = arith.addi %add3A_122, %add3A_123 : i32
      %lt3A_125 = arith.constant 125 : i32
      %lt3A_126 = arith.cmpi slt, %add3A_124, %lt3A_125 : i32
      %convert_element_type3A_127 = arith.extui %lt3A_126 : i1 to i32
      %cond3A_128 = arith.constant 0 : i32
      %cond3A_129 = arith.cmpi ne, %convert_element_type3A_127, %cond3A_128 : i32
      scf.if %cond3A_129 {
        %add3A_130 = arith.constant 3 : i32
        %add3A_131 = arith.addi %mul3A_54, %add3A_130 : i32
        %add3A_132 = arith.constant 4 : i32
        %add3A_133 = arith.addi %add3A_131, %add3A_132 : i32
        %mul3A_134 = arith.constant 80 : i32
        %mul3A_135 = arith.muli %add3A_133, %mul3A_134 : i32
        %dma_start3A_136 = tpu.memref_slice %arg7[%mul3A_135] : memref<10000xi32, #tpu.memory_space<vmem>> -> memref<80xi32, #tpu.memory_space<vmem>>
        %dma_start3A_137 = arith.constant 0 : i32
        %dma_start3A_138 = arith.constant 0 : i32
        %dma_start3A_139 = tpu.memref_slice %arg2[%dma_start3A_137, %dma_start3A_138] : memref<10000x64xf32, #tpu.memory_space<hbm>> -> memref<10000x64xf32, #tpu.memory_space<hbm>>
        tpu.enqueue_indirect_dma source(%dma_start3A_139 : memref<10000x64xf32, #tpu.memory_space<hbm>>) target(%arg12 : memref<80x64xf32, #tpu.memory_space<vmem>>) offsets(%dma_start3A_136 : memref<80xi32, #tpu.memory_space<vmem>>) semaphore(%arg17 : memref<!tpu.dma_semaphore, #tpu.memory_space<semaphore_mem>>)
      } else {
      }
    }
    %scan3A_34 = arith.constant 31 : i32
    %dma_wait3A = arith.constant 9920 : i32
    %dma_wait3A_35 = tpu.memref_slice %arg7[%dma_wait3A] : memref<10000xi32, #tpu.memory_space<vmem>> -> memref<80xi32, #tpu.memory_space<vmem>>
    %dma_wait3A_36 = arith.constant 0 : i32
    %dma_wait3A_37 = arith.constant 0 : i32
    %dma_wait3A_38 = tpu.memref_slice %arg2[%dma_wait3A_36, %dma_wait3A_37] : memref<10000x64xf32, #tpu.memory_space<hbm>> -> memref<10000x64xf32, #tpu.memory_space<hbm>>
    tpu.wait_indirect_dma semaphore(%arg14 : memref<!tpu.dma_semaphore, #tpu.memory_space<semaphore_mem>>) src(%dma_wait3A_38 : memref<10000x64xf32, #tpu.memory_space<hbm>>) dst(%arg9 : memref<80x64xf32, #tpu.memory_space<vmem>>)
    "tpu.region"() ({
      %run_scoped3A = tpu.sem_alloc : memref<!tpu.dma_semaphore, #tpu.memory_space<semaphore_mem>>
      %dma_start3A_52 = arith.constant 9920 : i32
      %dma_start3A_53 = tpu.memref_slice %arg8[%dma_start3A_52] : memref<10000xi32, #tpu.memory_space<vmem>> -> memref<80xi32, #tpu.memory_space<vmem>>
      %dma_start3A_54 = arith.constant 0 : i32
      %dma_start3A_55 = arith.constant 0 : i32
      %dma_start3A_56 = tpu.memref_slice %arg13[%dma_start3A_54, %dma_start3A_55] : memref<10000x64xf32, #tpu.memory_space<vmem_shared>> -> memref<10000x64xf32, #tpu.memory_space<vmem_shared>>
      tpu.enqueue_indirect_dma source(%arg9 : memref<80x64xf32, #tpu.memory_space<vmem>>) target(%dma_start3A_56 : memref<10000x64xf32, #tpu.memory_space<vmem_shared>>) offsets(%dma_start3A_53 : memref<80xi32, #tpu.memory_space<vmem>>) semaphore(%run_scoped3A : memref<!tpu.dma_semaphore, #tpu.memory_space<semaphore_mem>>) {add = true}
      %dma_wait3A_57 = arith.constant 9920 : i32
      %dma_wait3A_58 = tpu.memref_slice %arg8[%dma_wait3A_57] : memref<10000xi32, #tpu.memory_space<vmem>> -> memref<80xi32, #tpu.memory_space<vmem>>
      %dma_wait3A_59 = arith.constant 0 : i32
      %dma_wait3A_60 = arith.constant 0 : i32
      %dma_wait3A_61 = tpu.memref_slice %arg13[%dma_wait3A_59, %dma_wait3A_60] : memref<10000x64xf32, #tpu.memory_space<vmem_shared>> -> memref<10000x64xf32, #tpu.memory_space<vmem_shared>>
      tpu.wait_indirect_dma semaphore(%run_scoped3A : memref<!tpu.dma_semaphore, #tpu.memory_space<semaphore_mem>>) src(%arg9 : memref<80x64xf32, #tpu.memory_space<vmem>>) dst(%dma_wait3A_61 : memref<10000x64xf32, #tpu.memory_space<vmem_shared>>)
      tpu.yield
    }) : () -> ()
    %barrier3A_39 = arith.constant 0 : index
    tpu.barrier barrier_id(%barrier3A_39)
    %mul3A_40 = arith.constant 624 : i32
    %mul3A_41 = arith.muli %arg1, %mul3A_40 : i32
    %mul3A_42 = arith.constant 10000 : i32
    %mul3A_43 = arith.muli %arg0, %mul3A_42 : i32
    %mul3A_44 = arith.constant 624 : i32
    %mul3A_45 = arith.muli %arg1, %mul3A_44 : i32
    %add3A_46 = arith.addi %mul3A_43, %mul3A_45 : i32
    "tpu.region"() ({
      %run_scoped3A = tpu.sem_alloc : memref<!tpu.dma_semaphore, #tpu.memory_space<semaphore_mem>>
      %dma_start3A_52 = arith.constant 0 : i32
      %dma_start3A_53 = tpu.memref_slice %arg6[%add3A_46, %dma_start3A_52] : memref<20000x64xf32, #tpu.memory_space<hbm>> -> memref<624x64xf32, #tpu.memory_space<hbm>>
      %dma_start3A_54 = arith.constant 0 : i32
      %dma_start3A_55 = tpu.memref_slice %arg13[%mul3A_41, %dma_start3A_54] : memref<10000x64xf32, #tpu.memory_space<vmem_shared>> -> memref<624x64xf32, #tpu.memory_space<vmem_shared>>
      tpu.enqueue_dma source(%dma_start3A_55 : memref<624x64xf32, #tpu.memory_space<vmem_shared>>) target(%dma_start3A_53 : memref<624x64xf32, #tpu.memory_space<hbm>>) target_semaphore(%run_scoped3A : memref<!tpu.dma_semaphore, #tpu.memory_space<semaphore_mem>>)
      %dma_wait3A_56 = arith.constant 0 : i32
      %dma_wait3A_57 = tpu.memref_slice %arg6[%add3A_46, %dma_wait3A_56] : memref<20000x64xf32, #tpu.memory_space<hbm>> -> memref<624x64xf32, #tpu.memory_space<hbm>>
      %dma_wait3A_58 = arith.constant 0 : i32
      %dma_wait3A_59 = tpu.memref_slice %arg13[%mul3A_41, %dma_wait3A_58] : memref<10000x64xf32, #tpu.memory_space<vmem_shared>> -> memref<624x64xf32, #tpu.memory_space<vmem_shared>>
      tpu.wait_dma2 semaphore(%run_scoped3A : memref<!tpu.dma_semaphore, #tpu.memory_space<semaphore_mem>>) src(%dma_wait3A_59 : memref<624x64xf32, #tpu.memory_space<vmem_shared>>) dst(%dma_wait3A_57 : memref<624x64xf32, #tpu.memory_space<hbm>>)
      tpu.yield
    }) : () -> ()
    %eq3A_47 = arith.constant 0 : i32
    %eq3A_48 = arith.cmpi eq, %arg1, %eq3A_47 : i32
    %convert_element_type3A_49 = arith.extui %eq3A_48 : i1 to i32
    %cond3A_50 = arith.constant 0 : i32
    %cond3A_51 = arith.cmpi ne, %convert_element_type3A_49, %cond3A_50 : i32
    scf.if %cond3A_51 {
      %mul3A_52 = arith.constant 10000 : i32
      %mul3A_53 = arith.muli %arg0, %mul3A_52 : i32
      %add3A_54 = arith.constant 9984 : i32
      %add3A_55 = arith.addi %mul3A_53, %add3A_54 : i32
      "tpu.region"() ({
        %run_scoped3A = tpu.sem_alloc : memref<!tpu.dma_semaphore, #tpu.memory_space<semaphore_mem>>
        %dma_start3A_56 = arith.constant 0 : i32
        %dma_start3A_57 = tpu.memref_slice %arg6[%add3A_55, %dma_start3A_56] : memref<20000x64xf32, #tpu.memory_space<hbm>> -> memref<16x64xf32, #tpu.memory_space<hbm>>
        %dma_start3A_58 = arith.constant 9984 : i32
        %dma_start3A_59 = arith.constant 0 : i32
        %dma_start3A_60 = tpu.memref_slice %arg13[%dma_start3A_58, %dma_start3A_59] : memref<10000x64xf32, #tpu.memory_space<vmem_shared>> -> memref<16x64xf32, #tpu.memory_space<vmem_shared>>
        tpu.enqueue_dma source(%dma_start3A_60 : memref<16x64xf32, #tpu.memory_space<vmem_shared>>) target(%dma_start3A_57 : memref<16x64xf32, #tpu.memory_space<hbm>>) target_semaphore(%run_scoped3A : memref<!tpu.dma_semaphore, #tpu.memory_space<semaphore_mem>>)
        %dma_wait3A_61 = arith.constant 0 : i32
        %dma_wait3A_62 = tpu.memref_slice %arg6[%add3A_55, %dma_wait3A_61] : memref<20000x64xf32, #tpu.memory_space<hbm>> -> memref<16x64xf32, #tpu.memory_space<hbm>>
        %dma_wait3A_63 = arith.constant 9984 : i32
        %dma_wait3A_64 = arith.constant 0 : i32
        %dma_wait3A_65 = tpu.memref_slice %arg13[%dma_wait3A_63, %dma_wait3A_64] : memref<10000x64xf32, #tpu.memory_space<vmem_shared>> -> memref<16x64xf32, #tpu.memory_space<vmem_shared>>
        tpu.wait_dma2 semaphore(%run_scoped3A : memref<!tpu.dma_semaphore, #tpu.memory_space<semaphore_mem>>) src(%dma_wait3A_65 : memref<16x64xf32, #tpu.memory_space<vmem_shared>>) dst(%dma_wait3A_62 : memref<16x64xf32, #tpu.memory_space<hbm>>)
        tpu.yield
      }) : () -> ()
    } else {
    }
    return
  }
}

#map = affine_map<(d0, d1) -> (0, 0)>
#map1 = affine_map<(d0, d1) -> (0)>
module attributes {stable_mosaic.version = 14 : i64} {
  func.func @_sc_edge_agg_body(%arg0: i32, %arg1: i32, %arg2: memref<10000x64xf32, #tpu.memory_space<hbm>>, %arg3: memref<320000xi32, #tpu.memory_space<hbm>>, %arg4: memref<320000xi32, #tpu.memory_space<hbm>>, %arg5: memref<10000x64xf32, #tpu.memory_space<hbm>>, %arg6: memref<20000x64xf32, #tpu.memory_space<hbm>>, %arg7: memref<10000xi32, #tpu.memory_space<vmem>>, %arg8: memref<10000xi32, #tpu.memory_space<vmem>>, %arg9: memref<80x64xf32, #tpu.memory_space<vmem>>, %arg10: memref<80x64xf32, #tpu.memory_space<vmem>>, %arg11: memref<80x64xf32, #tpu.memory_space<vmem>>, %arg12: memref<80x64xf32, #tpu.memory_space<vmem>>, %arg13: memref<10000x64xf32, #tpu.memory_space<vmem_shared>>, %arg14: memref<!tpu.dma_semaphore, #tpu.memory_space<semaphore_mem>>, %arg15: memref<!tpu.dma_semaphore, #tpu.memory_space<semaphore_mem>>, %arg16: memref<!tpu.dma_semaphore, #tpu.memory_space<semaphore_mem>>, %arg17: memref<!tpu.dma_semaphore, #tpu.memory_space<semaphore_mem>>) attributes {dimension_semantics = [#tpu.dimension_semantics<core_parallel>, #tpu.dimension_semantics<subcore_parallel>], iteration_bounds = array<i64: 2, 16>, scalar_prefetch = 0 : i64, scratch_operands = 11 : i64, tpu.core_type = #tpu.core_type<sc_vector_subcore>, window_params = [{transform_indices = #map}, {transform_indices = #map1}, {transform_indices = #map1}, {transform_indices = #map}, {transform_indices = #map}]} {
    %mul3A = arith.constant 16 : i32
    %mul3A_0 = arith.muli %arg0, %mul3A : i32
    %add3A = arith.addi %mul3A_0, %arg1 : i32
    %mul3A_1 = arith.constant 624 : i32
    %mul3A_2 = arith.muli %arg1, %mul3A_1 : i32
    %mul3A_3 = arith.constant 624 : i32
    %mul3A_4 = arith.muli %arg1, %mul3A_3 : i32
    "tpu.region"() ({
      %run_scoped3A = tpu.sem_alloc : memref<!tpu.dma_semaphore, #tpu.memory_space<semaphore_mem>>
      %dma_start3A_52 = arith.constant 0 : i32
      %dma_start3A_53 = tpu.memref_slice %arg13[%mul3A_4, %dma_start3A_52] : memref<10000x64xf32, #tpu.memory_space<vmem_shared>> -> memref<624x64xf32, #tpu.memory_space<vmem_shared>>
      %dma_start3A_54 = arith.constant 0 : i32
      %dma_start3A_55 = tpu.memref_slice %arg5[%mul3A_2, %dma_start3A_54] : memref<10000x64xf32, #tpu.memory_space<hbm>> -> memref<624x64xf32, #tpu.memory_space<hbm>>
      tpu.enqueue_dma source(%dma_start3A_55 : memref<624x64xf32, #tpu.memory_space<hbm>>) target(%dma_start3A_53 : memref<624x64xf32, #tpu.memory_space<vmem_shared>>) target_semaphore(%run_scoped3A : memref<!tpu.dma_semaphore, #tpu.memory_space<semaphore_mem>>)
      %dma_wait3A_56 = arith.constant 0 : i32
      %dma_wait3A_57 = tpu.memref_slice %arg13[%mul3A_4, %dma_wait3A_56] : memref<10000x64xf32, #tpu.memory_space<vmem_shared>> -> memref<624x64xf32, #tpu.memory_space<vmem_shared>>
      %dma_wait3A_58 = arith.constant 0 : i32
      %dma_wait3A_59 = tpu.memref_slice %arg5[%mul3A_2, %dma_wait3A_58] : memref<10000x64xf32, #tpu.memory_space<hbm>> -> memref<624x64xf32, #tpu.memory_space<hbm>>
      tpu.wait_dma2 semaphore(%run_scoped3A : memref<!tpu.dma_semaphore, #tpu.memory_space<semaphore_mem>>) src(%dma_wait3A_59 : memref<624x64xf32, #tpu.memory_space<hbm>>) dst(%dma_wait3A_57 : memref<624x64xf32, #tpu.memory_space<vmem_shared>>)
      tpu.yield
    }) : () -> ()
    %eq3A = arith.constant 0 : i32
    %eq3A_5 = arith.cmpi eq, %arg1, %eq3A : i32
    %convert_element_type3A = arith.extui %eq3A_5 : i1 to i32
    %cond3A = arith.constant 0 : i32
    %cond3A_6 = arith.cmpi ne, %convert_element_type3A, %cond3A : i32
    scf.if %cond3A_6 {
      "tpu.region"() ({
        %run_scoped3A = tpu.sem_alloc : memref<!tpu.dma_semaphore, #tpu.memory_space<semaphore_mem>>
        %dma_start3A_52 = arith.constant 9984 : i32
        %dma_start3A_53 = arith.constant 0 : i32
        %dma_start3A_54 = tpu.memref_slice %arg13[%dma_start3A_52, %dma_start3A_53] : memref<10000x64xf32, #tpu.memory_space<vmem_shared>> -> memref<16x64xf32, #tpu.memory_space<vmem_shared>>
        %dma_start3A_55 = arith.constant 9984 : i32
        %dma_start3A_56 = arith.constant 0 : i32
        %dma_start3A_57 = tpu.memref_slice %arg5[%dma_start3A_55, %dma_start3A_56] : memref<10000x64xf32, #tpu.memory_space<hbm>> -> memref<16x64xf32, #tpu.memory_space<hbm>>
        tpu.enqueue_dma source(%dma_start3A_57 : memref<16x64xf32, #tpu.memory_space<hbm>>) target(%dma_start3A_54 : memref<16x64xf32, #tpu.memory_space<vmem_shared>>) target_semaphore(%run_scoped3A : memref<!tpu.dma_semaphore, #tpu.memory_space<semaphore_mem>>)
        %dma_wait3A_58 = arith.constant 9984 : i32
        %dma_wait3A_59 = arith.constant 0 : i32
        %dma_wait3A_60 = tpu.memref_slice %arg13[%dma_wait3A_58, %dma_wait3A_59] : memref<10000x64xf32, #tpu.memory_space<vmem_shared>> -> memref<16x64xf32, #tpu.memory_space<vmem_shared>>
        %dma_wait3A_61 = arith.constant 9984 : i32
        %dma_wait3A_62 = arith.constant 0 : i32
        %dma_wait3A_63 = tpu.memref_slice %arg5[%dma_wait3A_61, %dma_wait3A_62] : memref<10000x64xf32, #tpu.memory_space<hbm>> -> memref<16x64xf32, #tpu.memory_space<hbm>>
        tpu.wait_dma2 semaphore(%run_scoped3A : memref<!tpu.dma_semaphore, #tpu.memory_space<semaphore_mem>>) src(%dma_wait3A_63 : memref<16x64xf32, #tpu.memory_space<hbm>>) dst(%dma_wait3A_60 : memref<16x64xf32, #tpu.memory_space<vmem_shared>>)
        tpu.yield
      }) : () -> ()
    } else {
    }
    %mul3A_7 = arith.constant 10000 : i32
    %mul3A_8 = arith.muli %add3A, %mul3A_7 : i32
    "tpu.region"() ({
      %run_scoped3A = tpu.sem_alloc : memref<!tpu.dma_semaphore, #tpu.memory_space<semaphore_mem>>
      %dma_start3A_52 = tpu.memref_slice %arg3[%mul3A_8] : memref<320000xi32, #tpu.memory_space<hbm>> -> memref<10000xi32, #tpu.memory_space<hbm>>
      %dma_start3A_53 = tpu.memref_slice %arg3[%mul3A_8] : memref<320000xi32, #tpu.memory_space<hbm>> -> memref<10000xi32, #tpu.memory_space<hbm>>
      tpu.enqueue_dma source(%dma_start3A_53 : memref<10000xi32, #tpu.memory_space<hbm>>) target(%arg7 : memref<10000xi32, #tpu.memory_space<vmem>>) target_semaphore(%run_scoped3A : memref<!tpu.dma_semaphore, #tpu.memory_space<semaphore_mem>>)
      %dma_wait3A_54 = tpu.memref_slice %arg3[%mul3A_8] : memref<320000xi32, #tpu.memory_space<hbm>> -> memref<10000xi32, #tpu.memory_space<hbm>>
      %dma_wait3A_55 = tpu.memref_slice %arg3[%mul3A_8] : memref<320000xi32, #tpu.memory_space<hbm>> -> memref<10000xi32, #tpu.memory_space<hbm>>
      tpu.wait_dma2 semaphore(%run_scoped3A : memref<!tpu.dma_semaphore, #tpu.memory_space<semaphore_mem>>) src(%dma_wait3A_55 : memref<10000xi32, #tpu.memory_space<hbm>>) dst(%arg7 : memref<10000xi32, #tpu.memory_space<vmem>>)
      tpu.yield
    }) : () -> ()
    %mul3A_9 = arith.constant 10000 : i32
    %mul3A_10 = arith.muli %add3A, %mul3A_9 : i32
    "tpu.region"() ({
      %run_scoped3A = tpu.sem_alloc : memref<!tpu.dma_semaphore, #tpu.memory_space<semaphore_mem>>
      %dma_start3A_52 = tpu.memref_slice %arg4[%mul3A_10] : memref<320000xi32, #tpu.memory_space<hbm>> -> memref<10000xi32, #tpu.memory_space<hbm>>
      %dma_start3A_53 = tpu.memref_slice %arg4[%mul3A_10] : memref<320000xi32, #tpu.memory_space<hbm>> -> memref<10000xi32, #tpu.memory_space<hbm>>
      tpu.enqueue_dma source(%dma_start3A_53 : memref<10000xi32, #tpu.memory_space<hbm>>) target(%arg8 : memref<10000xi32, #tpu.memory_space<vmem>>) target_semaphore(%run_scoped3A : memref<!tpu.dma_semaphore, #tpu.memory_space<semaphore_mem>>)
      %dma_wait3A_54 = tpu.memref_slice %arg4[%mul3A_10] : memref<320000xi32, #tpu.memory_space<hbm>> -> memref<10000xi32, #tpu.memory_space<hbm>>
      %dma_wait3A_55 = tpu.memref_slice %arg4[%mul3A_10] : memref<320000xi32, #tpu.memory_space<hbm>> -> memref<10000xi32, #tpu.memory_space<hbm>>
      tpu.wait_dma2 semaphore(%run_scoped3A : memref<!tpu.dma_semaphore, #tpu.memory_space<semaphore_mem>>) src(%dma_wait3A_55 : memref<10000xi32, #tpu.memory_space<hbm>>) dst(%arg8 : memref<10000xi32, #tpu.memory_space<vmem>>)
      tpu.yield
    }) : () -> ()
    %barrier3A = arith.constant 0 : index
    tpu.barrier barrier_id(%barrier3A)
    %dma_start3A = arith.constant 0 : i32
    %dma_start3A_11 = tpu.memref_slice %arg7[%dma_start3A] : memref<10000xi32, #tpu.memory_space<vmem>> -> memref<80xi32, #tpu.memory_space<vmem>>
    %dma_start3A_12 = arith.constant 0 : i32
    %dma_start3A_13 = arith.constant 0 : i32
    %dma_start3A_14 = tpu.memref_slice %arg2[%dma_start3A_12, %dma_start3A_13] : memref<10000x64xf32, #tpu.memory_space<hbm>> -> memref<10000x64xf32, #tpu.memory_space<hbm>>
    tpu.enqueue_indirect_dma source(%dma_start3A_14 : memref<10000x64xf32, #tpu.memory_space<hbm>>) target(%arg9 : memref<80x64xf32, #tpu.memory_space<vmem>>) offsets(%dma_start3A_11 : memref<80xi32, #tpu.memory_space<vmem>>) semaphore(%arg14 : memref<!tpu.dma_semaphore, #tpu.memory_space<semaphore_mem>>)
    %dma_start3A_15 = arith.constant 80 : i32
    %dma_start3A_16 = tpu.memref_slice %arg7[%dma_start3A_15] : memref<10000xi32, #tpu.memory_space<vmem>> -> memref<80xi32, #tpu.memory_space<vmem>>
    %dma_start3A_17 = arith.constant 0 : i32
    %dma_start3A_18 = arith.constant 0 : i32
    %dma_start3A_19 = tpu.memref_slice %arg2[%dma_start3A_17, %dma_start3A_18] : memref<10000x64xf32, #tpu.memory_space<hbm>> -> memref<10000x64xf32, #tpu.memory_space<hbm>>
    tpu.enqueue_indirect_dma source(%dma_start3A_19 : memref<10000x64xf32, #tpu.memory_space<hbm>>) target(%arg10 : memref<80x64xf32, #tpu.memory_space<vmem>>) offsets(%dma_start3A_16 : memref<80xi32, #tpu.memory_space<vmem>>) semaphore(%arg15 : memref<!tpu.dma_semaphore, #tpu.memory_space<semaphore_mem>>)
    %dma_start3A_20 = arith.constant 160 : i32
    %dma_start3A_21 = tpu.memref_slice %arg7[%dma_start3A_20] : memref<10000xi32, #tpu.memory_space<vmem>> -> memref<80xi32, #tpu.memory_space<vmem>>
    %dma_start3A_22 = arith.constant 0 : i32
    %dma_start3A_23 = arith.constant 0 : i32
    %dma_start3A_24 = tpu.memref_slice %arg2[%dma_start3A_22, %dma_start3A_23] : memref<10000x64xf32, #tpu.memory_space<hbm>> -> memref<10000x64xf32, #tpu.memory_space<hbm>>
    tpu.enqueue_indirect_dma source(%dma_start3A_24 : memref<10000x64xf32, #tpu.memory_space<hbm>>) target(%arg11 : memref<80x64xf32, #tpu.memory_space<vmem>>) offsets(%dma_start3A_21 : memref<80xi32, #tpu.memory_space<vmem>>) semaphore(%arg16 : memref<!tpu.dma_semaphore, #tpu.memory_space<semaphore_mem>>)
    %dma_start3A_25 = arith.constant 240 : i32
    %dma_start3A_26 = tpu.memref_slice %arg7[%dma_start3A_25] : memref<10000xi32, #tpu.memory_space<vmem>> -> memref<80xi32, #tpu.memory_space<vmem>>
    %dma_start3A_27 = arith.constant 0 : i32
    %dma_start3A_28 = arith.constant 0 : i32
    %dma_start3A_29 = tpu.memref_slice %arg2[%dma_start3A_27, %dma_start3A_28] : memref<10000x64xf32, #tpu.memory_space<hbm>> -> memref<10000x64xf32, #tpu.memory_space<hbm>>
    tpu.enqueue_indirect_dma source(%dma_start3A_29 : memref<10000x64xf32, #tpu.memory_space<hbm>>) target(%arg12 : memref<80x64xf32, #tpu.memory_space<vmem>>) offsets(%dma_start3A_26 : memref<80xi32, #tpu.memory_space<vmem>>) semaphore(%arg17 : memref<!tpu.dma_semaphore, #tpu.memory_space<semaphore_mem>>)
    %scan3A = arith.constant 0 : i32
    %scan3A_30 = arith.constant 0 : i32
    %scan3A_31 = arith.constant 31 : i32
    %scan3A_32 = arith.addi %scan3A_30, %scan3A_31 : i32
    %scan3A_33 = arith.constant 1 : i32
    scf.for %scan3A_52 = %scan3A_30 to %scan3A_32 step %scan3A_33  : i32 {
      %mul3A_53 = arith.constant 4 : i32
      %mul3A_54 = arith.muli %mul3A_53, %scan3A_52 : i32
      %add3A_55 = arith.constant 0 : i32
      %add3A_56 = arith.addi %mul3A_54, %add3A_55 : i32
      %mul3A_57 = arith.constant 80 : i32
      %mul3A_58 = arith.muli %add3A_56, %mul3A_57 : i32
      %dma_wait3A_59 = tpu.memref_slice %arg7[%mul3A_58] : memref<10000xi32, #tpu.memory_space<vmem>> -> memref<80xi32, #tpu.memory_space<vmem>>
      %dma_wait3A_60 = arith.constant 0 : i32
      %dma_wait3A_61 = arith.constant 0 : i32
      %dma_wait3A_62 = tpu.memref_slice %arg2[%dma_wait3A_60, %dma_wait3A_61] : memref<10000x64xf32, #tpu.memory_space<hbm>> -> memref<10000x64xf32, #tpu.memory_space<hbm>>
      tpu.wait_indirect_dma semaphore(%arg14 : memref<!tpu.dma_semaphore, #tpu.memory_space<semaphore_mem>>) src(%dma_wait3A_62 : memref<10000x64xf32, #tpu.memory_space<hbm>>) dst(%arg9 : memref<80x64xf32, #tpu.memory_space<vmem>>)
      %mul3A_63 = arith.constant 80 : i32
      %mul3A_64 = arith.muli %add3A_56, %mul3A_63 : i32
      "tpu.region"() ({
        %run_scoped3A = tpu.sem_alloc : memref<!tpu.dma_semaphore, #tpu.memory_space<semaphore_mem>>
        %dma_start3A_130 = tpu.memref_slice %arg8[%mul3A_64] : memref<10000xi32, #tpu.memory_space<vmem>> -> memref<80xi32, #tpu.memory_space<vmem>>
        %dma_start3A_131 = arith.constant 0 : i32
        %dma_start3A_132 = arith.constant 0 : i32
        %dma_start3A_133 = tpu.memref_slice %arg13[%dma_start3A_131, %dma_start3A_132] : memref<10000x64xf32, #tpu.memory_space<vmem_shared>> -> memref<10000x64xf32, #tpu.memory_space<vmem_shared>>
        tpu.enqueue_indirect_dma source(%arg9 : memref<80x64xf32, #tpu.memory_space<vmem>>) target(%dma_start3A_133 : memref<10000x64xf32, #tpu.memory_space<vmem_shared>>) offsets(%dma_start3A_130 : memref<80xi32, #tpu.memory_space<vmem>>) semaphore(%run_scoped3A : memref<!tpu.dma_semaphore, #tpu.memory_space<semaphore_mem>>) {add = true}
        %dma_wait3A_134 = tpu.memref_slice %arg8[%mul3A_64] : memref<10000xi32, #tpu.memory_space<vmem>> -> memref<80xi32, #tpu.memory_space<vmem>>
        %dma_wait3A_135 = arith.constant 0 : i32
        %dma_wait3A_136 = arith.constant 0 : i32
        %dma_wait3A_137 = tpu.memref_slice %arg13[%dma_wait3A_135, %dma_wait3A_136] : memref<10000x64xf32, #tpu.memory_space<vmem_shared>> -> memref<10000x64xf32, #tpu.memory_space<vmem_shared>>
        tpu.wait_indirect_dma semaphore(%run_scoped3A : memref<!tpu.dma_semaphore, #tpu.memory_space<semaphore_mem>>) src(%arg9 : memref<80x64xf32, #tpu.memory_space<vmem>>) dst(%dma_wait3A_137 : memref<10000x64xf32, #tpu.memory_space<vmem_shared>>)
        tpu.yield
      }) : () -> ()
      %add3A_65 = arith.constant 0 : i32
      %add3A_66 = arith.addi %mul3A_54, %add3A_65 : i32
      %add3A_67 = arith.constant 4 : i32
      %add3A_68 = arith.addi %add3A_66, %add3A_67 : i32
      %lt3A = arith.constant 125 : i32
      %lt3A_69 = arith.cmpi slt, %add3A_68, %lt3A : i32
      %convert_element_type3A_70 = arith.extui %lt3A_69 : i1 to i32
      %cond3A_71 = arith.constant 0 : i32
      %cond3A_72 = arith.cmpi ne, %convert_element_type3A_70, %cond3A_71 : i32
      scf.if %cond3A_72 {
        %add3A_130 = arith.constant 0 : i32
        %add3A_131 = arith.addi %mul3A_54, %add3A_130 : i32
        %add3A_132 = arith.constant 4 : i32
        %add3A_133 = arith.addi %add3A_131, %add3A_132 : i32
        %mul3A_134 = arith.constant 80 : i32
        %mul3A_135 = arith.muli %add3A_133, %mul3A_134 : i32
        %dma_start3A_136 = tpu.memref_slice %arg7[%mul3A_135] : memref<10000xi32, #tpu.memory_space<vmem>> -> memref<80xi32, #tpu.memory_space<vmem>>
        %dma_start3A_137 = arith.constant 0 : i32
        %dma_start3A_138 = arith.constant 0 : i32
        %dma_start3A_139 = tpu.memref_slice %arg2[%dma_start3A_137, %dma_start3A_138] : memref<10000x64xf32, #tpu.memory_space<hbm>> -> memref<10000x64xf32, #tpu.memory_space<hbm>>
        tpu.enqueue_indirect_dma source(%dma_start3A_139 : memref<10000x64xf32, #tpu.memory_space<hbm>>) target(%arg9 : memref<80x64xf32, #tpu.memory_space<vmem>>) offsets(%dma_start3A_136 : memref<80xi32, #tpu.memory_space<vmem>>) semaphore(%arg14 : memref<!tpu.dma_semaphore, #tpu.memory_space<semaphore_mem>>)
      } else {
      }
      %add3A_73 = arith.constant 1 : i32
      %add3A_74 = arith.addi %mul3A_54, %add3A_73 : i32
      %mul3A_75 = arith.constant 80 : i32
      %mul3A_76 = arith.muli %add3A_74, %mul3A_75 : i32
      %dma_wait3A_77 = tpu.memref_slice %arg7[%mul3A_76] : memref<10000xi32, #tpu.memory_space<vmem>> -> memref<80xi32, #tpu.memory_space<vmem>>
      %dma_wait3A_78 = arith.constant 0 : i32
      %dma_wait3A_79 = arith.constant 0 : i32
      %dma_wait3A_80 = tpu.memref_slice %arg2[%dma_wait3A_78, %dma_wait3A_79] : memref<10000x64xf32, #tpu.memory_space<hbm>> -> memref<10000x64xf32, #tpu.memory_space<hbm>>
      tpu.wait_indirect_dma semaphore(%arg15 : memref<!tpu.dma_semaphore, #tpu.memory_space<semaphore_mem>>) src(%dma_wait3A_80 : memref<10000x64xf32, #tpu.memory_space<hbm>>) dst(%arg10 : memref<80x64xf32, #tpu.memory_space<vmem>>)
      %mul3A_81 = arith.constant 80 : i32
      %mul3A_82 = arith.muli %add3A_74, %mul3A_81 : i32
      "tpu.region"() ({
        %run_scoped3A = tpu.sem_alloc : memref<!tpu.dma_semaphore, #tpu.memory_space<semaphore_mem>>
        %dma_start3A_130 = tpu.memref_slice %arg8[%mul3A_82] : memref<10000xi32, #tpu.memory_space<vmem>> -> memref<80xi32, #tpu.memory_space<vmem>>
        %dma_start3A_131 = arith.constant 0 : i32
        %dma_start3A_132 = arith.constant 0 : i32
        %dma_start3A_133 = tpu.memref_slice %arg13[%dma_start3A_131, %dma_start3A_132] : memref<10000x64xf32, #tpu.memory_space<vmem_shared>> -> memref<10000x64xf32, #tpu.memory_space<vmem_shared>>
        tpu.enqueue_indirect_dma source(%arg10 : memref<80x64xf32, #tpu.memory_space<vmem>>) target(%dma_start3A_133 : memref<10000x64xf32, #tpu.memory_space<vmem_shared>>) offsets(%dma_start3A_130 : memref<80xi32, #tpu.memory_space<vmem>>) semaphore(%run_scoped3A : memref<!tpu.dma_semaphore, #tpu.memory_space<semaphore_mem>>) {add = true}
        %dma_wait3A_134 = tpu.memref_slice %arg8[%mul3A_82] : memref<10000xi32, #tpu.memory_space<vmem>> -> memref<80xi32, #tpu.memory_space<vmem>>
        %dma_wait3A_135 = arith.constant 0 : i32
        %dma_wait3A_136 = arith.constant 0 : i32
        %dma_wait3A_137 = tpu.memref_slice %arg13[%dma_wait3A_135, %dma_wait3A_136] : memref<10000x64xf32, #tpu.memory_space<vmem_shared>> -> memref<10000x64xf32, #tpu.memory_space<vmem_shared>>
        tpu.wait_indirect_dma semaphore(%run_scoped3A : memref<!tpu.dma_semaphore, #tpu.memory_space<semaphore_mem>>) src(%arg10 : memref<80x64xf32, #tpu.memory_space<vmem>>) dst(%dma_wait3A_137 : memref<10000x64xf32, #tpu.memory_space<vmem_shared>>)
        tpu.yield
      }) : () -> ()
      %add3A_83 = arith.constant 1 : i32
      %add3A_84 = arith.addi %mul3A_54, %add3A_83 : i32
      %add3A_85 = arith.constant 4 : i32
      %add3A_86 = arith.addi %add3A_84, %add3A_85 : i32
      %lt3A_87 = arith.constant 125 : i32
      %lt3A_88 = arith.cmpi slt, %add3A_86, %lt3A_87 : i32
      %convert_element_type3A_89 = arith.extui %lt3A_88 : i1 to i32
      %cond3A_90 = arith.constant 0 : i32
      %cond3A_91 = arith.cmpi ne, %convert_element_type3A_89, %cond3A_90 : i32
      scf.if %cond3A_91 {
        %add3A_130 = arith.constant 1 : i32
        %add3A_131 = arith.addi %mul3A_54, %add3A_130 : i32
        %add3A_132 = arith.constant 4 : i32
        %add3A_133 = arith.addi %add3A_131, %add3A_132 : i32
        %mul3A_134 = arith.constant 80 : i32
        %mul3A_135 = arith.muli %add3A_133, %mul3A_134 : i32
        %dma_start3A_136 = tpu.memref_slice %arg7[%mul3A_135] : memref<10000xi32, #tpu.memory_space<vmem>> -> memref<80xi32, #tpu.memory_space<vmem>>
        %dma_start3A_137 = arith.constant 0 : i32
        %dma_start3A_138 = arith.constant 0 : i32
        %dma_start3A_139 = tpu.memref_slice %arg2[%dma_start3A_137, %dma_start3A_138] : memref<10000x64xf32, #tpu.memory_space<hbm>> -> memref<10000x64xf32, #tpu.memory_space<hbm>>
        tpu.enqueue_indirect_dma source(%dma_start3A_139 : memref<10000x64xf32, #tpu.memory_space<hbm>>) target(%arg10 : memref<80x64xf32, #tpu.memory_space<vmem>>) offsets(%dma_start3A_136 : memref<80xi32, #tpu.memory_space<vmem>>) semaphore(%arg15 : memref<!tpu.dma_semaphore, #tpu.memory_space<semaphore_mem>>)
      } else {
      }
      %add3A_92 = arith.constant 2 : i32
      %add3A_93 = arith.addi %mul3A_54, %add3A_92 : i32
      %mul3A_94 = arith.constant 80 : i32
      %mul3A_95 = arith.muli %add3A_93, %mul3A_94 : i32
      %dma_wait3A_96 = tpu.memref_slice %arg7[%mul3A_95] : memref<10000xi32, #tpu.memory_space<vmem>> -> memref<80xi32, #tpu.memory_space<vmem>>
      %dma_wait3A_97 = arith.constant 0 : i32
      %dma_wait3A_98 = arith.constant 0 : i32
      %dma_wait3A_99 = tpu.memref_slice %arg2[%dma_wait3A_97, %dma_wait3A_98] : memref<10000x64xf32, #tpu.memory_space<hbm>> -> memref<10000x64xf32, #tpu.memory_space<hbm>>
      tpu.wait_indirect_dma semaphore(%arg16 : memref<!tpu.dma_semaphore, #tpu.memory_space<semaphore_mem>>) src(%dma_wait3A_99 : memref<10000x64xf32, #tpu.memory_space<hbm>>) dst(%arg11 : memref<80x64xf32, #tpu.memory_space<vmem>>)
      %mul3A_100 = arith.constant 80 : i32
      %mul3A_101 = arith.muli %add3A_93, %mul3A_100 : i32
      "tpu.region"() ({
        %run_scoped3A = tpu.sem_alloc : memref<!tpu.dma_semaphore, #tpu.memory_space<semaphore_mem>>
        %dma_start3A_130 = tpu.memref_slice %arg8[%mul3A_101] : memref<10000xi32, #tpu.memory_space<vmem>> -> memref<80xi32, #tpu.memory_space<vmem>>
        %dma_start3A_131 = arith.constant 0 : i32
        %dma_start3A_132 = arith.constant 0 : i32
        %dma_start3A_133 = tpu.memref_slice %arg13[%dma_start3A_131, %dma_start3A_132] : memref<10000x64xf32, #tpu.memory_space<vmem_shared>> -> memref<10000x64xf32, #tpu.memory_space<vmem_shared>>
        tpu.enqueue_indirect_dma source(%arg11 : memref<80x64xf32, #tpu.memory_space<vmem>>) target(%dma_start3A_133 : memref<10000x64xf32, #tpu.memory_space<vmem_shared>>) offsets(%dma_start3A_130 : memref<80xi32, #tpu.memory_space<vmem>>) semaphore(%run_scoped3A : memref<!tpu.dma_semaphore, #tpu.memory_space<semaphore_mem>>) {add = true}
        %dma_wait3A_134 = tpu.memref_slice %arg8[%mul3A_101] : memref<10000xi32, #tpu.memory_space<vmem>> -> memref<80xi32, #tpu.memory_space<vmem>>
        %dma_wait3A_135 = arith.constant 0 : i32
        %dma_wait3A_136 = arith.constant 0 : i32
        %dma_wait3A_137 = tpu.memref_slice %arg13[%dma_wait3A_135, %dma_wait3A_136] : memref<10000x64xf32, #tpu.memory_space<vmem_shared>> -> memref<10000x64xf32, #tpu.memory_space<vmem_shared>>
        tpu.wait_indirect_dma semaphore(%run_scoped3A : memref<!tpu.dma_semaphore, #tpu.memory_space<semaphore_mem>>) src(%arg11 : memref<80x64xf32, #tpu.memory_space<vmem>>) dst(%dma_wait3A_137 : memref<10000x64xf32, #tpu.memory_space<vmem_shared>>)
        tpu.yield
      }) : () -> ()
      %add3A_102 = arith.constant 2 : i32
      %add3A_103 = arith.addi %mul3A_54, %add3A_102 : i32
      %add3A_104 = arith.constant 4 : i32
      %add3A_105 = arith.addi %add3A_103, %add3A_104 : i32
      %lt3A_106 = arith.constant 125 : i32
      %lt3A_107 = arith.cmpi slt, %add3A_105, %lt3A_106 : i32
      %convert_element_type3A_108 = arith.extui %lt3A_107 : i1 to i32
      %cond3A_109 = arith.constant 0 : i32
      %cond3A_110 = arith.cmpi ne, %convert_element_type3A_108, %cond3A_109 : i32
      scf.if %cond3A_110 {
        %add3A_130 = arith.constant 2 : i32
        %add3A_131 = arith.addi %mul3A_54, %add3A_130 : i32
        %add3A_132 = arith.constant 4 : i32
        %add3A_133 = arith.addi %add3A_131, %add3A_132 : i32
        %mul3A_134 = arith.constant 80 : i32
        %mul3A_135 = arith.muli %add3A_133, %mul3A_134 : i32
        %dma_start3A_136 = tpu.memref_slice %arg7[%mul3A_135] : memref<10000xi32, #tpu.memory_space<vmem>> -> memref<80xi32, #tpu.memory_space<vmem>>
        %dma_start3A_137 = arith.constant 0 : i32
        %dma_start3A_138 = arith.constant 0 : i32
        %dma_start3A_139 = tpu.memref_slice %arg2[%dma_start3A_137, %dma_start3A_138] : memref<10000x64xf32, #tpu.memory_space<hbm>> -> memref<10000x64xf32, #tpu.memory_space<hbm>>
        tpu.enqueue_indirect_dma source(%dma_start3A_139 : memref<10000x64xf32, #tpu.memory_space<hbm>>) target(%arg11 : memref<80x64xf32, #tpu.memory_space<vmem>>) offsets(%dma_start3A_136 : memref<80xi32, #tpu.memory_space<vmem>>) semaphore(%arg16 : memref<!tpu.dma_semaphore, #tpu.memory_space<semaphore_mem>>)
      } else {
      }
      %add3A_111 = arith.constant 3 : i32
      %add3A_112 = arith.addi %mul3A_54, %add3A_111 : i32
      %mul3A_113 = arith.constant 80 : i32
      %mul3A_114 = arith.muli %add3A_112, %mul3A_113 : i32
      %dma_wait3A_115 = tpu.memref_slice %arg7[%mul3A_114] : memref<10000xi32, #tpu.memory_space<vmem>> -> memref<80xi32, #tpu.memory_space<vmem>>
      %dma_wait3A_116 = arith.constant 0 : i32
      %dma_wait3A_117 = arith.constant 0 : i32
      %dma_wait3A_118 = tpu.memref_slice %arg2[%dma_wait3A_116, %dma_wait3A_117] : memref<10000x64xf32, #tpu.memory_space<hbm>> -> memref<10000x64xf32, #tpu.memory_space<hbm>>
      tpu.wait_indirect_dma semaphore(%arg17 : memref<!tpu.dma_semaphore, #tpu.memory_space<semaphore_mem>>) src(%dma_wait3A_118 : memref<10000x64xf32, #tpu.memory_space<hbm>>) dst(%arg12 : memref<80x64xf32, #tpu.memory_space<vmem>>)
      %mul3A_119 = arith.constant 80 : i32
      %mul3A_120 = arith.muli %add3A_112, %mul3A_119 : i32
      "tpu.region"() ({
        %run_scoped3A = tpu.sem_alloc : memref<!tpu.dma_semaphore, #tpu.memory_space<semaphore_mem>>
        %dma_start3A_130 = tpu.memref_slice %arg8[%mul3A_120] : memref<10000xi32, #tpu.memory_space<vmem>> -> memref<80xi32, #tpu.memory_space<vmem>>
        %dma_start3A_131 = arith.constant 0 : i32
        %dma_start3A_132 = arith.constant 0 : i32
        %dma_start3A_133 = tpu.memref_slice %arg13[%dma_start3A_131, %dma_start3A_132] : memref<10000x64xf32, #tpu.memory_space<vmem_shared>> -> memref<10000x64xf32, #tpu.memory_space<vmem_shared>>
        tpu.enqueue_indirect_dma source(%arg12 : memref<80x64xf32, #tpu.memory_space<vmem>>) target(%dma_start3A_133 : memref<10000x64xf32, #tpu.memory_space<vmem_shared>>) offsets(%dma_start3A_130 : memref<80xi32, #tpu.memory_space<vmem>>) semaphore(%run_scoped3A : memref<!tpu.dma_semaphore, #tpu.memory_space<semaphore_mem>>) {add = true}
        %dma_wait3A_134 = tpu.memref_slice %arg8[%mul3A_120] : memref<10000xi32, #tpu.memory_space<vmem>> -> memref<80xi32, #tpu.memory_space<vmem>>
        %dma_wait3A_135 = arith.constant 0 : i32
        %dma_wait3A_136 = arith.constant 0 : i32
        %dma_wait3A_137 = tpu.memref_slice %arg13[%dma_wait3A_135, %dma_wait3A_136] : memref<10000x64xf32, #tpu.memory_space<vmem_shared>> -> memref<10000x64xf32, #tpu.memory_space<vmem_shared>>
        tpu.wait_indirect_dma semaphore(%run_scoped3A : memref<!tpu.dma_semaphore, #tpu.memory_space<semaphore_mem>>) src(%arg12 : memref<80x64xf32, #tpu.memory_space<vmem>>) dst(%dma_wait3A_137 : memref<10000x64xf32, #tpu.memory_space<vmem_shared>>)
        tpu.yield
      }) : () -> ()
      %add3A_121 = arith.constant 3 : i32
      %add3A_122 = arith.addi %mul3A_54, %add3A_121 : i32
      %add3A_123 = arith.constant 4 : i32
      %add3A_124 = arith.addi %add3A_122, %add3A_123 : i32
      %lt3A_125 = arith.constant 125 : i32
      %lt3A_126 = arith.cmpi slt, %add3A_124, %lt3A_125 : i32
      %convert_element_type3A_127 = arith.extui %lt3A_126 : i1 to i32
      %cond3A_128 = arith.constant 0 : i32
      %cond3A_129 = arith.cmpi ne, %convert_element_type3A_127, %cond3A_128 : i32
      scf.if %cond3A_129 {
        %add3A_130 = arith.constant 3 : i32
        %add3A_131 = arith.addi %mul3A_54, %add3A_130 : i32
        %add3A_132 = arith.constant 4 : i32
        %add3A_133 = arith.addi %add3A_131, %add3A_132 : i32
        %mul3A_134 = arith.constant 80 : i32
        %mul3A_135 = arith.muli %add3A_133, %mul3A_134 : i32
        %dma_start3A_136 = tpu.memref_slice %arg7[%mul3A_135] : memref<10000xi32, #tpu.memory_space<vmem>> -> memref<80xi32, #tpu.memory_space<vmem>>
        %dma_start3A_137 = arith.constant 0 : i32
        %dma_start3A_138 = arith.constant 0 : i32
        %dma_start3A_139 = tpu.memref_slice %arg2[%dma_start3A_137, %dma_start3A_138] : memref<10000x64xf32, #tpu.memory_space<hbm>> -> memref<10000x64xf32, #tpu.memory_space<hbm>>
        tpu.enqueue_indirect_dma source(%dma_start3A_139 : memref<10000x64xf32, #tpu.memory_space<hbm>>) target(%arg12 : memref<80x64xf32, #tpu.memory_space<vmem>>) offsets(%dma_start3A_136 : memref<80xi32, #tpu.memory_space<vmem>>) semaphore(%arg17 : memref<!tpu.dma_semaphore, #tpu.memory_space<semaphore_mem>>)
      } else {
      }
    }
    %scan3A_34 = arith.constant 31 : i32
    %dma_wait3A = arith.constant 9920 : i32
    %dma_wait3A_35 = tpu.memref_slice %arg7[%dma_wait3A] : memref<10000xi32, #tpu.memory_space<vmem>> -> memref<80xi32, #tpu.memory_space<vmem>>
    %dma_wait3A_36 = arith.constant 0 : i32
    %dma_wait3A_37 = arith.constant 0 : i32
    %dma_wait3A_38 = tpu.memref_slice %arg2[%dma_wait3A_36, %dma_wait3A_37] : memref<10000x64xf32, #tpu.memory_space<hbm>> -> memref<10000x64xf32, #tpu.memory_space<hbm>>
    tpu.wait_indirect_dma semaphore(%arg14 : memref<!tpu.dma_semaphore, #tpu.memory_space<semaphore_mem>>) src(%dma_wait3A_38 : memref<10000x64xf32, #tpu.memory_space<hbm>>) dst(%arg9 : memref<80x64xf32, #tpu.memory_space<vmem>>)
    "tpu.region"() ({
      %run_scoped3A = tpu.sem_alloc : memref<!tpu.dma_semaphore, #tpu.memory_space<semaphore_mem>>
      %dma_start3A_52 = arith.constant 9920 : i32
      %dma_start3A_53 = tpu.memref_slice %arg8[%dma_start3A_52] : memref<10000xi32, #tpu.memory_space<vmem>> -> memref<80xi32, #tpu.memory_space<vmem>>
      %dma_start3A_54 = arith.constant 0 : i32
      %dma_start3A_55 = arith.constant 0 : i32
      %dma_start3A_56 = tpu.memref_slice %arg13[%dma_start3A_54, %dma_start3A_55] : memref<10000x64xf32, #tpu.memory_space<vmem_shared>> -> memref<10000x64xf32, #tpu.memory_space<vmem_shared>>
      tpu.enqueue_indirect_dma source(%arg9 : memref<80x64xf32, #tpu.memory_space<vmem>>) target(%dma_start3A_56 : memref<10000x64xf32, #tpu.memory_space<vmem_shared>>) offsets(%dma_start3A_53 : memref<80xi32, #tpu.memory_space<vmem>>) semaphore(%run_scoped3A : memref<!tpu.dma_semaphore, #tpu.memory_space<semaphore_mem>>) {add = true}
      %dma_wait3A_57 = arith.constant 9920 : i32
      %dma_wait3A_58 = tpu.memref_slice %arg8[%dma_wait3A_57] : memref<10000xi32, #tpu.memory_space<vmem>> -> memref<80xi32, #tpu.memory_space<vmem>>
      %dma_wait3A_59 = arith.constant 0 : i32
      %dma_wait3A_60 = arith.constant 0 : i32
      %dma_wait3A_61 = tpu.memref_slice %arg13[%dma_wait3A_59, %dma_wait3A_60] : memref<10000x64xf32, #tpu.memory_space<vmem_shared>> -> memref<10000x64xf32, #tpu.memory_space<vmem_shared>>
      tpu.wait_indirect_dma semaphore(%run_scoped3A : memref<!tpu.dma_semaphore, #tpu.memory_space<semaphore_mem>>) src(%arg9 : memref<80x64xf32, #tpu.memory_space<vmem>>) dst(%dma_wait3A_61 : memref<10000x64xf32, #tpu.memory_space<vmem_shared>>)
      tpu.yield
    }) : () -> ()
    %barrier3A_39 = arith.constant 0 : index
    tpu.barrier barrier_id(%barrier3A_39)
    %mul3A_40 = arith.constant 624 : i32
    %mul3A_41 = arith.muli %arg1, %mul3A_40 : i32
    %mul3A_42 = arith.constant 10000 : i32
    %mul3A_43 = arith.muli %arg0, %mul3A_42 : i32
    %mul3A_44 = arith.constant 624 : i32
    %mul3A_45 = arith.muli %arg1, %mul3A_44 : i32
    %add3A_46 = arith.addi %mul3A_43, %mul3A_45 : i32
    "tpu.region"() ({
      %run_scoped3A = tpu.sem_alloc : memref<!tpu.dma_semaphore, #tpu.memory_space<semaphore_mem>>
      %dma_start3A_52 = arith.constant 0 : i32
      %dma_start3A_53 = tpu.memref_slice %arg6[%add3A_46, %dma_start3A_52] : memref<20000x64xf32, #tpu.memory_space<hbm>> -> memref<624x64xf32, #tpu.memory_space<hbm>>
      %dma_start3A_54 = arith.constant 0 : i32
      %dma_start3A_55 = tpu.memref_slice %arg13[%mul3A_41, %dma_start3A_54] : memref<10000x64xf32, #tpu.memory_space<vmem_shared>> -> memref<624x64xf32, #tpu.memory_space<vmem_shared>>
      tpu.enqueue_dma source(%dma_start3A_55 : memref<624x64xf32, #tpu.memory_space<vmem_shared>>) target(%dma_start3A_53 : memref<624x64xf32, #tpu.memory_space<hbm>>) target_semaphore(%run_scoped3A : memref<!tpu.dma_semaphore, #tpu.memory_space<semaphore_mem>>)
      %dma_wait3A_56 = arith.constant 0 : i32
      %dma_wait3A_57 = tpu.memref_slice %arg6[%add3A_46, %dma_wait3A_56] : memref<20000x64xf32, #tpu.memory_space<hbm>> -> memref<624x64xf32, #tpu.memory_space<hbm>>
      %dma_wait3A_58 = arith.constant 0 : i32
      %dma_wait3A_59 = tpu.memref_slice %arg13[%mul3A_41, %dma_wait3A_58] : memref<10000x64xf32, #tpu.memory_space<vmem_shared>> -> memref<624x64xf32, #tpu.memory_space<vmem_shared>>
      tpu.wait_dma2 semaphore(%run_scoped3A : memref<!tpu.dma_semaphore, #tpu.memory_space<semaphore_mem>>) src(%dma_wait3A_59 : memref<624x64xf32, #tpu.memory_space<vmem_shared>>) dst(%dma_wait3A_57 : memref<624x64xf32, #tpu.memory_space<hbm>>)
      tpu.yield
    }) : () -> ()
    %eq3A_47 = arith.constant 0 : i32
    %eq3A_48 = arith.cmpi eq, %arg1, %eq3A_47 : i32
    %convert_element_type3A_49 = arith.extui %eq3A_48 : i1 to i32
    %cond3A_50 = arith.constant 0 : i32
    %cond3A_51 = arith.cmpi ne, %convert_element_type3A_49, %cond3A_50 : i32
    scf.if %cond3A_51 {
      %mul3A_52 = arith.constant 10000 : i32
      %mul3A_53 = arith.muli %arg0, %mul3A_52 : i32
      %add3A_54 = arith.constant 9984 : i32
      %add3A_55 = arith.addi %mul3A_53, %add3A_54 : i32
      "tpu.region"() ({
        %run_scoped3A = tpu.sem_alloc : memref<!tpu.dma_semaphore, #tpu.memory_space<semaphore_mem>>
        %dma_start3A_56 = arith.constant 0 : i32
        %dma_start3A_57 = tpu.memref_slice %arg6[%add3A_55, %dma_start3A_56] : memref<20000x64xf32, #tpu.memory_space<hbm>> -> memref<16x64xf32, #tpu.memory_space<hbm>>
        %dma_start3A_58 = arith.constant 9984 : i32
        %dma_start3A_59 = arith.constant 0 : i32
        %dma_start3A_60 = tpu.memref_slice %arg13[%dma_start3A_58, %dma_start3A_59] : memref<10000x64xf32, #tpu.memory_space<vmem_shared>> -> memref<16x64xf32, #tpu.memory_space<vmem_shared>>
        tpu.enqueue_dma source(%dma_start3A_60 : memref<16x64xf32, #tpu.memory_space<vmem_shared>>) target(%dma_start3A_57 : memref<16x64xf32, #tpu.memory_space<hbm>>) target_semaphore(%run_scoped3A : memref<!tpu.dma_semaphore, #tpu.memory_space<semaphore_mem>>)
        %dma_wait3A_61 = arith.constant 0 : i32
        %dma_wait3A_62 = tpu.memref_slice %arg6[%add3A_55, %dma_wait3A_61] : memref<20000x64xf32, #tpu.memory_space<hbm>> -> memref<16x64xf32, #tpu.memory_space<hbm>>
        %dma_wait3A_63 = arith.constant 9984 : i32
        %dma_wait3A_64 = arith.constant 0 : i32
        %dma_wait3A_65 = tpu.memref_slice %arg13[%dma_wait3A_63, %dma_wait3A_64] : memref<10000x64xf32, #tpu.memory_space<vmem_shared>> -> memref<16x64xf32, #tpu.memory_space<vmem_shared>>
        tpu.wait_dma2 semaphore(%run_scoped3A : memref<!tpu.dma_semaphore, #tpu.memory_space<semaphore_mem>>) src(%dma_wait3A_65 : memref<16x64xf32, #tpu.memory_space<vmem_shared>>) dst(%dma_wait3A_62 : memref<16x64xf32, #tpu.memory_space<hbm>>)
        tpu.yield
      }) : () -> ()
    } else {
    }
    return
  }
}

#map = affine_map<(d0, d1) -> (0, 0)>
#map1 = affine_map<(d0, d1) -> (0)>
module attributes {stable_mosaic.version = 14 : i64} {
  func.func @_sc_readout_body(%arg0: i32, %arg1: i32, %arg2: memref<10240x64xf32, #tpu.memory_space<hbm>>, %arg3: memref<10240x64xf32, #tpu.memory_space<hbm>>, %arg4: memref<10240xi32, #tpu.memory_space<hbm>>, %arg5: memref<272x64xf32, #tpu.memory_space<hbm>>, %arg6: memref<17408xf32, #tpu.memory_space<hbm>>, %arg7: memref<512x64xf32, #tpu.memory_space<hbm>>, %arg8: memref<557056xf32, #tpu.memory_space<hbm>>, %arg9: memref<320xi32, #tpu.memory_space<vmem>>, %arg10: memref<320x64xf32, #tpu.memory_space<vmem>>, %arg11: memref<320x64xf32, #tpu.memory_space<vmem>>, %arg12: memref<17408xf32, #tpu.memory_space<vmem>>, %arg13: memref<272x64xf32, #tpu.memory_space<vmem_shared>>) attributes {dimension_semantics = [#tpu.dimension_semantics<core_parallel>, #tpu.dimension_semantics<subcore_parallel>], iteration_bounds = array<i64: 2, 16>, scalar_prefetch = 0 : i64, scratch_operands = 5 : i64, tpu.core_type = #tpu.core_type<sc_vector_subcore>, window_params = [{transform_indices = #map}, {transform_indices = #map}, {transform_indices = #map1}, {transform_indices = #map}, {transform_indices = #map1}, {transform_indices = #map}, {transform_indices = #map1}]} {
    %mul3A = arith.constant 16 : i32
    %mul3A_0 = arith.muli %arg0, %mul3A : i32
    %add3A = arith.addi %mul3A_0, %arg1 : i32
    %mul3A_1 = arith.constant 320 : i32
    %mul3A_2 = arith.muli %add3A, %mul3A_1 : i32
    "tpu.region"() ({
      %run_scoped3A = tpu.sem_alloc : memref<!tpu.dma_semaphore, #tpu.memory_space<semaphore_mem>>
      %dma_start3A = tpu.memref_slice %arg4[%mul3A_2] : memref<10240xi32, #tpu.memory_space<hbm>> -> memref<320xi32, #tpu.memory_space<hbm>>
      %dma_start3A_24 = tpu.memref_slice %arg4[%mul3A_2] : memref<10240xi32, #tpu.memory_space<hbm>> -> memref<320xi32, #tpu.memory_space<hbm>>
      tpu.enqueue_dma source(%dma_start3A_24 : memref<320xi32, #tpu.memory_space<hbm>>) target(%arg9 : memref<320xi32, #tpu.memory_space<vmem>>) target_semaphore(%run_scoped3A : memref<!tpu.dma_semaphore, #tpu.memory_space<semaphore_mem>>)
      %dma_wait3A = tpu.memref_slice %arg4[%mul3A_2] : memref<10240xi32, #tpu.memory_space<hbm>> -> memref<320xi32, #tpu.memory_space<hbm>>
      %dma_wait3A_25 = tpu.memref_slice %arg4[%mul3A_2] : memref<10240xi32, #tpu.memory_space<hbm>> -> memref<320xi32, #tpu.memory_space<hbm>>
      tpu.wait_dma2 semaphore(%run_scoped3A : memref<!tpu.dma_semaphore, #tpu.memory_space<semaphore_mem>>) src(%dma_wait3A_25 : memref<320xi32, #tpu.memory_space<hbm>>) dst(%arg9 : memref<320xi32, #tpu.memory_space<vmem>>)
      tpu.yield
    }) : () -> ()
    %mul3A_3 = arith.constant 320 : i32
    %mul3A_4 = arith.muli %add3A, %mul3A_3 : i32
    "tpu.region"() ({
      %run_scoped3A = tpu.sem_alloc : memref<!tpu.dma_semaphore, #tpu.memory_space<semaphore_mem>>
      %dma_start3A = arith.constant 0 : i32
      %dma_start3A_24 = tpu.memref_slice %arg2[%mul3A_4, %dma_start3A] : memref<10240x64xf32, #tpu.memory_space<hbm>> -> memref<320x64xf32, #tpu.memory_space<hbm>>
      %dma_start3A_25 = arith.constant 0 : i32
      %dma_start3A_26 = tpu.memref_slice %arg2[%mul3A_4, %dma_start3A_25] : memref<10240x64xf32, #tpu.memory_space<hbm>> -> memref<320x64xf32, #tpu.memory_space<hbm>>
      tpu.enqueue_dma source(%dma_start3A_26 : memref<320x64xf32, #tpu.memory_space<hbm>>) target(%arg10 : memref<320x64xf32, #tpu.memory_space<vmem>>) target_semaphore(%run_scoped3A : memref<!tpu.dma_semaphore, #tpu.memory_space<semaphore_mem>>)
      %dma_wait3A = arith.constant 0 : i32
      %dma_wait3A_27 = tpu.memref_slice %arg2[%mul3A_4, %dma_wait3A] : memref<10240x64xf32, #tpu.memory_space<hbm>> -> memref<320x64xf32, #tpu.memory_space<hbm>>
      %dma_wait3A_28 = arith.constant 0 : i32
      %dma_wait3A_29 = tpu.memref_slice %arg2[%mul3A_4, %dma_wait3A_28] : memref<10240x64xf32, #tpu.memory_space<hbm>> -> memref<320x64xf32, #tpu.memory_space<hbm>>
      tpu.wait_dma2 semaphore(%run_scoped3A : memref<!tpu.dma_semaphore, #tpu.memory_space<semaphore_mem>>) src(%dma_wait3A_29 : memref<320x64xf32, #tpu.memory_space<hbm>>) dst(%arg10 : memref<320x64xf32, #tpu.memory_space<vmem>>)
      tpu.yield
    }) : () -> ()
    %mul3A_5 = arith.constant 320 : i32
    %mul3A_6 = arith.muli %add3A, %mul3A_5 : i32
    "tpu.region"() ({
      %run_scoped3A = tpu.sem_alloc : memref<!tpu.dma_semaphore, #tpu.memory_space<semaphore_mem>>
      %dma_start3A = arith.constant 0 : i32
      %dma_start3A_24 = tpu.memref_slice %arg3[%mul3A_6, %dma_start3A] : memref<10240x64xf32, #tpu.memory_space<hbm>> -> memref<320x64xf32, #tpu.memory_space<hbm>>
      %dma_start3A_25 = arith.constant 0 : i32
      %dma_start3A_26 = tpu.memref_slice %arg3[%mul3A_6, %dma_start3A_25] : memref<10240x64xf32, #tpu.memory_space<hbm>> -> memref<320x64xf32, #tpu.memory_space<hbm>>
      tpu.enqueue_dma source(%dma_start3A_26 : memref<320x64xf32, #tpu.memory_space<hbm>>) target(%arg11 : memref<320x64xf32, #tpu.memory_space<vmem>>) target_semaphore(%run_scoped3A : memref<!tpu.dma_semaphore, #tpu.memory_space<semaphore_mem>>)
      %dma_wait3A = arith.constant 0 : i32
      %dma_wait3A_27 = tpu.memref_slice %arg3[%mul3A_6, %dma_wait3A] : memref<10240x64xf32, #tpu.memory_space<hbm>> -> memref<320x64xf32, #tpu.memory_space<hbm>>
      %dma_wait3A_28 = arith.constant 0 : i32
      %dma_wait3A_29 = tpu.memref_slice %arg3[%mul3A_6, %dma_wait3A_28] : memref<10240x64xf32, #tpu.memory_space<hbm>> -> memref<320x64xf32, #tpu.memory_space<hbm>>
      tpu.wait_dma2 semaphore(%run_scoped3A : memref<!tpu.dma_semaphore, #tpu.memory_space<semaphore_mem>>) src(%dma_wait3A_29 : memref<320x64xf32, #tpu.memory_space<hbm>>) dst(%arg11 : memref<320x64xf32, #tpu.memory_space<vmem>>)
      tpu.yield
    }) : () -> ()
    "tpu.region"() ({
      %run_scoped3A = tpu.sem_alloc : memref<!tpu.dma_semaphore, #tpu.memory_space<semaphore_mem>>
      tpu.enqueue_dma source(%arg6 : memref<17408xf32, #tpu.memory_space<hbm>>) target(%arg12 : memref<17408xf32, #tpu.memory_space<vmem>>) target_semaphore(%run_scoped3A : memref<!tpu.dma_semaphore, #tpu.memory_space<semaphore_mem>>)
      tpu.wait_dma2 semaphore(%run_scoped3A : memref<!tpu.dma_semaphore, #tpu.memory_space<semaphore_mem>>) src(%arg6 : memref<17408xf32, #tpu.memory_space<hbm>>) dst(%arg12 : memref<17408xf32, #tpu.memory_space<vmem>>)
      tpu.yield
    }) : () -> ()
    %eq3A = arith.constant 0 : i32
    %eq3A_7 = arith.cmpi eq, %arg1, %eq3A : i32
    %convert_element_type3A = arith.extui %eq3A_7 : i1 to i32
    %cond3A = arith.constant 0 : i32
    %cond3A_8 = arith.cmpi ne, %convert_element_type3A, %cond3A : i32
    scf.if %cond3A_8 {
      "tpu.region"() ({
        %run_scoped3A = tpu.sem_alloc : memref<!tpu.dma_semaphore, #tpu.memory_space<semaphore_mem>>
        tpu.enqueue_dma source(%arg5 : memref<272x64xf32, #tpu.memory_space<hbm>>) target(%arg13 : memref<272x64xf32, #tpu.memory_space<vmem_shared>>) target_semaphore(%run_scoped3A : memref<!tpu.dma_semaphore, #tpu.memory_space<semaphore_mem>>)
        tpu.wait_dma2 semaphore(%run_scoped3A : memref<!tpu.dma_semaphore, #tpu.memory_space<semaphore_mem>>) src(%arg5 : memref<272x64xf32, #tpu.memory_space<hbm>>) dst(%arg13 : memref<272x64xf32, #tpu.memory_space<vmem_shared>>)
        tpu.yield
      }) : () -> ()
    } else {
    }
    %barrier3A = arith.constant 0 : index
    tpu.barrier barrier_id(%barrier3A)
    "tpu.region"() ({
      %run_scoped3A = tpu.sem_alloc : memref<!tpu.dma_semaphore, #tpu.memory_space<semaphore_mem>>
      %dma_start3A = arith.constant 0 : i32
      %dma_start3A_24 = arith.constant 0 : i32
      %dma_start3A_25 = tpu.memref_slice %arg13[%dma_start3A, %dma_start3A_24] : memref<272x64xf32, #tpu.memory_space<vmem_shared>> -> memref<272x64xf32, #tpu.memory_space<vmem_shared>>
      tpu.enqueue_indirect_dma source(%arg11 : memref<320x64xf32, #tpu.memory_space<vmem>>) target(%dma_start3A_25 : memref<272x64xf32, #tpu.memory_space<vmem_shared>>) offsets(%arg9 : memref<320xi32, #tpu.memory_space<vmem>>) semaphore(%run_scoped3A : memref<!tpu.dma_semaphore, #tpu.memory_space<semaphore_mem>>) {add = true}
      %dma_wait3A = arith.constant 0 : i32
      %dma_wait3A_26 = arith.constant 0 : i32
      %dma_wait3A_27 = tpu.memref_slice %arg13[%dma_wait3A, %dma_wait3A_26] : memref<272x64xf32, #tpu.memory_space<vmem_shared>> -> memref<272x64xf32, #tpu.memory_space<vmem_shared>>
      tpu.wait_indirect_dma semaphore(%run_scoped3A : memref<!tpu.dma_semaphore, #tpu.memory_space<semaphore_mem>>) src(%arg11 : memref<320x64xf32, #tpu.memory_space<vmem>>) dst(%dma_wait3A_27 : memref<272x64xf32, #tpu.memory_space<vmem_shared>>)
      tpu.yield
    }) : () -> ()
    %iota3A = tpu.iota {dimensions = array<i32: 0>} : vector<16xi32>
    %scan3A = arith.constant 0 : i32
    %scan3A_9 = arith.constant 0 : i32
    %scan3A_10 = arith.constant 20 : i32
    %scan3A_11 = arith.addi %scan3A_9, %scan3A_10 : i32
    %scan3A_12 = arith.constant 1 : i32
    scf.for %scan3A_24 = %scan3A_9 to %scan3A_11 step %scan3A_12  : i32 {
      %mul3A_25 = arith.constant 16 : i32
      %mul3A_26 = arith.muli %scan3A_24, %mul3A_25 : i32
      %get3A = arith.index_cast %mul3A_26 : i32 to index
      %get3A_27 = tpu.vector_load %arg9[%get3A] {strides = array<i32>} : memref<320xi32, #tpu.memory_space<vmem>>, vector<16xi32>,
      %eq3A_28 = arith.constant 0 : i32
      %eq3A_29 = vector.broadcast %eq3A_28 : i32 to vector<16xi32>
      %eq3A_30 = arith.cmpi eq, %iota3A, %eq3A_29 : vector<16xi32>
      %jit3A = arith.constant 0 : i32
      %broadcast_in_dim3A = vector.broadcast %jit3A : i32 to vector<16xi32>
      %select_n3A = arith.select %eq3A_30, %get3A_27, %broadcast_in_dim3A : vector<16xi1>, vector<16xi32>
      %reduce_sum3A = arith.constant true
      %reduce_sum3A_31 = vector.broadcast %reduce_sum3A : i1 to vector<16xi1>
      %reduce_sum3A_32 = tpu.scan <sum>, %select_n3A masked %reduce_sum3A_31 : vector<16xi32>, vector<16xi1> -> vector<16xi32>
      %reduce_sum3A_33 = vector.extract %reduce_sum3A_32[15] : i32 from vector<16xi32>
      %mul3A_34 = arith.constant 16 : i32
      %mul3A_35 = arith.muli %scan3A_24, %mul3A_34 : i32
      %add3A_36 = arith.constant 0 : i32
      %add3A_37 = arith.addi %mul3A_35, %add3A_36 : i32
      %mul3A_38 = arith.constant 64 : i32
      %mul3A_39 = arith.muli %reduce_sum3A_33, %mul3A_38 : i32
      %add3A_40 = arith.constant 0 : i32
      %add3A_41 = arith.addi %mul3A_39, %add3A_40 : i32
      %get3A_42 = arith.index_cast %add3A_41 : i32 to index
      %get3A_43 = tpu.vector_load %arg12[%get3A_42] {strides = array<i32>} : memref<17408xf32, #tpu.memory_space<vmem>>, vector<16xf32>,
      %get3A_44 = arith.index_cast %add3A_37 : i32 to index
      %get3A_45 = arith.constant 0 : index
      %get3A_46 = tpu.vector_load %arg10[%get3A_44, %get3A_45] {strides = array<i32>} : memref<320x64xf32, #tpu.memory_space<vmem>>, vector<16xf32>,
      %max3A = arith.maximumf %get3A_43, %get3A_46 : vector<16xf32>
      %swap3A = arith.index_cast %add3A_41 : i32 to index
      %swap3A_47 = tpu.vector_load %arg12[%swap3A] {strides = array<i32>} : memref<17408xf32, #tpu.memory_space<vmem>>, vector<16xf32>,
      tpu.vector_store %arg12[%swap3A], %max3A {strides = array<i32>} : memref<17408xf32, #tpu.memory_space<vmem>>, vector<16xf32>,
      %mul3A_48 = arith.constant 64 : i32
      %mul3A_49 = arith.muli %reduce_sum3A_33, %mul3A_48 : i32
      %add3A_50 = arith.constant 16 : i32
      %add3A_51 = arith.addi %mul3A_49, %add3A_50 : i32
      %get3A_52 = arith.index_cast %add3A_51 : i32 to index
      %get3A_53 = tpu.vector_load %arg12[%get3A_52] {strides = array<i32>} : memref<17408xf32, #tpu.memory_space<vmem>>, vector<16xf32>,
      %get3A_54 = arith.index_cast %add3A_37 : i32 to index
      %get3A_55 = arith.constant 16 : index
      %get3A_56 = tpu.vector_load %arg10[%get3A_54, %get3A_55] {strides = array<i32>} : memref<320x64xf32, #tpu.memory_space<vmem>>, vector<16xf32>,
      %max3A_57 = arith.maximumf %get3A_53, %get3A_56 : vector<16xf32>
      %swap3A_58 = arith.index_cast %add3A_51 : i32 to index
      %swap3A_59 = tpu.vector_load %arg12[%swap3A_58] {strides = array<i32>} : memref<17408xf32, #tpu.memory_space<vmem>>, vector<16xf32>,
      tpu.vector_store %arg12[%swap3A_58], %max3A_57 {strides = array<i32>} : memref<17408xf32, #tpu.memory_space<vmem>>, vector<16xf32>,
      %mul3A_60 = arith.constant 64 : i32
      %mul3A_61 = arith.muli %reduce_sum3A_33, %mul3A_60 : i32
      %add3A_62 = arith.constant 32 : i32
      %add3A_63 = arith.addi %mul3A_61, %add3A_62 : i32
      %get3A_64 = arith.index_cast %add3A_63 : i32 to index
      %get3A_65 = tpu.vector_load %arg12[%get3A_64] {strides = array<i32>} : memref<17408xf32, #tpu.memory_space<vmem>>, vector<16xf32>,
      %get3A_66 = arith.index_cast %add3A_37 : i32 to index
      %get3A_67 = arith.constant 32 : index
      %get3A_68 = tpu.vector_load %arg10[%get3A_66, %get3A_67] {strides = array<i32>} : memref<320x64xf32, #tpu.memory_space<vmem>>, vector<16xf32>,
      %max3A_69 = arith.maximumf %get3A_65, %get3A_68 : vector<16xf32>
      %swap3A_70 = arith.index_cast %add3A_63 : i32 to index
      %swap3A_71 = tpu.vector_load %arg12[%swap3A_70] {strides = array<i32>} : memref<17408xf32, #tpu.memory_space<vmem>>, vector<16xf32>,
      tpu.vector_store %arg12[%swap3A_70], %max3A_69 {strides = array<i32>} : memref<17408xf32, #tpu.memory_space<vmem>>, vector<16xf32>,
      %mul3A_72 = arith.constant 64 : i32
      %mul3A_73 = arith.muli %reduce_sum3A_33, %mul3A_72 : i32
      %add3A_74 = arith.constant 48 : i32
      %add3A_75 = arith.addi %mul3A_73, %add3A_74 : i32
      %get3A_76 = arith.index_cast %add3A_75 : i32 to index
      %get3A_77 = tpu.vector_load %arg12[%get3A_76] {strides = array<i32>} : memref<17408xf32, #tpu.memory_space<vmem>>, vector<16xf32>,
      %get3A_78 = arith.index_cast %add3A_37 : i32 to index
      %get3A_79 = arith.constant 48 : index
      %get3A_80 = tpu.vector_load %arg10[%get3A_78, %get3A_79] {strides = array<i32>} : memref<320x64xf32, #tpu.memory_space<vmem>>, vector<16xf32>,
      %max3A_81 = arith.maximumf %get3A_77, %get3A_80 : vector<16xf32>
      %swap3A_82 = arith.index_cast %add3A_75 : i32 to index
      %swap3A_83 = tpu.vector_load %arg12[%swap3A_82] {strides = array<i32>} : memref<17408xf32, #tpu.memory_space<vmem>>, vector<16xf32>,
      tpu.vector_store %arg12[%swap3A_82], %max3A_81 {strides = array<i32>} : memref<17408xf32, #tpu.memory_space<vmem>>, vector<16xf32>,
      %eq3A_84 = arith.constant 1 : i32
      %eq3A_85 = vector.broadcast %eq3A_84 : i32 to vector<16xi32>
      %eq3A_86 = arith.cmpi eq, %iota3A, %eq3A_85 : vector<16xi32>
      %jit3A_87 = arith.constant 0 : i32
      %broadcast_in_dim3A_88 = vector.broadcast %jit3A_87 : i32 to vector<16xi32>
      %select_n3A_89 = arith.select %eq3A_86, %get3A_27, %broadcast_in_dim3A_88 : vector<16xi1>, vector<16xi32>
      %reduce_sum3A_90 = arith.constant true
      %reduce_sum3A_91 = vector.broadcast %reduce_sum3A_90 : i1 to vector<16xi1>
      %reduce_sum3A_92 = tpu.scan <sum>, %select_n3A_89 masked %reduce_sum3A_91 : vector<16xi32>, vector<16xi1> -> vector<16xi32>
      %reduce_sum3A_93 = vector.extract %reduce_sum3A_92[15] : i32 from vector<16xi32>
      %mul3A_94 = arith.constant 16 : i32
      %mul3A_95 = arith.muli %scan3A_24, %mul3A_94 : i32
      %add3A_96 = arith.constant 1 : i32
      %add3A_97 = arith.addi %mul3A_95, %add3A_96 : i32
      %mul3A_98 = arith.constant 64 : i32
      %mul3A_99 = arith.muli %reduce_sum3A_93, %mul3A_98 : i32
      %add3A_100 = arith.constant 0 : i32
      %add3A_101 = arith.addi %mul3A_99, %add3A_100 : i32
      %get3A_102 = arith.index_cast %add3A_101 : i32 to index
      %get3A_103 = tpu.vector_load %arg12[%get3A_102] {strides = array<i32>} : memref<17408xf32, #tpu.memory_space<vmem>>, vector<16xf32>,
      %get3A_104 = arith.index_cast %add3A_97 : i32 to index
      %get3A_105 = arith.constant 0 : index
      %get3A_106 = tpu.vector_load %arg10[%get3A_104, %get3A_105] {strides = array<i32>} : memref<320x64xf32, #tpu.memory_space<vmem>>, vector<16xf32>,
      %max3A_107 = arith.maximumf %get3A_103, %get3A_106 : vector<16xf32>
      %swap3A_108 = arith.index_cast %add3A_101 : i32 to index
      %swap3A_109 = tpu.vector_load %arg12[%swap3A_108] {strides = array<i32>} : memref<17408xf32, #tpu.memory_space<vmem>>, vector<16xf32>,
      tpu.vector_store %arg12[%swap3A_108], %max3A_107 {strides = array<i32>} : memref<17408xf32, #tpu.memory_space<vmem>>, vector<16xf32>,
      %mul3A_110 = arith.constant 64 : i32
      %mul3A_111 = arith.muli %reduce_sum3A_93, %mul3A_110 : i32
      %add3A_112 = arith.constant 16 : i32
      %add3A_113 = arith.addi %mul3A_111, %add3A_112 : i32
      %get3A_114 = arith.index_cast %add3A_113 : i32 to index
      %get3A_115 = tpu.vector_load %arg12[%get3A_114] {strides = array<i32>} : memref<17408xf32, #tpu.memory_space<vmem>>, vector<16xf32>,
      %get3A_116 = arith.index_cast %add3A_97 : i32 to index
      %get3A_117 = arith.constant 16 : index
      %get3A_118 = tpu.vector_load %arg10[%get3A_116, %get3A_117] {strides = array<i32>} : memref<320x64xf32, #tpu.memory_space<vmem>>, vector<16xf32>,
      %max3A_119 = arith.maximumf %get3A_115, %get3A_118 : vector<16xf32>
      %swap3A_120 = arith.index_cast %add3A_113 : i32 to index
      %swap3A_121 = tpu.vector_load %arg12[%swap3A_120] {strides = array<i32>} : memref<17408xf32, #tpu.memory_space<vmem>>, vector<16xf32>,
      tpu.vector_store %arg12[%swap3A_120], %max3A_119 {strides = array<i32>} : memref<17408xf32, #tpu.memory_space<vmem>>, vector<16xf32>,
      %mul3A_122 = arith.constant 64 : i32
      %mul3A_123 = arith.muli %reduce_sum3A_93, %mul3A_122 : i32
      %add3A_124 = arith.constant 32 : i32
      %add3A_125 = arith.addi %mul3A_123, %add3A_124 : i32
      %get3A_126 = arith.index_cast %add3A_125 : i32 to index
      %get3A_127 = tpu.vector_load %arg12[%get3A_126] {strides = array<i32>} : memref<17408xf32, #tpu.memory_space<vmem>>, vector<16xf32>,
      %get3A_128 = arith.index_cast %add3A_97 : i32 to index
      %get3A_129 = arith.constant 32 : index
      %get3A_130 = tpu.vector_load %arg10[%get3A_128, %get3A_129] {strides = array<i32>} : memref<320x64xf32, #tpu.memory_space<vmem>>, vector<16xf32>,
      %max3A_131 = arith.maximumf %get3A_127, %get3A_130 : vector<16xf32>
      %swap3A_132 = arith.index_cast %add3A_125 : i32 to index
      %swap3A_133 = tpu.vector_load %arg12[%swap3A_132] {strides = array<i32>} : memref<17408xf32, #tpu.memory_space<vmem>>, vector<16xf32>,
      tpu.vector_store %arg12[%swap3A_132], %max3A_131 {strides = array<i32>} : memref<17408xf32, #tpu.memory_space<vmem>>, vector<16xf32>,
      %mul3A_134 = arith.constant 64 : i32
      %mul3A_135 = arith.muli %reduce_sum3A_93, %mul3A_134 : i32
      %add3A_136 = arith.constant 48 : i32
      %add3A_137 = arith.addi %mul3A_135, %add3A_136 : i32
      %get3A_138 = arith.index_cast %add3A_137 : i32 to index
      %get3A_139 = tpu.vector_load %arg12[%get3A_138] {strides = array<i32>} : memref<17408xf32, #tpu.memory_space<vmem>>, vector<16xf32>,
      %get3A_140 = arith.index_cast %add3A_97 : i32 to index
      %get3A_141 = arith.constant 48 : index
      %get3A_142 = tpu.vector_load %arg10[%get3A_140, %get3A_141] {strides = array<i32>} : memref<320x64xf32, #tpu.memory_space<vmem>>, vector<16xf32>,
      %max3A_143 = arith.maximumf %get3A_139, %get3A_142 : vector<16xf32>
      %swap3A_144 = arith.index_cast %add3A_137 : i32 to index
      %swap3A_145 = tpu.vector_load %arg12[%swap3A_144] {strides = array<i32>} : memref<17408xf32, #tpu.memory_space<vmem>>, vector<16xf32>,
      tpu.vector_store %arg12[%swap3A_144], %max3A_143 {strides = array<i32>} : memref<17408xf32, #tpu.memory_space<vmem>>, vector<16xf32>,
      %eq3A_146 = arith.constant 2 : i32
      %eq3A_147 = vector.broadcast %eq3A_146 : i32 to vector<16xi32>
      %eq3A_148 = arith.cmpi eq, %iota3A, %eq3A_147 : vector<16xi32>
      %jit3A_149 = arith.constant 0 : i32
      %broadcast_in_dim3A_150 = vector.broadcast %jit3A_149 : i32 to vector<16xi32>
      %select_n3A_151 = arith.select %eq3A_148, %get3A_27, %broadcast_in_dim3A_150 : vector<16xi1>, vector<16xi32>
      %reduce_sum3A_152 = arith.constant true
      %reduce_sum3A_153 = vector.broadcast %reduce_sum3A_152 : i1 to vector<16xi1>
      %reduce_sum3A_154 = tpu.scan <sum>, %select_n3A_151 masked %reduce_sum3A_153 : vector<16xi32>, vector<16xi1> -> vector<16xi32>
      %reduce_sum3A_155 = vector.extract %reduce_sum3A_154[15] : i32 from vector<16xi32>
      %mul3A_156 = arith.constant 16 : i32
      %mul3A_157 = arith.muli %scan3A_24, %mul3A_156 : i32
      %add3A_158 = arith.constant 2 : i32
      %add3A_159 = arith.addi %mul3A_157, %add3A_158 : i32
      %mul3A_160 = arith.constant 64 : i32
      %mul3A_161 = arith.muli %reduce_sum3A_155, %mul3A_160 : i32
      %add3A_162 = arith.constant 0 : i32
      %add3A_163 = arith.addi %mul3A_161, %add3A_162 : i32
      %get3A_164 = arith.index_cast %add3A_163 : i32 to index
      %get3A_165 = tpu.vector_load %arg12[%get3A_164] {strides = array<i32>} : memref<17408xf32, #tpu.memory_space<vmem>>, vector<16xf32>,
      %get3A_166 = arith.index_cast %add3A_159 : i32 to index
      %get3A_167 = arith.constant 0 : index
      %get3A_168 = tpu.vector_load %arg10[%get3A_166, %get3A_167] {strides = array<i32>} : memref<320x64xf32, #tpu.memory_space<vmem>>, vector<16xf32>,
      %max3A_169 = arith.maximumf %get3A_165, %get3A_168 : vector<16xf32>
      %swap3A_170 = arith.index_cast %add3A_163 : i32 to index
      %swap3A_171 = tpu.vector_load %arg12[%swap3A_170] {strides = array<i32>} : memref<17408xf32, #tpu.memory_space<vmem>>, vector<16xf32>,
      tpu.vector_store %arg12[%swap3A_170], %max3A_169 {strides = array<i32>} : memref<17408xf32, #tpu.memory_space<vmem>>, vector<16xf32>,
      %mul3A_172 = arith.constant 64 : i32
      %mul3A_173 = arith.muli %reduce_sum3A_155, %mul3A_172 : i32
      %add3A_174 = arith.constant 16 : i32
      %add3A_175 = arith.addi %mul3A_173, %add3A_174 : i32
      %get3A_176 = arith.index_cast %add3A_175 : i32 to index
      %get3A_177 = tpu.vector_load %arg12[%get3A_176] {strides = array<i32>} : memref<17408xf32, #tpu.memory_space<vmem>>, vector<16xf32>,
      %get3A_178 = arith.index_cast %add3A_159 : i32 to index
      %get3A_179 = arith.constant 16 : index
      %get3A_180 = tpu.vector_load %arg10[%get3A_178, %get3A_179] {strides = array<i32>} : memref<320x64xf32, #tpu.memory_space<vmem>>, vector<16xf32>,
      %max3A_181 = arith.maximumf %get3A_177, %get3A_180 : vector<16xf32>
      %swap3A_182 = arith.index_cast %add3A_175 : i32 to index
      %swap3A_183 = tpu.vector_load %arg12[%swap3A_182] {strides = array<i32>} : memref<17408xf32, #tpu.memory_space<vmem>>, vector<16xf32>,
      tpu.vector_store %arg12[%swap3A_182], %max3A_181 {strides = array<i32>} : memref<17408xf32, #tpu.memory_space<vmem>>, vector<16xf32>,
      %mul3A_184 = arith.constant 64 : i32
      %mul3A_185 = arith.muli %reduce_sum3A_155, %mul3A_184 : i32
      %add3A_186 = arith.constant 32 : i32
      %add3A_187 = arith.addi %mul3A_185, %add3A_186 : i32
      %get3A_188 = arith.index_cast %add3A_187 : i32 to index
      %get3A_189 = tpu.vector_load %arg12[%get3A_188] {strides = array<i32>} : memref<17408xf32, #tpu.memory_space<vmem>>, vector<16xf32>,
      %get3A_190 = arith.index_cast %add3A_159 : i32 to index
      %get3A_191 = arith.constant 32 : index
      %get3A_192 = tpu.vector_load %arg10[%get3A_190, %get3A_191] {strides = array<i32>} : memref<320x64xf32, #tpu.memory_space<vmem>>, vector<16xf32>,
      %max3A_193 = arith.maximumf %get3A_189, %get3A_192 : vector<16xf32>
      %swap3A_194 = arith.index_cast %add3A_187 : i32 to index
      %swap3A_195 = tpu.vector_load %arg12[%swap3A_194] {strides = array<i32>} : memref<17408xf32, #tpu.memory_space<vmem>>, vector<16xf32>,
      tpu.vector_store %arg12[%swap3A_194], %max3A_193 {strides = array<i32>} : memref<17408xf32, #tpu.memory_space<vmem>>, vector<16xf32>,
      %mul3A_196 = arith.constant 64 : i32
      %mul3A_197 = arith.muli %reduce_sum3A_155, %mul3A_196 : i32
      %add3A_198 = arith.constant 48 : i32
      %add3A_199 = arith.addi %mul3A_197, %add3A_198 : i32
      %get3A_200 = arith.index_cast %add3A_199 : i32 to index
      %get3A_201 = tpu.vector_load %arg12[%get3A_200] {strides = array<i32>} : memref<17408xf32, #tpu.memory_space<vmem>>, vector<16xf32>,
      %get3A_202 = arith.index_cast %add3A_159 : i32 to index
      %get3A_203 = arith.constant 48 : index
      %get3A_204 = tpu.vector_load %arg10[%get3A_202, %get3A_203] {strides = array<i32>} : memref<320x64xf32, #tpu.memory_space<vmem>>, vector<16xf32>,
      %max3A_205 = arith.maximumf %get3A_201, %get3A_204 : vector<16xf32>
      %swap3A_206 = arith.index_cast %add3A_199 : i32 to index
      %swap3A_207 = tpu.vector_load %arg12[%swap3A_206] {strides = array<i32>} : memref<17408xf32, #tpu.memory_space<vmem>>, vector<16xf32>,
      tpu.vector_store %arg12[%swap3A_206], %max3A_205 {strides = array<i32>} : memref<17408xf32, #tpu.memory_space<vmem>>, vector<16xf32>,
      %eq3A_208 = arith.constant 3 : i32
      %eq3A_209 = vector.broadcast %eq3A_208 : i32 to vector<16xi32>
      %eq3A_210 = arith.cmpi eq, %iota3A, %eq3A_209 : vector<16xi32>
      %jit3A_211 = arith.constant 0 : i32
      %broadcast_in_dim3A_212 = vector.broadcast %jit3A_211 : i32 to vector<16xi32>
      %select_n3A_213 = arith.select %eq3A_210, %get3A_27, %broadcast_in_dim3A_212 : vector<16xi1>, vector<16xi32>
      %reduce_sum3A_214 = arith.constant true
      %reduce_sum3A_215 = vector.broadcast %reduce_sum3A_214 : i1 to vector<16xi1>
      %reduce_sum3A_216 = tpu.scan <sum>, %select_n3A_213 masked %reduce_sum3A_215 : vector<16xi32>, vector<16xi1> -> vector<16xi32>
      %reduce_sum3A_217 = vector.extract %reduce_sum3A_216[15] : i32 from vector<16xi32>
      %mul3A_218 = arith.constant 16 : i32
      %mul3A_219 = arith.muli %scan3A_24, %mul3A_218 : i32
      %add3A_220 = arith.constant 3 : i32
      %add3A_221 = arith.addi %mul3A_219, %add3A_220 : i32
      %mul3A_222 = arith.constant 64 : i32
      %mul3A_223 = arith.muli %reduce_sum3A_217, %mul3A_222 : i32
      %add3A_224 = arith.constant 0 : i32
      %add3A_225 = arith.addi %mul3A_223, %add3A_224 : i32
      %get3A_226 = arith.index_cast %add3A_225 : i32 to index
      %get3A_227 = tpu.vector_load %arg12[%get3A_226] {strides = array<i32>} : memref<17408xf32, #tpu.memory_space<vmem>>, vector<16xf32>,
      %get3A_228 = arith.index_cast %add3A_221 : i32 to index
      %get3A_229 = arith.constant 0 : index
      %get3A_230 = tpu.vector_load %arg10[%get3A_228, %get3A_229] {strides = array<i32>} : memref<320x64xf32, #tpu.memory_space<vmem>>, vector<16xf32>,
      %max3A_231 = arith.maximumf %get3A_227, %get3A_230 : vector<16xf32>
      %swap3A_232 = arith.index_cast %add3A_225 : i32 to index
      %swap3A_233 = tpu.vector_load %arg12[%swap3A_232] {strides = array<i32>} : memref<17408xf32, #tpu.memory_space<vmem>>, vector<16xf32>,
      tpu.vector_store %arg12[%swap3A_232], %max3A_231 {strides = array<i32>} : memref<17408xf32, #tpu.memory_space<vmem>>, vector<16xf32>,
      %mul3A_234 = arith.constant 64 : i32
      %mul3A_235 = arith.muli %reduce_sum3A_217, %mul3A_234 : i32
      %add3A_236 = arith.constant 16 : i32
      %add3A_237 = arith.addi %mul3A_235, %add3A_236 : i32
      %get3A_238 = arith.index_cast %add3A_237 : i32 to index
      %get3A_239 = tpu.vector_load %arg12[%get3A_238] {strides = array<i32>} : memref<17408xf32, #tpu.memory_space<vmem>>, vector<16xf32>,
      %get3A_240 = arith.index_cast %add3A_221 : i32 to index
      %get3A_241 = arith.constant 16 : index
      %get3A_242 = tpu.vector_load %arg10[%get3A_240, %get3A_241] {strides = array<i32>} : memref<320x64xf32, #tpu.memory_space<vmem>>, vector<16xf32>,
      %max3A_243 = arith.maximumf %get3A_239, %get3A_242 : vector<16xf32>
      %swap3A_244 = arith.index_cast %add3A_237 : i32 to index
      %swap3A_245 = tpu.vector_load %arg12[%swap3A_244] {strides = array<i32>} : memref<17408xf32, #tpu.memory_space<vmem>>, vector<16xf32>,
      tpu.vector_store %arg12[%swap3A_244], %max3A_243 {strides = array<i32>} : memref<17408xf32, #tpu.memory_space<vmem>>, vector<16xf32>,
      %mul3A_246 = arith.constant 64 : i32
      %mul3A_247 = arith.muli %reduce_sum3A_217, %mul3A_246 : i32
      %add3A_248 = arith.constant 32 : i32
      %add3A_249 = arith.addi %mul3A_247, %add3A_248 : i32
      %get3A_250 = arith.index_cast %add3A_249 : i32 to index
      %get3A_251 = tpu.vector_load %arg12[%get3A_250] {strides = array<i32>} : memref<17408xf32, #tpu.memory_space<vmem>>, vector<16xf32>,
      %get3A_252 = arith.index_cast %add3A_221 : i32 to index
      %get3A_253 = arith.constant 32 : index
      %get3A_254 = tpu.vector_load %arg10[%get3A_252, %get3A_253] {strides = array<i32>} : memref<320x64xf32, #tpu.memory_space<vmem>>, vector<16xf32>,
      %max3A_255 = arith.maximumf %get3A_251, %get3A_254 : vector<16xf32>
      %swap3A_256 = arith.index_cast %add3A_249 : i32 to index
      %swap3A_257 = tpu.vector_load %arg12[%swap3A_256] {strides = array<i32>} : memref<17408xf32, #tpu.memory_space<vmem>>, vector<16xf32>,
      tpu.vector_store %arg12[%swap3A_256], %max3A_255 {strides = array<i32>} : memref<17408xf32, #tpu.memory_space<vmem>>, vector<16xf32>,
      %mul3A_258 = arith.constant 64 : i32
      %mul3A_259 = arith.muli %reduce_sum3A_217, %mul3A_258 : i32
      %add3A_260 = arith.constant 48 : i32
      %add3A_261 = arith.addi %mul3A_259, %add3A_260 : i32
      %get3A_262 = arith.index_cast %add3A_261 : i32 to index
      %get3A_263 = tpu.vector_load %arg12[%get3A_262] {strides = array<i32>} : memref<17408xf32, #tpu.memory_space<vmem>>, vector<16xf32>,
      %get3A_264 = arith.index_cast %add3A_221 : i32 to index
      %get3A_265 = arith.constant 48 : index
      %get3A_266 = tpu.vector_load %arg10[%get3A_264, %get3A_265] {strides = array<i32>} : memref<320x64xf32, #tpu.memory_space<vmem>>, vector<16xf32>,
      %max3A_267 = arith.maximumf %get3A_263, %get3A_266 : vector<16xf32>
      %swap3A_268 = arith.index_cast %add3A_261 : i32 to index
      %swap3A_269 = tpu.vector_load %arg12[%swap3A_268] {strides = array<i32>} : memref<17408xf32, #tpu.memory_space<vmem>>, vector<16xf32>,
      tpu.vector_store %arg12[%swap3A_268], %max3A_267 {strides = array<i32>} : memref<17408xf32, #tpu.memory_space<vmem>>, vector<16xf32>,
      %eq3A_270 = arith.constant 4 : i32
      %eq3A_271 = vector.broadcast %eq3A_270 : i32 to vector<16xi32>
      %eq3A_272 = arith.cmpi eq, %iota3A, %eq3A_271 : vector<16xi32>
      %jit3A_273 = arith.constant 0 : i32
      %broadcast_in_dim3A_274 = vector.broadcast %jit3A_273 : i32 to vector<16xi32>
      %select_n3A_275 = arith.select %eq3A_272, %get3A_27, %broadcast_in_dim3A_274 : vector<16xi1>, vector<16xi32>
      %reduce_sum3A_276 = arith.constant true
      %reduce_sum3A_277 = vector.broadcast %reduce_sum3A_276 : i1 to vector<16xi1>
      %reduce_sum3A_278 = tpu.scan <sum>, %select_n3A_275 masked %reduce_sum3A_277 : vector<16xi32>, vector<16xi1> -> vector<16xi32>
      %reduce_sum3A_279 = vector.extract %reduce_sum3A_278[15] : i32 from vector<16xi32>
      %mul3A_280 = arith.constant 16 : i32
      %mul3A_281 = arith.muli %scan3A_24, %mul3A_280 : i32
      %add3A_282 = arith.constant 4 : i32
      %add3A_283 = arith.addi %mul3A_281, %add3A_282 : i32
      %mul3A_284 = arith.constant 64 : i32
      %mul3A_285 = arith.muli %reduce_sum3A_279, %mul3A_284 : i32
      %add3A_286 = arith.constant 0 : i32
      %add3A_287 = arith.addi %mul3A_285, %add3A_286 : i32
      %get3A_288 = arith.index_cast %add3A_287 : i32 to index
      %get3A_289 = tpu.vector_load %arg12[%get3A_288] {strides = array<i32>} : memref<17408xf32, #tpu.memory_space<vmem>>, vector<16xf32>,
      %get3A_290 = arith.index_cast %add3A_283 : i32 to index
      %get3A_291 = arith.constant 0 : index
      %get3A_292 = tpu.vector_load %arg10[%get3A_290, %get3A_291] {strides = array<i32>} : memref<320x64xf32, #tpu.memory_space<vmem>>, vector<16xf32>,
      %max3A_293 = arith.maximumf %get3A_289, %get3A_292 : vector<16xf32>
      %swap3A_294 = arith.index_cast %add3A_287 : i32 to index
      %swap3A_295 = tpu.vector_load %arg12[%swap3A_294] {strides = array<i32>} : memref<17408xf32, #tpu.memory_space<vmem>>, vector<16xf32>,
      tpu.vector_store %arg12[%swap3A_294], %max3A_293 {strides = array<i32>} : memref<17408xf32, #tpu.memory_space<vmem>>, vector<16xf32>,
      %mul3A_296 = arith.constant 64 : i32
      %mul3A_297 = arith.muli %reduce_sum3A_279, %mul3A_296 : i32
      %add3A_298 = arith.constant 16 : i32
      %add3A_299 = arith.addi %mul3A_297, %add3A_298 : i32
      %get3A_300 = arith.index_cast %add3A_299 : i32 to index
      %get3A_301 = tpu.vector_load %arg12[%get3A_300] {strides = array<i32>} : memref<17408xf32, #tpu.memory_space<vmem>>, vector<16xf32>,
      %get3A_302 = arith.index_cast %add3A_283 : i32 to index
      %get3A_303 = arith.constant 16 : index
      %get3A_304 = tpu.vector_load %arg10[%get3A_302, %get3A_303] {strides = array<i32>} : memref<320x64xf32, #tpu.memory_space<vmem>>, vector<16xf32>,
      %max3A_305 = arith.maximumf %get3A_301, %get3A_304 : vector<16xf32>
      %swap3A_306 = arith.index_cast %add3A_299 : i32 to index
      %swap3A_307 = tpu.vector_load %arg12[%swap3A_306] {strides = array<i32>} : memref<17408xf32, #tpu.memory_space<vmem>>, vector<16xf32>,
      tpu.vector_store %arg12[%swap3A_306], %max3A_305 {strides = array<i32>} : memref<17408xf32, #tpu.memory_space<vmem>>, vector<16xf32>,
      %mul3A_308 = arith.constant 64 : i32
      %mul3A_309 = arith.muli %reduce_sum3A_279, %mul3A_308 : i32
      %add3A_310 = arith.constant 32 : i32
      %add3A_311 = arith.addi %mul3A_309, %add3A_310 : i32
      %get3A_312 = arith.index_cast %add3A_311 : i32 to index
      %get3A_313 = tpu.vector_load %arg12[%get3A_312] {strides = array<i32>} : memref<17408xf32, #tpu.memory_space<vmem>>, vector<16xf32>,
      %get3A_314 = arith.index_cast %add3A_283 : i32 to index
      %get3A_315 = arith.constant 32 : index
      %get3A_316 = tpu.vector_load %arg10[%get3A_314, %get3A_315] {strides = array<i32>} : memref<320x64xf32, #tpu.memory_space<vmem>>, vector<16xf32>,
      %max3A_317 = arith.maximumf %get3A_313, %get3A_316 : vector<16xf32>
      %swap3A_318 = arith.index_cast %add3A_311 : i32 to index
      %swap3A_319 = tpu.vector_load %arg12[%swap3A_318] {strides = array<i32>} : memref<17408xf32, #tpu.memory_space<vmem>>, vector<16xf32>,
      tpu.vector_store %arg12[%swap3A_318], %max3A_317 {strides = array<i32>} : memref<17408xf32, #tpu.memory_space<vmem>>, vector<16xf32>,
      %mul3A_320 = arith.constant 64 : i32
      %mul3A_321 = arith.muli %reduce_sum3A_279, %mul3A_320 : i32
      %add3A_322 = arith.constant 48 : i32
      %add3A_323 = arith.addi %mul3A_321, %add3A_322 : i32
      %get3A_324 = arith.index_cast %add3A_323 : i32 to index
      %get3A_325 = tpu.vector_load %arg12[%get3A_324] {strides = array<i32>} : memref<17408xf32, #tpu.memory_space<vmem>>, vector<16xf32>,
      %get3A_326 = arith.index_cast %add3A_283 : i32 to index
      %get3A_327 = arith.constant 48 : index
      %get3A_328 = tpu.vector_load %arg10[%get3A_326, %get3A_327] {strides = array<i32>} : memref<320x64xf32, #tpu.memory_space<vmem>>, vector<16xf32>,
      %max3A_329 = arith.maximumf %get3A_325, %get3A_328 : vector<16xf32>
      %swap3A_330 = arith.index_cast %add3A_323 : i32 to index
      %swap3A_331 = tpu.vector_load %arg12[%swap3A_330] {strides = array<i32>} : memref<17408xf32, #tpu.memory_space<vmem>>, vector<16xf32>,
      tpu.vector_store %arg12[%swap3A_330], %max3A_329 {strides = array<i32>} : memref<17408xf32, #tpu.memory_space<vmem>>, vector<16xf32>,
      %eq3A_332 = arith.constant 5 : i32
      %eq3A_333 = vector.broadcast %eq3A_332 : i32 to vector<16xi32>
      %eq3A_334 = arith.cmpi eq, %iota3A, %eq3A_333 : vector<16xi32>
      %jit3A_335 = arith.constant 0 : i32
      %broadcast_in_dim3A_336 = vector.broadcast %jit3A_335 : i32 to vector<16xi32>
      %select_n3A_337 = arith.select %eq3A_334, %get3A_27, %broadcast_in_dim3A_336 : vector<16xi1>, vector<16xi32>
      %reduce_sum3A_338 = arith.constant true
      %reduce_sum3A_339 = vector.broadcast %reduce_sum3A_338 : i1 to vector<16xi1>
      %reduce_sum3A_340 = tpu.scan <sum>, %select_n3A_337 masked %reduce_sum3A_339 : vector<16xi32>, vector<16xi1> -> vector<16xi32>
      %reduce_sum3A_341 = vector.extract %reduce_sum3A_340[15] : i32 from vector<16xi32>
      %mul3A_342 = arith.constant 16 : i32
      %mul3A_343 = arith.muli %scan3A_24, %mul3A_342 : i32
      %add3A_344 = arith.constant 5 : i32
      %add3A_345 = arith.addi %mul3A_343, %add3A_344 : i32
      %mul3A_346 = arith.constant 64 : i32
      %mul3A_347 = arith.muli %reduce_sum3A_341, %mul3A_346 : i32
      %add3A_348 = arith.constant 0 : i32
      %add3A_349 = arith.addi %mul3A_347, %add3A_348 : i32
      %get3A_350 = arith.index_cast %add3A_349 : i32 to index
      %get3A_351 = tpu.vector_load %arg12[%get3A_350] {strides = array<i32>} : memref<17408xf32, #tpu.memory_space<vmem>>, vector<16xf32>,
      %get3A_352 = arith.index_cast %add3A_345 : i32 to index
      %get3A_353 = arith.constant 0 : index
      %get3A_354 = tpu.vector_load %arg10[%get3A_352, %get3A_353] {strides = array<i32>} : memref<320x64xf32, #tpu.memory_space<vmem>>, vector<16xf32>,
      %max3A_355 = arith.maximumf %get3A_351, %get3A_354 : vector<16xf32>
      %swap3A_356 = arith.index_cast %add3A_349 : i32 to index
      %swap3A_357 = tpu.vector_load %arg12[%swap3A_356] {strides = array<i32>} : memref<17408xf32, #tpu.memory_space<vmem>>, vector<16xf32>,
      tpu.vector_store %arg12[%swap3A_356], %max3A_355 {strides = array<i32>} : memref<17408xf32, #tpu.memory_space<vmem>>, vector<16xf32>,
      %mul3A_358 = arith.constant 64 : i32
      %mul3A_359 = arith.muli %reduce_sum3A_341, %mul3A_358 : i32
      %add3A_360 = arith.constant 16 : i32
      %add3A_361 = arith.addi %mul3A_359, %add3A_360 : i32
      %get3A_362 = arith.index_cast %add3A_361 : i32 to index
      %get3A_363 = tpu.vector_load %arg12[%get3A_362] {strides = array<i32>} : memref<17408xf32, #tpu.memory_space<vmem>>, vector<16xf32>,
      %get3A_364 = arith.index_cast %add3A_345 : i32 to index
      %get3A_365 = arith.constant 16 : index
      %get3A_366 = tpu.vector_load %arg10[%get3A_364, %get3A_365] {strides = array<i32>} : memref<320x64xf32, #tpu.memory_space<vmem>>, vector<16xf32>,
      %max3A_367 = arith.maximumf %get3A_363, %get3A_366 : vector<16xf32>
      %swap3A_368 = arith.index_cast %add3A_361 : i32 to index
      %swap3A_369 = tpu.vector_load %arg12[%swap3A_368] {strides = array<i32>} : memref<17408xf32, #tpu.memory_space<vmem>>, vector<16xf32>,
      tpu.vector_store %arg12[%swap3A_368], %max3A_367 {strides = array<i32>} : memref<17408xf32, #tpu.memory_space<vmem>>, vector<16xf32>,
      %mul3A_370 = arith.constant 64 : i32
      %mul3A_371 = arith.muli %reduce_sum3A_341, %mul3A_370 : i32
      %add3A_372 = arith.constant 32 : i32
      %add3A_373 = arith.addi %mul3A_371, %add3A_372 : i32
      %get3A_374 = arith.index_cast %add3A_373 : i32 to index
      %get3A_375 = tpu.vector_load %arg12[%get3A_374] {strides = array<i32>} : memref<17408xf32, #tpu.memory_space<vmem>>, vector<16xf32>,
      %get3A_376 = arith.index_cast %add3A_345 : i32 to index
      %get3A_377 = arith.constant 32 : index
      %get3A_378 = tpu.vector_load %arg10[%get3A_376, %get3A_377] {strides = array<i32>} : memref<320x64xf32, #tpu.memory_space<vmem>>, vector<16xf32>,
      %max3A_379 = arith.maximumf %get3A_375, %get3A_378 : vector<16xf32>
      %swap3A_380 = arith.index_cast %add3A_373 : i32 to index
      %swap3A_381 = tpu.vector_load %arg12[%swap3A_380] {strides = array<i32>} : memref<17408xf32, #tpu.memory_space<vmem>>, vector<16xf32>,
      tpu.vector_store %arg12[%swap3A_380], %max3A_379 {strides = array<i32>} : memref<17408xf32, #tpu.memory_space<vmem>>, vector<16xf32>,
      %mul3A_382 = arith.constant 64 : i32
      %mul3A_383 = arith.muli %reduce_sum3A_341, %mul3A_382 : i32
      %add3A_384 = arith.constant 48 : i32
      %add3A_385 = arith.addi %mul3A_383, %add3A_384 : i32
      %get3A_386 = arith.index_cast %add3A_385 : i32 to index
      %get3A_387 = tpu.vector_load %arg12[%get3A_386] {strides = array<i32>} : memref<17408xf32, #tpu.memory_space<vmem>>, vector<16xf32>,
      %get3A_388 = arith.index_cast %add3A_345 : i32 to index
      %get3A_389 = arith.constant 48 : index
      %get3A_390 = tpu.vector_load %arg10[%get3A_388, %get3A_389] {strides = array<i32>} : memref<320x64xf32, #tpu.memory_space<vmem>>, vector<16xf32>,
      %max3A_391 = arith.maximumf %get3A_387, %get3A_390 : vector<16xf32>
      %swap3A_392 = arith.index_cast %add3A_385 : i32 to index
      %swap3A_393 = tpu.vector_load %arg12[%swap3A_392] {strides = array<i32>} : memref<17408xf32, #tpu.memory_space<vmem>>, vector<16xf32>,
      tpu.vector_store %arg12[%swap3A_392], %max3A_391 {strides = array<i32>} : memref<17408xf32, #tpu.memory_space<vmem>>, vector<16xf32>,
      %eq3A_394 = arith.constant 6 : i32
      %eq3A_395 = vector.broadcast %eq3A_394 : i32 to vector<16xi32>
      %eq3A_396 = arith.cmpi eq, %iota3A, %eq3A_395 : vector<16xi32>
      %jit3A_397 = arith.constant 0 : i32
      %broadcast_in_dim3A_398 = vector.broadcast %jit3A_397 : i32 to vector<16xi32>
      %select_n3A_399 = arith.select %eq3A_396, %get3A_27, %broadcast_in_dim3A_398 : vector<16xi1>, vector<16xi32>
      %reduce_sum3A_400 = arith.constant true
      %reduce_sum3A_401 = vector.broadcast %reduce_sum3A_400 : i1 to vector<16xi1>
      %reduce_sum3A_402 = tpu.scan <sum>, %select_n3A_399 masked %reduce_sum3A_401 : vector<16xi32>, vector<16xi1> -> vector<16xi32>
      %reduce_sum3A_403 = vector.extract %reduce_sum3A_402[15] : i32 from vector<16xi32>
      %mul3A_404 = arith.constant 16 : i32
      %mul3A_405 = arith.muli %scan3A_24, %mul3A_404 : i32
      %add3A_406 = arith.constant 6 : i32
      %add3A_407 = arith.addi %mul3A_405, %add3A_406 : i32
      %mul3A_408 = arith.constant 64 : i32
      %mul3A_409 = arith.muli %reduce_sum3A_403, %mul3A_408 : i32
      %add3A_410 = arith.constant 0 : i32
      %add3A_411 = arith.addi %mul3A_409, %add3A_410 : i32
      %get3A_412 = arith.index_cast %add3A_411 : i32 to index
      %get3A_413 = tpu.vector_load %arg12[%get3A_412] {strides = array<i32>} : memref<17408xf32, #tpu.memory_space<vmem>>, vector<16xf32>,
      %get3A_414 = arith.index_cast %add3A_407 : i32 to index
      %get3A_415 = arith.constant 0 : index
      %get3A_416 = tpu.vector_load %arg10[%get3A_414, %get3A_415] {strides = array<i32>} : memref<320x64xf32, #tpu.memory_space<vmem>>, vector<16xf32>,
      %max3A_417 = arith.maximumf %get3A_413, %get3A_416 : vector<16xf32>
      %swap3A_418 = arith.index_cast %add3A_411 : i32 to index
      %swap3A_419 = tpu.vector_load %arg12[%swap3A_418] {strides = array<i32>} : memref<17408xf32, #tpu.memory_space<vmem>>, vector<16xf32>,
      tpu.vector_store %arg12[%swap3A_418], %max3A_417 {strides = array<i32>} : memref<17408xf32, #tpu.memory_space<vmem>>, vector<16xf32>,
      %mul3A_420 = arith.constant 64 : i32
      %mul3A_421 = arith.muli %reduce_sum3A_403, %mul3A_420 : i32
      %add3A_422 = arith.constant 16 : i32
      %add3A_423 = arith.addi %mul3A_421, %add3A_422 : i32
      %get3A_424 = arith.index_cast %add3A_423 : i32 to index
      %get3A_425 = tpu.vector_load %arg12[%get3A_424] {strides = array<i32>} : memref<17408xf32, #tpu.memory_space<vmem>>, vector<16xf32>,
      %get3A_426 = arith.index_cast %add3A_407 : i32 to index
      %get3A_427 = arith.constant 16 : index
      %get3A_428 = tpu.vector_load %arg10[%get3A_426, %get3A_427] {strides = array<i32>} : memref<320x64xf32, #tpu.memory_space<vmem>>, vector<16xf32>,
      %max3A_429 = arith.maximumf %get3A_425, %get3A_428 : vector<16xf32>
      %swap3A_430 = arith.index_cast %add3A_423 : i32 to index
      %swap3A_431 = tpu.vector_load %arg12[%swap3A_430] {strides = array<i32>} : memref<17408xf32, #tpu.memory_space<vmem>>, vector<16xf32>,
      tpu.vector_store %arg12[%swap3A_430], %max3A_429 {strides = array<i32>} : memref<17408xf32, #tpu.memory_space<vmem>>, vector<16xf32>,
      %mul3A_432 = arith.constant 64 : i32
      %mul3A_433 = arith.muli %reduce_sum3A_403, %mul3A_432 : i32
      %add3A_434 = arith.constant 32 : i32
      %add3A_435 = arith.addi %mul3A_433, %add3A_434 : i32
      %get3A_436 = arith.index_cast %add3A_435 : i32 to index
      %get3A_437 = tpu.vector_load %arg12[%get3A_436] {strides = array<i32>} : memref<17408xf32, #tpu.memory_space<vmem>>, vector<16xf32>,
      %get3A_438 = arith.index_cast %add3A_407 : i32 to index
      %get3A_439 = arith.constant 32 : index
      %get3A_440 = tpu.vector_load %arg10[%get3A_438, %get3A_439] {strides = array<i32>} : memref<320x64xf32, #tpu.memory_space<vmem>>, vector<16xf32>,
      %max3A_441 = arith.maximumf %get3A_437, %get3A_440 : vector<16xf32>
      %swap3A_442 = arith.index_cast %add3A_435 : i32 to index
      %swap3A_443 = tpu.vector_load %arg12[%swap3A_442] {strides = array<i32>} : memref<17408xf32, #tpu.memory_space<vmem>>, vector<16xf32>,
      tpu.vector_store %arg12[%swap3A_442], %max3A_441 {strides = array<i32>} : memref<17408xf32, #tpu.memory_space<vmem>>, vector<16xf32>,
      %mul3A_444 = arith.constant 64 : i32
      %mul3A_445 = arith.muli %reduce_sum3A_403, %mul3A_444 : i32
      %add3A_446 = arith.constant 48 : i32
      %add3A_447 = arith.addi %mul3A_445, %add3A_446 : i32
      %get3A_448 = arith.index_cast %add3A_447 : i32 to index
      %get3A_449 = tpu.vector_load %arg12[%get3A_448] {strides = array<i32>} : memref<17408xf32, #tpu.memory_space<vmem>>, vector<16xf32>,
      %get3A_450 = arith.index_cast %add3A_407 : i32 to index
      %get3A_451 = arith.constant 48 : index
      %get3A_452 = tpu.vector_load %arg10[%get3A_450, %get3A_451] {strides = array<i32>} : memref<320x64xf32, #tpu.memory_space<vmem>>, vector<16xf32>,
      %max3A_453 = arith.maximumf %get3A_449, %get3A_452 : vector<16xf32>
      %swap3A_454 = arith.index_cast %add3A_447 : i32 to index
      %swap3A_455 = tpu.vector_load %arg12[%swap3A_454] {strides = array<i32>} : memref<17408xf32, #tpu.memory_space<vmem>>, vector<16xf32>,
      tpu.vector_store %arg12[%swap3A_454], %max3A_453 {strides = array<i32>} : memref<17408xf32, #tpu.memory_space<vmem>>, vector<16xf32>,
      %eq3A_456 = arith.constant 7 : i32
      %eq3A_457 = vector.broadcast %eq3A_456 : i32 to vector<16xi32>
      %eq3A_458 = arith.cmpi eq, %iota3A, %eq3A_457 : vector<16xi32>
      %jit3A_459 = arith.constant 0 : i32
      %broadcast_in_dim3A_460 = vector.broadcast %jit3A_459 : i32 to vector<16xi32>
      %select_n3A_461 = arith.select %eq3A_458, %get3A_27, %broadcast_in_dim3A_460 : vector<16xi1>, vector<16xi32>
      %reduce_sum3A_462 = arith.constant true
      %reduce_sum3A_463 = vector.broadcast %reduce_sum3A_462 : i1 to vector<16xi1>
      %reduce_sum3A_464 = tpu.scan <sum>, %select_n3A_461 masked %reduce_sum3A_463 : vector<16xi32>, vector<16xi1> -> vector<16xi32>
      %reduce_sum3A_465 = vector.extract %reduce_sum3A_464[15] : i32 from vector<16xi32>
      %mul3A_466 = arith.constant 16 : i32
      %mul3A_467 = arith.muli %scan3A_24, %mul3A_466 : i32
      %add3A_468 = arith.constant 7 : i32
      %add3A_469 = arith.addi %mul3A_467, %add3A_468 : i32
      %mul3A_470 = arith.constant 64 : i32
      %mul3A_471 = arith.muli %reduce_sum3A_465, %mul3A_470 : i32
      %add3A_472 = arith.constant 0 : i32
      %add3A_473 = arith.addi %mul3A_471, %add3A_472 : i32
      %get3A_474 = arith.index_cast %add3A_473 : i32 to index
      %get3A_475 = tpu.vector_load %arg12[%get3A_474] {strides = array<i32>} : memref<17408xf32, #tpu.memory_space<vmem>>, vector<16xf32>,
      %get3A_476 = arith.index_cast %add3A_469 : i32 to index
      %get3A_477 = arith.constant 0 : index
      %get3A_478 = tpu.vector_load %arg10[%get3A_476, %get3A_477] {strides = array<i32>} : memref<320x64xf32, #tpu.memory_space<vmem>>, vector<16xf32>,
      %max3A_479 = arith.maximumf %get3A_475, %get3A_478 : vector<16xf32>
      %swap3A_480 = arith.index_cast %add3A_473 : i32 to index
      %swap3A_481 = tpu.vector_load %arg12[%swap3A_480] {strides = array<i32>} : memref<17408xf32, #tpu.memory_space<vmem>>, vector<16xf32>,
      tpu.vector_store %arg12[%swap3A_480], %max3A_479 {strides = array<i32>} : memref<17408xf32, #tpu.memory_space<vmem>>, vector<16xf32>,
      %mul3A_482 = arith.constant 64 : i32
      %mul3A_483 = arith.muli %reduce_sum3A_465, %mul3A_482 : i32
      %add3A_484 = arith.constant 16 : i32
      %add3A_485 = arith.addi %mul3A_483, %add3A_484 : i32
      %get3A_486 = arith.index_cast %add3A_485 : i32 to index
      %get3A_487 = tpu.vector_load %arg12[%get3A_486] {strides = array<i32>} : memref<17408xf32, #tpu.memory_space<vmem>>, vector<16xf32>,
      %get3A_488 = arith.index_cast %add3A_469 : i32 to index
      %get3A_489 = arith.constant 16 : index
      %get3A_490 = tpu.vector_load %arg10[%get3A_488, %get3A_489] {strides = array<i32>} : memref<320x64xf32, #tpu.memory_space<vmem>>, vector<16xf32>,
      %max3A_491 = arith.maximumf %get3A_487, %get3A_490 : vector<16xf32>
      %swap3A_492 = arith.index_cast %add3A_485 : i32 to index
      %swap3A_493 = tpu.vector_load %arg12[%swap3A_492] {strides = array<i32>} : memref<17408xf32, #tpu.memory_space<vmem>>, vector<16xf32>,
      tpu.vector_store %arg12[%swap3A_492], %max3A_491 {strides = array<i32>} : memref<17408xf32, #tpu.memory_space<vmem>>, vector<16xf32>,
      %mul3A_494 = arith.constant 64 : i32
      %mul3A_495 = arith.muli %reduce_sum3A_465, %mul3A_494 : i32
      %add3A_496 = arith.constant 32 : i32
      %add3A_497 = arith.addi %mul3A_495, %add3A_496 : i32
      %get3A_498 = arith.index_cast %add3A_497 : i32 to index
      %get3A_499 = tpu.vector_load %arg12[%get3A_498] {strides = array<i32>} : memref<17408xf32, #tpu.memory_space<vmem>>, vector<16xf32>,
      %get3A_500 = arith.index_cast %add3A_469 : i32 to index
      %get3A_501 = arith.constant 32 : index
      %get3A_502 = tpu.vector_load %arg10[%get3A_500, %get3A_501] {strides = array<i32>} : memref<320x64xf32, #tpu.memory_space<vmem>>, vector<16xf32>,
      %max3A_503 = arith.maximumf %get3A_499, %get3A_502 : vector<16xf32>
      %swap3A_504 = arith.index_cast %add3A_497 : i32 to index
      %swap3A_505 = tpu.vector_load %arg12[%swap3A_504] {strides = array<i32>} : memref<17408xf32, #tpu.memory_space<vmem>>, vector<16xf32>,
      tpu.vector_store %arg12[%swap3A_504], %max3A_503 {strides = array<i32>} : memref<17408xf32, #tpu.memory_space<vmem>>, vector<16xf32>,
      %mul3A_506 = arith.constant 64 : i32
      %mul3A_507 = arith.muli %reduce_sum3A_465, %mul3A_506 : i32
      %add3A_508 = arith.constant 48 : i32
      %add3A_509 = arith.addi %mul3A_507, %add3A_508 : i32
      %get3A_510 = arith.index_cast %add3A_509 : i32 to index
      %get3A_511 = tpu.vector_load %arg12[%get3A_510] {strides = array<i32>} : memref<17408xf32, #tpu.memory_space<vmem>>, vector<16xf32>,
      %get3A_512 = arith.index_cast %add3A_469 : i32 to index
      %get3A_513 = arith.constant 48 : index
      %get3A_514 = tpu.vector_load %arg10[%get3A_512, %get3A_513] {strides = array<i32>} : memref<320x64xf32, #tpu.memory_space<vmem>>, vector<16xf32>,
      %max3A_515 = arith.maximumf %get3A_511, %get3A_514 : vector<16xf32>
      %swap3A_516 = arith.index_cast %add3A_509 : i32 to index
      %swap3A_517 = tpu.vector_load %arg12[%swap3A_516] {strides = array<i32>} : memref<17408xf32, #tpu.memory_space<vmem>>, vector<16xf32>,
      tpu.vector_store %arg12[%swap3A_516], %max3A_515 {strides = array<i32>} : memref<17408xf32, #tpu.memory_space<vmem>>, vector<16xf32>,
      %eq3A_518 = arith.constant 8 : i32
      %eq3A_519 = vector.broadcast %eq3A_518 : i32 to vector<16xi32>
      %eq3A_520 = arith.cmpi eq, %iota3A, %eq3A_519 : vector<16xi32>
      %jit3A_521 = arith.constant 0 : i32
      %broadcast_in_dim3A_522 = vector.broadcast %jit3A_521 : i32 to vector<16xi32>
      %select_n3A_523 = arith.select %eq3A_520, %get3A_27, %broadcast_in_dim3A_522 : vector<16xi1>, vector<16xi32>
      %reduce_sum3A_524 = arith.constant true
      %reduce_sum3A_525 = vector.broadcast %reduce_sum3A_524 : i1 to vector<16xi1>
      %reduce_sum3A_526 = tpu.scan <sum>, %select_n3A_523 masked %reduce_sum3A_525 : vector<16xi32>, vector<16xi1> -> vector<16xi32>
      %reduce_sum3A_527 = vector.extract %reduce_sum3A_526[15] : i32 from vector<16xi32>
      %mul3A_528 = arith.constant 16 : i32
      %mul3A_529 = arith.muli %scan3A_24, %mul3A_528 : i32
      %add3A_530 = arith.constant 8 : i32
      %add3A_531 = arith.addi %mul3A_529, %add3A_530 : i32
      %mul3A_532 = arith.constant 64 : i32
      %mul3A_533 = arith.muli %reduce_sum3A_527, %mul3A_532 : i32
      %add3A_534 = arith.constant 0 : i32
      %add3A_535 = arith.addi %mul3A_533, %add3A_534 : i32
      %get3A_536 = arith.index_cast %add3A_535 : i32 to index
      %get3A_537 = tpu.vector_load %arg12[%get3A_536] {strides = array<i32>} : memref<17408xf32, #tpu.memory_space<vmem>>, vector<16xf32>,
      %get3A_538 = arith.index_cast %add3A_531 : i32 to index
      %get3A_539 = arith.constant 0 : index
      %get3A_540 = tpu.vector_load %arg10[%get3A_538, %get3A_539] {strides = array<i32>} : memref<320x64xf32, #tpu.memory_space<vmem>>, vector<16xf32>,
      %max3A_541 = arith.maximumf %get3A_537, %get3A_540 : vector<16xf32>
      %swap3A_542 = arith.index_cast %add3A_535 : i32 to index
      %swap3A_543 = tpu.vector_load %arg12[%swap3A_542] {strides = array<i32>} : memref<17408xf32, #tpu.memory_space<vmem>>, vector<16xf32>,
      tpu.vector_store %arg12[%swap3A_542], %max3A_541 {strides = array<i32>} : memref<17408xf32, #tpu.memory_space<vmem>>, vector<16xf32>,
      %mul3A_544 = arith.constant 64 : i32
      %mul3A_545 = arith.muli %reduce_sum3A_527, %mul3A_544 : i32
      %add3A_546 = arith.constant 16 : i32
      %add3A_547 = arith.addi %mul3A_545, %add3A_546 : i32
      %get3A_548 = arith.index_cast %add3A_547 : i32 to index
      %get3A_549 = tpu.vector_load %arg12[%get3A_548] {strides = array<i32>} : memref<17408xf32, #tpu.memory_space<vmem>>, vector<16xf32>,
      %get3A_550 = arith.index_cast %add3A_531 : i32 to index
      %get3A_551 = arith.constant 16 : index
      %get3A_552 = tpu.vector_load %arg10[%get3A_550, %get3A_551] {strides = array<i32>} : memref<320x64xf32, #tpu.memory_space<vmem>>, vector<16xf32>,
      %max3A_553 = arith.maximumf %get3A_549, %get3A_552 : vector<16xf32>
      %swap3A_554 = arith.index_cast %add3A_547 : i32 to index
      %swap3A_555 = tpu.vector_load %arg12[%swap3A_554] {strides = array<i32>} : memref<17408xf32, #tpu.memory_space<vmem>>, vector<16xf32>,
      tpu.vector_store %arg12[%swap3A_554], %max3A_553 {strides = array<i32>} : memref<17408xf32, #tpu.memory_space<vmem>>, vector<16xf32>,
      %mul3A_556 = arith.constant 64 : i32
      %mul3A_557 = arith.muli %reduce_sum3A_527, %mul3A_556 : i32
      %add3A_558 = arith.constant 32 : i32
      %add3A_559 = arith.addi %mul3A_557, %add3A_558 : i32
      %get3A_560 = arith.index_cast %add3A_559 : i32 to index
      %get3A_561 = tpu.vector_load %arg12[%get3A_560] {strides = array<i32>} : memref<17408xf32, #tpu.memory_space<vmem>>, vector<16xf32>,
      %get3A_562 = arith.index_cast %add3A_531 : i32 to index
      %get3A_563 = arith.constant 32 : index
      %get3A_564 = tpu.vector_load %arg10[%get3A_562, %get3A_563] {strides = array<i32>} : memref<320x64xf32, #tpu.memory_space<vmem>>, vector<16xf32>,
      %max3A_565 = arith.maximumf %get3A_561, %get3A_564 : vector<16xf32>
      %swap3A_566 = arith.index_cast %add3A_559 : i32 to index
      %swap3A_567 = tpu.vector_load %arg12[%swap3A_566] {strides = array<i32>} : memref<17408xf32, #tpu.memory_space<vmem>>, vector<16xf32>,
      tpu.vector_store %arg12[%swap3A_566], %max3A_565 {strides = array<i32>} : memref<17408xf32, #tpu.memory_space<vmem>>, vector<16xf32>,
      %mul3A_568 = arith.constant 64 : i32
      %mul3A_569 = arith.muli %reduce_sum3A_527, %mul3A_568 : i32
      %add3A_570 = arith.constant 48 : i32
      %add3A_571 = arith.addi %mul3A_569, %add3A_570 : i32
      %get3A_572 = arith.index_cast %add3A_571 : i32 to index
      %get3A_573 = tpu.vector_load %arg12[%get3A_572] {strides = array<i32>} : memref<17408xf32, #tpu.memory_space<vmem>>, vector<16xf32>,
      %get3A_574 = arith.index_cast %add3A_531 : i32 to index
      %get3A_575 = arith.constant 48 : index
      %get3A_576 = tpu.vector_load %arg10[%get3A_574, %get3A_575] {strides = array<i32>} : memref<320x64xf32, #tpu.memory_space<vmem>>, vector<16xf32>,
      %max3A_577 = arith.maximumf %get3A_573, %get3A_576 : vector<16xf32>
      %swap3A_578 = arith.index_cast %add3A_571 : i32 to index
      %swap3A_579 = tpu.vector_load %arg12[%swap3A_578] {strides = array<i32>} : memref<17408xf32, #tpu.memory_space<vmem>>, vector<16xf32>,
      tpu.vector_store %arg12[%swap3A_578], %max3A_577 {strides = array<i32>} : memref<17408xf32, #tpu.memory_space<vmem>>, vector<16xf32>,
      %eq3A_580 = arith.constant 9 : i32
      %eq3A_581 = vector.broadcast %eq3A_580 : i32 to vector<16xi32>
      %eq3A_582 = arith.cmpi eq, %iota3A, %eq3A_581 : vector<16xi32>
      %jit3A_583 = arith.constant 0 : i32
      %broadcast_in_dim3A_584 = vector.broadcast %jit3A_583 : i32 to vector<16xi32>
      %select_n3A_585 = arith.select %eq3A_582, %get3A_27, %broadcast_in_dim3A_584 : vector<16xi1>, vector<16xi32>
      %reduce_sum3A_586 = arith.constant true
      %reduce_sum3A_587 = vector.broadcast %reduce_sum3A_586 : i1 to vector<16xi1>
      %reduce_sum3A_588 = tpu.scan <sum>, %select_n3A_585 masked %reduce_sum3A_587 : vector<16xi32>, vector<16xi1> -> vector<16xi32>
      %reduce_sum3A_589 = vector.extract %reduce_sum3A_588[15] : i32 from vector<16xi32>
      %mul3A_590 = arith.constant 16 : i32
      %mul3A_591 = arith.muli %scan3A_24, %mul3A_590 : i32
      %add3A_592 = arith.constant 9 : i32
      %add3A_593 = arith.addi %mul3A_591, %add3A_592 : i32
      %mul3A_594 = arith.constant 64 : i32
      %mul3A_595 = arith.muli %reduce_sum3A_589, %mul3A_594 : i32
      %add3A_596 = arith.constant 0 : i32
      %add3A_597 = arith.addi %mul3A_595, %add3A_596 : i32
      %get3A_598 = arith.index_cast %add3A_597 : i32 to index
      %get3A_599 = tpu.vector_load %arg12[%get3A_598] {strides = array<i32>} : memref<17408xf32, #tpu.memory_space<vmem>>, vector<16xf32>,
      %get3A_600 = arith.index_cast %add3A_593 : i32 to index
      %get3A_601 = arith.constant 0 : index
      %get3A_602 = tpu.vector_load %arg10[%get3A_600, %get3A_601] {strides = array<i32>} : memref<320x64xf32, #tpu.memory_space<vmem>>, vector<16xf32>,
      %max3A_603 = arith.maximumf %get3A_599, %get3A_602 : vector<16xf32>
      %swap3A_604 = arith.index_cast %add3A_597 : i32 to index
      %swap3A_605 = tpu.vector_load %arg12[%swap3A_604] {strides = array<i32>} : memref<17408xf32, #tpu.memory_space<vmem>>, vector<16xf32>,
      tpu.vector_store %arg12[%swap3A_604], %max3A_603 {strides = array<i32>} : memref<17408xf32, #tpu.memory_space<vmem>>, vector<16xf32>,
      %mul3A_606 = arith.constant 64 : i32
      %mul3A_607 = arith.muli %reduce_sum3A_589, %mul3A_606 : i32
      %add3A_608 = arith.constant 16 : i32
      %add3A_609 = arith.addi %mul3A_607, %add3A_608 : i32
      %get3A_610 = arith.index_cast %add3A_609 : i32 to index
      %get3A_611 = tpu.vector_load %arg12[%get3A_610] {strides = array<i32>} : memref<17408xf32, #tpu.memory_space<vmem>>, vector<16xf32>,
      %get3A_612 = arith.index_cast %add3A_593 : i32 to index
      %get3A_613 = arith.constant 16 : index
      %get3A_614 = tpu.vector_load %arg10[%get3A_612, %get3A_613] {strides = array<i32>} : memref<320x64xf32, #tpu.memory_space<vmem>>, vector<16xf32>,
      %max3A_615 = arith.maximumf %get3A_611, %get3A_614 : vector<16xf32>
      %swap3A_616 = arith.index_cast %add3A_609 : i32 to index
      %swap3A_617 = tpu.vector_load %arg12[%swap3A_616] {strides = array<i32>} : memref<17408xf32, #tpu.memory_space<vmem>>, vector<16xf32>,
      tpu.vector_store %arg12[%swap3A_616], %max3A_615 {strides = array<i32>} : memref<17408xf32, #tpu.memory_space<vmem>>, vector<16xf32>,
      %mul3A_618 = arith.constant 64 : i32
      %mul3A_619 = arith.muli %reduce_sum3A_589, %mul3A_618 : i32
      %add3A_620 = arith.constant 32 : i32
      %add3A_621 = arith.addi %mul3A_619, %add3A_620 : i32
      %get3A_622 = arith.index_cast %add3A_621 : i32 to index
      %get3A_623 = tpu.vector_load %arg12[%get3A_622] {strides = array<i32>} : memref<17408xf32, #tpu.memory_space<vmem>>, vector<16xf32>,
      %get3A_624 = arith.index_cast %add3A_593 : i32 to index
      %get3A_625 = arith.constant 32 : index
      %get3A_626 = tpu.vector_load %arg10[%get3A_624, %get3A_625] {strides = array<i32>} : memref<320x64xf32, #tpu.memory_space<vmem>>, vector<16xf32>,
      %max3A_627 = arith.maximumf %get3A_623, %get3A_626 : vector<16xf32>
      %swap3A_628 = arith.index_cast %add3A_621 : i32 to index
      %swap3A_629 = tpu.vector_load %arg12[%swap3A_628] {strides = array<i32>} : memref<17408xf32, #tpu.memory_space<vmem>>, vector<16xf32>,
      tpu.vector_store %arg12[%swap3A_628], %max3A_627 {strides = array<i32>} : memref<17408xf32, #tpu.memory_space<vmem>>, vector<16xf32>,
      %mul3A_630 = arith.constant 64 : i32
      %mul3A_631 = arith.muli %reduce_sum3A_589, %mul3A_630 : i32
      %add3A_632 = arith.constant 48 : i32
      %add3A_633 = arith.addi %mul3A_631, %add3A_632 : i32
      %get3A_634 = arith.index_cast %add3A_633 : i32 to index
      %get3A_635 = tpu.vector_load %arg12[%get3A_634] {strides = array<i32>} : memref<17408xf32, #tpu.memory_space<vmem>>, vector<16xf32>,
      %get3A_636 = arith.index_cast %add3A_593 : i32 to index
      %get3A_637 = arith.constant 48 : index
      %get3A_638 = tpu.vector_load %arg10[%get3A_636, %get3A_637] {strides = array<i32>} : memref<320x64xf32, #tpu.memory_space<vmem>>, vector<16xf32>,
      %max3A_639 = arith.maximumf %get3A_635, %get3A_638 : vector<16xf32>
      %swap3A_640 = arith.index_cast %add3A_633 : i32 to index
      %swap3A_641 = tpu.vector_load %arg12[%swap3A_640] {strides = array<i32>} : memref<17408xf32, #tpu.memory_space<vmem>>, vector<16xf32>,
      tpu.vector_store %arg12[%swap3A_640], %max3A_639 {strides = array<i32>} : memref<17408xf32, #tpu.memory_space<vmem>>, vector<16xf32>,
      %eq3A_642 = arith.constant 10 : i32
      %eq3A_643 = vector.broadcast %eq3A_642 : i32 to vector<16xi32>
      %eq3A_644 = arith.cmpi eq, %iota3A, %eq3A_643 : vector<16xi32>
      %jit3A_645 = arith.constant 0 : i32
      %broadcast_in_dim3A_646 = vector.broadcast %jit3A_645 : i32 to vector<16xi32>
      %select_n3A_647 = arith.select %eq3A_644, %get3A_27, %broadcast_in_dim3A_646 : vector<16xi1>, vector<16xi32>
      %reduce_sum3A_648 = arith.constant true
      %reduce_sum3A_649 = vector.broadcast %reduce_sum3A_648 : i1 to vector<16xi1>
      %reduce_sum3A_650 = tpu.scan <sum>, %select_n3A_647 masked %reduce_sum3A_649 : vector<16xi32>, vector<16xi1> -> vector<16xi32>
      %reduce_sum3A_651 = vector.extract %reduce_sum3A_650[15] : i32 from vector<16xi32>
      %mul3A_652 = arith.constant 16 : i32
      %mul3A_653 = arith.muli %scan3A_24, %mul3A_652 : i32
      %add3A_654 = arith.constant 10 : i32
      %add3A_655 = arith.addi %mul3A_653, %add3A_654 : i32
      %mul3A_656 = arith.constant 64 : i32
      %mul3A_657 = arith.muli %reduce_sum3A_651, %mul3A_656 : i32
      %add3A_658 = arith.constant 0 : i32
      %add3A_659 = arith.addi %mul3A_657, %add3A_658 : i32
      %get3A_660 = arith.index_cast %add3A_659 : i32 to index
      %get3A_661 = tpu.vector_load %arg12[%get3A_660] {strides = array<i32>} : memref<17408xf32, #tpu.memory_space<vmem>>, vector<16xf32>,
      %get3A_662 = arith.index_cast %add3A_655 : i32 to index
      %get3A_663 = arith.constant 0 : index
      %get3A_664 = tpu.vector_load %arg10[%get3A_662, %get3A_663] {strides = array<i32>} : memref<320x64xf32, #tpu.memory_space<vmem>>, vector<16xf32>,
      %max3A_665 = arith.maximumf %get3A_661, %get3A_664 : vector<16xf32>
      %swap3A_666 = arith.index_cast %add3A_659 : i32 to index
      %swap3A_667 = tpu.vector_load %arg12[%swap3A_666] {strides = array<i32>} : memref<17408xf32, #tpu.memory_space<vmem>>, vector<16xf32>,
      tpu.vector_store %arg12[%swap3A_666], %max3A_665 {strides = array<i32>} : memref<17408xf32, #tpu.memory_space<vmem>>, vector<16xf32>,
      %mul3A_668 = arith.constant 64 : i32
      %mul3A_669 = arith.muli %reduce_sum3A_651, %mul3A_668 : i32
      %add3A_670 = arith.constant 16 : i32
      %add3A_671 = arith.addi %mul3A_669, %add3A_670 : i32
      %get3A_672 = arith.index_cast %add3A_671 : i32 to index
      %get3A_673 = tpu.vector_load %arg12[%get3A_672] {strides = array<i32>} : memref<17408xf32, #tpu.memory_space<vmem>>, vector<16xf32>,
      %get3A_674 = arith.index_cast %add3A_655 : i32 to index
      %get3A_675 = arith.constant 16 : index
      %get3A_676 = tpu.vector_load %arg10[%get3A_674, %get3A_675] {strides = array<i32>} : memref<320x64xf32, #tpu.memory_space<vmem>>, vector<16xf32>,
      %max3A_677 = arith.maximumf %get3A_673, %get3A_676 : vector<16xf32>
      %swap3A_678 = arith.index_cast %add3A_671 : i32 to index
      %swap3A_679 = tpu.vector_load %arg12[%swap3A_678] {strides = array<i32>} : memref<17408xf32, #tpu.memory_space<vmem>>, vector<16xf32>,
      tpu.vector_store %arg12[%swap3A_678], %max3A_677 {strides = array<i32>} : memref<17408xf32, #tpu.memory_space<vmem>>, vector<16xf32>,
      %mul3A_680 = arith.constant 64 : i32
      %mul3A_681 = arith.muli %reduce_sum3A_651, %mul3A_680 : i32
      %add3A_682 = arith.constant 32 : i32
      %add3A_683 = arith.addi %mul3A_681, %add3A_682 : i32
      %get3A_684 = arith.index_cast %add3A_683 : i32 to index
      %get3A_685 = tpu.vector_load %arg12[%get3A_684] {strides = array<i32>} : memref<17408xf32, #tpu.memory_space<vmem>>, vector<16xf32>,
      %get3A_686 = arith.index_cast %add3A_655 : i32 to index
      %get3A_687 = arith.constant 32 : index
      %get3A_688 = tpu.vector_load %arg10[%get3A_686, %get3A_687] {strides = array<i32>} : memref<320x64xf32, #tpu.memory_space<vmem>>, vector<16xf32>,
      %max3A_689 = arith.maximumf %get3A_685, %get3A_688 : vector<16xf32>
      %swap3A_690 = arith.index_cast %add3A_683 : i32 to index
      %swap3A_691 = tpu.vector_load %arg12[%swap3A_690] {strides = array<i32>} : memref<17408xf32, #tpu.memory_space<vmem>>, vector<16xf32>,
      tpu.vector_store %arg12[%swap3A_690], %max3A_689 {strides = array<i32>} : memref<17408xf32, #tpu.memory_space<vmem>>, vector<16xf32>,
      %mul3A_692 = arith.constant 64 : i32
      %mul3A_693 = arith.muli %reduce_sum3A_651, %mul3A_692 : i32
      %add3A_694 = arith.constant 48 : i32
      %add3A_695 = arith.addi %mul3A_693, %add3A_694 : i32
      %get3A_696 = arith.index_cast %add3A_695 : i32 to index
      %get3A_697 = tpu.vector_load %arg12[%get3A_696] {strides = array<i32>} : memref<17408xf32, #tpu.memory_space<vmem>>, vector<16xf32>,
      %get3A_698 = arith.index_cast %add3A_655 : i32 to index
      %get3A_699 = arith.constant 48 : index
      %get3A_700 = tpu.vector_load %arg10[%get3A_698, %get3A_699] {strides = array<i32>} : memref<320x64xf32, #tpu.memory_space<vmem>>, vector<16xf32>,
      %max3A_701 = arith.maximumf %get3A_697, %get3A_700 : vector<16xf32>
      %swap3A_702 = arith.index_cast %add3A_695 : i32 to index
      %swap3A_703 = tpu.vector_load %arg12[%swap3A_702] {strides = array<i32>} : memref<17408xf32, #tpu.memory_space<vmem>>, vector<16xf32>,
      tpu.vector_store %arg12[%swap3A_702], %max3A_701 {strides = array<i32>} : memref<17408xf32, #tpu.memory_space<vmem>>, vector<16xf32>,
      %eq3A_704 = arith.constant 11 : i32
      %eq3A_705 = vector.broadcast %eq3A_704 : i32 to vector<16xi32>
      %eq3A_706 = arith.cmpi eq, %iota3A, %eq3A_705 : vector<16xi32>
      %jit3A_707 = arith.constant 0 : i32
      %broadcast_in_dim3A_708 = vector.broadcast %jit3A_707 : i32 to vector<16xi32>
      %select_n3A_709 = arith.select %eq3A_706, %get3A_27, %broadcast_in_dim3A_708 : vector<16xi1>, vector<16xi32>
      %reduce_sum3A_710 = arith.constant true
      %reduce_sum3A_711 = vector.broadcast %reduce_sum3A_710 : i1 to vector<16xi1>
      %reduce_sum3A_712 = tpu.scan <sum>, %select_n3A_709 masked %reduce_sum3A_711 : vector<16xi32>, vector<16xi1> -> vector<16xi32>
      %reduce_sum3A_713 = vector.extract %reduce_sum3A_712[15] : i32 from vector<16xi32>
      %mul3A_714 = arith.constant 16 : i32
      %mul3A_715 = arith.muli %scan3A_24, %mul3A_714 : i32
      %add3A_716 = arith.constant 11 : i32
      %add3A_717 = arith.addi %mul3A_715, %add3A_716 : i32
      %mul3A_718 = arith.constant 64 : i32
      %mul3A_719 = arith.muli %reduce_sum3A_713, %mul3A_718 : i32
      %add3A_720 = arith.constant 0 : i32
      %add3A_721 = arith.addi %mul3A_719, %add3A_720 : i32
      %get3A_722 = arith.index_cast %add3A_721 : i32 to index
      %get3A_723 = tpu.vector_load %arg12[%get3A_722] {strides = array<i32>} : memref<17408xf32, #tpu.memory_space<vmem>>, vector<16xf32>,
      %get3A_724 = arith.index_cast %add3A_717 : i32 to index
      %get3A_725 = arith.constant 0 : index
      %get3A_726 = tpu.vector_load %arg10[%get3A_724, %get3A_725] {strides = array<i32>} : memref<320x64xf32, #tpu.memory_space<vmem>>, vector<16xf32>,
      %max3A_727 = arith.maximumf %get3A_723, %get3A_726 : vector<16xf32>
      %swap3A_728 = arith.index_cast %add3A_721 : i32 to index
      %swap3A_729 = tpu.vector_load %arg12[%swap3A_728] {strides = array<i32>} : memref<17408xf32, #tpu.memory_space<vmem>>, vector<16xf32>,
      tpu.vector_store %arg12[%swap3A_728], %max3A_727 {strides = array<i32>} : memref<17408xf32, #tpu.memory_space<vmem>>, vector<16xf32>,
      %mul3A_730 = arith.constant 64 : i32
      %mul3A_731 = arith.muli %reduce_sum3A_713, %mul3A_730 : i32
      %add3A_732 = arith.constant 16 : i32
      %add3A_733 = arith.addi %mul3A_731, %add3A_732 : i32
      %get3A_734 = arith.index_cast %add3A_733 : i32 to index
      %get3A_735 = tpu.vector_load %arg12[%get3A_734] {strides = array<i32>} : memref<17408xf32, #tpu.memory_space<vmem>>, vector<16xf32>,
      %get3A_736 = arith.index_cast %add3A_717 : i32 to index
      %get3A_737 = arith.constant 16 : index
      %get3A_738 = tpu.vector_load %arg10[%get3A_736, %get3A_737] {strides = array<i32>} : memref<320x64xf32, #tpu.memory_space<vmem>>, vector<16xf32>,
      %max3A_739 = arith.maximumf %get3A_735, %get3A_738 : vector<16xf32>
      %swap3A_740 = arith.index_cast %add3A_733 : i32 to index
      %swap3A_741 = tpu.vector_load %arg12[%swap3A_740] {strides = array<i32>} : memref<17408xf32, #tpu.memory_space<vmem>>, vector<16xf32>,
      tpu.vector_store %arg12[%swap3A_740], %max3A_739 {strides = array<i32>} : memref<17408xf32, #tpu.memory_space<vmem>>, vector<16xf32>,
      %mul3A_742 = arith.constant 64 : i32
      %mul3A_743 = arith.muli %reduce_sum3A_713, %mul3A_742 : i32
      %add3A_744 = arith.constant 32 : i32
      %add3A_745 = arith.addi %mul3A_743, %add3A_744 : i32
      %get3A_746 = arith.index_cast %add3A_745 : i32 to index
      %get3A_747 = tpu.vector_load %arg12[%get3A_746] {strides = array<i32>} : memref<17408xf32, #tpu.memory_space<vmem>>, vector<16xf32>,
      %get3A_748 = arith.index_cast %add3A_717 : i32 to index
      %get3A_749 = arith.constant 32 : index
      %get3A_750 = tpu.vector_load %arg10[%get3A_748, %get3A_749] {strides = array<i32>} : memref<320x64xf32, #tpu.memory_space<vmem>>, vector<16xf32>,
      %max3A_751 = arith.maximumf %get3A_747, %get3A_750 : vector<16xf32>
      %swap3A_752 = arith.index_cast %add3A_745 : i32 to index
      %swap3A_753 = tpu.vector_load %arg12[%swap3A_752] {strides = array<i32>} : memref<17408xf32, #tpu.memory_space<vmem>>, vector<16xf32>,
      tpu.vector_store %arg12[%swap3A_752], %max3A_751 {strides = array<i32>} : memref<17408xf32, #tpu.memory_space<vmem>>, vector<16xf32>,
      %mul3A_754 = arith.constant 64 : i32
      %mul3A_755 = arith.muli %reduce_sum3A_713, %mul3A_754 : i32
      %add3A_756 = arith.constant 48 : i32
      %add3A_757 = arith.addi %mul3A_755, %add3A_756 : i32
      %get3A_758 = arith.index_cast %add3A_757 : i32 to index
      %get3A_759 = tpu.vector_load %arg12[%get3A_758] {strides = array<i32>} : memref<17408xf32, #tpu.memory_space<vmem>>, vector<16xf32>,
      %get3A_760 = arith.index_cast %add3A_717 : i32 to index
      %get3A_761 = arith.constant 48 : index
      %get3A_762 = tpu.vector_load %arg10[%get3A_760, %get3A_761] {strides = array<i32>} : memref<320x64xf32, #tpu.memory_space<vmem>>, vector<16xf32>,
      %max3A_763 = arith.maximumf %get3A_759, %get3A_762 : vector<16xf32>
      %swap3A_764 = arith.index_cast %add3A_757 : i32 to index
      %swap3A_765 = tpu.vector_load %arg12[%swap3A_764] {strides = array<i32>} : memref<17408xf32, #tpu.memory_space<vmem>>, vector<16xf32>,
      tpu.vector_store %arg12[%swap3A_764], %max3A_763 {strides = array<i32>} : memref<17408xf32, #tpu.memory_space<vmem>>, vector<16xf32>,
      %eq3A_766 = arith.constant 12 : i32
      %eq3A_767 = vector.broadcast %eq3A_766 : i32 to vector<16xi32>
      %eq3A_768 = arith.cmpi eq, %iota3A, %eq3A_767 : vector<16xi32>
      %jit3A_769 = arith.constant 0 : i32
      %broadcast_in_dim3A_770 = vector.broadcast %jit3A_769 : i32 to vector<16xi32>
      %select_n3A_771 = arith.select %eq3A_768, %get3A_27, %broadcast_in_dim3A_770 : vector<16xi1>, vector<16xi32>
      %reduce_sum3A_772 = arith.constant true
      %reduce_sum3A_773 = vector.broadcast %reduce_sum3A_772 : i1 to vector<16xi1>
      %reduce_sum3A_774 = tpu.scan <sum>, %select_n3A_771 masked %reduce_sum3A_773 : vector<16xi32>, vector<16xi1> -> vector<16xi32>
      %reduce_sum3A_775 = vector.extract %reduce_sum3A_774[15] : i32 from vector<16xi32>
      %mul3A_776 = arith.constant 16 : i32
      %mul3A_777 = arith.muli %scan3A_24, %mul3A_776 : i32
      %add3A_778 = arith.constant 12 : i32
      %add3A_779 = arith.addi %mul3A_777, %add3A_778 : i32
      %mul3A_780 = arith.constant 64 : i32
      %mul3A_781 = arith.muli %reduce_sum3A_775, %mul3A_780 : i32
      %add3A_782 = arith.constant 0 : i32
      %add3A_783 = arith.addi %mul3A_781, %add3A_782 : i32
      %get3A_784 = arith.index_cast %add3A_783 : i32 to index
      %get3A_785 = tpu.vector_load %arg12[%get3A_784] {strides = array<i32>} : memref<17408xf32, #tpu.memory_space<vmem>>, vector<16xf32>,
      %get3A_786 = arith.index_cast %add3A_779 : i32 to index
      %get3A_787 = arith.constant 0 : index
      %get3A_788 = tpu.vector_load %arg10[%get3A_786, %get3A_787] {strides = array<i32>} : memref<320x64xf32, #tpu.memory_space<vmem>>, vector<16xf32>,
      %max3A_789 = arith.maximumf %get3A_785, %get3A_788 : vector<16xf32>
      %swap3A_790 = arith.index_cast %add3A_783 : i32 to index
      %swap3A_791 = tpu.vector_load %arg12[%swap3A_790] {strides = array<i32>} : memref<17408xf32, #tpu.memory_space<vmem>>, vector<16xf32>,
      tpu.vector_store %arg12[%swap3A_790], %max3A_789 {strides = array<i32>} : memref<17408xf32, #tpu.memory_space<vmem>>, vector<16xf32>,
      %mul3A_792 = arith.constant 64 : i32
      %mul3A_793 = arith.muli %reduce_sum3A_775, %mul3A_792 : i32
      %add3A_794 = arith.constant 16 : i32
      %add3A_795 = arith.addi %mul3A_793, %add3A_794 : i32
      %get3A_796 = arith.index_cast %add3A_795 : i32 to index
      %get3A_797 = tpu.vector_load %arg12[%get3A_796] {strides = array<i32>} : memref<17408xf32, #tpu.memory_space<vmem>>, vector<16xf32>,
      %get3A_798 = arith.index_cast %add3A_779 : i32 to index
      %get3A_799 = arith.constant 16 : index
      %get3A_800 = tpu.vector_load %arg10[%get3A_798, %get3A_799] {strides = array<i32>} : memref<320x64xf32, #tpu.memory_space<vmem>>, vector<16xf32>,
      %max3A_801 = arith.maximumf %get3A_797, %get3A_800 : vector<16xf32>
      %swap3A_802 = arith.index_cast %add3A_795 : i32 to index
      %swap3A_803 = tpu.vector_load %arg12[%swap3A_802] {strides = array<i32>} : memref<17408xf32, #tpu.memory_space<vmem>>, vector<16xf32>,
      tpu.vector_store %arg12[%swap3A_802], %max3A_801 {strides = array<i32>} : memref<17408xf32, #tpu.memory_space<vmem>>, vector<16xf32>,
      %mul3A_804 = arith.constant 64 : i32
      %mul3A_805 = arith.muli %reduce_sum3A_775, %mul3A_804 : i32
      %add3A_806 = arith.constant 32 : i32
      %add3A_807 = arith.addi %mul3A_805, %add3A_806 : i32
      %get3A_808 = arith.index_cast %add3A_807 : i32 to index
      %get3A_809 = tpu.vector_load %arg12[%get3A_808] {strides = array<i32>} : memref<17408xf32, #tpu.memory_space<vmem>>, vector<16xf32>,
      %get3A_810 = arith.index_cast %add3A_779 : i32 to index
      %get3A_811 = arith.constant 32 : index
      %get3A_812 = tpu.vector_load %arg10[%get3A_810, %get3A_811] {strides = array<i32>} : memref<320x64xf32, #tpu.memory_space<vmem>>, vector<16xf32>,
      %max3A_813 = arith.maximumf %get3A_809, %get3A_812 : vector<16xf32>
      %swap3A_814 = arith.index_cast %add3A_807 : i32 to index
      %swap3A_815 = tpu.vector_load %arg12[%swap3A_814] {strides = array<i32>} : memref<17408xf32, #tpu.memory_space<vmem>>, vector<16xf32>,
      tpu.vector_store %arg12[%swap3A_814], %max3A_813 {strides = array<i32>} : memref<17408xf32, #tpu.memory_space<vmem>>, vector<16xf32>,
      %mul3A_816 = arith.constant 64 : i32
      %mul3A_817 = arith.muli %reduce_sum3A_775, %mul3A_816 : i32
      %add3A_818 = arith.constant 48 : i32
      %add3A_819 = arith.addi %mul3A_817, %add3A_818 : i32
      %get3A_820 = arith.index_cast %add3A_819 : i32 to index
      %get3A_821 = tpu.vector_load %arg12[%get3A_820] {strides = array<i32>} : memref<17408xf32, #tpu.memory_space<vmem>>, vector<16xf32>,
      %get3A_822 = arith.index_cast %add3A_779 : i32 to index
      %get3A_823 = arith.constant 48 : index
      %get3A_824 = tpu.vector_load %arg10[%get3A_822, %get3A_823] {strides = array<i32>} : memref<320x64xf32, #tpu.memory_space<vmem>>, vector<16xf32>,
      %max3A_825 = arith.maximumf %get3A_821, %get3A_824 : vector<16xf32>
      %swap3A_826 = arith.index_cast %add3A_819 : i32 to index
      %swap3A_827 = tpu.vector_load %arg12[%swap3A_826] {strides = array<i32>} : memref<17408xf32, #tpu.memory_space<vmem>>, vector<16xf32>,
      tpu.vector_store %arg12[%swap3A_826], %max3A_825 {strides = array<i32>} : memref<17408xf32, #tpu.memory_space<vmem>>, vector<16xf32>,
      %eq3A_828 = arith.constant 13 : i32
      %eq3A_829 = vector.broadcast %eq3A_828 : i32 to vector<16xi32>
      %eq3A_830 = arith.cmpi eq, %iota3A, %eq3A_829 : vector<16xi32>
      %jit3A_831 = arith.constant 0 : i32
      %broadcast_in_dim3A_832 = vector.broadcast %jit3A_831 : i32 to vector<16xi32>
      %select_n3A_833 = arith.select %eq3A_830, %get3A_27, %broadcast_in_dim3A_832 : vector<16xi1>, vector<16xi32>
      %reduce_sum3A_834 = arith.constant true
      %reduce_sum3A_835 = vector.broadcast %reduce_sum3A_834 : i1 to vector<16xi1>
      %reduce_sum3A_836 = tpu.scan <sum>, %select_n3A_833 masked %reduce_sum3A_835 : vector<16xi32>, vector<16xi1> -> vector<16xi32>
      %reduce_sum3A_837 = vector.extract %reduce_sum3A_836[15] : i32 from vector<16xi32>
      %mul3A_838 = arith.constant 16 : i32
      %mul3A_839 = arith.muli %scan3A_24, %mul3A_838 : i32
      %add3A_840 = arith.constant 13 : i32
      %add3A_841 = arith.addi %mul3A_839, %add3A_840 : i32
      %mul3A_842 = arith.constant 64 : i32
      %mul3A_843 = arith.muli %reduce_sum3A_837, %mul3A_842 : i32
      %add3A_844 = arith.constant 0 : i32
      %add3A_845 = arith.addi %mul3A_843, %add3A_844 : i32
      %get3A_846 = arith.index_cast %add3A_845 : i32 to index
      %get3A_847 = tpu.vector_load %arg12[%get3A_846] {strides = array<i32>} : memref<17408xf32, #tpu.memory_space<vmem>>, vector<16xf32>,
      %get3A_848 = arith.index_cast %add3A_841 : i32 to index
      %get3A_849 = arith.constant 0 : index
      %get3A_850 = tpu.vector_load %arg10[%get3A_848, %get3A_849] {strides = array<i32>} : memref<320x64xf32, #tpu.memory_space<vmem>>, vector<16xf32>,
      %max3A_851 = arith.maximumf %get3A_847, %get3A_850 : vector<16xf32>
      %swap3A_852 = arith.index_cast %add3A_845 : i32 to index
      %swap3A_853 = tpu.vector_load %arg12[%swap3A_852] {strides = array<i32>} : memref<17408xf32, #tpu.memory_space<vmem>>, vector<16xf32>,
      tpu.vector_store %arg12[%swap3A_852], %max3A_851 {strides = array<i32>} : memref<17408xf32, #tpu.memory_space<vmem>>, vector<16xf32>,
      %mul3A_854 = arith.constant 64 : i32
      %mul3A_855 = arith.muli %reduce_sum3A_837, %mul3A_854 : i32
      %add3A_856 = arith.constant 16 : i32
      %add3A_857 = arith.addi %mul3A_855, %add3A_856 : i32
      %get3A_858 = arith.index_cast %add3A_857 : i32 to index
      %get3A_859 = tpu.vector_load %arg12[%get3A_858] {strides = array<i32>} : memref<17408xf32, #tpu.memory_space<vmem>>, vector<16xf32>,
      %get3A_860 = arith.index_cast %add3A_841 : i32 to index
      %get3A_861 = arith.constant 16 : index
      %get3A_862 = tpu.vector_load %arg10[%get3A_860, %get3A_861] {strides = array<i32>} : memref<320x64xf32, #tpu.memory_space<vmem>>, vector<16xf32>,
      %max3A_863 = arith.maximumf %get3A_859, %get3A_862 : vector<16xf32>
      %swap3A_864 = arith.index_cast %add3A_857 : i32 to index
      %swap3A_865 = tpu.vector_load %arg12[%swap3A_864] {strides = array<i32>} : memref<17408xf32, #tpu.memory_space<vmem>>, vector<16xf32>,
      tpu.vector_store %arg12[%swap3A_864], %max3A_863 {strides = array<i32>} : memref<17408xf32, #tpu.memory_space<vmem>>, vector<16xf32>,
      %mul3A_866 = arith.constant 64 : i32
      %mul3A_867 = arith.muli %reduce_sum3A_837, %mul3A_866 : i32
      %add3A_868 = arith.constant 32 : i32
      %add3A_869 = arith.addi %mul3A_867, %add3A_868 : i32
      %get3A_870 = arith.index_cast %add3A_869 : i32 to index
      %get3A_871 = tpu.vector_load %arg12[%get3A_870] {strides = array<i32>} : memref<17408xf32, #tpu.memory_space<vmem>>, vector<16xf32>,
      %get3A_872 = arith.index_cast %add3A_841 : i32 to index
      %get3A_873 = arith.constant 32 : index
      %get3A_874 = tpu.vector_load %arg10[%get3A_872, %get3A_873] {strides = array<i32>} : memref<320x64xf32, #tpu.memory_space<vmem>>, vector<16xf32>,
      %max3A_875 = arith.maximumf %get3A_871, %get3A_874 : vector<16xf32>
      %swap3A_876 = arith.index_cast %add3A_869 : i32 to index
      %swap3A_877 = tpu.vector_load %arg12[%swap3A_876] {strides = array<i32>} : memref<17408xf32, #tpu.memory_space<vmem>>, vector<16xf32>,
      tpu.vector_store %arg12[%swap3A_876], %max3A_875 {strides = array<i32>} : memref<17408xf32, #tpu.memory_space<vmem>>, vector<16xf32>,
      %mul3A_878 = arith.constant 64 : i32
      %mul3A_879 = arith.muli %reduce_sum3A_837, %mul3A_878 : i32
      %add3A_880 = arith.constant 48 : i32
      %add3A_881 = arith.addi %mul3A_879, %add3A_880 : i32
      %get3A_882 = arith.index_cast %add3A_881 : i32 to index
      %get3A_883 = tpu.vector_load %arg12[%get3A_882] {strides = array<i32>} : memref<17408xf32, #tpu.memory_space<vmem>>, vector<16xf32>,
      %get3A_884 = arith.index_cast %add3A_841 : i32 to index
      %get3A_885 = arith.constant 48 : index
      %get3A_886 = tpu.vector_load %arg10[%get3A_884, %get3A_885] {strides = array<i32>} : memref<320x64xf32, #tpu.memory_space<vmem>>, vector<16xf32>,
      %max3A_887 = arith.maximumf %get3A_883, %get3A_886 : vector<16xf32>
      %swap3A_888 = arith.index_cast %add3A_881 : i32 to index
      %swap3A_889 = tpu.vector_load %arg12[%swap3A_888] {strides = array<i32>} : memref<17408xf32, #tpu.memory_space<vmem>>, vector<16xf32>,
      tpu.vector_store %arg12[%swap3A_888], %max3A_887 {strides = array<i32>} : memref<17408xf32, #tpu.memory_space<vmem>>, vector<16xf32>,
      %eq3A_890 = arith.constant 14 : i32
      %eq3A_891 = vector.broadcast %eq3A_890 : i32 to vector<16xi32>
      %eq3A_892 = arith.cmpi eq, %iota3A, %eq3A_891 : vector<16xi32>
      %jit3A_893 = arith.constant 0 : i32
      %broadcast_in_dim3A_894 = vector.broadcast %jit3A_893 : i32 to vector<16xi32>
      %select_n3A_895 = arith.select %eq3A_892, %get3A_27, %broadcast_in_dim3A_894 : vector<16xi1>, vector<16xi32>
      %reduce_sum3A_896 = arith.constant true
      %reduce_sum3A_897 = vector.broadcast %reduce_sum3A_896 : i1 to vector<16xi1>
      %reduce_sum3A_898 = tpu.scan <sum>, %select_n3A_895 masked %reduce_sum3A_897 : vector<16xi32>, vector<16xi1> -> vector<16xi32>
      %reduce_sum3A_899 = vector.extract %reduce_sum3A_898[15] : i32 from vector<16xi32>
      %mul3A_900 = arith.constant 16 : i32
      %mul3A_901 = arith.muli %scan3A_24, %mul3A_900 : i32
      %add3A_902 = arith.constant 14 : i32
      %add3A_903 = arith.addi %mul3A_901, %add3A_902 : i32
      %mul3A_904 = arith.constant 64 : i32
      %mul3A_905 = arith.muli %reduce_sum3A_899, %mul3A_904 : i32
      %add3A_906 = arith.constant 0 : i32
      %add3A_907 = arith.addi %mul3A_905, %add3A_906 : i32
      %get3A_908 = arith.index_cast %add3A_907 : i32 to index
      %get3A_909 = tpu.vector_load %arg12[%get3A_908] {strides = array<i32>} : memref<17408xf32, #tpu.memory_space<vmem>>, vector<16xf32>,
      %get3A_910 = arith.index_cast %add3A_903 : i32 to index
      %get3A_911 = arith.constant 0 : index
      %get3A_912 = tpu.vector_load %arg10[%get3A_910, %get3A_911] {strides = array<i32>} : memref<320x64xf32, #tpu.memory_space<vmem>>, vector<16xf32>,
      %max3A_913 = arith.maximumf %get3A_909, %get3A_912 : vector<16xf32>
      %swap3A_914 = arith.index_cast %add3A_907 : i32 to index
      %swap3A_915 = tpu.vector_load %arg12[%swap3A_914] {strides = array<i32>} : memref<17408xf32, #tpu.memory_space<vmem>>, vector<16xf32>,
      tpu.vector_store %arg12[%swap3A_914], %max3A_913 {strides = array<i32>} : memref<17408xf32, #tpu.memory_space<vmem>>, vector<16xf32>,
      %mul3A_916 = arith.constant 64 : i32
      %mul3A_917 = arith.muli %reduce_sum3A_899, %mul3A_916 : i32
      %add3A_918 = arith.constant 16 : i32
      %add3A_919 = arith.addi %mul3A_917, %add3A_918 : i32
      %get3A_920 = arith.index_cast %add3A_919 : i32 to index
      %get3A_921 = tpu.vector_load %arg12[%get3A_920] {strides = array<i32>} : memref<17408xf32, #tpu.memory_space<vmem>>, vector<16xf32>,
      %get3A_922 = arith.index_cast %add3A_903 : i32 to index
      %get3A_923 = arith.constant 16 : index
      %get3A_924 = tpu.vector_load %arg10[%get3A_922, %get3A_923] {strides = array<i32>} : memref<320x64xf32, #tpu.memory_space<vmem>>, vector<16xf32>,
      %max3A_925 = arith.maximumf %get3A_921, %get3A_924 : vector<16xf32>
      %swap3A_926 = arith.index_cast %add3A_919 : i32 to index
      %swap3A_927 = tpu.vector_load %arg12[%swap3A_926] {strides = array<i32>} : memref<17408xf32, #tpu.memory_space<vmem>>, vector<16xf32>,
      tpu.vector_store %arg12[%swap3A_926], %max3A_925 {strides = array<i32>} : memref<17408xf32, #tpu.memory_space<vmem>>, vector<16xf32>,
      %mul3A_928 = arith.constant 64 : i32
      %mul3A_929 = arith.muli %reduce_sum3A_899, %mul3A_928 : i32
      %add3A_930 = arith.constant 32 : i32
      %add3A_931 = arith.addi %mul3A_929, %add3A_930 : i32
      %get3A_932 = arith.index_cast %add3A_931 : i32 to index
      %get3A_933 = tpu.vector_load %arg12[%get3A_932] {strides = array<i32>} : memref<17408xf32, #tpu.memory_space<vmem>>, vector<16xf32>,
      %get3A_934 = arith.index_cast %add3A_903 : i32 to index
      %get3A_935 = arith.constant 32 : index
      %get3A_936 = tpu.vector_load %arg10[%get3A_934, %get3A_935] {strides = array<i32>} : memref<320x64xf32, #tpu.memory_space<vmem>>, vector<16xf32>,
      %max3A_937 = arith.maximumf %get3A_933, %get3A_936 : vector<16xf32>
      %swap3A_938 = arith.index_cast %add3A_931 : i32 to index
      %swap3A_939 = tpu.vector_load %arg12[%swap3A_938] {strides = array<i32>} : memref<17408xf32, #tpu.memory_space<vmem>>, vector<16xf32>,
      tpu.vector_store %arg12[%swap3A_938], %max3A_937 {strides = array<i32>} : memref<17408xf32, #tpu.memory_space<vmem>>, vector<16xf32>,
      %mul3A_940 = arith.constant 64 : i32
      %mul3A_941 = arith.muli %reduce_sum3A_899, %mul3A_940 : i32
      %add3A_942 = arith.constant 48 : i32
      %add3A_943 = arith.addi %mul3A_941, %add3A_942 : i32
      %get3A_944 = arith.index_cast %add3A_943 : i32 to index
      %get3A_945 = tpu.vector_load %arg12[%get3A_944] {strides = array<i32>} : memref<17408xf32, #tpu.memory_space<vmem>>, vector<16xf32>,
      %get3A_946 = arith.index_cast %add3A_903 : i32 to index
      %get3A_947 = arith.constant 48 : index
      %get3A_948 = tpu.vector_load %arg10[%get3A_946, %get3A_947] {strides = array<i32>} : memref<320x64xf32, #tpu.memory_space<vmem>>, vector<16xf32>,
      %max3A_949 = arith.maximumf %get3A_945, %get3A_948 : vector<16xf32>
      %swap3A_950 = arith.index_cast %add3A_943 : i32 to index
      %swap3A_951 = tpu.vector_load %arg12[%swap3A_950] {strides = array<i32>} : memref<17408xf32, #tpu.memory_space<vmem>>, vector<16xf32>,
      tpu.vector_store %arg12[%swap3A_950], %max3A_949 {strides = array<i32>} : memref<17408xf32, #tpu.memory_space<vmem>>, vector<16xf32>,
      %eq3A_952 = arith.constant 15 : i32
      %eq3A_953 = vector.broadcast %eq3A_952 : i32 to vector<16xi32>
      %eq3A_954 = arith.cmpi eq, %iota3A, %eq3A_953 : vector<16xi32>
      %jit3A_955 = arith.constant 0 : i32
      %broadcast_in_dim3A_956 = vector.broadcast %jit3A_955 : i32 to vector<16xi32>
      %select_n3A_957 = arith.select %eq3A_954, %get3A_27, %broadcast_in_dim3A_956 : vector<16xi1>, vector<16xi32>
      %reduce_sum3A_958 = arith.constant true
      %reduce_sum3A_959 = vector.broadcast %reduce_sum3A_958 : i1 to vector<16xi1>
      %reduce_sum3A_960 = tpu.scan <sum>, %select_n3A_957 masked %reduce_sum3A_959 : vector<16xi32>, vector<16xi1> -> vector<16xi32>
      %reduce_sum3A_961 = vector.extract %reduce_sum3A_960[15] : i32 from vector<16xi32>
      %mul3A_962 = arith.constant 16 : i32
      %mul3A_963 = arith.muli %scan3A_24, %mul3A_962 : i32
      %add3A_964 = arith.constant 15 : i32
      %add3A_965 = arith.addi %mul3A_963, %add3A_964 : i32
      %mul3A_966 = arith.constant 64 : i32
      %mul3A_967 = arith.muli %reduce_sum3A_961, %mul3A_966 : i32
      %add3A_968 = arith.constant 0 : i32
      %add3A_969 = arith.addi %mul3A_967, %add3A_968 : i32
      %get3A_970 = arith.index_cast %add3A_969 : i32 to index
      %get3A_971 = tpu.vector_load %arg12[%get3A_970] {strides = array<i32>} : memref<17408xf32, #tpu.memory_space<vmem>>, vector<16xf32>,
      %get3A_972 = arith.index_cast %add3A_965 : i32 to index
      %get3A_973 = arith.constant 0 : index
      %get3A_974 = tpu.vector_load %arg10[%get3A_972, %get3A_973] {strides = array<i32>} : memref<320x64xf32, #tpu.memory_space<vmem>>, vector<16xf32>,
      %max3A_975 = arith.maximumf %get3A_971, %get3A_974 : vector<16xf32>
      %swap3A_976 = arith.index_cast %add3A_969 : i32 to index
      %swap3A_977 = tpu.vector_load %arg12[%swap3A_976] {strides = array<i32>} : memref<17408xf32, #tpu.memory_space<vmem>>, vector<16xf32>,
      tpu.vector_store %arg12[%swap3A_976], %max3A_975 {strides = array<i32>} : memref<17408xf32, #tpu.memory_space<vmem>>, vector<16xf32>,
      %mul3A_978 = arith.constant 64 : i32
      %mul3A_979 = arith.muli %reduce_sum3A_961, %mul3A_978 : i32
      %add3A_980 = arith.constant 16 : i32
      %add3A_981 = arith.addi %mul3A_979, %add3A_980 : i32
      %get3A_982 = arith.index_cast %add3A_981 : i32 to index
      %get3A_983 = tpu.vector_load %arg12[%get3A_982] {strides = array<i32>} : memref<17408xf32, #tpu.memory_space<vmem>>, vector<16xf32>,
      %get3A_984 = arith.index_cast %add3A_965 : i32 to index
      %get3A_985 = arith.constant 16 : index
      %get3A_986 = tpu.vector_load %arg10[%get3A_984, %get3A_985] {strides = array<i32>} : memref<320x64xf32, #tpu.memory_space<vmem>>, vector<16xf32>,
      %max3A_987 = arith.maximumf %get3A_983, %get3A_986 : vector<16xf32>
      %swap3A_988 = arith.index_cast %add3A_981 : i32 to index
      %swap3A_989 = tpu.vector_load %arg12[%swap3A_988] {strides = array<i32>} : memref<17408xf32, #tpu.memory_space<vmem>>, vector<16xf32>,
      tpu.vector_store %arg12[%swap3A_988], %max3A_987 {strides = array<i32>} : memref<17408xf32, #tpu.memory_space<vmem>>, vector<16xf32>,
      %mul3A_990 = arith.constant 64 : i32
      %mul3A_991 = arith.muli %reduce_sum3A_961, %mul3A_990 : i32
      %add3A_992 = arith.constant 32 : i32
      %add3A_993 = arith.addi %mul3A_991, %add3A_992 : i32
      %get3A_994 = arith.index_cast %add3A_993 : i32 to index
      %get3A_995 = tpu.vector_load %arg12[%get3A_994] {strides = array<i32>} : memref<17408xf32, #tpu.memory_space<vmem>>, vector<16xf32>,
      %get3A_996 = arith.index_cast %add3A_965 : i32 to index
      %get3A_997 = arith.constant 32 : index
      %get3A_998 = tpu.vector_load %arg10[%get3A_996, %get3A_997] {strides = array<i32>} : memref<320x64xf32, #tpu.memory_space<vmem>>, vector<16xf32>,
      %max3A_999 = arith.maximumf %get3A_995, %get3A_998 : vector<16xf32>
      %swap3A_1000 = arith.index_cast %add3A_993 : i32 to index
      %swap3A_1001 = tpu.vector_load %arg12[%swap3A_1000] {strides = array<i32>} : memref<17408xf32, #tpu.memory_space<vmem>>, vector<16xf32>,
      tpu.vector_store %arg12[%swap3A_1000], %max3A_999 {strides = array<i32>} : memref<17408xf32, #tpu.memory_space<vmem>>, vector<16xf32>,
      %mul3A_1002 = arith.constant 64 : i32
      %mul3A_1003 = arith.muli %reduce_sum3A_961, %mul3A_1002 : i32
      %add3A_1004 = arith.constant 48 : i32
      %add3A_1005 = arith.addi %mul3A_1003, %add3A_1004 : i32
      %get3A_1006 = arith.index_cast %add3A_1005 : i32 to index
      %get3A_1007 = tpu.vector_load %arg12[%get3A_1006] {strides = array<i32>} : memref<17408xf32, #tpu.memory_space<vmem>>, vector<16xf32>,
      %get3A_1008 = arith.index_cast %add3A_965 : i32 to index
      %get3A_1009 = arith.constant 48 : index
      %get3A_1010 = tpu.vector_load %arg10[%get3A_1008, %get3A_1009] {strides = array<i32>} : memref<320x64xf32, #tpu.memory_space<vmem>>, vector<16xf32>,
      %max3A_1011 = arith.maximumf %get3A_1007, %get3A_1010 : vector<16xf32>
      %swap3A_1012 = arith.index_cast %add3A_1005 : i32 to index
      %swap3A_1013 = tpu.vector_load %arg12[%swap3A_1012] {strides = array<i32>} : memref<17408xf32, #tpu.memory_space<vmem>>, vector<16xf32>,
      tpu.vector_store %arg12[%swap3A_1012], %max3A_1011 {strides = array<i32>} : memref<17408xf32, #tpu.memory_space<vmem>>, vector<16xf32>,
    }
    %scan3A_13 = arith.constant 20 : i32
    %mul3A_14 = arith.constant 17408 : i32
    %mul3A_15 = arith.muli %add3A, %mul3A_14 : i32
    "tpu.region"() ({
      %run_scoped3A = tpu.sem_alloc : memref<!tpu.dma_semaphore, #tpu.memory_space<semaphore_mem>>
      %dma_start3A = tpu.memref_slice %arg8[%mul3A_15] : memref<557056xf32, #tpu.memory_space<hbm>> -> memref<17408xf32, #tpu.memory_space<hbm>>
      %dma_start3A_24 = tpu.memref_slice %arg8[%mul3A_15] : memref<557056xf32, #tpu.memory_space<hbm>> -> memref<17408xf32, #tpu.memory_space<hbm>>
      tpu.enqueue_dma source(%arg12 : memref<17408xf32, #tpu.memory_space<vmem>>) target(%dma_start3A_24 : memref<17408xf32, #tpu.memory_space<hbm>>) target_semaphore(%run_scoped3A : memref<!tpu.dma_semaphore, #tpu.memory_space<semaphore_mem>>)
      %dma_wait3A = tpu.memref_slice %arg8[%mul3A_15] : memref<557056xf32, #tpu.memory_space<hbm>> -> memref<17408xf32, #tpu.memory_space<hbm>>
      %dma_wait3A_25 = tpu.memref_slice %arg8[%mul3A_15] : memref<557056xf32, #tpu.memory_space<hbm>> -> memref<17408xf32, #tpu.memory_space<hbm>>
      tpu.wait_dma2 semaphore(%run_scoped3A : memref<!tpu.dma_semaphore, #tpu.memory_space<semaphore_mem>>) src(%arg12 : memref<17408xf32, #tpu.memory_space<vmem>>) dst(%dma_wait3A_25 : memref<17408xf32, #tpu.memory_space<hbm>>)
      tpu.yield
    }) : () -> ()
    %barrier3A_16 = arith.constant 0 : index
    tpu.barrier barrier_id(%barrier3A_16)
    %mul3A_17 = arith.constant 16 : i32
    %mul3A_18 = arith.muli %arg1, %mul3A_17 : i32
    %mul3A_19 = arith.constant 256 : i32
    %mul3A_20 = arith.muli %arg0, %mul3A_19 : i32
    %mul3A_21 = arith.constant 16 : i32
    %mul3A_22 = arith.muli %arg1, %mul3A_21 : i32
    %add3A_23 = arith.addi %mul3A_20, %mul3A_22 : i32
    "tpu.region"() ({
      %run_scoped3A = tpu.sem_alloc : memref<!tpu.dma_semaphore, #tpu.memory_space<semaphore_mem>>
      %dma_start3A = arith.constant 0 : i32
      %dma_start3A_24 = tpu.memref_slice %arg7[%add3A_23, %dma_start3A] : memref<512x64xf32, #tpu.memory_space<hbm>> -> memref<16x64xf32, #tpu.memory_space<hbm>>
      %dma_start3A_25 = arith.constant 0 : i32
      %dma_start3A_26 = tpu.memref_slice %arg13[%mul3A_18, %dma_start3A_25] : memref<272x64xf32, #tpu.memory_space<vmem_shared>> -> memref<16x64xf32, #tpu.memory_space<vmem_shared>>
      tpu.enqueue_dma source(%dma_start3A_26 : memref<16x64xf32, #tpu.memory_space<vmem_shared>>) target(%dma_start3A_24 : memref<16x64xf32, #tpu.memory_space<hbm>>) target_semaphore(%run_scoped3A : memref<!tpu.dma_semaphore, #tpu.memory_space<semaphore_mem>>)
      %dma_wait3A = arith.constant 0 : i32
      %dma_wait3A_27 = tpu.memref_slice %arg7[%add3A_23, %dma_wait3A] : memref<512x64xf32, #tpu.memory_space<hbm>> -> memref<16x64xf32, #tpu.memory_space<hbm>>
      %dma_wait3A_28 = arith.constant 0 : i32
      %dma_wait3A_29 = tpu.memref_slice %arg13[%mul3A_18, %dma_wait3A_28] : memref<272x64xf32, #tpu.memory_space<vmem_shared>> -> memref<16x64xf32, #tpu.memory_space<vmem_shared>>
      tpu.wait_dma2 semaphore(%run_scoped3A : memref<!tpu.dma_semaphore, #tpu.memory_space<semaphore_mem>>) src(%dma_wait3A_29 : memref<16x64xf32, #tpu.memory_space<vmem_shared>>) dst(%dma_wait3A_27 : memref<16x64xf32, #tpu.memory_space<hbm>>)
      tpu.yield
    }) : () -> ()
    return
  }
}

#map = affine_map<(d0, d1) -> (0, 0)>
#map1 = affine_map<(d0, d1) -> (0)>
module attributes {stable_mosaic.version = 14 : i64} {
  func.func @_sc_edge_agg_body(%arg0: i32, %arg1: i32, %arg2: memref<10000x64xf32, #tpu.memory_space<hbm>>, %arg3: memref<320000xi32, #tpu.memory_space<hbm>>, %arg4: memref<320000xi32, #tpu.memory_space<hbm>>, %arg5: memref<10000x64xf32, #tpu.memory_space<hbm>>, %arg6: memref<20000x64xf32, #tpu.memory_space<hbm>>, %arg7: memref<10000xi32, #tpu.memory_space<vmem>>, %arg8: memref<10000xi32, #tpu.memory_space<vmem>>, %arg9: memref<80x64xf32, #tpu.memory_space<vmem>>, %arg10: memref<80x64xf32, #tpu.memory_space<vmem>>, %arg11: memref<80x64xf32, #tpu.memory_space<vmem>>, %arg12: memref<80x64xf32, #tpu.memory_space<vmem>>, %arg13: memref<10000x64xf32, #tpu.memory_space<vmem_shared>>, %arg14: memref<!tpu.dma_semaphore, #tpu.memory_space<semaphore_mem>>, %arg15: memref<!tpu.dma_semaphore, #tpu.memory_space<semaphore_mem>>, %arg16: memref<!tpu.dma_semaphore, #tpu.memory_space<semaphore_mem>>, %arg17: memref<!tpu.dma_semaphore, #tpu.memory_space<semaphore_mem>>) attributes {dimension_semantics = [#tpu.dimension_semantics<core_parallel>, #tpu.dimension_semantics<subcore_parallel>], iteration_bounds = array<i64: 2, 16>, scalar_prefetch = 0 : i64, scratch_operands = 11 : i64, tpu.core_type = #tpu.core_type<sc_vector_subcore>, window_params = [{transform_indices = #map}, {transform_indices = #map1}, {transform_indices = #map1}, {transform_indices = #map}, {transform_indices = #map}]} {
    %mul3A = arith.constant 16 : i32
    %mul3A_0 = arith.muli %arg0, %mul3A : i32
    %add3A = arith.addi %mul3A_0, %arg1 : i32
    %mul3A_1 = arith.constant 624 : i32
    %mul3A_2 = arith.muli %arg1, %mul3A_1 : i32
    %mul3A_3 = arith.constant 624 : i32
    %mul3A_4 = arith.muli %arg1, %mul3A_3 : i32
    "tpu.region"() ({
      %run_scoped3A = tpu.sem_alloc : memref<!tpu.dma_semaphore, #tpu.memory_space<semaphore_mem>>
      %dma_start3A_52 = arith.constant 0 : i32
      %dma_start3A_53 = tpu.memref_slice %arg13[%mul3A_4, %dma_start3A_52] : memref<10000x64xf32, #tpu.memory_space<vmem_shared>> -> memref<624x64xf32, #tpu.memory_space<vmem_shared>>
      %dma_start3A_54 = arith.constant 0 : i32
      %dma_start3A_55 = tpu.memref_slice %arg5[%mul3A_2, %dma_start3A_54] : memref<10000x64xf32, #tpu.memory_space<hbm>> -> memref<624x64xf32, #tpu.memory_space<hbm>>
      tpu.enqueue_dma source(%dma_start3A_55 : memref<624x64xf32, #tpu.memory_space<hbm>>) target(%dma_start3A_53 : memref<624x64xf32, #tpu.memory_space<vmem_shared>>) target_semaphore(%run_scoped3A : memref<!tpu.dma_semaphore, #tpu.memory_space<semaphore_mem>>)
      %dma_wait3A_56 = arith.constant 0 : i32
      %dma_wait3A_57 = tpu.memref_slice %arg13[%mul3A_4, %dma_wait3A_56] : memref<10000x64xf32, #tpu.memory_space<vmem_shared>> -> memref<624x64xf32, #tpu.memory_space<vmem_shared>>
      %dma_wait3A_58 = arith.constant 0 : i32
      %dma_wait3A_59 = tpu.memref_slice %arg5[%mul3A_2, %dma_wait3A_58] : memref<10000x64xf32, #tpu.memory_space<hbm>> -> memref<624x64xf32, #tpu.memory_space<hbm>>
      tpu.wait_dma2 semaphore(%run_scoped3A : memref<!tpu.dma_semaphore, #tpu.memory_space<semaphore_mem>>) src(%dma_wait3A_59 : memref<624x64xf32, #tpu.memory_space<hbm>>) dst(%dma_wait3A_57 : memref<624x64xf32, #tpu.memory_space<vmem_shared>>)
      tpu.yield
    }) : () -> ()
    %eq3A = arith.constant 0 : i32
    %eq3A_5 = arith.cmpi eq, %arg1, %eq3A : i32
    %convert_element_type3A = arith.extui %eq3A_5 : i1 to i32
    %cond3A = arith.constant 0 : i32
    %cond3A_6 = arith.cmpi ne, %convert_element_type3A, %cond3A : i32
    scf.if %cond3A_6 {
      "tpu.region"() ({
        %run_scoped3A = tpu.sem_alloc : memref<!tpu.dma_semaphore, #tpu.memory_space<semaphore_mem>>
        %dma_start3A_52 = arith.constant 9984 : i32
        %dma_start3A_53 = arith.constant 0 : i32
        %dma_start3A_54 = tpu.memref_slice %arg13[%dma_start3A_52, %dma_start3A_53] : memref<10000x64xf32, #tpu.memory_space<vmem_shared>> -> memref<16x64xf32, #tpu.memory_space<vmem_shared>>
        %dma_start3A_55 = arith.constant 9984 : i32
        %dma_start3A_56 = arith.constant 0 : i32
        %dma_start3A_57 = tpu.memref_slice %arg5[%dma_start3A_55, %dma_start3A_56] : memref<10000x64xf32, #tpu.memory_space<hbm>> -> memref<16x64xf32, #tpu.memory_space<hbm>>
        tpu.enqueue_dma source(%dma_start3A_57 : memref<16x64xf32, #tpu.memory_space<hbm>>) target(%dma_start3A_54 : memref<16x64xf32, #tpu.memory_space<vmem_shared>>) target_semaphore(%run_scoped3A : memref<!tpu.dma_semaphore, #tpu.memory_space<semaphore_mem>>)
        %dma_wait3A_58 = arith.constant 9984 : i32
        %dma_wait3A_59 = arith.constant 0 : i32
        %dma_wait3A_60 = tpu.memref_slice %arg13[%dma_wait3A_58, %dma_wait3A_59] : memref<10000x64xf32, #tpu.memory_space<vmem_shared>> -> memref<16x64xf32, #tpu.memory_space<vmem_shared>>
        %dma_wait3A_61 = arith.constant 9984 : i32
        %dma_wait3A_62 = arith.constant 0 : i32
        %dma_wait3A_63 = tpu.memref_slice %arg5[%dma_wait3A_61, %dma_wait3A_62] : memref<10000x64xf32, #tpu.memory_space<hbm>> -> memref<16x64xf32, #tpu.memory_space<hbm>>
        tpu.wait_dma2 semaphore(%run_scoped3A : memref<!tpu.dma_semaphore, #tpu.memory_space<semaphore_mem>>) src(%dma_wait3A_63 : memref<16x64xf32, #tpu.memory_space<hbm>>) dst(%dma_wait3A_60 : memref<16x64xf32, #tpu.memory_space<vmem_shared>>)
        tpu.yield
      }) : () -> ()
    } else {
    }
    %mul3A_7 = arith.constant 10000 : i32
    %mul3A_8 = arith.muli %add3A, %mul3A_7 : i32
    "tpu.region"() ({
      %run_scoped3A = tpu.sem_alloc : memref<!tpu.dma_semaphore, #tpu.memory_space<semaphore_mem>>
      %dma_start3A_52 = tpu.memref_slice %arg3[%mul3A_8] : memref<320000xi32, #tpu.memory_space<hbm>> -> memref<10000xi32, #tpu.memory_space<hbm>>
      %dma_start3A_53 = tpu.memref_slice %arg3[%mul3A_8] : memref<320000xi32, #tpu.memory_space<hbm>> -> memref<10000xi32, #tpu.memory_space<hbm>>
      tpu.enqueue_dma source(%dma_start3A_53 : memref<10000xi32, #tpu.memory_space<hbm>>) target(%arg7 : memref<10000xi32, #tpu.memory_space<vmem>>) target_semaphore(%run_scoped3A : memref<!tpu.dma_semaphore, #tpu.memory_space<semaphore_mem>>)
      %dma_wait3A_54 = tpu.memref_slice %arg3[%mul3A_8] : memref<320000xi32, #tpu.memory_space<hbm>> -> memref<10000xi32, #tpu.memory_space<hbm>>
      %dma_wait3A_55 = tpu.memref_slice %arg3[%mul3A_8] : memref<320000xi32, #tpu.memory_space<hbm>> -> memref<10000xi32, #tpu.memory_space<hbm>>
      tpu.wait_dma2 semaphore(%run_scoped3A : memref<!tpu.dma_semaphore, #tpu.memory_space<semaphore_mem>>) src(%dma_wait3A_55 : memref<10000xi32, #tpu.memory_space<hbm>>) dst(%arg7 : memref<10000xi32, #tpu.memory_space<vmem>>)
      tpu.yield
    }) : () -> ()
    %mul3A_9 = arith.constant 10000 : i32
    %mul3A_10 = arith.muli %add3A, %mul3A_9 : i32
    "tpu.region"() ({
      %run_scoped3A = tpu.sem_alloc : memref<!tpu.dma_semaphore, #tpu.memory_space<semaphore_mem>>
      %dma_start3A_52 = tpu.memref_slice %arg4[%mul3A_10] : memref<320000xi32, #tpu.memory_space<hbm>> -> memref<10000xi32, #tpu.memory_space<hbm>>
      %dma_start3A_53 = tpu.memref_slice %arg4[%mul3A_10] : memref<320000xi32, #tpu.memory_space<hbm>> -> memref<10000xi32, #tpu.memory_space<hbm>>
      tpu.enqueue_dma source(%dma_start3A_53 : memref<10000xi32, #tpu.memory_space<hbm>>) target(%arg8 : memref<10000xi32, #tpu.memory_space<vmem>>) target_semaphore(%run_scoped3A : memref<!tpu.dma_semaphore, #tpu.memory_space<semaphore_mem>>)
      %dma_wait3A_54 = tpu.memref_slice %arg4[%mul3A_10] : memref<320000xi32, #tpu.memory_space<hbm>> -> memref<10000xi32, #tpu.memory_space<hbm>>
      %dma_wait3A_55 = tpu.memref_slice %arg4[%mul3A_10] : memref<320000xi32, #tpu.memory_space<hbm>> -> memref<10000xi32, #tpu.memory_space<hbm>>
      tpu.wait_dma2 semaphore(%run_scoped3A : memref<!tpu.dma_semaphore, #tpu.memory_space<semaphore_mem>>) src(%dma_wait3A_55 : memref<10000xi32, #tpu.memory_space<hbm>>) dst(%arg8 : memref<10000xi32, #tpu.memory_space<vmem>>)
      tpu.yield
    }) : () -> ()
    %barrier3A = arith.constant 0 : index
    tpu.barrier barrier_id(%barrier3A)
    %dma_start3A = arith.constant 0 : i32
    %dma_start3A_11 = tpu.memref_slice %arg7[%dma_start3A] : memref<10000xi32, #tpu.memory_space<vmem>> -> memref<80xi32, #tpu.memory_space<vmem>>
    %dma_start3A_12 = arith.constant 0 : i32
    %dma_start3A_13 = arith.constant 0 : i32
    %dma_start3A_14 = tpu.memref_slice %arg2[%dma_start3A_12, %dma_start3A_13] : memref<10000x64xf32, #tpu.memory_space<hbm>> -> memref<10000x64xf32, #tpu.memory_space<hbm>>
    tpu.enqueue_indirect_dma source(%dma_start3A_14 : memref<10000x64xf32, #tpu.memory_space<hbm>>) target(%arg9 : memref<80x64xf32, #tpu.memory_space<vmem>>) offsets(%dma_start3A_11 : memref<80xi32, #tpu.memory_space<vmem>>) semaphore(%arg14 : memref<!tpu.dma_semaphore, #tpu.memory_space<semaphore_mem>>)
    %dma_start3A_15 = arith.constant 80 : i32
    %dma_start3A_16 = tpu.memref_slice %arg7[%dma_start3A_15] : memref<10000xi32, #tpu.memory_space<vmem>> -> memref<80xi32, #tpu.memory_space<vmem>>
    %dma_start3A_17 = arith.constant 0 : i32
    %dma_start3A_18 = arith.constant 0 : i32
    %dma_start3A_19 = tpu.memref_slice %arg2[%dma_start3A_17, %dma_start3A_18] : memref<10000x64xf32, #tpu.memory_space<hbm>> -> memref<10000x64xf32, #tpu.memory_space<hbm>>
    tpu.enqueue_indirect_dma source(%dma_start3A_19 : memref<10000x64xf32, #tpu.memory_space<hbm>>) target(%arg10 : memref<80x64xf32, #tpu.memory_space<vmem>>) offsets(%dma_start3A_16 : memref<80xi32, #tpu.memory_space<vmem>>) semaphore(%arg15 : memref<!tpu.dma_semaphore, #tpu.memory_space<semaphore_mem>>)
    %dma_start3A_20 = arith.constant 160 : i32
    %dma_start3A_21 = tpu.memref_slice %arg7[%dma_start3A_20] : memref<10000xi32, #tpu.memory_space<vmem>> -> memref<80xi32, #tpu.memory_space<vmem>>
    %dma_start3A_22 = arith.constant 0 : i32
    %dma_start3A_23 = arith.constant 0 : i32
    %dma_start3A_24 = tpu.memref_slice %arg2[%dma_start3A_22, %dma_start3A_23] : memref<10000x64xf32, #tpu.memory_space<hbm>> -> memref<10000x64xf32, #tpu.memory_space<hbm>>
    tpu.enqueue_indirect_dma source(%dma_start3A_24 : memref<10000x64xf32, #tpu.memory_space<hbm>>) target(%arg11 : memref<80x64xf32, #tpu.memory_space<vmem>>) offsets(%dma_start3A_21 : memref<80xi32, #tpu.memory_space<vmem>>) semaphore(%arg16 : memref<!tpu.dma_semaphore, #tpu.memory_space<semaphore_mem>>)
    %dma_start3A_25 = arith.constant 240 : i32
    %dma_start3A_26 = tpu.memref_slice %arg7[%dma_start3A_25] : memref<10000xi32, #tpu.memory_space<vmem>> -> memref<80xi32, #tpu.memory_space<vmem>>
    %dma_start3A_27 = arith.constant 0 : i32
    %dma_start3A_28 = arith.constant 0 : i32
    %dma_start3A_29 = tpu.memref_slice %arg2[%dma_start3A_27, %dma_start3A_28] : memref<10000x64xf32, #tpu.memory_space<hbm>> -> memref<10000x64xf32, #tpu.memory_space<hbm>>
    tpu.enqueue_indirect_dma source(%dma_start3A_29 : memref<10000x64xf32, #tpu.memory_space<hbm>>) target(%arg12 : memref<80x64xf32, #tpu.memory_space<vmem>>) offsets(%dma_start3A_26 : memref<80xi32, #tpu.memory_space<vmem>>) semaphore(%arg17 : memref<!tpu.dma_semaphore, #tpu.memory_space<semaphore_mem>>)
    %scan3A = arith.constant 0 : i32
    %scan3A_30 = arith.constant 0 : i32
    %scan3A_31 = arith.constant 31 : i32
    %scan3A_32 = arith.addi %scan3A_30, %scan3A_31 : i32
    %scan3A_33 = arith.constant 1 : i32
    scf.for %scan3A_52 = %scan3A_30 to %scan3A_32 step %scan3A_33  : i32 {
      %mul3A_53 = arith.constant 4 : i32
      %mul3A_54 = arith.muli %mul3A_53, %scan3A_52 : i32
      %add3A_55 = arith.constant 0 : i32
      %add3A_56 = arith.addi %mul3A_54, %add3A_55 : i32
      %mul3A_57 = arith.constant 80 : i32
      %mul3A_58 = arith.muli %add3A_56, %mul3A_57 : i32
      %dma_wait3A_59 = tpu.memref_slice %arg7[%mul3A_58] : memref<10000xi32, #tpu.memory_space<vmem>> -> memref<80xi32, #tpu.memory_space<vmem>>
      %dma_wait3A_60 = arith.constant 0 : i32
      %dma_wait3A_61 = arith.constant 0 : i32
      %dma_wait3A_62 = tpu.memref_slice %arg2[%dma_wait3A_60, %dma_wait3A_61] : memref<10000x64xf32, #tpu.memory_space<hbm>> -> memref<10000x64xf32, #tpu.memory_space<hbm>>
      tpu.wait_indirect_dma semaphore(%arg14 : memref<!tpu.dma_semaphore, #tpu.memory_space<semaphore_mem>>) src(%dma_wait3A_62 : memref<10000x64xf32, #tpu.memory_space<hbm>>) dst(%arg9 : memref<80x64xf32, #tpu.memory_space<vmem>>)
      %mul3A_63 = arith.constant 80 : i32
      %mul3A_64 = arith.muli %add3A_56, %mul3A_63 : i32
      "tpu.region"() ({
        %run_scoped3A = tpu.sem_alloc : memref<!tpu.dma_semaphore, #tpu.memory_space<semaphore_mem>>
        %dma_start3A_130 = tpu.memref_slice %arg8[%mul3A_64] : memref<10000xi32, #tpu.memory_space<vmem>> -> memref<80xi32, #tpu.memory_space<vmem>>
        %dma_start3A_131 = arith.constant 0 : i32
        %dma_start3A_132 = arith.constant 0 : i32
        %dma_start3A_133 = tpu.memref_slice %arg13[%dma_start3A_131, %dma_start3A_132] : memref<10000x64xf32, #tpu.memory_space<vmem_shared>> -> memref<10000x64xf32, #tpu.memory_space<vmem_shared>>
        tpu.enqueue_indirect_dma source(%arg9 : memref<80x64xf32, #tpu.memory_space<vmem>>) target(%dma_start3A_133 : memref<10000x64xf32, #tpu.memory_space<vmem_shared>>) offsets(%dma_start3A_130 : memref<80xi32, #tpu.memory_space<vmem>>) semaphore(%run_scoped3A : memref<!tpu.dma_semaphore, #tpu.memory_space<semaphore_mem>>) {add = true}
        %dma_wait3A_134 = tpu.memref_slice %arg8[%mul3A_64] : memref<10000xi32, #tpu.memory_space<vmem>> -> memref<80xi32, #tpu.memory_space<vmem>>
        %dma_wait3A_135 = arith.constant 0 : i32
        %dma_wait3A_136 = arith.constant 0 : i32
        %dma_wait3A_137 = tpu.memref_slice %arg13[%dma_wait3A_135, %dma_wait3A_136] : memref<10000x64xf32, #tpu.memory_space<vmem_shared>> -> memref<10000x64xf32, #tpu.memory_space<vmem_shared>>
        tpu.wait_indirect_dma semaphore(%run_scoped3A : memref<!tpu.dma_semaphore, #tpu.memory_space<semaphore_mem>>) src(%arg9 : memref<80x64xf32, #tpu.memory_space<vmem>>) dst(%dma_wait3A_137 : memref<10000x64xf32, #tpu.memory_space<vmem_shared>>)
        tpu.yield
      }) : () -> ()
      %add3A_65 = arith.constant 0 : i32
      %add3A_66 = arith.addi %mul3A_54, %add3A_65 : i32
      %add3A_67 = arith.constant 4 : i32
      %add3A_68 = arith.addi %add3A_66, %add3A_67 : i32
      %lt3A = arith.constant 125 : i32
      %lt3A_69 = arith.cmpi slt, %add3A_68, %lt3A : i32
      %convert_element_type3A_70 = arith.extui %lt3A_69 : i1 to i32
      %cond3A_71 = arith.constant 0 : i32
      %cond3A_72 = arith.cmpi ne, %convert_element_type3A_70, %cond3A_71 : i32
      scf.if %cond3A_72 {
        %add3A_130 = arith.constant 0 : i32
        %add3A_131 = arith.addi %mul3A_54, %add3A_130 : i32
        %add3A_132 = arith.constant 4 : i32
        %add3A_133 = arith.addi %add3A_131, %add3A_132 : i32
        %mul3A_134 = arith.constant 80 : i32
        %mul3A_135 = arith.muli %add3A_133, %mul3A_134 : i32
        %dma_start3A_136 = tpu.memref_slice %arg7[%mul3A_135] : memref<10000xi32, #tpu.memory_space<vmem>> -> memref<80xi32, #tpu.memory_space<vmem>>
        %dma_start3A_137 = arith.constant 0 : i32
        %dma_start3A_138 = arith.constant 0 : i32
        %dma_start3A_139 = tpu.memref_slice %arg2[%dma_start3A_137, %dma_start3A_138] : memref<10000x64xf32, #tpu.memory_space<hbm>> -> memref<10000x64xf32, #tpu.memory_space<hbm>>
        tpu.enqueue_indirect_dma source(%dma_start3A_139 : memref<10000x64xf32, #tpu.memory_space<hbm>>) target(%arg9 : memref<80x64xf32, #tpu.memory_space<vmem>>) offsets(%dma_start3A_136 : memref<80xi32, #tpu.memory_space<vmem>>) semaphore(%arg14 : memref<!tpu.dma_semaphore, #tpu.memory_space<semaphore_mem>>)
      } else {
      }
      %add3A_73 = arith.constant 1 : i32
      %add3A_74 = arith.addi %mul3A_54, %add3A_73 : i32
      %mul3A_75 = arith.constant 80 : i32
      %mul3A_76 = arith.muli %add3A_74, %mul3A_75 : i32
      %dma_wait3A_77 = tpu.memref_slice %arg7[%mul3A_76] : memref<10000xi32, #tpu.memory_space<vmem>> -> memref<80xi32, #tpu.memory_space<vmem>>
      %dma_wait3A_78 = arith.constant 0 : i32
      %dma_wait3A_79 = arith.constant 0 : i32
      %dma_wait3A_80 = tpu.memref_slice %arg2[%dma_wait3A_78, %dma_wait3A_79] : memref<10000x64xf32, #tpu.memory_space<hbm>> -> memref<10000x64xf32, #tpu.memory_space<hbm>>
      tpu.wait_indirect_dma semaphore(%arg15 : memref<!tpu.dma_semaphore, #tpu.memory_space<semaphore_mem>>) src(%dma_wait3A_80 : memref<10000x64xf32, #tpu.memory_space<hbm>>) dst(%arg10 : memref<80x64xf32, #tpu.memory_space<vmem>>)
      %mul3A_81 = arith.constant 80 : i32
      %mul3A_82 = arith.muli %add3A_74, %mul3A_81 : i32
      "tpu.region"() ({
        %run_scoped3A = tpu.sem_alloc : memref<!tpu.dma_semaphore, #tpu.memory_space<semaphore_mem>>
        %dma_start3A_130 = tpu.memref_slice %arg8[%mul3A_82] : memref<10000xi32, #tpu.memory_space<vmem>> -> memref<80xi32, #tpu.memory_space<vmem>>
        %dma_start3A_131 = arith.constant 0 : i32
        %dma_start3A_132 = arith.constant 0 : i32
        %dma_start3A_133 = tpu.memref_slice %arg13[%dma_start3A_131, %dma_start3A_132] : memref<10000x64xf32, #tpu.memory_space<vmem_shared>> -> memref<10000x64xf32, #tpu.memory_space<vmem_shared>>
        tpu.enqueue_indirect_dma source(%arg10 : memref<80x64xf32, #tpu.memory_space<vmem>>) target(%dma_start3A_133 : memref<10000x64xf32, #tpu.memory_space<vmem_shared>>) offsets(%dma_start3A_130 : memref<80xi32, #tpu.memory_space<vmem>>) semaphore(%run_scoped3A : memref<!tpu.dma_semaphore, #tpu.memory_space<semaphore_mem>>) {add = true}
        %dma_wait3A_134 = tpu.memref_slice %arg8[%mul3A_82] : memref<10000xi32, #tpu.memory_space<vmem>> -> memref<80xi32, #tpu.memory_space<vmem>>
        %dma_wait3A_135 = arith.constant 0 : i32
        %dma_wait3A_136 = arith.constant 0 : i32
        %dma_wait3A_137 = tpu.memref_slice %arg13[%dma_wait3A_135, %dma_wait3A_136] : memref<10000x64xf32, #tpu.memory_space<vmem_shared>> -> memref<10000x64xf32, #tpu.memory_space<vmem_shared>>
        tpu.wait_indirect_dma semaphore(%run_scoped3A : memref<!tpu.dma_semaphore, #tpu.memory_space<semaphore_mem>>) src(%arg10 : memref<80x64xf32, #tpu.memory_space<vmem>>) dst(%dma_wait3A_137 : memref<10000x64xf32, #tpu.memory_space<vmem_shared>>)
        tpu.yield
      }) : () -> ()
      %add3A_83 = arith.constant 1 : i32
      %add3A_84 = arith.addi %mul3A_54, %add3A_83 : i32
      %add3A_85 = arith.constant 4 : i32
      %add3A_86 = arith.addi %add3A_84, %add3A_85 : i32
      %lt3A_87 = arith.constant 125 : i32
      %lt3A_88 = arith.cmpi slt, %add3A_86, %lt3A_87 : i32
      %convert_element_type3A_89 = arith.extui %lt3A_88 : i1 to i32
      %cond3A_90 = arith.constant 0 : i32
      %cond3A_91 = arith.cmpi ne, %convert_element_type3A_89, %cond3A_90 : i32
      scf.if %cond3A_91 {
        %add3A_130 = arith.constant 1 : i32
        %add3A_131 = arith.addi %mul3A_54, %add3A_130 : i32
        %add3A_132 = arith.constant 4 : i32
        %add3A_133 = arith.addi %add3A_131, %add3A_132 : i32
        %mul3A_134 = arith.constant 80 : i32
        %mul3A_135 = arith.muli %add3A_133, %mul3A_134 : i32
        %dma_start3A_136 = tpu.memref_slice %arg7[%mul3A_135] : memref<10000xi32, #tpu.memory_space<vmem>> -> memref<80xi32, #tpu.memory_space<vmem>>
        %dma_start3A_137 = arith.constant 0 : i32
        %dma_start3A_138 = arith.constant 0 : i32
        %dma_start3A_139 = tpu.memref_slice %arg2[%dma_start3A_137, %dma_start3A_138] : memref<10000x64xf32, #tpu.memory_space<hbm>> -> memref<10000x64xf32, #tpu.memory_space<hbm>>
        tpu.enqueue_indirect_dma source(%dma_start3A_139 : memref<10000x64xf32, #tpu.memory_space<hbm>>) target(%arg10 : memref<80x64xf32, #tpu.memory_space<vmem>>) offsets(%dma_start3A_136 : memref<80xi32, #tpu.memory_space<vmem>>) semaphore(%arg15 : memref<!tpu.dma_semaphore, #tpu.memory_space<semaphore_mem>>)
      } else {
      }
      %add3A_92 = arith.constant 2 : i32
      %add3A_93 = arith.addi %mul3A_54, %add3A_92 : i32
      %mul3A_94 = arith.constant 80 : i32
      %mul3A_95 = arith.muli %add3A_93, %mul3A_94 : i32
      %dma_wait3A_96 = tpu.memref_slice %arg7[%mul3A_95] : memref<10000xi32, #tpu.memory_space<vmem>> -> memref<80xi32, #tpu.memory_space<vmem>>
      %dma_wait3A_97 = arith.constant 0 : i32
      %dma_wait3A_98 = arith.constant 0 : i32
      %dma_wait3A_99 = tpu.memref_slice %arg2[%dma_wait3A_97, %dma_wait3A_98] : memref<10000x64xf32, #tpu.memory_space<hbm>> -> memref<10000x64xf32, #tpu.memory_space<hbm>>
      tpu.wait_indirect_dma semaphore(%arg16 : memref<!tpu.dma_semaphore, #tpu.memory_space<semaphore_mem>>) src(%dma_wait3A_99 : memref<10000x64xf32, #tpu.memory_space<hbm>>) dst(%arg11 : memref<80x64xf32, #tpu.memory_space<vmem>>)
      %mul3A_100 = arith.constant 80 : i32
      %mul3A_101 = arith.muli %add3A_93, %mul3A_100 : i32
      "tpu.region"() ({
        %run_scoped3A = tpu.sem_alloc : memref<!tpu.dma_semaphore, #tpu.memory_space<semaphore_mem>>
        %dma_start3A_130 = tpu.memref_slice %arg8[%mul3A_101] : memref<10000xi32, #tpu.memory_space<vmem>> -> memref<80xi32, #tpu.memory_space<vmem>>
        %dma_start3A_131 = arith.constant 0 : i32
        %dma_start3A_132 = arith.constant 0 : i32
        %dma_start3A_133 = tpu.memref_slice %arg13[%dma_start3A_131, %dma_start3A_132] : memref<10000x64xf32, #tpu.memory_space<vmem_shared>> -> memref<10000x64xf32, #tpu.memory_space<vmem_shared>>
        tpu.enqueue_indirect_dma source(%arg11 : memref<80x64xf32, #tpu.memory_space<vmem>>) target(%dma_start3A_133 : memref<10000x64xf32, #tpu.memory_space<vmem_shared>>) offsets(%dma_start3A_130 : memref<80xi32, #tpu.memory_space<vmem>>) semaphore(%run_scoped3A : memref<!tpu.dma_semaphore, #tpu.memory_space<semaphore_mem>>) {add = true}
        %dma_wait3A_134 = tpu.memref_slice %arg8[%mul3A_101] : memref<10000xi32, #tpu.memory_space<vmem>> -> memref<80xi32, #tpu.memory_space<vmem>>
        %dma_wait3A_135 = arith.constant 0 : i32
        %dma_wait3A_136 = arith.constant 0 : i32
        %dma_wait3A_137 = tpu.memref_slice %arg13[%dma_wait3A_135, %dma_wait3A_136] : memref<10000x64xf32, #tpu.memory_space<vmem_shared>> -> memref<10000x64xf32, #tpu.memory_space<vmem_shared>>
        tpu.wait_indirect_dma semaphore(%run_scoped3A : memref<!tpu.dma_semaphore, #tpu.memory_space<semaphore_mem>>) src(%arg11 : memref<80x64xf32, #tpu.memory_space<vmem>>) dst(%dma_wait3A_137 : memref<10000x64xf32, #tpu.memory_space<vmem_shared>>)
        tpu.yield
      }) : () -> ()
      %add3A_102 = arith.constant 2 : i32
      %add3A_103 = arith.addi %mul3A_54, %add3A_102 : i32
      %add3A_104 = arith.constant 4 : i32
      %add3A_105 = arith.addi %add3A_103, %add3A_104 : i32
      %lt3A_106 = arith.constant 125 : i32
      %lt3A_107 = arith.cmpi slt, %add3A_105, %lt3A_106 : i32
      %convert_element_type3A_108 = arith.extui %lt3A_107 : i1 to i32
      %cond3A_109 = arith.constant 0 : i32
      %cond3A_110 = arith.cmpi ne, %convert_element_type3A_108, %cond3A_109 : i32
      scf.if %cond3A_110 {
        %add3A_130 = arith.constant 2 : i32
        %add3A_131 = arith.addi %mul3A_54, %add3A_130 : i32
        %add3A_132 = arith.constant 4 : i32
        %add3A_133 = arith.addi %add3A_131, %add3A_132 : i32
        %mul3A_134 = arith.constant 80 : i32
        %mul3A_135 = arith.muli %add3A_133, %mul3A_134 : i32
        %dma_start3A_136 = tpu.memref_slice %arg7[%mul3A_135] : memref<10000xi32, #tpu.memory_space<vmem>> -> memref<80xi32, #tpu.memory_space<vmem>>
        %dma_start3A_137 = arith.constant 0 : i32
        %dma_start3A_138 = arith.constant 0 : i32
        %dma_start3A_139 = tpu.memref_slice %arg2[%dma_start3A_137, %dma_start3A_138] : memref<10000x64xf32, #tpu.memory_space<hbm>> -> memref<10000x64xf32, #tpu.memory_space<hbm>>
        tpu.enqueue_indirect_dma source(%dma_start3A_139 : memref<10000x64xf32, #tpu.memory_space<hbm>>) target(%arg11 : memref<80x64xf32, #tpu.memory_space<vmem>>) offsets(%dma_start3A_136 : memref<80xi32, #tpu.memory_space<vmem>>) semaphore(%arg16 : memref<!tpu.dma_semaphore, #tpu.memory_space<semaphore_mem>>)
      } else {
      }
      %add3A_111 = arith.constant 3 : i32
      %add3A_112 = arith.addi %mul3A_54, %add3A_111 : i32
      %mul3A_113 = arith.constant 80 : i32
      %mul3A_114 = arith.muli %add3A_112, %mul3A_113 : i32
      %dma_wait3A_115 = tpu.memref_slice %arg7[%mul3A_114] : memref<10000xi32, #tpu.memory_space<vmem>> -> memref<80xi32, #tpu.memory_space<vmem>>
      %dma_wait3A_116 = arith.constant 0 : i32
      %dma_wait3A_117 = arith.constant 0 : i32
      %dma_wait3A_118 = tpu.memref_slice %arg2[%dma_wait3A_116, %dma_wait3A_117] : memref<10000x64xf32, #tpu.memory_space<hbm>> -> memref<10000x64xf32, #tpu.memory_space<hbm>>
      tpu.wait_indirect_dma semaphore(%arg17 : memref<!tpu.dma_semaphore, #tpu.memory_space<semaphore_mem>>) src(%dma_wait3A_118 : memref<10000x64xf32, #tpu.memory_space<hbm>>) dst(%arg12 : memref<80x64xf32, #tpu.memory_space<vmem>>)
      %mul3A_119 = arith.constant 80 : i32
      %mul3A_120 = arith.muli %add3A_112, %mul3A_119 : i32
      "tpu.region"() ({
        %run_scoped3A = tpu.sem_alloc : memref<!tpu.dma_semaphore, #tpu.memory_space<semaphore_mem>>
        %dma_start3A_130 = tpu.memref_slice %arg8[%mul3A_120] : memref<10000xi32, #tpu.memory_space<vmem>> -> memref<80xi32, #tpu.memory_space<vmem>>
        %dma_start3A_131 = arith.constant 0 : i32
        %dma_start3A_132 = arith.constant 0 : i32
        %dma_start3A_133 = tpu.memref_slice %arg13[%dma_start3A_131, %dma_start3A_132] : memref<10000x64xf32, #tpu.memory_space<vmem_shared>> -> memref<10000x64xf32, #tpu.memory_space<vmem_shared>>
        tpu.enqueue_indirect_dma source(%arg12 : memref<80x64xf32, #tpu.memory_space<vmem>>) target(%dma_start3A_133 : memref<10000x64xf32, #tpu.memory_space<vmem_shared>>) offsets(%dma_start3A_130 : memref<80xi32, #tpu.memory_space<vmem>>) semaphore(%run_scoped3A : memref<!tpu.dma_semaphore, #tpu.memory_space<semaphore_mem>>) {add = true}
        %dma_wait3A_134 = tpu.memref_slice %arg8[%mul3A_120] : memref<10000xi32, #tpu.memory_space<vmem>> -> memref<80xi32, #tpu.memory_space<vmem>>
        %dma_wait3A_135 = arith.constant 0 : i32
        %dma_wait3A_136 = arith.constant 0 : i32
        %dma_wait3A_137 = tpu.memref_slice %arg13[%dma_wait3A_135, %dma_wait3A_136] : memref<10000x64xf32, #tpu.memory_space<vmem_shared>> -> memref<10000x64xf32, #tpu.memory_space<vmem_shared>>
        tpu.wait_indirect_dma semaphore(%run_scoped3A : memref<!tpu.dma_semaphore, #tpu.memory_space<semaphore_mem>>) src(%arg12 : memref<80x64xf32, #tpu.memory_space<vmem>>) dst(%dma_wait3A_137 : memref<10000x64xf32, #tpu.memory_space<vmem_shared>>)
        tpu.yield
      }) : () -> ()
      %add3A_121 = arith.constant 3 : i32
      %add3A_122 = arith.addi %mul3A_54, %add3A_121 : i32
      %add3A_123 = arith.constant 4 : i32
      %add3A_124 = arith.addi %add3A_122, %add3A_123 : i32
      %lt3A_125 = arith.constant 125 : i32
      %lt3A_126 = arith.cmpi slt, %add3A_124, %lt3A_125 : i32
      %convert_element_type3A_127 = arith.extui %lt3A_126 : i1 to i32
      %cond3A_128 = arith.constant 0 : i32
      %cond3A_129 = arith.cmpi ne, %convert_element_type3A_127, %cond3A_128 : i32
      scf.if %cond3A_129 {
        %add3A_130 = arith.constant 3 : i32
        %add3A_131 = arith.addi %mul3A_54, %add3A_130 : i32
        %add3A_132 = arith.constant 4 : i32
        %add3A_133 = arith.addi %add3A_131, %add3A_132 : i32
        %mul3A_134 = arith.constant 80 : i32
        %mul3A_135 = arith.muli %add3A_133, %mul3A_134 : i32
        %dma_start3A_136 = tpu.memref_slice %arg7[%mul3A_135] : memref<10000xi32, #tpu.memory_space<vmem>> -> memref<80xi32, #tpu.memory_space<vmem>>
        %dma_start3A_137 = arith.constant 0 : i32
        %dma_start3A_138 = arith.constant 0 : i32
        %dma_start3A_139 = tpu.memref_slice %arg2[%dma_start3A_137, %dma_start3A_138] : memref<10000x64xf32, #tpu.memory_space<hbm>> -> memref<10000x64xf32, #tpu.memory_space<hbm>>
        tpu.enqueue_indirect_dma source(%dma_start3A_139 : memref<10000x64xf32, #tpu.memory_space<hbm>>) target(%arg12 : memref<80x64xf32, #tpu.memory_space<vmem>>) offsets(%dma_start3A_136 : memref<80xi32, #tpu.memory_space<vmem>>) semaphore(%arg17 : memref<!tpu.dma_semaphore, #tpu.memory_space<semaphore_mem>>)
      } else {
      }
    }
    %scan3A_34 = arith.constant 31 : i32
    %dma_wait3A = arith.constant 9920 : i32
    %dma_wait3A_35 = tpu.memref_slice %arg7[%dma_wait3A] : memref<10000xi32, #tpu.memory_space<vmem>> -> memref<80xi32, #tpu.memory_space<vmem>>
    %dma_wait3A_36 = arith.constant 0 : i32
    %dma_wait3A_37 = arith.constant 0 : i32
    %dma_wait3A_38 = tpu.memref_slice %arg2[%dma_wait3A_36, %dma_wait3A_37] : memref<10000x64xf32, #tpu.memory_space<hbm>> -> memref<10000x64xf32, #tpu.memory_space<hbm>>
    tpu.wait_indirect_dma semaphore(%arg14 : memref<!tpu.dma_semaphore, #tpu.memory_space<semaphore_mem>>) src(%dma_wait3A_38 : memref<10000x64xf32, #tpu.memory_space<hbm>>) dst(%arg9 : memref<80x64xf32, #tpu.memory_space<vmem>>)
    "tpu.region"() ({
      %run_scoped3A = tpu.sem_alloc : memref<!tpu.dma_semaphore, #tpu.memory_space<semaphore_mem>>
      %dma_start3A_52 = arith.constant 9920 : i32
      %dma_start3A_53 = tpu.memref_slice %arg8[%dma_start3A_52] : memref<10000xi32, #tpu.memory_space<vmem>> -> memref<80xi32, #tpu.memory_space<vmem>>
      %dma_start3A_54 = arith.constant 0 : i32
      %dma_start3A_55 = arith.constant 0 : i32
      %dma_start3A_56 = tpu.memref_slice %arg13[%dma_start3A_54, %dma_start3A_55] : memref<10000x64xf32, #tpu.memory_space<vmem_shared>> -> memref<10000x64xf32, #tpu.memory_space<vmem_shared>>
      tpu.enqueue_indirect_dma source(%arg9 : memref<80x64xf32, #tpu.memory_space<vmem>>) target(%dma_start3A_56 : memref<10000x64xf32, #tpu.memory_space<vmem_shared>>) offsets(%dma_start3A_53 : memref<80xi32, #tpu.memory_space<vmem>>) semaphore(%run_scoped3A : memref<!tpu.dma_semaphore, #tpu.memory_space<semaphore_mem>>) {add = true}
      %dma_wait3A_57 = arith.constant 9920 : i32
      %dma_wait3A_58 = tpu.memref_slice %arg8[%dma_wait3A_57] : memref<10000xi32, #tpu.memory_space<vmem>> -> memref<80xi32, #tpu.memory_space<vmem>>
      %dma_wait3A_59 = arith.constant 0 : i32
      %dma_wait3A_60 = arith.constant 0 : i32
      %dma_wait3A_61 = tpu.memref_slice %arg13[%dma_wait3A_59, %dma_wait3A_60] : memref<10000x64xf32, #tpu.memory_space<vmem_shared>> -> memref<10000x64xf32, #tpu.memory_space<vmem_shared>>
      tpu.wait_indirect_dma semaphore(%run_scoped3A : memref<!tpu.dma_semaphore, #tpu.memory_space<semaphore_mem>>) src(%arg9 : memref<80x64xf32, #tpu.memory_space<vmem>>) dst(%dma_wait3A_61 : memref<10000x64xf32, #tpu.memory_space<vmem_shared>>)
      tpu.yield
    }) : () -> ()
    %barrier3A_39 = arith.constant 0 : index
    tpu.barrier barrier_id(%barrier3A_39)
    %mul3A_40 = arith.constant 624 : i32
    %mul3A_41 = arith.muli %arg1, %mul3A_40 : i32
    %mul3A_42 = arith.constant 10000 : i32
    %mul3A_43 = arith.muli %arg0, %mul3A_42 : i32
    %mul3A_44 = arith.constant 624 : i32
    %mul3A_45 = arith.muli %arg1, %mul3A_44 : i32
    %add3A_46 = arith.addi %mul3A_43, %mul3A_45 : i32
    "tpu.region"() ({
      %run_scoped3A = tpu.sem_alloc : memref<!tpu.dma_semaphore, #tpu.memory_space<semaphore_mem>>
      %dma_start3A_52 = arith.constant 0 : i32
      %dma_start3A_53 = tpu.memref_slice %arg6[%add3A_46, %dma_start3A_52] : memref<20000x64xf32, #tpu.memory_space<hbm>> -> memref<624x64xf32, #tpu.memory_space<hbm>>
      %dma_start3A_54 = arith.constant 0 : i32
      %dma_start3A_55 = tpu.memref_slice %arg13[%mul3A_41, %dma_start3A_54] : memref<10000x64xf32, #tpu.memory_space<vmem_shared>> -> memref<624x64xf32, #tpu.memory_space<vmem_shared>>
      tpu.enqueue_dma source(%dma_start3A_55 : memref<624x64xf32, #tpu.memory_space<vmem_shared>>) target(%dma_start3A_53 : memref<624x64xf32, #tpu.memory_space<hbm>>) target_semaphore(%run_scoped3A : memref<!tpu.dma_semaphore, #tpu.memory_space<semaphore_mem>>)
      %dma_wait3A_56 = arith.constant 0 : i32
      %dma_wait3A_57 = tpu.memref_slice %arg6[%add3A_46, %dma_wait3A_56] : memref<20000x64xf32, #tpu.memory_space<hbm>> -> memref<624x64xf32, #tpu.memory_space<hbm>>
      %dma_wait3A_58 = arith.constant 0 : i32
      %dma_wait3A_59 = tpu.memref_slice %arg13[%mul3A_41, %dma_wait3A_58] : memref<10000x64xf32, #tpu.memory_space<vmem_shared>> -> memref<624x64xf32, #tpu.memory_space<vmem_shared>>
      tpu.wait_dma2 semaphore(%run_scoped3A : memref<!tpu.dma_semaphore, #tpu.memory_space<semaphore_mem>>) src(%dma_wait3A_59 : memref<624x64xf32, #tpu.memory_space<vmem_shared>>) dst(%dma_wait3A_57 : memref<624x64xf32, #tpu.memory_space<hbm>>)
      tpu.yield
    }) : () -> ()
    %eq3A_47 = arith.constant 0 : i32
    %eq3A_48 = arith.cmpi eq, %arg1, %eq3A_47 : i32
    %convert_element_type3A_49 = arith.extui %eq3A_48 : i1 to i32
    %cond3A_50 = arith.constant 0 : i32
    %cond3A_51 = arith.cmpi ne, %convert_element_type3A_49, %cond3A_50 : i32
    scf.if %cond3A_51 {
      %mul3A_52 = arith.constant 10000 : i32
      %mul3A_53 = arith.muli %arg0, %mul3A_52 : i32
      %add3A_54 = arith.constant 9984 : i32
      %add3A_55 = arith.addi %mul3A_53, %add3A_54 : i32
      "tpu.region"() ({
        %run_scoped3A = tpu.sem_alloc : memref<!tpu.dma_semaphore, #tpu.memory_space<semaphore_mem>>
        %dma_start3A_56 = arith.constant 0 : i32
        %dma_start3A_57 = tpu.memref_slice %arg6[%add3A_55, %dma_start3A_56] : memref<20000x64xf32, #tpu.memory_space<hbm>> -> memref<16x64xf32, #tpu.memory_space<hbm>>
        %dma_start3A_58 = arith.constant 9984 : i32
        %dma_start3A_59 = arith.constant 0 : i32
        %dma_start3A_60 = tpu.memref_slice %arg13[%dma_start3A_58, %dma_start3A_59] : memref<10000x64xf32, #tpu.memory_space<vmem_shared>> -> memref<16x64xf32, #tpu.memory_space<vmem_shared>>
        tpu.enqueue_dma source(%dma_start3A_60 : memref<16x64xf32, #tpu.memory_space<vmem_shared>>) target(%dma_start3A_57 : memref<16x64xf32, #tpu.memory_space<hbm>>) target_semaphore(%run_scoped3A : memref<!tpu.dma_semaphore, #tpu.memory_space<semaphore_mem>>)
        %dma_wait3A_61 = arith.constant 0 : i32
        %dma_wait3A_62 = tpu.memref_slice %arg6[%add3A_55, %dma_wait3A_61] : memref<20000x64xf32, #tpu.memory_space<hbm>> -> memref<16x64xf32, #tpu.memory_space<hbm>>
        %dma_wait3A_63 = arith.constant 9984 : i32
        %dma_wait3A_64 = arith.constant 0 : i32
        %dma_wait3A_65 = tpu.memref_slice %arg13[%dma_wait3A_63, %dma_wait3A_64] : memref<10000x64xf32, #tpu.memory_space<vmem_shared>> -> memref<16x64xf32, #tpu.memory_space<vmem_shared>>
        tpu.wait_dma2 semaphore(%run_scoped3A : memref<!tpu.dma_semaphore, #tpu.memory_space<semaphore_mem>>) src(%dma_wait3A_65 : memref<16x64xf32, #tpu.memory_space<vmem_shared>>) dst(%dma_wait3A_62 : memref<16x64xf32, #tpu.memory_space<hbm>>)
        tpu.yield
      }) : () -> ()
    } else {
    }
    return
  }
}

module attributes {stable_mosaic.version = 14 : i64} {
  func.func @_tc_pre_body(%arg0: memref<10000x128xf32, #tpu.memory_space<vmem>>, %arg1: memref<128x64xf32, #tpu.memory_space<vmem>>, %arg2: memref<128x64xf32, #tpu.memory_space<vmem>>, %arg3: memref<1x128xf32, #tpu.memory_space<vmem>>, %arg4: memref<5000x128xf32, #tpu.memory_space<vmem>>, %arg5: memref<5000x128xf32, #tpu.memory_space<vmem>>) attributes {dimension_semantics = [], scalar_prefetch = 0 : i64, scratch_operands = 0 : i64, tpu.core_type = #tpu.core_type<tc>} {
    %get3A = arith.constant 0 : index
    %get3A_0 = arith.constant 0 : index
    %get3A_1 = vector.load %arg0[%get3A, %get3A_0] : memref<10000x128xf32, #tpu.memory_space<vmem>>, vector<5000x128xf32>
    %get3A_2 = arith.constant 5000 : index
    %get3A_3 = arith.constant 0 : index
    %get3A_4 = vector.load %arg0[%get3A_2, %get3A_3] : memref<10000x128xf32, #tpu.memory_space<vmem>>, vector<5000x128xf32>
    %get3A_5 = arith.constant 0 : index
    %get3A_6 = arith.constant 0 : index
    %get3A_7 = vector.load %arg1[%get3A_5, %get3A_6] : memref<128x64xf32, #tpu.memory_space<vmem>>, vector<128x64xf32>
    %get3A_8 = arith.constant 0 : index
    %get3A_9 = arith.constant 0 : index
    %get3A_10 = vector.load %arg2[%get3A_8, %get3A_9] : memref<128x64xf32, #tpu.memory_space<vmem>>, vector<128x64xf32>
    %dot_general3A = arith.constant dense<0.000000e+00> : vector<5000x64xf32>
    %dot_general3A_11 = tpu.matmul %get3A_1, %get3A_7, %dot_general3A {dimension_numbers = #tpu.dot_dimension_numbers<[1], [0], [0], [1], [0, 0, 1, 1], [], []>, transpose_lhs_hint = false} : vector<5000x128xf32>, vector<128x64xf32>, vector<5000x64xf32> -> vector<5000x64xf32>
    %dot_general3A_12 = arith.constant dense<0.000000e+00> : vector<5000x64xf32>
    %dot_general3A_13 = tpu.matmul %get3A_4, %get3A_7, %dot_general3A_12 {dimension_numbers = #tpu.dot_dimension_numbers<[1], [0], [0], [1], [0, 0, 1, 1], [], []>, transpose_lhs_hint = false} : vector<5000x128xf32>, vector<128x64xf32>, vector<5000x64xf32> -> vector<5000x64xf32>
    %concatenate3A = tpu.concatenate %dot_general3A_11, %dot_general3A_13 in 1 : vector<5000x64xf32>, vector<5000x64xf32> -> vector<5000x128xf32>
    %swap3A = arith.constant 0 : index
    %swap3A_14 = arith.constant 0 : index
    %swap3A_15 = vector.load %arg4[%swap3A, %swap3A_14] : memref<5000x128xf32, #tpu.memory_space<vmem>>, vector<5000x128xf32>
    tpu.vector_store %arg4[%swap3A, %swap3A_14], %concatenate3A {strides = array<i32>} : memref<5000x128xf32, #tpu.memory_space<vmem>>, vector<5000x128xf32>,
    %dot_general3A_16 = arith.constant dense<0.000000e+00> : vector<5000x64xf32>
    %dot_general3A_17 = tpu.matmul %get3A_1, %get3A_10, %dot_general3A_16 {dimension_numbers = #tpu.dot_dimension_numbers<[1], [0], [0], [1], [0, 0, 1, 1], [], []>, transpose_lhs_hint = false} : vector<5000x128xf32>, vector<128x64xf32>, vector<5000x64xf32> -> vector<5000x64xf32>
    %dot_general3A_18 = arith.constant dense<0.000000e+00> : vector<5000x64xf32>
    %dot_general3A_19 = tpu.matmul %get3A_4, %get3A_10, %dot_general3A_18 {dimension_numbers = #tpu.dot_dimension_numbers<[1], [0], [0], [1], [0, 0, 1, 1], [], []>, transpose_lhs_hint = false} : vector<5000x128xf32>, vector<128x64xf32>, vector<5000x64xf32> -> vector<5000x64xf32>
    %concatenate3A_20 = tpu.concatenate %dot_general3A_17, %dot_general3A_19 in 1 : vector<5000x64xf32>, vector<5000x64xf32> -> vector<5000x128xf32>
    %get3A_21 = arith.constant 0 : index
    %get3A_22 = arith.constant 0 : index
    %get3A_23 = vector.load %arg3[%get3A_21, %get3A_22] : memref<1x128xf32, #tpu.memory_space<vmem>>, vector<1x128xf32>
    %add3A = vector.broadcast %get3A_23 : vector<1x128xf32> to vector<5000x128xf32>
    %add3A_24 = arith.addf %concatenate3A_20, %add3A : vector<5000x128xf32>
    %max3A = arith.constant 0.000000e+00 : f32
    %max3A_25 = vector.broadcast %max3A : f32 to vector<5000x128xf32>
    %max3A_26 = arith.maximumf %add3A_24, %max3A_25 : vector<5000x128xf32>
    %swap3A_27 = arith.constant 0 : index
    %swap3A_28 = arith.constant 0 : index
    %swap3A_29 = vector.load %arg5[%swap3A_27, %swap3A_28] : memref<5000x128xf32, #tpu.memory_space<vmem>>, vector<5000x128xf32>
    tpu.vector_store %arg5[%swap3A_27, %swap3A_28], %max3A_26 {strides = array<i32>} : memref<5000x128xf32, #tpu.memory_space<vmem>>, vector<5000x128xf32>,
    return
  }
}

module attributes {stable_mosaic.version = 14 : i64} {
  func.func @_tc_post_body(%arg0: memref<10000x128xf32, #tpu.memory_space<vmem>>, %arg1: memref<1x128xf32, #tpu.memory_space<vmem>>, %arg2: memref<5000x128xf32, #tpu.memory_space<vmem>>, %arg3: memref<1x128xf32, #tpu.memory_space<vmem>>, %arg4: memref<1x128xf32, #tpu.memory_space<vmem>>, %arg5: memref<64x64xf32, #tpu.memory_space<vmem>>, %arg6: memref<64x64xf32, #tpu.memory_space<vmem>>, %arg7: memref<1x128xf32, #tpu.memory_space<vmem>>, %arg8: memref<5000x128xf32, #tpu.memory_space<vmem>>, %arg9: memref<5000x128xf32, #tpu.memory_space<vmem>>) attributes {dimension_semantics = [], scalar_prefetch = 0 : i64, scratch_operands = 0 : i64, tpu.core_type = #tpu.core_type<tc>} {
    %get3A = arith.constant 0 : index
    %get3A_0 = arith.constant 0 : index
    %get3A_1 = vector.load %arg0[%get3A, %get3A_0] : memref<10000x128xf32, #tpu.memory_space<vmem>>, vector<5000x128xf32>
    %get3A_2 = arith.constant 5000 : index
    %get3A_3 = arith.constant 0 : index
    %get3A_4 = vector.load %arg0[%get3A_2, %get3A_3] : memref<10000x128xf32, #tpu.memory_space<vmem>>, vector<5000x128xf32>
    %add3A = arith.addf %get3A_1, %get3A_4 : vector<5000x128xf32>
    %get3A_5 = arith.constant 0 : index
    %get3A_6 = arith.constant 0 : index
    %get3A_7 = vector.load %arg1[%get3A_5, %get3A_6] : memref<1x128xf32, #tpu.memory_space<vmem>>, vector<1x128xf32>
    %add3A_8 = vector.broadcast %get3A_7 : vector<1x128xf32> to vector<5000x128xf32>
    %add3A_9 = arith.addf %add3A, %add3A_8 : vector<5000x128xf32>
    %max3A = arith.constant 0.000000e+00 : f32
    %max3A_10 = vector.broadcast %max3A : f32 to vector<5000x128xf32>
    %max3A_11 = arith.maximumf %add3A_9, %max3A_10 : vector<5000x128xf32>
    %get3A_12 = arith.constant 0 : index
    %get3A_13 = arith.constant 0 : index
    %get3A_14 = vector.load %arg2[%get3A_12, %get3A_13] : memref<5000x128xf32, #tpu.memory_space<vmem>>, vector<5000x128xf32>
    %add3A_15 = arith.addf %max3A_11, %get3A_14 : vector<5000x128xf32>
    %reduce_sum3A = arith.constant dense<0.000000e+00> : vector<128xf32>
    %reduce_sum3A_16 = vector.multi_reduction <add>, %add3A_15, %reduce_sum3A [0] : vector<5000x128xf32> to vector<128xf32>
    %broadcast_in_dim3A = vector.shape_cast %reduce_sum3A_16 : vector<128xf32> to vector<1x128xf32>
    %div3A = arith.constant 5.000000e+03 : f32
    %div3A_17 = vector.broadcast %div3A : f32 to vector<1x128xf32>
    %div3A_18 = arith.divf %broadcast_in_dim3A, %div3A_17 : vector<1x128xf32>
    %slice3A = vector.extract_strided_slice %div3A_18 {offsets = [0, 0], sizes = [1, 64], strides = [1, 1]} : vector<1x128xf32> to vector<1x64xf32>
    %slice3A_19 = vector.extract_strided_slice %div3A_18 {offsets = [0, 64], sizes = [1, 64], strides = [1, 1]} : vector<1x128xf32> to vector<1x64xf32>
    %add3A_20 = arith.addf %slice3A, %slice3A_19 : vector<1x64xf32>
    %mul3A = arith.constant 5.000000e-01 : f32
    %mul3A_21 = vector.broadcast %mul3A : f32 to vector<1x64xf32>
    %mul3A_22 = arith.mulf %add3A_20, %mul3A_21 : vector<1x64xf32>
    %concatenate3A = tpu.concatenate %mul3A_22, %mul3A_22 in 1 : vector<1x64xf32>, vector<1x64xf32> -> vector<1x128xf32>
    %sub3A = vector.broadcast %concatenate3A : vector<1x128xf32> to vector<5000x128xf32>
    %sub3A_23 = arith.subf %add3A_15, %sub3A : vector<5000x128xf32>
    %mul3A_24 = arith.mulf %sub3A_23, %sub3A_23 : vector<5000x128xf32>
    %reduce_sum3A_25 = arith.constant dense<0.000000e+00> : vector<128xf32>
    %reduce_sum3A_26 = vector.multi_reduction <add>, %mul3A_24, %reduce_sum3A_25 [0] : vector<5000x128xf32> to vector<128xf32>
    %broadcast_in_dim3A_27 = vector.shape_cast %reduce_sum3A_26 : vector<128xf32> to vector<1x128xf32>
    %div3A_28 = arith.constant 5.000000e+03 : f32
    %div3A_29 = vector.broadcast %div3A_28 : f32 to vector<1x128xf32>
    %div3A_30 = arith.divf %broadcast_in_dim3A_27, %div3A_29 : vector<1x128xf32>
    %slice3A_31 = vector.extract_strided_slice %div3A_30 {offsets = [0, 0], sizes = [1, 64], strides = [1, 1]} : vector<1x128xf32> to vector<1x64xf32>
    %slice3A_32 = vector.extract_strided_slice %div3A_30 {offsets = [0, 64], sizes = [1, 64], strides = [1, 1]} : vector<1x128xf32> to vector<1x64xf32>
    %add3A_33 = arith.addf %slice3A_31, %slice3A_32 : vector<1x64xf32>
    %mul3A_34 = arith.constant 5.000000e-01 : f32
    %mul3A_35 = vector.broadcast %mul3A_34 : f32 to vector<1x64xf32>
    %mul3A_36 = arith.mulf %add3A_33, %mul3A_35 : vector<1x64xf32>
    %concatenate3A_37 = tpu.concatenate %mul3A_36, %mul3A_36 in 1 : vector<1x64xf32>, vector<1x64xf32> -> vector<1x128xf32>
    %add3A_38 = arith.constant 9.99999974E-6 : f32
    %add3A_39 = vector.broadcast %add3A_38 : f32 to vector<1x128xf32>
    %add3A_40 = arith.addf %concatenate3A_37, %add3A_39 : vector<1x128xf32>
    %rsqrt3A = math.rsqrt %add3A_40 : vector<1x128xf32>
    %mul3A_41 = vector.broadcast %rsqrt3A : vector<1x128xf32> to vector<5000x128xf32>
    %mul3A_42 = arith.mulf %sub3A_23, %mul3A_41 : vector<5000x128xf32>
    %get3A_43 = arith.constant 0 : index
    %get3A_44 = arith.constant 0 : index
    %get3A_45 = vector.load %arg3[%get3A_43, %get3A_44] : memref<1x128xf32, #tpu.memory_space<vmem>>, vector<1x128xf32>
    %mul3A_46 = vector.broadcast %get3A_45 : vector<1x128xf32> to vector<5000x128xf32>
    %mul3A_47 = arith.mulf %mul3A_42, %mul3A_46 : vector<5000x128xf32>
    %get3A_48 = arith.constant 0 : index
    %get3A_49 = arith.constant 0 : index
    %get3A_50 = vector.load %arg4[%get3A_48, %get3A_49] : memref<1x128xf32, #tpu.memory_space<vmem>>, vector<1x128xf32>
    %add3A_51 = vector.broadcast %get3A_50 : vector<1x128xf32> to vector<5000x128xf32>
    %add3A_52 = arith.addf %mul3A_47, %add3A_51 : vector<5000x128xf32>
    %get3A_53 = arith.constant 0 : index
    %get3A_54 = arith.constant 0 : index
    %get3A_55 = vector.load %arg5[%get3A_53, %get3A_54] : memref<64x64xf32, #tpu.memory_space<vmem>>, vector<64x64xf32>
    %slice3A_56 = vector.extract_strided_slice %add3A_52 {offsets = [0, 0], sizes = [5000, 64], strides = [1, 1]} : vector<5000x128xf32> to vector<5000x64xf32>
    %dot_general3A = arith.constant dense<0.000000e+00> : vector<5000x64xf32>
    %dot_general3A_57 = tpu.matmul %slice3A_56, %get3A_55, %dot_general3A {dimension_numbers = #tpu.dot_dimension_numbers<[1], [0], [0], [1], [0, 0, 1, 1], [], []>, transpose_lhs_hint = false} : vector<5000x64xf32>, vector<64x64xf32>, vector<5000x64xf32> -> vector<5000x64xf32>
    %slice3A_58 = vector.extract_strided_slice %add3A_52 {offsets = [0, 64], sizes = [5000, 64], strides = [1, 1]} : vector<5000x128xf32> to vector<5000x64xf32>
    %dot_general3A_59 = arith.constant dense<0.000000e+00> : vector<5000x64xf32>
    %dot_general3A_60 = tpu.matmul %slice3A_58, %get3A_55, %dot_general3A_59 {dimension_numbers = #tpu.dot_dimension_numbers<[1], [0], [0], [1], [0, 0, 1, 1], [], []>, transpose_lhs_hint = false} : vector<5000x64xf32>, vector<64x64xf32>, vector<5000x64xf32> -> vector<5000x64xf32>
    %concatenate3A_61 = tpu.concatenate %dot_general3A_57, %dot_general3A_60 in 1 : vector<5000x64xf32>, vector<5000x64xf32> -> vector<5000x128xf32>
    %swap3A = arith.constant 0 : index
    %swap3A_62 = arith.constant 0 : index
    %swap3A_63 = vector.load %arg8[%swap3A, %swap3A_62] : memref<5000x128xf32, #tpu.memory_space<vmem>>, vector<5000x128xf32>
    tpu.vector_store %arg8[%swap3A, %swap3A_62], %concatenate3A_61 {strides = array<i32>} : memref<5000x128xf32, #tpu.memory_space<vmem>>, vector<5000x128xf32>,
    %get3A_64 = arith.constant 0 : index
    %get3A_65 = arith.constant 0 : index
    %get3A_66 = vector.load %arg6[%get3A_64, %get3A_65] : memref<64x64xf32, #tpu.memory_space<vmem>>, vector<64x64xf32>
    %slice3A_67 = vector.extract_strided_slice %add3A_52 {offsets = [0, 0], sizes = [5000, 64], strides = [1, 1]} : vector<5000x128xf32> to vector<5000x64xf32>
    %dot_general3A_68 = arith.constant dense<0.000000e+00> : vector<5000x64xf32>
    %dot_general3A_69 = tpu.matmul %slice3A_67, %get3A_66, %dot_general3A_68 {dimension_numbers = #tpu.dot_dimension_numbers<[1], [0], [0], [1], [0, 0, 1, 1], [], []>, transpose_lhs_hint = false} : vector<5000x64xf32>, vector<64x64xf32>, vector<5000x64xf32> -> vector<5000x64xf32>
    %slice3A_70 = vector.extract_strided_slice %add3A_52 {offsets = [0, 64], sizes = [5000, 64], strides = [1, 1]} : vector<5000x128xf32> to vector<5000x64xf32>
    %dot_general3A_71 = arith.constant dense<0.000000e+00> : vector<5000x64xf32>
    %dot_general3A_72 = tpu.matmul %slice3A_70, %get3A_66, %dot_general3A_71 {dimension_numbers = #tpu.dot_dimension_numbers<[1], [0], [0], [1], [0, 0, 1, 1], [], []>, transpose_lhs_hint = false} : vector<5000x64xf32>, vector<64x64xf32>, vector<5000x64xf32> -> vector<5000x64xf32>
    %concatenate3A_73 = tpu.concatenate %dot_general3A_69, %dot_general3A_72 in 1 : vector<5000x64xf32>, vector<5000x64xf32> -> vector<5000x128xf32>
    %get3A_74 = arith.constant 0 : index
    %get3A_75 = arith.constant 0 : index
    %get3A_76 = vector.load %arg7[%get3A_74, %get3A_75] : memref<1x128xf32, #tpu.memory_space<vmem>>, vector<1x128xf32>
    %add3A_77 = vector.broadcast %get3A_76 : vector<1x128xf32> to vector<5000x128xf32>
    %add3A_78 = arith.addf %concatenate3A_73, %add3A_77 : vector<5000x128xf32>
    %max3A_79 = arith.constant 0.000000e+00 : f32
    %max3A_80 = vector.broadcast %max3A_79 : f32 to vector<5000x128xf32>
    %max3A_81 = arith.maximumf %add3A_78, %max3A_80 : vector<5000x128xf32>
    %swap3A_82 = arith.constant 0 : index
    %swap3A_83 = arith.constant 0 : index
    %swap3A_84 = vector.load %arg9[%swap3A_82, %swap3A_83] : memref<5000x128xf32, #tpu.memory_space<vmem>>, vector<5000x128xf32>
    tpu.vector_store %arg9[%swap3A_82, %swap3A_83], %max3A_81 {strides = array<i32>} : memref<5000x128xf32, #tpu.memory_space<vmem>>, vector<5000x128xf32>,
    return
  }
}

module attributes {stable_mosaic.version = 14 : i64} {
  func.func @_tc_post3_body(%arg0: memref<10000x128xf32, #tpu.memory_space<vmem>>, %arg1: memref<1x128xf32, #tpu.memory_space<vmem>>, %arg2: memref<5000x128xf32, #tpu.memory_space<vmem>>, %arg3: memref<1x128xf32, #tpu.memory_space<vmem>>, %arg4: memref<1x128xf32, #tpu.memory_space<vmem>>, %arg5: memref<1x64xf32, #tpu.memory_space<vmem>>, %arg6: memref<1x1xf32, #tpu.memory_space<vmem>>, %arg7: memref<5120x128xf32, #tpu.memory_space<vmem>>, %arg8: memref<5120x128xf32, #tpu.memory_space<vmem>>) attributes {dimension_semantics = [], scalar_prefetch = 0 : i64, scratch_operands = 0 : i64, tpu.core_type = #tpu.core_type<tc>} {
    %get3A = arith.constant 0 : index
    %get3A_0 = arith.constant 0 : index
    %get3A_1 = vector.load %arg0[%get3A, %get3A_0] : memref<10000x128xf32, #tpu.memory_space<vmem>>, vector<5000x128xf32>
    %get3A_2 = arith.constant 5000 : index
    %get3A_3 = arith.constant 0 : index
    %get3A_4 = vector.load %arg0[%get3A_2, %get3A_3] : memref<10000x128xf32, #tpu.memory_space<vmem>>, vector<5000x128xf32>
    %add3A = arith.addf %get3A_1, %get3A_4 : vector<5000x128xf32>
    %get3A_5 = arith.constant 0 : index
    %get3A_6 = arith.constant 0 : index
    %get3A_7 = vector.load %arg1[%get3A_5, %get3A_6] : memref<1x128xf32, #tpu.memory_space<vmem>>, vector<1x128xf32>
    %add3A_8 = vector.broadcast %get3A_7 : vector<1x128xf32> to vector<5000x128xf32>
    %add3A_9 = arith.addf %add3A, %add3A_8 : vector<5000x128xf32>
    %max3A = arith.constant 0.000000e+00 : f32
    %max3A_10 = vector.broadcast %max3A : f32 to vector<5000x128xf32>
    %max3A_11 = arith.maximumf %add3A_9, %max3A_10 : vector<5000x128xf32>
    %get3A_12 = arith.constant 0 : index
    %get3A_13 = arith.constant 0 : index
    %get3A_14 = vector.load %arg2[%get3A_12, %get3A_13] : memref<5000x128xf32, #tpu.memory_space<vmem>>, vector<5000x128xf32>
    %add3A_15 = arith.addf %max3A_11, %get3A_14 : vector<5000x128xf32>
    %reduce_sum3A = arith.constant dense<0.000000e+00> : vector<128xf32>
    %reduce_sum3A_16 = vector.multi_reduction <add>, %add3A_15, %reduce_sum3A [0] : vector<5000x128xf32> to vector<128xf32>
    %broadcast_in_dim3A = vector.shape_cast %reduce_sum3A_16 : vector<128xf32> to vector<1x128xf32>
    %div3A = arith.constant 5.000000e+03 : f32
    %div3A_17 = vector.broadcast %div3A : f32 to vector<1x128xf32>
    %div3A_18 = arith.divf %broadcast_in_dim3A, %div3A_17 : vector<1x128xf32>
    %slice3A = vector.extract_strided_slice %div3A_18 {offsets = [0, 0], sizes = [1, 64], strides = [1, 1]} : vector<1x128xf32> to vector<1x64xf32>
    %slice3A_19 = vector.extract_strided_slice %div3A_18 {offsets = [0, 64], sizes = [1, 64], strides = [1, 1]} : vector<1x128xf32> to vector<1x64xf32>
    %add3A_20 = arith.addf %slice3A, %slice3A_19 : vector<1x64xf32>
    %mul3A = arith.constant 5.000000e-01 : f32
    %mul3A_21 = vector.broadcast %mul3A : f32 to vector<1x64xf32>
    %mul3A_22 = arith.mulf %add3A_20, %mul3A_21 : vector<1x64xf32>
    %concatenate3A = tpu.concatenate %mul3A_22, %mul3A_22 in 1 : vector<1x64xf32>, vector<1x64xf32> -> vector<1x128xf32>
    %sub3A = vector.broadcast %concatenate3A : vector<1x128xf32> to vector<5000x128xf32>
    %sub3A_23 = arith.subf %add3A_15, %sub3A : vector<5000x128xf32>
    %mul3A_24 = arith.mulf %sub3A_23, %sub3A_23 : vector<5000x128xf32>
    %reduce_sum3A_25 = arith.constant dense<0.000000e+00> : vector<128xf32>
    %reduce_sum3A_26 = vector.multi_reduction <add>, %mul3A_24, %reduce_sum3A_25 [0] : vector<5000x128xf32> to vector<128xf32>
    %broadcast_in_dim3A_27 = vector.shape_cast %reduce_sum3A_26 : vector<128xf32> to vector<1x128xf32>
    %div3A_28 = arith.constant 5.000000e+03 : f32
    %div3A_29 = vector.broadcast %div3A_28 : f32 to vector<1x128xf32>
    %div3A_30 = arith.divf %broadcast_in_dim3A_27, %div3A_29 : vector<1x128xf32>
    %slice3A_31 = vector.extract_strided_slice %div3A_30 {offsets = [0, 0], sizes = [1, 64], strides = [1, 1]} : vector<1x128xf32> to vector<1x64xf32>
    %slice3A_32 = vector.extract_strided_slice %div3A_30 {offsets = [0, 64], sizes = [1, 64], strides = [1, 1]} : vector<1x128xf32> to vector<1x64xf32>
    %add3A_33 = arith.addf %slice3A_31, %slice3A_32 : vector<1x64xf32>
    %mul3A_34 = arith.constant 5.000000e-01 : f32
    %mul3A_35 = vector.broadcast %mul3A_34 : f32 to vector<1x64xf32>
    %mul3A_36 = arith.mulf %add3A_33, %mul3A_35 : vector<1x64xf32>
    %concatenate3A_37 = tpu.concatenate %mul3A_36, %mul3A_36 in 1 : vector<1x64xf32>, vector<1x64xf32> -> vector<1x128xf32>
    %add3A_38 = arith.constant 9.99999974E-6 : f32
    %add3A_39 = vector.broadcast %add3A_38 : f32 to vector<1x128xf32>
    %add3A_40 = arith.addf %concatenate3A_37, %add3A_39 : vector<1x128xf32>
    %rsqrt3A = math.rsqrt %add3A_40 : vector<1x128xf32>
    %mul3A_41 = vector.broadcast %rsqrt3A : vector<1x128xf32> to vector<5000x128xf32>
    %mul3A_42 = arith.mulf %sub3A_23, %mul3A_41 : vector<5000x128xf32>
    %get3A_43 = arith.constant 0 : index
    %get3A_44 = arith.constant 0 : index
    %get3A_45 = vector.load %arg3[%get3A_43, %get3A_44] : memref<1x128xf32, #tpu.memory_space<vmem>>, vector<1x128xf32>
    %mul3A_46 = vector.broadcast %get3A_45 : vector<1x128xf32> to vector<5000x128xf32>
    %mul3A_47 = arith.mulf %mul3A_42, %mul3A_46 : vector<5000x128xf32>
    %get3A_48 = arith.constant 0 : index
    %get3A_49 = arith.constant 0 : index
    %get3A_50 = vector.load %arg4[%get3A_48, %get3A_49] : memref<1x128xf32, #tpu.memory_space<vmem>>, vector<1x128xf32>
    %add3A_51 = vector.broadcast %get3A_50 : vector<1x128xf32> to vector<5000x128xf32>
    %add3A_52 = arith.addf %mul3A_47, %add3A_51 : vector<5000x128xf32>
    %get3A_53 = arith.constant 0 : index
    %get3A_54 = arith.constant 0 : index
    %get3A_55 = vector.load %arg5[%get3A_53, %get3A_54] : memref<1x64xf32, #tpu.memory_space<vmem>>, vector<1x64xf32>
    %get3A_56 = arith.constant 0 : index
    %get3A_57 = arith.constant 0 : index
    %get3A_58 = vector.load %arg6[%get3A_56, %get3A_57] : memref<1x1xf32, #tpu.memory_space<vmem>>, vector<1x1xf32>
    %slice3A_59 = vector.extract_strided_slice %add3A_52 {offsets = [0, 0], sizes = [5000, 64], strides = [1, 1]} : vector<5000x128xf32> to vector<5000x64xf32>
    %mul3A_60 = vector.broadcast %get3A_55 : vector<1x64xf32> to vector<5000x64xf32>
    %mul3A_61 = arith.mulf %slice3A_59, %mul3A_60 : vector<5000x64xf32>
    %reduce_sum3A_62 = arith.constant dense<0.000000e+00> : vector<5000xf32>
    %reduce_sum3A_63 = vector.multi_reduction <add>, %mul3A_61, %reduce_sum3A_62 [1] : vector<5000x64xf32> to vector<5000xf32>
    %broadcast_in_dim3A_64 = vector.shape_cast %reduce_sum3A_63 : vector<5000xf32> to vector<5000x1xf32>
    %add3A_65 = vector.broadcast %get3A_58 : vector<1x1xf32> to vector<5000x1xf32>
    %add3A_66 = arith.addf %broadcast_in_dim3A_64, %add3A_65 : vector<5000x1xf32>
    %logistic3A = arith.negf %add3A_66 : vector<5000x1xf32>
    %logistic3A_67 = math.exp %logistic3A : vector<5000x1xf32>
    %logistic3A_68 = arith.constant 1.000000e+00 : f32
    %logistic3A_69 = vector.broadcast %logistic3A_68 : f32 to vector<5000x1xf32>
    %logistic3A_70 = arith.addf %logistic3A_69, %logistic3A_67 : vector<5000x1xf32>
    %logistic3A_71 = arith.divf %logistic3A_69, %logistic3A_70 : vector<5000x1xf32>
    %slice3A_72 = vector.extract_strided_slice %add3A_52 {offsets = [0, 64], sizes = [5000, 64], strides = [1, 1]} : vector<5000x128xf32> to vector<5000x64xf32>
    %mul3A_73 = vector.broadcast %get3A_55 : vector<1x64xf32> to vector<5000x64xf32>
    %mul3A_74 = arith.mulf %slice3A_72, %mul3A_73 : vector<5000x64xf32>
    %reduce_sum3A_75 = arith.constant dense<0.000000e+00> : vector<5000xf32>
    %reduce_sum3A_76 = vector.multi_reduction <add>, %mul3A_74, %reduce_sum3A_75 [1] : vector<5000x64xf32> to vector<5000xf32>
    %broadcast_in_dim3A_77 = vector.shape_cast %reduce_sum3A_76 : vector<5000xf32> to vector<5000x1xf32>
    %add3A_78 = vector.broadcast %get3A_58 : vector<1x1xf32> to vector<5000x1xf32>
    %add3A_79 = arith.addf %broadcast_in_dim3A_77, %add3A_78 : vector<5000x1xf32>
    %logistic3A_80 = arith.negf %add3A_79 : vector<5000x1xf32>
    %logistic3A_81 = math.exp %logistic3A_80 : vector<5000x1xf32>
    %logistic3A_82 = arith.constant 1.000000e+00 : f32
    %logistic3A_83 = vector.broadcast %logistic3A_82 : f32 to vector<5000x1xf32>
    %logistic3A_84 = arith.addf %logistic3A_83, %logistic3A_81 : vector<5000x1xf32>
    %logistic3A_85 = arith.divf %logistic3A_83, %logistic3A_84 : vector<5000x1xf32>
    %slice3A_86 = vector.extract_strided_slice %add3A_52 {offsets = [0, 0], sizes = [5000, 64], strides = [1, 1]} : vector<5000x128xf32> to vector<5000x64xf32>
    %mul3A_87 = vector.broadcast %logistic3A_71 : vector<5000x1xf32> to vector<5000x64xf32>
    %mul3A_88 = arith.mulf %mul3A_87, %slice3A_86 : vector<5000x64xf32>
    %slice3A_89 = vector.extract_strided_slice %add3A_52 {offsets = [0, 64], sizes = [5000, 64], strides = [1, 1]} : vector<5000x128xf32> to vector<5000x64xf32>
    %mul3A_90 = vector.broadcast %logistic3A_85 : vector<5000x1xf32> to vector<5000x64xf32>
    %mul3A_91 = arith.mulf %mul3A_90, %slice3A_89 : vector<5000x64xf32>
    %concatenate3A_92 = tpu.concatenate %mul3A_88, %mul3A_91 in 1 : vector<5000x64xf32>, vector<5000x64xf32> -> vector<5000x128xf32>
    %broadcast_in_dim3A_93 = arith.constant 0.000000e+00 : f32
    %broadcast_in_dim3A_94 = vector.broadcast %broadcast_in_dim3A_93 : f32 to vector<120x128xf32>
    %swap3A = arith.constant 0 : index
    %swap3A_95 = arith.constant 0 : index
    %swap3A_96 = vector.load %arg7[%swap3A, %swap3A_95] : memref<5120x128xf32, #tpu.memory_space<vmem>>, vector<5000x128xf32>
    tpu.vector_store %arg7[%swap3A, %swap3A_95], %add3A_52 {strides = array<i32>} : memref<5120x128xf32, #tpu.memory_space<vmem>>, vector<5000x128xf32>,
    %swap3A_97 = arith.constant 5000 : index
    %swap3A_98 = arith.constant 0 : index
    %swap3A_99 = vector.load %arg7[%swap3A_97, %swap3A_98] : memref<5120x128xf32, #tpu.memory_space<vmem>>, vector<120x128xf32>
    tpu.vector_store %arg7[%swap3A_97, %swap3A_98], %broadcast_in_dim3A_94 {strides = array<i32>} : memref<5120x128xf32, #tpu.memory_space<vmem>>, vector<120x128xf32>,
    %swap3A_100 = arith.constant 0 : index
    %swap3A_101 = arith.constant 0 : index
    %swap3A_102 = vector.load %arg8[%swap3A_100, %swap3A_101] : memref<5120x128xf32, #tpu.memory_space<vmem>>, vector<5000x128xf32>
    tpu.vector_store %arg8[%swap3A_100, %swap3A_101], %concatenate3A_92 {strides = array<i32>} : memref<5120x128xf32, #tpu.memory_space<vmem>>, vector<5000x128xf32>,
    %swap3A_103 = arith.constant 5000 : index
    %swap3A_104 = arith.constant 0 : index
    %swap3A_105 = vector.load %arg8[%swap3A_103, %swap3A_104] : memref<5120x128xf32, #tpu.memory_space<vmem>>, vector<120x128xf32>
    tpu.vector_store %arg8[%swap3A_103, %swap3A_104], %broadcast_in_dim3A_94 {strides = array<i32>} : memref<5120x128xf32, #tpu.memory_space<vmem>>, vector<120x128xf32>,
    return
  }
}

module attributes {stable_mosaic.version = 14 : i64} {
  func.func @_tc_final_body(%arg0: memref<512x64xf32, #tpu.memory_space<vmem>>, %arg1: memref<32x272x64xf32, #tpu.memory_space<vmem>>, %arg2: memref<128x256xf32, #tpu.memory_space<vmem>>, %arg3: memref<1x256xf32, #tpu.memory_space<vmem>>, %arg4: memref<256x256xf32, #tpu.memory_space<vmem>>) attributes {dimension_semantics = [], scalar_prefetch = 0 : i64, scratch_operands = 0 : i64, tpu.core_type = #tpu.core_type<tc>} {
    %get3A = arith.constant 0 : index
    %get3A_0 = arith.constant 0 : index
    %get3A_1 = vector.load %arg0[%get3A, %get3A_0] : memref<512x64xf32, #tpu.memory_space<vmem>>, vector<256x64xf32>
    %get3A_2 = arith.constant 256 : index
    %get3A_3 = arith.constant 0 : index
    %get3A_4 = vector.load %arg0[%get3A_2, %get3A_3] : memref<512x64xf32, #tpu.memory_space<vmem>>, vector<256x64xf32>
    %add3A = arith.addf %get3A_1, %get3A_4 : vector<256x64xf32>
    %get3A_5 = arith.constant 0 : index
    %get3A_6 = arith.constant 0 : index
    %get3A_7 = arith.constant 0 : index
    %get3A_8 = vector.load %arg1[%get3A_5, %get3A_6, %get3A_7] : memref<32x272x64xf32, #tpu.memory_space<vmem>>, vector<1x256x64xf32>
    %get3A_9 = vector.shape_cast %get3A_8 : vector<1x256x64xf32> to vector<256x64xf32>
    %get3A_10 = arith.constant 1 : index
    %get3A_11 = arith.constant 0 : index
    %get3A_12 = arith.constant 0 : index
    %get3A_13 = vector.load %arg1[%get3A_10, %get3A_11, %get3A_12] : memref<32x272x64xf32, #tpu.memory_space<vmem>>, vector<1x256x64xf32>
    %get3A_14 = vector.shape_cast %get3A_13 : vector<1x256x64xf32> to vector<256x64xf32>
    %max3A = arith.maximumf %get3A_9, %get3A_14 : vector<256x64xf32>
    %get3A_15 = arith.constant 2 : index
    %get3A_16 = arith.constant 0 : index
    %get3A_17 = arith.constant 0 : index
    %get3A_18 = vector.load %arg1[%get3A_15, %get3A_16, %get3A_17] : memref<32x272x64xf32, #tpu.memory_space<vmem>>, vector<1x256x64xf32>
    %get3A_19 = vector.shape_cast %get3A_18 : vector<1x256x64xf32> to vector<256x64xf32>
    %max3A_20 = arith.maximumf %max3A, %get3A_19 : vector<256x64xf32>
    %get3A_21 = arith.constant 3 : index
    %get3A_22 = arith.constant 0 : index
    %get3A_23 = arith.constant 0 : index
    %get3A_24 = vector.load %arg1[%get3A_21, %get3A_22, %get3A_23] : memref<32x272x64xf32, #tpu.memory_space<vmem>>, vector<1x256x64xf32>
    %get3A_25 = vector.shape_cast %get3A_24 : vector<1x256x64xf32> to vector<256x64xf32>
    %max3A_26 = arith.maximumf %max3A_20, %get3A_25 : vector<256x64xf32>
    %get3A_27 = arith.constant 4 : index
    %get3A_28 = arith.constant 0 : index
    %get3A_29 = arith.constant 0 : index
    %get3A_30 = vector.load %arg1[%get3A_27, %get3A_28, %get3A_29] : memref<32x272x64xf32, #tpu.memory_space<vmem>>, vector<1x256x64xf32>
    %get3A_31 = vector.shape_cast %get3A_30 : vector<1x256x64xf32> to vector<256x64xf32>
    %max3A_32 = arith.maximumf %max3A_26, %get3A_31 : vector<256x64xf32>
    %get3A_33 = arith.constant 5 : index
    %get3A_34 = arith.constant 0 : index
    %get3A_35 = arith.constant 0 : index
    %get3A_36 = vector.load %arg1[%get3A_33, %get3A_34, %get3A_35] : memref<32x272x64xf32, #tpu.memory_space<vmem>>, vector<1x256x64xf32>
    %get3A_37 = vector.shape_cast %get3A_36 : vector<1x256x64xf32> to vector<256x64xf32>
    %max3A_38 = arith.maximumf %max3A_32, %get3A_37 : vector<256x64xf32>
    %get3A_39 = arith.constant 6 : index
    %get3A_40 = arith.constant 0 : index
    %get3A_41 = arith.constant 0 : index
    %get3A_42 = vector.load %arg1[%get3A_39, %get3A_40, %get3A_41] : memref<32x272x64xf32, #tpu.memory_space<vmem>>, vector<1x256x64xf32>
    %get3A_43 = vector.shape_cast %get3A_42 : vector<1x256x64xf32> to vector<256x64xf32>
    %max3A_44 = arith.maximumf %max3A_38, %get3A_43 : vector<256x64xf32>
    %get3A_45 = arith.constant 7 : index
    %get3A_46 = arith.constant 0 : index
    %get3A_47 = arith.constant 0 : index
    %get3A_48 = vector.load %arg1[%get3A_45, %get3A_46, %get3A_47] : memref<32x272x64xf32, #tpu.memory_space<vmem>>, vector<1x256x64xf32>
    %get3A_49 = vector.shape_cast %get3A_48 : vector<1x256x64xf32> to vector<256x64xf32>
    %max3A_50 = arith.maximumf %max3A_44, %get3A_49 : vector<256x64xf32>
    %get3A_51 = arith.constant 8 : index
    %get3A_52 = arith.constant 0 : index
    %get3A_53 = arith.constant 0 : index
    %get3A_54 = vector.load %arg1[%get3A_51, %get3A_52, %get3A_53] : memref<32x272x64xf32, #tpu.memory_space<vmem>>, vector<1x256x64xf32>
    %get3A_55 = vector.shape_cast %get3A_54 : vector<1x256x64xf32> to vector<256x64xf32>
    %max3A_56 = arith.maximumf %max3A_50, %get3A_55 : vector<256x64xf32>
    %get3A_57 = arith.constant 9 : index
    %get3A_58 = arith.constant 0 : index
    %get3A_59 = arith.constant 0 : index
    %get3A_60 = vector.load %arg1[%get3A_57, %get3A_58, %get3A_59] : memref<32x272x64xf32, #tpu.memory_space<vmem>>, vector<1x256x64xf32>
    %get3A_61 = vector.shape_cast %get3A_60 : vector<1x256x64xf32> to vector<256x64xf32>
    %max3A_62 = arith.maximumf %max3A_56, %get3A_61 : vector<256x64xf32>
    %get3A_63 = arith.constant 10 : index
    %get3A_64 = arith.constant 0 : index
    %get3A_65 = arith.constant 0 : index
    %get3A_66 = vector.load %arg1[%get3A_63, %get3A_64, %get3A_65] : memref<32x272x64xf32, #tpu.memory_space<vmem>>, vector<1x256x64xf32>
    %get3A_67 = vector.shape_cast %get3A_66 : vector<1x256x64xf32> to vector<256x64xf32>
    %max3A_68 = arith.maximumf %max3A_62, %get3A_67 : vector<256x64xf32>
    %get3A_69 = arith.constant 11 : index
    %get3A_70 = arith.constant 0 : index
    %get3A_71 = arith.constant 0 : index
    %get3A_72 = vector.load %arg1[%get3A_69, %get3A_70, %get3A_71] : memref<32x272x64xf32, #tpu.memory_space<vmem>>, vector<1x256x64xf32>
    %get3A_73 = vector.shape_cast %get3A_72 : vector<1x256x64xf32> to vector<256x64xf32>
    %max3A_74 = arith.maximumf %max3A_68, %get3A_73 : vector<256x64xf32>
    %get3A_75 = arith.constant 12 : index
    %get3A_76 = arith.constant 0 : index
    %get3A_77 = arith.constant 0 : index
    %get3A_78 = vector.load %arg1[%get3A_75, %get3A_76, %get3A_77] : memref<32x272x64xf32, #tpu.memory_space<vmem>>, vector<1x256x64xf32>
    %get3A_79 = vector.shape_cast %get3A_78 : vector<1x256x64xf32> to vector<256x64xf32>
    %max3A_80 = arith.maximumf %max3A_74, %get3A_79 : vector<256x64xf32>
    %get3A_81 = arith.constant 13 : index
    %get3A_82 = arith.constant 0 : index
    %get3A_83 = arith.constant 0 : index
    %get3A_84 = vector.load %arg1[%get3A_81, %get3A_82, %get3A_83] : memref<32x272x64xf32, #tpu.memory_space<vmem>>, vector<1x256x64xf32>
    %get3A_85 = vector.shape_cast %get3A_84 : vector<1x256x64xf32> to vector<256x64xf32>
    %max3A_86 = arith.maximumf %max3A_80, %get3A_85 : vector<256x64xf32>
    %get3A_87 = arith.constant 14 : index
    %get3A_88 = arith.constant 0 : index
    %get3A_89 = arith.constant 0 : index
    %get3A_90 = vector.load %arg1[%get3A_87, %get3A_88, %get3A_89] : memref<32x272x64xf32, #tpu.memory_space<vmem>>, vector<1x256x64xf32>
    %get3A_91 = vector.shape_cast %get3A_90 : vector<1x256x64xf32> to vector<256x64xf32>
    %max3A_92 = arith.maximumf %max3A_86, %get3A_91 : vector<256x64xf32>
    %get3A_93 = arith.constant 15 : index
    %get3A_94 = arith.constant 0 : index
    %get3A_95 = arith.constant 0 : index
    %get3A_96 = vector.load %arg1[%get3A_93, %get3A_94, %get3A_95] : memref<32x272x64xf32, #tpu.memory_space<vmem>>, vector<1x256x64xf32>
    %get3A_97 = vector.shape_cast %get3A_96 : vector<1x256x64xf32> to vector<256x64xf32>
    %max3A_98 = arith.maximumf %max3A_92, %get3A_97 : vector<256x64xf32>
    %get3A_99 = arith.constant 16 : index
    %get3A_100 = arith.constant 0 : index
    %get3A_101 = arith.constant 0 : index
    %get3A_102 = vector.load %arg1[%get3A_99, %get3A_100, %get3A_101] : memref<32x272x64xf32, #tpu.memory_space<vmem>>, vector<1x256x64xf32>
    %get3A_103 = vector.shape_cast %get3A_102 : vector<1x256x64xf32> to vector<256x64xf32>
    %max3A_104 = arith.maximumf %max3A_98, %get3A_103 : vector<256x64xf32>
    %get3A_105 = arith.constant 17 : index
    %get3A_106 = arith.constant 0 : index
    %get3A_107 = arith.constant 0 : index
    %get3A_108 = vector.load %arg1[%get3A_105, %get3A_106, %get3A_107] : memref<32x272x64xf32, #tpu.memory_space<vmem>>, vector<1x256x64xf32>
    %get3A_109 = vector.shape_cast %get3A_108 : vector<1x256x64xf32> to vector<256x64xf32>
    %max3A_110 = arith.maximumf %max3A_104, %get3A_109 : vector<256x64xf32>
    %get3A_111 = arith.constant 18 : index
    %get3A_112 = arith.constant 0 : index
    %get3A_113 = arith.constant 0 : index
    %get3A_114 = vector.load %arg1[%get3A_111, %get3A_112, %get3A_113] : memref<32x272x64xf32, #tpu.memory_space<vmem>>, vector<1x256x64xf32>
    %get3A_115 = vector.shape_cast %get3A_114 : vector<1x256x64xf32> to vector<256x64xf32>
    %max3A_116 = arith.maximumf %max3A_110, %get3A_115 : vector<256x64xf32>
    %get3A_117 = arith.constant 19 : index
    %get3A_118 = arith.constant 0 : index
    %get3A_119 = arith.constant 0 : index
    %get3A_120 = vector.load %arg1[%get3A_117, %get3A_118, %get3A_119] : memref<32x272x64xf32, #tpu.memory_space<vmem>>, vector<1x256x64xf32>
    %get3A_121 = vector.shape_cast %get3A_120 : vector<1x256x64xf32> to vector<256x64xf32>
    %max3A_122 = arith.maximumf %max3A_116, %get3A_121 : vector<256x64xf32>
    %get3A_123 = arith.constant 20 : index
    %get3A_124 = arith.constant 0 : index
    %get3A_125 = arith.constant 0 : index
    %get3A_126 = vector.load %arg1[%get3A_123, %get3A_124, %get3A_125] : memref<32x272x64xf32, #tpu.memory_space<vmem>>, vector<1x256x64xf32>
    %get3A_127 = vector.shape_cast %get3A_126 : vector<1x256x64xf32> to vector<256x64xf32>
    %max3A_128 = arith.maximumf %max3A_122, %get3A_127 : vector<256x64xf32>
    %get3A_129 = arith.constant 21 : index
    %get3A_130 = arith.constant 0 : index
    %get3A_131 = arith.constant 0 : index
    %get3A_132 = vector.load %arg1[%get3A_129, %get3A_130, %get3A_131] : memref<32x272x64xf32, #tpu.memory_space<vmem>>, vector<1x256x64xf32>
    %get3A_133 = vector.shape_cast %get3A_132 : vector<1x256x64xf32> to vector<256x64xf32>
    %max3A_134 = arith.maximumf %max3A_128, %get3A_133 : vector<256x64xf32>
    %get3A_135 = arith.constant 22 : index
    %get3A_136 = arith.constant 0 : index
    %get3A_137 = arith.constant 0 : index
    %get3A_138 = vector.load %arg1[%get3A_135, %get3A_136, %get3A_137] : memref<32x272x64xf32, #tpu.memory_space<vmem>>, vector<1x256x64xf32>
    %get3A_139 = vector.shape_cast %get3A_138 : vector<1x256x64xf32> to vector<256x64xf32>
    %max3A_140 = arith.maximumf %max3A_134, %get3A_139 : vector<256x64xf32>
    %get3A_141 = arith.constant 23 : index
    %get3A_142 = arith.constant 0 : index
    %get3A_143 = arith.constant 0 : index
    %get3A_144 = vector.load %arg1[%get3A_141, %get3A_142, %get3A_143] : memref<32x272x64xf32, #tpu.memory_space<vmem>>, vector<1x256x64xf32>
    %get3A_145 = vector.shape_cast %get3A_144 : vector<1x256x64xf32> to vector<256x64xf32>
    %max3A_146 = arith.maximumf %max3A_140, %get3A_145 : vector<256x64xf32>
    %get3A_147 = arith.constant 24 : index
    %get3A_148 = arith.constant 0 : index
    %get3A_149 = arith.constant 0 : index
    %get3A_150 = vector.load %arg1[%get3A_147, %get3A_148, %get3A_149] : memref<32x272x64xf32, #tpu.memory_space<vmem>>, vector<1x256x64xf32>
    %get3A_151 = vector.shape_cast %get3A_150 : vector<1x256x64xf32> to vector<256x64xf32>
    %max3A_152 = arith.maximumf %max3A_146, %get3A_151 : vector<256x64xf32>
    %get3A_153 = arith.constant 25 : index
    %get3A_154 = arith.constant 0 : index
    %get3A_155 = arith.constant 0 : index
    %get3A_156 = vector.load %arg1[%get3A_153, %get3A_154, %get3A_155] : memref<32x272x64xf32, #tpu.memory_space<vmem>>, vector<1x256x64xf32>
    %get3A_157 = vector.shape_cast %get3A_156 : vector<1x256x64xf32> to vector<256x64xf32>
    %max3A_158 = arith.maximumf %max3A_152, %get3A_157 : vector<256x64xf32>
    %get3A_159 = arith.constant 26 : index
    %get3A_160 = arith.constant 0 : index
    %get3A_161 = arith.constant 0 : index
    %get3A_162 = vector.load %arg1[%get3A_159, %get3A_160, %get3A_161] : memref<32x272x64xf32, #tpu.memory_space<vmem>>, vector<1x256x64xf32>
    %get3A_163 = vector.shape_cast %get3A_162 : vector<1x256x64xf32> to vector<256x64xf32>
    %max3A_164 = arith.maximumf %max3A_158, %get3A_163 : vector<256x64xf32>
    %get3A_165 = arith.constant 27 : index
    %get3A_166 = arith.constant 0 : index
    %get3A_167 = arith.constant 0 : index
    %get3A_168 = vector.load %arg1[%get3A_165, %get3A_166, %get3A_167] : memref<32x272x64xf32, #tpu.memory_space<vmem>>, vector<1x256x64xf32>
    %get3A_169 = vector.shape_cast %get3A_168 : vector<1x256x64xf32> to vector<256x64xf32>
    %max3A_170 = arith.maximumf %max3A_164, %get3A_169 : vector<256x64xf32>
    %get3A_171 = arith.constant 28 : index
    %get3A_172 = arith.constant 0 : index
    %get3A_173 = arith.constant 0 : index
    %get3A_174 = vector.load %arg1[%get3A_171, %get3A_172, %get3A_173] : memref<32x272x64xf32, #tpu.memory_space<vmem>>, vector<1x256x64xf32>
    %get3A_175 = vector.shape_cast %get3A_174 : vector<1x256x64xf32> to vector<256x64xf32>
    %max3A_176 = arith.maximumf %max3A_170, %get3A_175 : vector<256x64xf32>
    %get3A_177 = arith.constant 29 : index
    %get3A_178 = arith.constant 0 : index
    %get3A_179 = arith.constant 0 : index
    %get3A_180 = vector.load %arg1[%get3A_177, %get3A_178, %get3A_179] : memref<32x272x64xf32, #tpu.memory_space<vmem>>, vector<1x256x64xf32>
    %get3A_181 = vector.shape_cast %get3A_180 : vector<1x256x64xf32> to vector<256x64xf32>
    %max3A_182 = arith.maximumf %max3A_176, %get3A_181 : vector<256x64xf32>
    %get3A_183 = arith.constant 30 : index
    %get3A_184 = arith.constant 0 : index
    %get3A_185 = arith.constant 0 : index
    %get3A_186 = vector.load %arg1[%get3A_183, %get3A_184, %get3A_185] : memref<32x272x64xf32, #tpu.memory_space<vmem>>, vector<1x256x64xf32>
    %get3A_187 = vector.shape_cast %get3A_186 : vector<1x256x64xf32> to vector<256x64xf32>
    %max3A_188 = arith.maximumf %max3A_182, %get3A_187 : vector<256x64xf32>
    %get3A_189 = arith.constant 31 : index
    %get3A_190 = arith.constant 0 : index
    %get3A_191 = arith.constant 0 : index
    %get3A_192 = vector.load %arg1[%get3A_189, %get3A_190, %get3A_191] : memref<32x272x64xf32, #tpu.memory_space<vmem>>, vector<1x256x64xf32>
    %get3A_193 = vector.shape_cast %get3A_192 : vector<1x256x64xf32> to vector<256x64xf32>
    %max3A_194 = arith.maximumf %max3A_188, %get3A_193 : vector<256x64xf32>
    %concatenate3A = tpu.concatenate %add3A, %max3A_194 in 1 : vector<256x64xf32>, vector<256x64xf32> -> vector<256x128xf32>
    %get3A_195 = arith.constant 0 : index
    %get3A_196 = arith.constant 0 : index
    %get3A_197 = vector.load %arg2[%get3A_195, %get3A_196] : memref<128x256xf32, #tpu.memory_space<vmem>>, vector<128x256xf32>
    %dot_general3A = arith.constant dense<0.000000e+00> : vector<256x256xf32>
    %dot_general3A_198 = tpu.matmul %concatenate3A, %get3A_197, %dot_general3A {dimension_numbers = #tpu.dot_dimension_numbers<[1], [0], [0], [1], [0, 0, 1, 1], [], []>, transpose_lhs_hint = false} : vector<256x128xf32>, vector<128x256xf32>, vector<256x256xf32> -> vector<256x256xf32>
    %get3A_199 = arith.constant 0 : index
    %get3A_200 = arith.constant 0 : index
    %get3A_201 = vector.load %arg3[%get3A_199, %get3A_200] : memref<1x256xf32, #tpu.memory_space<vmem>>, vector<1x256xf32>
    %add3A_202 = vector.broadcast %get3A_201 : vector<1x256xf32> to vector<256x256xf32>
    %add3A_203 = arith.addf %dot_general3A_198, %add3A_202 : vector<256x256xf32>
    %swap3A = arith.constant 0 : index
    %swap3A_204 = arith.constant 0 : index
    %swap3A_205 = vector.load %arg4[%swap3A, %swap3A_204] : memref<256x256xf32, #tpu.memory_space<vmem>>, vector<256x256xf32>
    tpu.vector_store %arg4[%swap3A, %swap3A_204], %add3A_203 {strides = array<i32>} : memref<256x256xf32, #tpu.memory_space<vmem>>, vector<256x256xf32>,
    return
  }
}

</mosaic_0001>

<sc_bundles>
// kernel: kernel.11.cloned.1.call-start
scs
__scs_entry_jumppad:
0x0: {  	(pc) =	sbr.rel $0x88, $3  }
0x1: {  	(tag) =	ssettag $0x0;
	lr =	simm.s32 $0x1  }
0x2: {  	[smem:$0x3F88] =	sst lr;
	_ =	strace $0xD0000000  }
0x3: {  	_ = 	snop  }
0x4: {  	_ = 	snop  }
0x5: {  	_ = 	snop  }
0x6: {  	_ = 	snop  }
0x7: {  	_ = 	snop  }
__scs_overlays_trampoline_lowered:
0x8: {  	[smem:$0x3F97] =	sst s0  }
0x9: {  	[smem:$0x3F98] =	sst s1  }
0xa: {  	[smem:$0x3F99] =	sst s2  }
0xb: {  	[smem:$0x3F9A] =	sst s3  }
0xc: {  	[smem:$0x3F9B] =	sst s4  }
0xd: {  	[smem:$0x3F9C] =	sst s5  }
0xe: {  	[smem:$0x3F9D] =	sst s6  }
0xf: {  	[smem:$0x3F9E] =	sst s7  }
0x10: {  	[smem:$0x3F9F] =	sst s8  }
0x11: {  	[smem:$0x3FA0] =	sst s9;
	s0 =	simm.s32 @!p0 $0x0  }
0x12: {  	s1 =	sld [smem:$0x3F86];
	s0 =	simm.s32 @p0 $0x1  }
0x13: {  	[smem:$0x3FA1] =	sst s0;
	s0 =	simm.s32 @!p1 $0x0  }
0x14: {  	s2 =	sld [smem:$0x3F85];
	s0 =	simm.s32 @p1 $0x1  }
0x15: {  	[smem:$0x3FA2] =	sst s0;
	s0 =	simm.s32 @!p2 $0x0  }
0x16: {  	s3 =	sld [smem:$0x3FDB];
	s0 =	simm.s32 @p2 $0x1  }
0x17: {  	s4 =	simm.s32 $0x1BF5;
	[smem:$0x3FA4] =	sst s0  }
0x18: {  	s0 =	sld [smem:$0x3F87];
	_ =	swait.ge [sflag:s4], $0x0  }
0x19: {  	s7 =	sld [smem:$0x3F88]  }
0x1a: {  	s8 =	sadd.s32 $0xFFFFE003, lr  }
0x1b: {  	s9 =	sadd.s32 $0xFFFFFEF7, lr;
	s5 =	simm.s32 $0xFFFFFFFF;
	p2 =	slt.u32 s8, $0xFFFFF086  }
0x1c: {  	p1 =	slt.u32 s9, $0xF7A;
	s5 =	simm.s32 @!p2 $0x0  }
0x1d: {  	s5 =	simm.s32 @p1 $0x1;
	p0 =	seq.s32 s7, s2  }
0x1e: {  	s7 =	smul.u32 @!p0 $0xF7A, s2;
	p2 =	seq.s32 @!p0 s5, $0x0  }
0x1f: {  	s9 =	smul.u32 $0xF7A, s1;
	s8 =	simm.s32 @!p0 $0x1BF5;
	p2 =	por !p2, p0  }
0x20: {  	[sflag:s8] =	ssyncset.s32 @!p0 $0xFFFFF086;
	s6 =	sadd.s32 @!p0 s3, s7;
	s7 =	simm.s32 @!p0 $0x108  }
0x21: {  	s3 =	sadd.s32 s3, s9;
	s6 =	sadd.s32 @!p0 $0x88, s6;
	s7 =	simm.s32 @p2 $0x1082  }
0x22: {  	[simem:s7], [sflag:s8] =	dma.local @!p0 [hbm:s6], $0xF7A  }
0x23: {  	s9 =	sor.u32 $0xD0000000, s2;
	s6 =	simm.s32 $0x108;
	_ =	swait.ge @!p0 [sflag:s8], $0x0  }
0x24: {  	s3 =	sadd.s32 $0x88, s3;
	s6 =	simm.s32 @!p1 $0x1082;
	[sflag:s4] =	ssyncset.s32 $0xFFFFF086  }
0x25: {  	[simem:s6], [sflag:s4] =	dma.local [hbm:s3], $0xF7A  }
0x26: {  	[smem:$0x3F88] =	sst s1;
	(tag) =	ssettag s2;
	_ =	strace s9  }
0x27: {  	s1 =	sld [smem:$0x3F98]  }
0x28: {  	s2 =	sld [smem:$0x3F99]  }
0x29: {  	s4 =	sld [smem:$0x3F9B]  }
0x2a: {  	p0 =	seq.s32 s5, $0x0;
	s5 =	sld [smem:$0x3F9C]  }
0x2b: {  	s6 =	sld [smem:$0x3F9D]  }
0x2c: {  	s7 =	sld [smem:$0x3F9E]  }
0x2d: {  	s3 =	simm.s32 $0x108;
	s8 =	sld [smem:$0x3F9F]  }
0x2e: {  	s3 =	simm.s32 @!p0 $0x1082;
	s9 =	sld [smem:$0x3FA0]  }
0x2f: {  	lr =	sadd.s32 s0, s3;
	s0 =	sld [smem:$0x3F97]  }
0x30: {  	s3 =	sld [smem:$0x3F9A]  }
0x31: {  	[smem:$0x3FA3] =	sst s10  }
0x32: {  	s10 =	sld [smem:$0x3FA1];
	_ =	sdelay $0x3  }
0x33: {  	p0 =	seq.s32 s10, $0x1;
	s10 =	sld [smem:$0x3FA3];
	_ =	sdelay $0x3  }
0x34: {  	[smem:$0x3FA3] =	sst s10  }
0x35: {  	s10 =	sld [smem:$0x3FA2];
	_ =	sdelay $0x3  }
0x36: {  	p1 =	seq.s32 s10, $0x1;
	s10 =	sld [smem:$0x3FA3];
	_ =	sdelay $0x3  }
0x37: {  	[smem:$0x3FA3] =	sst s10  }
0x38: {  	s10 =	sld [smem:$0x3FA4]  }
0x39: {  	_ = 	snop;
	(pc) =	sbr.ind lr, $3  }
0x3a: {  	_ = 	snop  }
0x3b: {  	_ = 	snop  }
0x3c: {  	p2 =	seq.s32 s10, $0x1;
	s10 =	sld [smem:$0x3FA3]  }
0x3d: {  	_ =	shalt  }
0x3e: {  	_ =	shalt  }
0x3f: {  	_ =	shalt  }
0x40: {  	_ =	shalt  }
0x41: {  	_ =	shalt  }
0x42: {  	_ =	shalt  }
0x43: {  	_ =	shalt  }
0x44: {  	_ =	shalt  }
0x45: {  	_ =	shalt  }
0x46: {  	_ =	shalt  }
0x47: {  	_ =	shalt  }
0x48: {  	_ =	shalt  }
0x49: {  	_ =	shalt  }
0x4a: {  	_ =	shalt  }
0x4b: {  	_ =	shalt  }
0x4c: {  	_ =	shalt  }
0x4d: {  	_ =	shalt  }
0x4e: {  	_ =	shalt  }
0x4f: {  	_ =	shalt  }
0x50: {  	_ =	shalt  }
0x51: {  	_ =	shalt  }
0x52: {  	_ =	shalt  }
0x53: {  	_ =	shalt  }
0x54: {  	_ =	shalt  }
0x55: {  	_ =	shalt  }
0x56: {  	_ =	shalt  }
0x57: {  	_ =	shalt  }
0x58: {  	_ =	shalt  }
0x59: {  	_ =	shalt  }
0x5a: {  	_ =	shalt  }
0x5b: {  	_ =	shalt  }
0x5c: {  	_ =	shalt  }
0x5d: {  	_ =	shalt  }
0x5e: {  	_ =	shalt  }
0x5f: {  	_ =	shalt  }
0x60: {  	_ =	shalt  }
0x61: {  	_ =	shalt  }
0x62: {  	_ =	shalt  }
0x63: {  	_ =	shalt  }
0x64: {  	_ =	shalt  }
0x65: {  	_ =	shalt  }
0x66: {  	_ =	shalt  }
0x67: {  	_ =	shalt  }
0x68: {  	_ =	shalt  }
0x69: {  	_ =	shalt  }
0x6a: {  	_ =	shalt  }
0x6b: {  	_ =	shalt  }
0x6c: {  	_ =	shalt  }
0x6d: {  	_ =	shalt  }
0x6e: {  	_ =	shalt  }
0x6f: {  	_ =	shalt  }
0x70: {  	_ =	shalt  }
0x71: {  	_ =	shalt  }
0x72: {  	_ =	shalt  }
0x73: {  	_ =	shalt  }
0x74: {  	_ =	shalt  }
0x75: {  	_ =	shalt  }
0x76: {  	_ =	shalt  }
0x77: {  	_ =	shalt  }
0x78: {  	_ =	shalt  }
0x79: {  	_ =	shalt  }
0x7a: {  	_ =	shalt  }
0x7b: {  	_ =	shalt  }
0x7c: {  	_ =	shalt  }
0x7d: {  	_ =	shalt  }
0x7e: {  	_ =	shalt  }
0x7f: {  	_ =	shalt  }
0x80: {  	_ =	shalt  }
0x81: {  	_ =	shalt  }
0x82: {  	_ =	shalt  }
0x83: {  	_ =	shalt  }
0x84: {  	_ =	shalt  }
0x85: {  	_ =	shalt  }
0x86: {  	_ =	shalt  }
0x87: {  	_ =	shalt  }
.Lfunc_end0:
.L_simem_size_0:
called_computation_lowered:
.L_overlay_start_0:
0x88: {  	s2 =	sld [smem:$0x3FD9]  }
0x89: {  	s3 =	sld [smem:$0x3FFE];
	_ =	sdelay $0x1  }
0x8a: {  	s1 =	srdreg.scid  }
0x8b: {  	s0 =	sand.u32 $0x1, s1  }
0x8c: {  	s16 =	sshll.u32 s0, $0xA;
	s2 =	sadd.s32 s3, s2  }
0x8d: {  	s2 =	sadd.s32 s2, s16  }
0x8e: {  	[smem:$0x3FAF] =	sst s2  }
0x8f: {  	_ = 	snop  }
0x90: {  	(tm) =	ssettm $0x1  }
0x91: {  	s17 =	sld [smem:$0x3FFB];
	_ =	sdelay $0x3  }
0x92: {  	_ =	strace s17  }
0x93: {  	s2 =	sld [smem:$0x3FFC];
	_ =	sdelay $0x3  }
0x94: {  	_ =	strace s2  }
0x95: {  	s2 =	sld [smem:$0x3FFD];
	_ =	sdelay $0x3  }
0x96: {  	_ =	strace s2  }
0x97: {  	_ =	strace $0x8FFFFFFF  }
0x98: {  	s18 =	sld [smem:$0x3FDB];
	_ =	sdelay $0x1  }
0x99: {  	s19 =	simm.s32 $_scs_section_size  }
0x9a: {  	s4 =	simm.s32 $_size__tile_overlayer_lowered;
	s5 =	simm.s32 $_tile_overlayer_lowered  }
0x9b: {  	s22 =	simm.s32 $0x1BFF;
	s21 =	sshll.u32 s5, $0x1;
	s2 =	sadd.s32 s19, s18  }
0x9c: {  	s6 =	simm.s32 $0x0;
	s20 =	sshll.u32 s4, $0x1;
	s4 =	sadd.s32 s21, s2  }
0x9d: {  	[timem:s6], [sflag:s22] =	dma.local [hbm:s4], s20  }
0x9e: {  	_ =	swait.ge [sflag:s22], s20  }
0x9f: {  	s3 =	ssub.s32 $0x0, s20;
	[sflag:s22] =	ssyncset.done $0x0  }
0xa0: {  	[sflag:s22] =	ssyncadd.s32 s3;
	_ =	sdelay $0x1  }
0xa1: {  	s23 =	simm.s32 $0x1B8B  }
0xa2: {  	_ =	swait.ge [sflag:s23], $0x1  }
0xa3: {  	[sflag:s23] =	ssyncset.done $0x0  }
0xa4: {  	s25 =	simm.s32 $0x1B8E;
	s24 =	sld [smem:$0x3FFE];
	[sflag:s23] =	ssyncadd.s32 $0xFFFFFFFF  }
0xa5: {  	s26 =	simm.s32 $execute0_lowered;
	[smem:$0x3FD2] =	sst s25  }
0xa6: {  	s4 =	sshll.u32 s26, $0x1;
	_ =	strace $0x80000046;
	[dreg:$0x1] =	wrdreg $0xFFFFFFFF  }
0xa7: {  	s28 =	simm.s32 $_size_execute0_lowered;
	s2 =	sadd.s32 s2, s4;
	[dreg:$0x0] =	wrdreg $0x0  }
0xa8: {  	s4 =	sshll.u32 s28, $0x1;
	[dreg:$0x2] =	wrdreg s2  }
0xa9: {  	[dreg:$0x3] =	wrdreg s4  }
0xaa: {  	[dreg:$0x4] =	wrdreg $0xC0  }
0xab: {  	_ =	task [dreg:s6], $0x5FFFF  }
0xac: {  	[dreg:$0x1] =	wrdreg $0xFFFFFFFF  }
0xad: {  	[dreg:$0x0] =	wrdreg $0x60  }
0xae: {  	[dreg:$0x2] =	wrdreg s24  }
0xaf: {  	[dreg:$0x3] =	wrdreg $0x9E200  }
0xb0: {  	[dreg:$0x4] =	wrdreg $0x9  }
0xb1: {  	_ =	task.clear_ibuf [dreg:s6], $0x5FFFF;
	_ =	strace $0x90000046  }
0xb2: {  	s29 =	simm.s32 $0x9;
	_ =	strace $0x80000048  }
0xb3: {  	_ =	swait.ge [sflag:s29], $0x1  }
0xb4: {  	[sflag:s29] =	ssyncadd.s32 $0xFFFFFFFF  }
0xb5: {  	_ =	strace $0x90000048  }
0xb6: {  	_ =	sfence  }
0xb7: {  	s30 =	sld [smem:$0x0];
	_ =	sdelay $0x2  }
0xb8: {  	s31 =	sshll.u32 s1, $0xD;
	s1 =	sshrl.u32 s1, $0x2  }
0xb9: {  	s3 =	sand.u32 $0x4000, s31;
	s1 =	sadd.s32 s1, s30  }
0xba: {  	s0 =	sor.u32 s3, s0;
	s1 =	sshll.u32 s1, $0x11  }
0xbb: {  	s0 =	sor.u32 s1, s0  }
0xbc: {  	s0 =	sadd.s32 $0x8F2B, s0  }
0xbd: {  	[sflag:s0] =	ssyncadd.remote.s32 $0x1  }
0xbe: {  	_ =	sfence.sel $0xFFFF  }
0xbf: {  	[dreg:$0x0] =	wrdreg $0xFFFFFFFF;
	(pc) =	sbr.abs _section_cstart, $3  }
0xc0: {  	[dreg:$0x1] =	wrdreg $0xFFFFFFFF  }
0xc1: {  	_ =	task.clear_ibuf [dreg:s6], $0x2FFFF;
	_ =	strace $0x9FFFFFFF  }
0xc2: {  	(tm) =	ssettm $0x7FFFFFFF  }
0xc3: {  	_ =	shalt  }
tec
execute0_lowered:
.L_overlay_start_1:
0x0: {  	(tag) =	ssettag $0x1  }
0x1: {  	s0 =	rddreg [dreg:$0x0]  }
0x2: {  	s1 =	rddreg [dreg:$0x1]  }
0x3: {  	s2 =	srdreg.scid;
	s12 =	stileid.u32  }
0x4: {  	s17 =	simm.s32 $0x4E20;
	s18 =	simm.s32 $0x6220;
	s20 =	simm.s32 $0x7620  }
0x5: {  	s22 =	simm.s32 $0x8A20;
	s30 =	simm.s32 $0x4CE0;
	s31 =	simm.s32 $0x4D30  }
0x6: {  	s19 =	simm.s32 $0x0;
	s6 =	sand.u32 $0x1, s2;
	s4 =	smul.u32 $0x9C00, s12  }
0x7: {  	s2 =	simm.s32 $0x0;
	s10 =	sadd.s32 $0x40E00, s0;
	s25 =	smul.u32 $0x1380, s12  }
0x8: {  	s26 =	sshll.u32 s12, $0x6;
	s16 =	sadd.s32 $0x9C000, s1;
	p0 =	sne.s32 s12, $0x0  }
0x9: {  	s3 =	sshll.u32 s6, $0x4;
	[smem:$0x7FF] =	sst s2;
	s14 =	smul.u32 $0x9C400, s6  }
0xa: {  	s8 =	ssub.s32 $0x2, s6;
	s15 =	smul.u32 $0x13880, s6;
	s6 =	sadd.s32 $0x40C00, s0  }
0xb: {  	s3 =	sor.u32 s12, s3;
	_ =	strace $0x80000047;
	s7 =	sshrl.u32 s4, $0x3  }
0xc: {  	s24 =	sshrl.u32 s8, $0x1;
	s13 =	sadd.s32 s4, s1;
	s5 =	smul.u32 $0x4E2, s3  }
0xd: {  	s3 =	sadd.s32 $0x19A00, s0;
	s23 =	sadd.s32 s7, s0;
	s11 =	ssub.s32 s8, s24  }
0xe: {  	s28 =	sshrl.u32 s14, $0x3;
	s29 =	sadd.s32 s25, s15;
	s12 =	sshrl.u32 s13, $0x3  }
0xf: {  	s13 =	simm.s32 $0x5;
	s14 =	sshrl.u32 @!p0 s16, $0x3;
	s16 =	simm.s32 $0x50  }
0x10: {  	s24 =	simm.s32 $0x2;
	s25 =	simm.s32 $0x3;
	s15 =	simm.s32 $0x4DD0  }
0x11: {  	s4 =	sadd.s32 $0x2D400, s23;
	s11 =	smax.u32 s11, $0x1;
	s23 =	simm.s32 $0x1  }
0x12: {  	s9 =	sadd.s32 s5, s0;
	s5 =	sor.u32 $0x1C05, s26;
	s0 =	sadd.s32 s10, s28  }
0x13: {  	s26 =	simm.s32 $0x4;
	s7 =	sadd.s32 $0xFC00, s9;
	s8 =	sadd.s32 $0x5E00, s9  }
0x14: {  	s9 =	sadd.s32 s10, s29;
	s10 =	sadd.s32 $0x13800, s0;
	s0 =	simm.s32 $0x4D80  }
.LBB2_1:
0x15: {  	[spmem:s12], [sflag:s5] =	dma.local [hbm:s4], $0x1380  }
0x16: {  	_ =	swait.ge [sflag:s13], $0x1380  }
0x17: {  	[sflag:s13] =	ssyncset.done $0x0  }
0x18: {  	s21 =	simm.s32 @!p0 $0x5;
	[sflag:s13] =	ssyncadd.s32 $0xFFFFEC80  }
0x19: {  	[spmem:s14], [sflag:s5] =	dma.local @!p0 [hbm:s6], $0x80  }
0x1a: {  	_ =	swait.ge @!p0 [sflag:s21], $0x80  }
0x1b: {  	[sflag:s21] =	ssyncset.done @!p0 $0x0  }
0x1c: {  	[sflag:s21] =	ssyncadd.s32 @!p0 $0xFFFFFF80  }
0x1d: {  	[tilespmem:s2], [sflag:$0x5] =	stream.linear.gather [hbm4b:s7+s2], $0x2710, $0x38;
	[tilespmem:$0x13A60] =	vst v63  }
0x1e: {  	_ =	swait.ge [sflag:s13], $0x2710  }
0x1f: {  	[sflag:s13] =	ssyncset.done $0x0  }
0x20: {  	s29 =	simm.s32 $0x2710;
	[sflag:s13] =	ssyncadd.s32 $0xFFFFD8F0  }
0x21: {  	[tilespmem:s29], [sflag:$0x5] =	stream.linear.gather [hbm4b:s8+s2], $0x2710, $0x38;
	[tilespmem:$0x13A60] =	vst v63  }
0x22: {  	_ =	swait.ge [sflag:s13], $0x2710  }
0x23: {  	[sflag:s13] =	ssyncset.done $0x0  }
0x24: {  	[sflag:s13] =	ssyncadd.s32 $0xFFFFD8F0  }
0x25: {  	[bflag:$0x0] =	sbarrier.arrive $0xFFFF  }
0x26: {  	[tilespmem:s17], [sflag:$0x1] =	stream.indirect.gather [hbm4b:s3+s16], $0x40, s2, s16, $0xb8;
	[tilespmem:$0x13A60] =	vst v63  }
0x27: {  	_ = 	snop  }
0x28: {  	[tilespmem:s18], [sflag:$0x2] =	stream.indirect.gather [hbm4b:s3+s16], $0x40, s16, s16, $0xb8;
	[tilespmem:$0x13A60] =	vst v63  }
0x29: {  	s29 =	simm.s32 $0xA0  }
0x2a: {  	[tilespmem:s20], [sflag:$0x3] =	stream.indirect.gather [hbm4b:s3+s16], $0x40, s29, s16, $0xb8;
	[tilespmem:$0x13A60] =	vst v63  }
0x2b: {  	s29 =	simm.s32 $0xF0  }
0x2c: {  	[tilespmem:s22], [sflag:$0x4] =	stream.indirect.gather [hbm4b:s3+s16], $0x40, s29, s16, $0xb8;
	[tilespmem:$0x13A60] =	vst v63  }
0x2d: {  	_ =	swait.ge [sflag:s23], $0x1400  }
0x2e: {  	[sflag:s23] =	ssyncset.done $0x0  }
0x2f: {  	s29 =	simm.s32 $0x2710;
	[sflag:s23] =	ssyncadd.s32 $0xFFFFEC00  }
0x30: {  	[spmem:s1] =	stream.indirect.scatter.add.f32 [tilespmem:s17], [sflag:$0x5], $0x40, s29, s16, $0xb8;
	[tilespmem:$0x13A60] =	vst v63  }
0x31: {  	_ =	swait.ge [sflag:s13], $0x1400  }
0x32: {  	[sflag:s13] =	ssyncset.done $0x0  }
0x33: {  	s29 =	simm.s32 $0x140;
	[sflag:s13] =	ssyncadd.s32 $0xFFFFEC00  }
0x34: {  	[tilespmem:s17], [sflag:$0x1] =	stream.indirect.gather [hbm4b:s3+s16], $0x40, s29, s16, $0xb8;
	[tilespmem:$0x13A60] =	vst v63  }
0x35: {  	_ =	swait.ge [sflag:s24], $0x1400  }
0x36: {  	[sflag:s24] =	ssyncset.done $0x0  }
0x37: {  	s29 =	simm.s32 $0x2760;
	[sflag:s24] =	ssyncadd.s32 $0xFFFFEC00  }
0x38: {  	[spmem:s1] =	stream.indirect.scatter.add.f32 [tilespmem:s18], [sflag:$0x5], $0x40, s29, s16, $0xb8;
	[tilespmem:$0x13A60] =	vst v63  }
0x39: {  	_ =	swait.ge [sflag:s13], $0x1400  }
0x3a: {  	[sflag:s13] =	ssyncset.done $0x0  }
0x3b: {  	s29 =	simm.s32 $0x190;
	[sflag:s13] =	ssyncadd.s32 $0xFFFFEC00  }
0x3c: {  	[tilespmem:s18], [sflag:$0x2] =	stream.indirect.gather [hbm4b:s3+s16], $0x40, s29, s16, $0xb8;
	[tilespmem:$0x13A60] =	vst v63  }
0x3d: {  	_ =	swait.ge [sflag:s25], $0x1400  }
0x3e: {  	[sflag:s25] =	ssyncset.done $0x0  }
0x3f: {  	s29 =	simm.s32 $0x27B0;
	[sflag:s25] =	ssyncadd.s32 $0xFFFFEC00  }
0x40: {  	[spmem:s1] =	stream.indirect.scatter.add.f32 [tilespmem:s20], [sflag:$0x5], $0x40, s29, s16, $0xb8;
	[tilespmem:$0x13A60] =	vst v63  }
0x41: {  	_ =	swait.ge [sflag:s13], $0x1400  }
0x42: {  	[sflag:s13] =	ssyncset.done $0x0  }
0x43: {  	s29 =	simm.s32 $0x1E0;
	[sflag:s13] =	ssyncadd.s32 $0xFFFFEC00  }
0x44: {  	[tilespmem:s20], [sflag:$0x3] =	stream.indirect.gather [hbm4b:s3+s16], $0x40, s29, s16, $0xb8;
	[tilespmem:$0x13A60] =	vst v63  }
0x45: {  	_ =	swait.ge [sflag:s26], $0x1400  }
0x46: {  	[sflag:s26] =	ssyncset.done $0x0  }
0x47: {  	s29 =	simm.s32 $0x2800;
	[sflag:s26] =	ssyncadd.s32 $0xFFFFEC00  }
0x48: {  	[spmem:s1] =	stream.indirect.scatter.add.f32 [tilespmem:s22], [sflag:$0x5], $0x40, s29, s16, $0xb8;
	[tilespmem:$0x13A60] =	vst v63  }
0x49: {  	_ =	swait.ge [sflag:s13], $0x1400  }
0x4a: {  	[sflag:s13] =	ssyncset.done $0x0  }
0x4b: {  	s28 =	simm.s32 $0x230;
	s21 =	simm.s32 $0x500;
	[sflag:s13] =	ssyncadd.s32 $0xFFFFEC00  }
.LBB2_2:
0x4c: {  	[tilespmem:s22], [sflag:$0x4] =	stream.indirect.gather [hbm4b:s3+s16], $0x40, s28, s16, $0xb8;
	[tilespmem:$0x13A60] =	vst v63  }
0x4d: {  	s28 =	smov.u32 s21  }
0x4e: {  	p1 =	sne.s32 s21, $0x9100;
	s21 =	sadd.s32 $0x500, s21;
	_ =	swait.ge [sflag:s23], $0x1400  }
0x4f: {  	s28 =	sshra.s32 s28, $0x2;
	[sflag:s23] =	ssyncset.done $0x0  }
0x50: {  	s29 =	sadd.s32 $0x2710, s28;
	[sflag:s23] =	ssyncadd.s32 $0xFFFFEC00  }
0x51: {  	[spmem:s1] =	stream.indirect.scatter.add.f32 [tilespmem:s17], [sflag:$0x5], $0x40, s29, s16, $0xb8;
	[tilespmem:$0x13A60] =	vst v63  }
0x52: {  	_ =	swait.ge [sflag:s13], $0x1400  }
0x53: {  	[sflag:s13] =	ssyncset.done $0x0  }
0x54: {  	s29 =	sadd.s32 $0x140, s28;
	[sflag:s13] =	ssyncadd.s32 $0xFFFFEC00  }
0x55: {  	[tilespmem:s17], [sflag:$0x1] =	stream.indirect.gather [hbm4b:s3+s16], $0x40, s29, s16, $0xb8;
	[tilespmem:$0x13A60] =	vst v63  }
0x56: {  	_ =	swait.ge [sflag:s24], $0x1400  }
0x57: {  	[sflag:s24] =	ssyncset.done $0x0  }
0x58: {  	s29 =	sadd.s32 $0x2760, s28;
	[sflag:s24] =	ssyncadd.s32 $0xFFFFEC00  }
0x59: {  	[spmem:s1] =	stream.indirect.scatter.add.f32 [tilespmem:s18], [sflag:$0x5], $0x40, s29, s16, $0xb8;
	[tilespmem:$0x13A60] =	vst v63  }
0x5a: {  	_ =	swait.ge [sflag:s13], $0x1400  }
0x5b: {  	[sflag:s13] =	ssyncset.done $0x0  }
0x5c: {  	s29 =	sadd.s32 $0x190, s28;
	[sflag:s13] =	ssyncadd.s32 $0xFFFFEC00  }
0x5d: {  	[tilespmem:s18], [sflag:$0x2] =	stream.indirect.gather [hbm4b:s3+s16], $0x40, s29, s16, $0xb8;
	[tilespmem:$0x13A60] =	vst v63  }
0x5e: {  	_ =	swait.ge [sflag:s25], $0x1400  }
0x5f: {  	[sflag:s25] =	ssyncset.done $0x0  }
0x60: {  	s29 =	sadd.s32 $0x27B0, s28;
	[sflag:s25] =	ssyncadd.s32 $0xFFFFEC00  }
0x61: {  	[spmem:s1] =	stream.indirect.scatter.add.f32 [tilespmem:s20], [sflag:$0x5], $0x40, s29, s16, $0xb8;
	[tilespmem:$0x13A60] =	vst v63  }
0x62: {  	_ =	swait.ge [sflag:s13], $0x1400  }
0x63: {  	[sflag:s13] =	ssyncset.done $0x0  }
0x64: {  	s29 =	sadd.s32 $0x1E0, s28;
	[sflag:s13] =	ssyncadd.s32 $0xFFFFEC00  }
0x65: {  	[tilespmem:s20], [sflag:$0x3] =	stream.indirect.gather [hbm4b:s3+s16], $0x40, s29, s16, $0xb8;
	[tilespmem:$0x13A60] =	vst v63  }
0x66: {  	_ =	swait.ge [sflag:s26], $0x1400  }
0x67: {  	[sflag:s26] =	ssyncset.done $0x0  }
.Ltmp0:
0x68: {  	s29 =	sadd.s32 $0x2800, s28;
	[sflag:s26] =	ssyncadd.s32 $0xFFFFEC00;
	(pc) =	sbr.rel @p1 .LBB2_2-.Ltmp0, $4  }
0x69: {  	[spmem:s1] =	stream.indirect.scatter.add.f32 [tilespmem:s22], [sflag:$0x5], $0x40, s29, s16, $0xb8;
	[tilespmem:$0x13A60] =	vst v63  }
0x6a: {  	_ =	swait.ge [sflag:s13], $0x1400  }
0x6b: {  	[sflag:s13] =	ssyncset.done $0x0  }
0x6c: {  	s28 =	sadd.s32 $0x230, s28;
	[sflag:s13] =	ssyncadd.s32 $0xFFFFEC00  }
0x6d: {  	[tilespmem:s22], [sflag:$0x4] =	stream.indirect.gather [hbm4b:s3+s16], $0x40, s28, s16, $0xb8;
	[tilespmem:$0x13A60] =	vst v63  }
0x6e: {  	_ =	swait.ge [sflag:s23], $0x1400  }
0x6f: {  	[sflag:s23] =	ssyncset.done $0x0  }
0x70: {  	s21 =	simm.s32 $0x4C90;
	[sflag:s23] =	ssyncadd.s32 $0xFFFFEC00  }
0x71: {  	[spmem:s1] =	stream.indirect.scatter.add.f32 [tilespmem:s17], [sflag:$0x5], $0x40, s21, s16, $0xb8;
	[tilespmem:$0x13A60] =	vst v63  }
0x72: {  	_ =	swait.ge [sflag:s13], $0x1400  }
0x73: {  	[sflag:s13] =	ssyncset.done $0x0  }
0x74: {  	s29 =	simm.s32 $0x26C0;
	[sflag:s13] =	ssyncadd.s32 $0xFFFFEC00  }
0x75: {  	[tilespmem:s17], [sflag:$0x1] =	stream.indirect.gather [hbm4b:s3+s16], $0x40, s29, s16, $0xb8;
	[tilespmem:$0x13A60] =	vst v63  }
0x76: {  	_ =	swait.ge [sflag:s24], $0x1400  }
0x77: {  	[sflag:s24] =	ssyncset.done $0x0  }
0x78: {  	[sflag:s24] =	ssyncadd.s32 $0xFFFFEC00  }
0x79: {  	[spmem:s1] =	stream.indirect.scatter.add.f32 [tilespmem:s18], [sflag:$0x5], $0x40, s30, s16, $0xb8;
	[tilespmem:$0x13A60] =	vst v63  }
0x7a: {  	_ =	swait.ge [sflag:s13], $0x1400  }
0x7b: {  	[sflag:s13] =	ssyncset.done $0x0  }
0x7c: {  	[sflag:s13] =	ssyncadd.s32 $0xFFFFEC00  }
0x7d: {  	_ =	swait.ge [sflag:s25], $0x1400  }
0x7e: {  	[sflag:s25] =	ssyncset.done $0x0  }
0x7f: {  	[sflag:s25] =	ssyncadd.s32 $0xFFFFEC00  }
0x80: {  	[spmem:s1] =	stream.indirect.scatter.add.f32 [tilespmem:s20], [sflag:$0x5], $0x40, s31, s16, $0xb8;
	[tilespmem:$0x13A60] =	vst v63  }
0x81: {  	_ =	swait.ge [sflag:s13], $0x1400  }
0x82: {  	[sflag:s13] =	ssyncset.done $0x0  }
0x83: {  	[sflag:s13] =	ssyncadd.s32 $0xFFFFEC00  }
0x84: {  	_ =	swait.ge [sflag:s26], $0x1400  }
0x85: {  	[sflag:s26] =	ssyncset.done $0x0  }
0x86: {  	[sflag:s26] =	ssyncadd.s32 $0xFFFFEC00  }
0x87: {  	[spmem:s1] =	stream.indirect.scatter.add.f32 [tilespmem:s22], [sflag:$0x5], $0x40, s0, s16, $0xb8;
	[tilespmem:$0x13A60] =	vst v63  }
0x88: {  	_ =	swait.ge [sflag:s13], $0x1400  }
0x89: {  	[sflag:s13] =	ssyncset.done $0x0  }
0x8a: {  	[sflag:s13] =	ssyncadd.s32 $0xFFFFEC00  }
0x8b: {  	_ =	swait.ge [sflag:s23], $0x1400  }
0x8c: {  	[sflag:s23] =	ssyncset.done $0x0  }
0x8d: {  	[sflag:s23] =	ssyncadd.s32 $0xFFFFEC00  }
0x8e: {  	[spmem:s1] =	stream.indirect.scatter.add.f32 [tilespmem:s17], [sflag:$0x5], $0x40, s15, s16, $0xb8;
	[tilespmem:$0x13A60] =	vst v63  }
0x8f: {  	_ =	swait.ge [sflag:s13], $0x1400  }
0x90: {  	[sflag:s13] =	ssyncset.done $0x0  }
0x91: {  	[sflag:s13] =	ssyncadd.s32 $0xFFFFEC00  }
0x92: {  	[bflag:$0x0] =	sbarrier.arrive $0xFFFF  }
0x93: {  	[hbm:s9], [sflag:s5] =	dma.local [spmem:s12], $0x1380  }
0x94: {  	s19 =	sadd.s32 $0x1, s19;
	_ =	swait.ge [sflag:s13], $0x1380  }
0x95: {  	p1 =	sne.s32 s19, s11;
	[sflag:s13] =	ssyncset.done $0x0  }
.Ltmp1:
0x96: {  	s21 =	simm.s32 @!p0 $0x5;
	[sflag:s13] =	ssyncadd.s32 $0xFFFFEC80;
	(pc) =	sbr.rel @p1 .LBB2_1-.Ltmp1, $4  }
0x97: {  	[hbm:s10], [sflag:s5] =	dma.local @!p0 [spmem:s14], $0x80  }
0x98: {  	_ =	swait.ge @!p0 [sflag:s21], $0x80  }
0x99: {  	[sflag:s21] =	ssyncset.done @!p0 $0x0  }
0x9a: {  	[sflag:s21] =	ssyncadd.s32 @!p0 $0xFFFFFF80  }
0x9b: {  	_ =	sfence.sel $0x180000  }
0x9c: {  	[bflag:$0x0] =	sbarrier.arrive $0xFFFF  }
0x9d: {  	_ =	strace $0x90000047  }
0x9e: {  	[bflag:$0x2] =	sbarrier.arrive $0xFFFF  }
0x9f: {  	s0 =	rddreg [dreg:$0x2]  }
0xa0: {  	s0 =	sadd.s32 @!p0 $0x100000, s0  }
0xa1: {  	[sflag:s0] =	ssyncadd.tile.s32 @!p0 $0x1;
	_ =	shalt  }
.Lfunc_end2:
_tile_overlayer_lowered:
.L_overlay_start_2:
0xa2: {  	(tag) =	ssettag $0x2  }
0xa3: {  	s0 =	rddreg [dreg:$0x0];
	s2 =	stileid.u32  }
0xa4: {  	s1 =	rddreg [dreg:$0x1];
	p0 =	sne.s32 s2, $0x0  }
0xa5: {  	s3 =	rddreg [dreg:$0x2];
	[bflag:$0x3] =	sbarrier.arrive $0xFFFF;
	s2 =	simm.s32 @!p0 $0x1C05  }
0xa6: {  	[timem:s3], [sflag:s2] =	dma.local @!p0 [hbm:s0], s1  }
0xa7: {  	s0 =	simm.s32 @!p0 $0x5  }
0xa8: {  	_ =	swait.ge @!p0 [sflag:s0], s1  }
0xa9: {  	s1 =	ssub.s32 @!p0 $0x0, s1;
	[sflag:s0] =	ssyncset.done @!p0 $0x0  }
0xaa: {  	[sflag:s0] =	ssyncadd.s32 @!p0 s1  }
0xab: {  	[bflag:$0x3] =	sbarrier.arrive $0xFFFF  }
0xac: {  	_ =	shalt  }

// kernel: kernel.14.cloned.1.call-start
scs
__scs_entry_jumppad:
0x0: {  	(pc) =	sbr.rel $0x88, $3  }
0x1: {  	(tag) =	ssettag $0x0;
	lr =	simm.s32 $0x1  }
0x2: {  	[smem:$0x3F88] =	sst lr;
	_ =	strace $0xD0000000  }
0x3: {  	_ = 	snop  }
0x4: {  	_ = 	snop  }
0x5: {  	_ = 	snop  }
0x6: {  	_ = 	snop  }
0x7: {  	_ = 	snop  }
__scs_overlays_trampoline_lowered:
0x8: {  	[smem:$0x3F97] =	sst s0  }
0x9: {  	[smem:$0x3F98] =	sst s1  }
0xa: {  	[smem:$0x3F99] =	sst s2  }
0xb: {  	[smem:$0x3F9A] =	sst s3  }
0xc: {  	[smem:$0x3F9B] =	sst s4  }
0xd: {  	[smem:$0x3F9C] =	sst s5  }
0xe: {  	[smem:$0x3F9D] =	sst s6  }
0xf: {  	[smem:$0x3F9E] =	sst s7  }
0x10: {  	[smem:$0x3F9F] =	sst s8  }
0x11: {  	[smem:$0x3FA0] =	sst s9;
	s0 =	simm.s32 @!p0 $0x0  }
0x12: {  	s1 =	sld [smem:$0x3F86];
	s0 =	simm.s32 @p0 $0x1  }
0x13: {  	[smem:$0x3FA1] =	sst s0;
	s0 =	simm.s32 @!p1 $0x0  }
0x14: {  	s2 =	sld [smem:$0x3F85];
	s0 =	simm.s32 @p1 $0x1  }
0x15: {  	[smem:$0x3FA2] =	sst s0;
	s0 =	simm.s32 @!p2 $0x0  }
0x16: {  	s3 =	sld [smem:$0x3FDB];
	s0 =	simm.s32 @p2 $0x1  }
0x17: {  	s4 =	simm.s32 $0x1BF5;
	[smem:$0x3FA4] =	sst s0  }
0x18: {  	s0 =	sld [smem:$0x3F87];
	_ =	swait.ge [sflag:s4], $0x0  }
0x19: {  	s7 =	sld [smem:$0x3F88]  }
0x1a: {  	s8 =	sadd.s32 $0xFFFFE003, lr  }
0x1b: {  	s9 =	sadd.s32 $0xFFFFFEF7, lr;
	s5 =	simm.s32 $0xFFFFFFFF;
	p2 =	slt.u32 s8, $0xFFFFF086  }
0x1c: {  	p1 =	slt.u32 s9, $0xF7A;
	s5 =	simm.s32 @!p2 $0x0  }
0x1d: {  	s5 =	simm.s32 @p1 $0x1;
	p0 =	seq.s32 s7, s2  }
0x1e: {  	s7 =	smul.u32 @!p0 $0xF7A, s2;
	p2 =	seq.s32 @!p0 s5, $0x0  }
0x1f: {  	s9 =	smul.u32 $0xF7A, s1;
	s8 =	simm.s32 @!p0 $0x1BF5;
	p2 =	por !p2, p0  }
0x20: {  	[sflag:s8] =	ssyncset.s32 @!p0 $0xFFFFF086;
	s6 =	sadd.s32 @!p0 s3, s7;
	s7 =	simm.s32 @!p0 $0x108  }
0x21: {  	s3 =	sadd.s32 s3, s9;
	s6 =	sadd.s32 @!p0 $0x88, s6;
	s7 =	simm.s32 @p2 $0x1082  }
0x22: {  	[simem:s7], [sflag:s8] =	dma.local @!p0 [hbm:s6], $0xF7A  }
0x23: {  	s9 =	sor.u32 $0xD0000000, s2;
	s6 =	simm.s32 $0x108;
	_ =	swait.ge @!p0 [sflag:s8], $0x0  }
0x24: {  	s3 =	sadd.s32 $0x88, s3;
	s6 =	simm.s32 @!p1 $0x1082;
	[sflag:s4] =	ssyncset.s32 $0xFFFFF086  }
0x25: {  	[simem:s6], [sflag:s4] =	dma.local [hbm:s3], $0xF7A  }
0x26: {  	[smem:$0x3F88] =	sst s1;
	(tag) =	ssettag s2;
	_ =	strace s9  }
0x27: {  	s1 =	sld [smem:$0x3F98]  }
0x28: {  	s2 =	sld [smem:$0x3F99]  }
0x29: {  	s4 =	sld [smem:$0x3F9B]  }
0x2a: {  	p0 =	seq.s32 s5, $0x0;
	s5 =	sld [smem:$0x3F9C]  }
0x2b: {  	s6 =	sld [smem:$0x3F9D]  }
0x2c: {  	s7 =	sld [smem:$0x3F9E]  }
0x2d: {  	s3 =	simm.s32 $0x108;
	s8 =	sld [smem:$0x3F9F]  }
0x2e: {  	s3 =	simm.s32 @!p0 $0x1082;
	s9 =	sld [smem:$0x3FA0]  }
0x2f: {  	lr =	sadd.s32 s0, s3;
	s0 =	sld [smem:$0x3F97]  }
0x30: {  	s3 =	sld [smem:$0x3F9A]  }
0x31: {  	[smem:$0x3FA3] =	sst s10  }
0x32: {  	s10 =	sld [smem:$0x3FA1];
	_ =	sdelay $0x3  }
0x33: {  	p0 =	seq.s32 s10, $0x1;
	s10 =	sld [smem:$0x3FA3];
	_ =	sdelay $0x3  }
0x34: {  	[smem:$0x3FA3] =	sst s10  }
0x35: {  	s10 =	sld [smem:$0x3FA2];
	_ =	sdelay $0x3  }
0x36: {  	p1 =	seq.s32 s10, $0x1;
	s10 =	sld [smem:$0x3FA3];
	_ =	sdelay $0x3  }
0x37: {  	[smem:$0x3FA3] =	sst s10  }
0x38: {  	s10 =	sld [smem:$0x3FA4]  }
0x39: {  	_ = 	snop;
	(pc) =	sbr.ind lr, $3  }
0x3a: {  	_ = 	snop  }
0x3b: {  	_ = 	snop  }
0x3c: {  	p2 =	seq.s32 s10, $0x1;
	s10 =	sld [smem:$0x3FA3]  }
0x3d: {  	_ =	shalt  }
0x3e: {  	_ =	shalt  }
0x3f: {  	_ =	shalt  }
0x40: {  	_ =	shalt  }
0x41: {  	_ =	shalt  }
0x42: {  	_ =	shalt  }
0x43: {  	_ =	shalt  }
0x44: {  	_ =	shalt  }
0x45: {  	_ =	shalt  }
0x46: {  	_ =	shalt  }
0x47: {  	_ =	shalt  }
0x48: {  	_ =	shalt  }
0x49: {  	_ =	shalt  }
0x4a: {  	_ =	shalt  }
0x4b: {  	_ =	shalt  }
0x4c: {  	_ =	shalt  }
0x4d: {  	_ =	shalt  }
0x4e: {  	_ =	shalt  }
0x4f: {  	_ =	shalt  }
0x50: {  	_ =	shalt  }
0x51: {  	_ =	shalt  }
0x52: {  	_ =	shalt  }
0x53: {  	_ =	shalt  }
0x54: {  	_ =	shalt  }
0x55: {  	_ =	shalt  }
0x56: {  	_ =	shalt  }
0x57: {  	_ =	shalt  }
0x58: {  	_ =	shalt  }
0x59: {  	_ =	shalt  }
0x5a: {  	_ =	shalt  }
0x5b: {  	_ =	shalt  }
0x5c: {  	_ =	shalt  }
0x5d: {  	_ =	shalt  }
0x5e: {  	_ =	shalt  }
0x5f: {  	_ =	shalt  }
0x60: {  	_ =	shalt  }
0x61: {  	_ =	shalt  }
0x62: {  	_ =	shalt  }
0x63: {  	_ =	shalt  }
0x64: {  	_ =	shalt  }
0x65: {  	_ =	shalt  }
0x66: {  	_ =	shalt  }
0x67: {  	_ =	shalt  }
0x68: {  	_ =	shalt  }
0x69: {  	_ =	shalt  }
0x6a: {  	_ =	shalt  }
0x6b: {  	_ =	shalt  }
0x6c: {  	_ =	shalt  }
0x6d: {  	_ =	shalt  }
0x6e: {  	_ =	shalt  }
0x6f: {  	_ =	shalt  }
0x70: {  	_ =	shalt  }
0x71: {  	_ =	shalt  }
0x72: {  	_ =	shalt  }
0x73: {  	_ =	shalt  }
0x74: {  	_ =	shalt  }
0x75: {  	_ =	shalt  }
0x76: {  	_ =	shalt  }
0x77: {  	_ =	shalt  }
0x78: {  	_ =	shalt  }
0x79: {  	_ =	shalt  }
0x7a: {  	_ =	shalt  }
0x7b: {  	_ =	shalt  }
0x7c: {  	_ =	shalt  }
0x7d: {  	_ =	shalt  }
0x7e: {  	_ =	shalt  }
0x7f: {  	_ =	shalt  }
0x80: {  	_ =	shalt  }
0x81: {  	_ =	shalt  }
0x82: {  	_ =	shalt  }
0x83: {  	_ =	shalt  }
0x84: {  	_ =	shalt  }
0x85: {  	_ =	shalt  }
0x86: {  	_ =	shalt  }
0x87: {  	_ =	shalt  }
.Lfunc_end0:
.L_simem_size_0:
called_computation.1_lowered:
.L_overlay_start_0:
0x88: {  	s2 =	sld [smem:$0x3FD9]  }
0x89: {  	s3 =	sld [smem:$0x3FFE];
	_ =	sdelay $0x1  }
0x8a: {  	s1 =	srdreg.scid  }
0x8b: {  	s0 =	sand.u32 $0x1, s1  }
0x8c: {  	s16 =	sshll.u32 s0, $0xA;
	s2 =	sadd.s32 s3, s2  }
0x8d: {  	s2 =	sadd.s32 s2, s16  }
0x8e: {  	[smem:$0x3FAF] =	sst s2  }
0x8f: {  	_ = 	snop  }
0x90: {  	(tm) =	ssettm $0x1  }
0x91: {  	s17 =	sld [smem:$0x3FFB];
	_ =	sdelay $0x3  }
0x92: {  	_ =	strace s17  }
0x93: {  	s2 =	sld [smem:$0x3FFC];
	_ =	sdelay $0x3  }
0x94: {  	_ =	strace s2  }
0x95: {  	s2 =	sld [smem:$0x3FFD];
	_ =	sdelay $0x3  }
0x96: {  	_ =	strace s2  }
0x97: {  	_ =	strace $0x8FFFFFFF  }
0x98: {  	s18 =	sld [smem:$0x3FDB];
	_ =	sdelay $0x1  }
0x99: {  	s19 =	simm.s32 $_scs_section_size  }
0x9a: {  	s4 =	simm.s32 $_size__tile_overlayer_lowered;
	s5 =	simm.s32 $_tile_overlayer_lowered  }
0x9b: {  	s22 =	simm.s32 $0x1BFF;
	s21 =	sshll.u32 s5, $0x1;
	s2 =	sadd.s32 s19, s18  }
0x9c: {  	s6 =	simm.s32 $0x0;
	s20 =	sshll.u32 s4, $0x1;
	s4 =	sadd.s32 s21, s2  }
0x9d: {  	[timem:s6], [sflag:s22] =	dma.local [hbm:s4], s20  }
0x9e: {  	_ =	swait.ge [sflag:s22], s20  }
0x9f: {  	s3 =	ssub.s32 $0x0, s20;
	[sflag:s22] =	ssyncset.done $0x0  }
0xa0: {  	[sflag:s22] =	ssyncadd.s32 s3;
	_ =	sdelay $0x1  }
0xa1: {  	s23 =	simm.s32 $0x1B8B  }
0xa2: {  	_ =	swait.ge [sflag:s23], $0x1  }
0xa3: {  	[sflag:s23] =	ssyncset.done $0x0  }
0xa4: {  	s25 =	simm.s32 $0x1B8E;
	s24 =	sld [smem:$0x3FFE];
	[sflag:s23] =	ssyncadd.s32 $0xFFFFFFFF  }
0xa5: {  	s26 =	simm.s32 $execute0_lowered;
	[smem:$0x3FD2] =	sst s25  }
0xa6: {  	s4 =	sshll.u32 s26, $0x1;
	_ =	strace $0x80000049;
	[dreg:$0x1] =	wrdreg $0xFFFFFFFF  }
0xa7: {  	s28 =	simm.s32 $_size_execute0_lowered;
	s2 =	sadd.s32 s2, s4;
	[dreg:$0x0] =	wrdreg $0x0  }
0xa8: {  	s4 =	sshll.u32 s28, $0x1;
	[dreg:$0x2] =	wrdreg s2  }
0xa9: {  	[dreg:$0x3] =	wrdreg s4  }
0xaa: {  	[dreg:$0x4] =	wrdreg $0xC0  }
0xab: {  	_ =	task [dreg:s6], $0x5FFFF  }
0xac: {  	[dreg:$0x1] =	wrdreg $0xFFFFFFFF  }
0xad: {  	[dreg:$0x0] =	wrdreg $0x60  }
0xae: {  	[dreg:$0x2] =	wrdreg s24  }
0xaf: {  	[dreg:$0x3] =	wrdreg $0x9E200  }
0xb0: {  	[dreg:$0x4] =	wrdreg $0x9  }
0xb1: {  	_ =	task.clear_ibuf [dreg:s6], $0x5FFFF;
	_ =	strace $0x90000049  }
0xb2: {  	s29 =	simm.s32 $0x9;
	_ =	strace $0x8000004B  }
0xb3: {  	_ =	swait.ge [sflag:s29], $0x1  }
0xb4: {  	[sflag:s29] =	ssyncadd.s32 $0xFFFFFFFF  }
0xb5: {  	_ =	strace $0x9000004B  }
0xb6: {  	_ =	sfence  }
0xb7: {  	s30 =	sld [smem:$0x0];
	_ =	sdelay $0x2  }
0xb8: {  	s31 =	sshll.u32 s1, $0xD;
	s1 =	sshrl.u32 s1, $0x2  }
0xb9: {  	s3 =	sand.u32 $0x4000, s31;
	s1 =	sadd.s32 s1, s30  }
0xba: {  	s0 =	sor.u32 s3, s0;
	s1 =	sshll.u32 s1, $0x11  }
0xbb: {  	s0 =	sor.u32 s1, s0  }
0xbc: {  	s0 =	sadd.s32 $0x8F2B, s0  }
0xbd: {  	[sflag:s0] =	ssyncadd.remote.s32 $0x1  }
0xbe: {  	_ =	sfence.sel $0xFFFF  }
0xbf: {  	[dreg:$0x0] =	wrdreg $0xFFFFFFFF;
	(pc) =	sbr.abs _section_cstart, $3  }
0xc0: {  	[dreg:$0x1] =	wrdreg $0xFFFFFFFF  }
0xc1: {  	_ =	task.clear_ibuf [dreg:s6], $0x2FFFF;
	_ =	strace $0x9FFFFFFF  }
0xc2: {  	(tm) =	ssettm $0x7FFFFFFF  }
0xc3: {  	_ =	shalt  }
tec
execute0_lowered:
.L_overlay_start_1:
0x0: {  	(tag) =	ssettag $0x1  }
0x1: {  	s0 =	rddreg [dreg:$0x0]  }
0x2: {  	s1 =	rddreg [dreg:$0x1]  }
0x3: {  	s2 =	srdreg.scid;
	s12 =	stileid.u32  }
0x4: {  	s17 =	simm.s32 $0x4E20;
	s18 =	simm.s32 $0x6220;
	s20 =	simm.s32 $0x7620  }
0x5: {  	s22 =	simm.s32 $0x8A20;
	s30 =	simm.s32 $0x4CE0;
	s31 =	simm.s32 $0x4D30  }
0x6: {  	s19 =	simm.s32 $0x0;
	s6 =	sand.u32 $0x1, s2;
	s4 =	smul.u32 $0x9C00, s12  }
0x7: {  	s2 =	simm.s32 $0x0;
	s10 =	sadd.s32 $0x40E00, s0;
	s25 =	smul.u32 $0x1380, s12  }
0x8: {  	s26 =	sshll.u32 s12, $0x6;
	s16 =	sadd.s32 $0x9C000, s1;
	p0 =	sne.s32 s12, $0x0  }
0x9: {  	s3 =	sshll.u32 s6, $0x4;
	[smem:$0x7FF] =	sst s2;
	s14 =	smul.u32 $0x9C400, s6  }
0xa: {  	s8 =	ssub.s32 $0x2, s6;
	s15 =	smul.u32 $0x13880, s6;
	s6 =	sadd.s32 $0x40C00, s0  }
0xb: {  	s3 =	sor.u32 s12, s3;
	_ =	strace $0x8000004A;
	s7 =	sshrl.u32 s4, $0x3  }
0xc: {  	s24 =	sshrl.u32 s8, $0x1;
	s13 =	sadd.s32 s4, s1;
	s5 =	smul.u32 $0x4E2, s3  }
0xd: {  	s3 =	sadd.s32 $0x19A00, s0;
	s23 =	sadd.s32 s7, s0;
	s11 =	ssub.s32 s8, s24  }
0xe: {  	s28 =	sshrl.u32 s14, $0x3;
	s29 =	sadd.s32 s25, s15;
	s12 =	sshrl.u32 s13, $0x3  }
0xf: {  	s13 =	simm.s32 $0x5;
	s14 =	sshrl.u32 @!p0 s16, $0x3;
	s16 =	simm.s32 $0x50  }
0x10: {  	s24 =	simm.s32 $0x2;
	s25 =	simm.s32 $0x3;
	s15 =	simm.s32 $0x4DD0  }
0x11: {  	s4 =	sadd.s32 $0x2D400, s23;
	s11 =	smax.u32 s11, $0x1;
	s23 =	simm.s32 $0x1  }
0x12: {  	s9 =	sadd.s32 s5, s0;
	s5 =	sor.u32 $0x1C05, s26;
	s0 =	sadd.s32 s10, s28  }
0x13: {  	s26 =	simm.s32 $0x4;
	s7 =	sadd.s32 $0xFC00, s9;
	s8 =	sadd.s32 $0x5E00, s9  }
0x14: {  	s9 =	sadd.s32 s10, s29;
	s10 =	sadd.s32 $0x13800, s0;
	s0 =	simm.s32 $0x4D80  }
.LBB2_1:
0x15: {  	[spmem:s12], [sflag:s5] =	dma.local [hbm:s4], $0x1380  }
0x16: {  	_ =	swait.ge [sflag:s13], $0x1380  }
0x17: {  	[sflag:s13] =	ssyncset.done $0x0  }
0x18: {  	s21 =	simm.s32 @!p0 $0x5;
	[sflag:s13] =	ssyncadd.s32 $0xFFFFEC80  }
0x19: {  	[spmem:s14], [sflag:s5] =	dma.local @!p0 [hbm:s6], $0x80  }
0x1a: {  	_ =	swait.ge @!p0 [sflag:s21], $0x80  }
0x1b: {  	[sflag:s21] =	ssyncset.done @!p0 $0x0  }
0x1c: {  	[sflag:s21] =	ssyncadd.s32 @!p0 $0xFFFFFF80  }
0x1d: {  	[tilespmem:s2], [sflag:$0x5] =	stream.linear.gather [hbm4b:s7+s2], $0x2710, $0x38;
	[tilespmem:$0x13A60] =	vst v63  }
0x1e: {  	_ =	swait.ge [sflag:s13], $0x2710  }
0x1f: {  	[sflag:s13] =	ssyncset.done $0x0  }
0x20: {  	s29 =	simm.s32 $0x2710;
	[sflag:s13] =	ssyncadd.s32 $0xFFFFD8F0  }
0x21: {  	[tilespmem:s29], [sflag:$0x5] =	stream.linear.gather [hbm4b:s8+s2], $0x2710, $0x38;
	[tilespmem:$0x13A60] =	vst v63  }
0x22: {  	_ =	swait.ge [sflag:s13], $0x2710  }
0x23: {  	[sflag:s13] =	ssyncset.done $0x0  }
0x24: {  	[sflag:s13] =	ssyncadd.s32 $0xFFFFD8F0  }
0x25: {  	[bflag:$0x0] =	sbarrier.arrive $0xFFFF  }
0x26: {  	[tilespmem:s17], [sflag:$0x1] =	stream.indirect.gather [hbm4b:s3+s16], $0x40, s2, s16, $0xb8;
	[tilespmem:$0x13A60] =	vst v63  }
0x27: {  	_ = 	snop  }
0x28: {  	[tilespmem:s18], [sflag:$0x2] =	stream.indirect.gather [hbm4b:s3+s16], $0x40, s16, s16, $0xb8;
	[tilespmem:$0x13A60] =	vst v63  }
0x29: {  	s29 =	simm.s32 $0xA0  }
0x2a: {  	[tilespmem:s20], [sflag:$0x3] =	stream.indirect.gather [hbm4b:s3+s16], $0x40, s29, s16, $0xb8;
	[tilespmem:$0x13A60] =	vst v63  }
0x2b: {  	s29 =	simm.s32 $0xF0  }
0x2c: {  	[tilespmem:s22], [sflag:$0x4] =	stream.indirect.gather [hbm4b:s3+s16], $0x40, s29, s16, $0xb8;
	[tilespmem:$0x13A60] =	vst v63  }
0x2d: {  	_ =	swait.ge [sflag:s23], $0x1400  }
0x2e: {  	[sflag:s23] =	ssyncset.done $0x0  }
0x2f: {  	s29 =	simm.s32 $0x2710;
	[sflag:s23] =	ssyncadd.s32 $0xFFFFEC00  }
0x30: {  	[spmem:s1] =	stream.indirect.scatter.add.f32 [tilespmem:s17], [sflag:$0x5], $0x40, s29, s16, $0xb8;
	[tilespmem:$0x13A60] =	vst v63  }
0x31: {  	_ =	swait.ge [sflag:s13], $0x1400  }
0x32: {  	[sflag:s13] =	ssyncset.done $0x0  }
0x33: {  	s29 =	simm.s32 $0x140;
	[sflag:s13] =	ssyncadd.s32 $0xFFFFEC00  }
0x34: {  	[tilespmem:s17], [sflag:$0x1] =	stream.indirect.gather [hbm4b:s3+s16], $0x40, s29, s16, $0xb8;
	[tilespmem:$0x13A60] =	vst v63  }
0x35: {  	_ =	swait.ge [sflag:s24], $0x1400  }
0x36: {  	[sflag:s24] =	ssyncset.done $0x0  }
0x37: {  	s29 =	simm.s32 $0x2760;
	[sflag:s24] =	ssyncadd.s32 $0xFFFFEC00  }
0x38: {  	[spmem:s1] =	stream.indirect.scatter.add.f32 [tilespmem:s18], [sflag:$0x5], $0x40, s29, s16, $0xb8;
	[tilespmem:$0x13A60] =	vst v63  }
0x39: {  	_ =	swait.ge [sflag:s13], $0x1400  }
0x3a: {  	[sflag:s13] =	ssyncset.done $0x0  }
0x3b: {  	s29 =	simm.s32 $0x190;
	[sflag:s13] =	ssyncadd.s32 $0xFFFFEC00  }
0x3c: {  	[tilespmem:s18], [sflag:$0x2] =	stream.indirect.gather [hbm4b:s3+s16], $0x40, s29, s16, $0xb8;
	[tilespmem:$0x13A60] =	vst v63  }
0x3d: {  	_ =	swait.ge [sflag:s25], $0x1400  }
0x3e: {  	[sflag:s25] =	ssyncset.done $0x0  }
0x3f: {  	s29 =	simm.s32 $0x27B0;
	[sflag:s25] =	ssyncadd.s32 $0xFFFFEC00  }
0x40: {  	[spmem:s1] =	stream.indirect.scatter.add.f32 [tilespmem:s20], [sflag:$0x5], $0x40, s29, s16, $0xb8;
	[tilespmem:$0x13A60] =	vst v63  }
0x41: {  	_ =	swait.ge [sflag:s13], $0x1400  }
0x42: {  	[sflag:s13] =	ssyncset.done $0x0  }
0x43: {  	s29 =	simm.s32 $0x1E0;
	[sflag:s13] =	ssyncadd.s32 $0xFFFFEC00  }
0x44: {  	[tilespmem:s20], [sflag:$0x3] =	stream.indirect.gather [hbm4b:s3+s16], $0x40, s29, s16, $0xb8;
	[tilespmem:$0x13A60] =	vst v63  }
0x45: {  	_ =	swait.ge [sflag:s26], $0x1400  }
0x46: {  	[sflag:s26] =	ssyncset.done $0x0  }
0x47: {  	s29 =	simm.s32 $0x2800;
	[sflag:s26] =	ssyncadd.s32 $0xFFFFEC00  }
0x48: {  	[spmem:s1] =	stream.indirect.scatter.add.f32 [tilespmem:s22], [sflag:$0x5], $0x40, s29, s16, $0xb8;
	[tilespmem:$0x13A60] =	vst v63  }
0x49: {  	_ =	swait.ge [sflag:s13], $0x1400  }
0x4a: {  	[sflag:s13] =	ssyncset.done $0x0  }
0x4b: {  	s28 =	simm.s32 $0x230;
	s21 =	simm.s32 $0x500;
	[sflag:s13] =	ssyncadd.s32 $0xFFFFEC00  }
.LBB2_2:
0x4c: {  	[tilespmem:s22], [sflag:$0x4] =	stream.indirect.gather [hbm4b:s3+s16], $0x40, s28, s16, $0xb8;
	[tilespmem:$0x13A60] =	vst v63  }
0x4d: {  	s28 =	smov.u32 s21  }
0x4e: {  	p1 =	sne.s32 s21, $0x9100;
	s21 =	sadd.s32 $0x500, s21;
	_ =	swait.ge [sflag:s23], $0x1400  }
0x4f: {  	s28 =	sshra.s32 s28, $0x2;
	[sflag:s23] =	ssyncset.done $0x0  }
0x50: {  	s29 =	sadd.s32 $0x2710, s28;
	[sflag:s23] =	ssyncadd.s32 $0xFFFFEC00  }
0x51: {  	[spmem:s1] =	stream.indirect.scatter.add.f32 [tilespmem:s17], [sflag:$0x5], $0x40, s29, s16, $0xb8;
	[tilespmem:$0x13A60] =	vst v63  }
0x52: {  	_ =	swait.ge [sflag:s13], $0x1400  }
0x53: {  	[sflag:s13] =	ssyncset.done $0x0  }
0x54: {  	s29 =	sadd.s32 $0x140, s28;
	[sflag:s13] =	ssyncadd.s32 $0xFFFFEC00  }
0x55: {  	[tilespmem:s17], [sflag:$0x1] =	stream.indirect.gather [hbm4b:s3+s16], $0x40, s29, s16, $0xb8;
	[tilespmem:$0x13A60] =	vst v63  }
0x56: {  	_ =	swait.ge [sflag:s24], $0x1400  }
0x57: {  	[sflag:s24] =	ssyncset.done $0x0  }
0x58: {  	s29 =	sadd.s32 $0x2760, s28;
	[sflag:s24] =	ssyncadd.s32 $0xFFFFEC00  }
0x59: {  	[spmem:s1] =	stream.indirect.scatter.add.f32 [tilespmem:s18], [sflag:$0x5], $0x40, s29, s16, $0xb8;
	[tilespmem:$0x13A60] =	vst v63  }
0x5a: {  	_ =	swait.ge [sflag:s13], $0x1400  }
0x5b: {  	[sflag:s13] =	ssyncset.done $0x0  }
0x5c: {  	s29 =	sadd.s32 $0x190, s28;
	[sflag:s13] =	ssyncadd.s32 $0xFFFFEC00  }
0x5d: {  	[tilespmem:s18], [sflag:$0x2] =	stream.indirect.gather [hbm4b:s3+s16], $0x40, s29, s16, $0xb8;
	[tilespmem:$0x13A60] =	vst v63  }
0x5e: {  	_ =	swait.ge [sflag:s25], $0x1400  }
0x5f: {  	[sflag:s25] =	ssyncset.done $0x0  }
0x60: {  	s29 =	sadd.s32 $0x27B0, s28;
	[sflag:s25] =	ssyncadd.s32 $0xFFFFEC00  }
0x61: {  	[spmem:s1] =	stream.indirect.scatter.add.f32 [tilespmem:s20], [sflag:$0x5], $0x40, s29, s16, $0xb8;
	[tilespmem:$0x13A60] =	vst v63  }
0x62: {  	_ =	swait.ge [sflag:s13], $0x1400  }
0x63: {  	[sflag:s13] =	ssyncset.done $0x0  }
0x64: {  	s29 =	sadd.s32 $0x1E0, s28;
	[sflag:s13] =	ssyncadd.s32 $0xFFFFEC00  }
0x65: {  	[tilespmem:s20], [sflag:$0x3] =	stream.indirect.gather [hbm4b:s3+s16], $0x40, s29, s16, $0xb8;
	[tilespmem:$0x13A60] =	vst v63  }
0x66: {  	_ =	swait.ge [sflag:s26], $0x1400  }
0x67: {  	[sflag:s26] =	ssyncset.done $0x0  }
.Ltmp0:
0x68: {  	s29 =	sadd.s32 $0x2800, s28;
	[sflag:s26] =	ssyncadd.s32 $0xFFFFEC00;
	(pc) =	sbr.rel @p1 .LBB2_2-.Ltmp0, $4  }
0x69: {  	[spmem:s1] =	stream.indirect.scatter.add.f32 [tilespmem:s22], [sflag:$0x5], $0x40, s29, s16, $0xb8;
	[tilespmem:$0x13A60] =	vst v63  }
0x6a: {  	_ =	swait.ge [sflag:s13], $0x1400  }
0x6b: {  	[sflag:s13] =	ssyncset.done $0x0  }
0x6c: {  	s28 =	sadd.s32 $0x230, s28;
	[sflag:s13] =	ssyncadd.s32 $0xFFFFEC00  }
0x6d: {  	[tilespmem:s22], [sflag:$0x4] =	stream.indirect.gather [hbm4b:s3+s16], $0x40, s28, s16, $0xb8;
	[tilespmem:$0x13A60] =	vst v63  }
0x6e: {  	_ =	swait.ge [sflag:s23], $0x1400  }
0x6f: {  	[sflag:s23] =	ssyncset.done $0x0  }
0x70: {  	s21 =	simm.s32 $0x4C90;
	[sflag:s23] =	ssyncadd.s32 $0xFFFFEC00  }
0x71: {  	[spmem:s1] =	stream.indirect.scatter.add.f32 [tilespmem:s17], [sflag:$0x5], $0x40, s21, s16, $0xb8;
	[tilespmem:$0x13A60] =	vst v63  }
0x72: {  	_ =	swait.ge [sflag:s13], $0x1400  }
0x73: {  	[sflag:s13] =	ssyncset.done $0x0  }
0x74: {  	s29 =	simm.s32 $0x26C0;
	[sflag:s13] =	ssyncadd.s32 $0xFFFFEC00  }
0x75: {  	[tilespmem:s17], [sflag:$0x1] =	stream.indirect.gather [hbm4b:s3+s16], $0x40, s29, s16, $0xb8;
	[tilespmem:$0x13A60] =	vst v63  }
0x76: {  	_ =	swait.ge [sflag:s24], $0x1400  }
0x77: {  	[sflag:s24] =	ssyncset.done $0x0  }
0x78: {  	[sflag:s24] =	ssyncadd.s32 $0xFFFFEC00  }
0x79: {  	[spmem:s1] =	stream.indirect.scatter.add.f32 [tilespmem:s18], [sflag:$0x5], $0x40, s30, s16, $0xb8;
	[tilespmem:$0x13A60] =	vst v63  }
0x7a: {  	_ =	swait.ge [sflag:s13], $0x1400  }
0x7b: {  	[sflag:s13] =	ssyncset.done $0x0  }
0x7c: {  	[sflag:s13] =	ssyncadd.s32 $0xFFFFEC00  }
0x7d: {  	_ =	swait.ge [sflag:s25], $0x1400  }
0x7e: {  	[sflag:s25] =	ssyncset.done $0x0  }
0x7f: {  	[sflag:s25] =	ssyncadd.s32 $0xFFFFEC00  }
0x80: {  	[spmem:s1] =	stream.indirect.scatter.add.f32 [tilespmem:s20], [sflag:$0x5], $0x40, s31, s16, $0xb8;
	[tilespmem:$0x13A60] =	vst v63  }
0x81: {  	_ =	swait.ge [sflag:s13], $0x1400  }
0x82: {  	[sflag:s13] =	ssyncset.done $0x0  }
0x83: {  	[sflag:s13] =	ssyncadd.s32 $0xFFFFEC00  }
0x84: {  	_ =	swait.ge [sflag:s26], $0x1400  }
0x85: {  	[sflag:s26] =	ssyncset.done $0x0  }
0x86: {  	[sflag:s26] =	ssyncadd.s32 $0xFFFFEC00  }
0x87: {  	[spmem:s1] =	stream.indirect.scatter.add.f32 [tilespmem:s22], [sflag:$0x5], $0x40, s0, s16, $0xb8;
	[tilespmem:$0x13A60] =	vst v63  }
0x88: {  	_ =	swait.ge [sflag:s13], $0x1400  }
0x89: {  	[sflag:s13] =	ssyncset.done $0x0  }
0x8a: {  	[sflag:s13] =	ssyncadd.s32 $0xFFFFEC00  }
0x8b: {  	_ =	swait.ge [sflag:s23], $0x1400  }
0x8c: {  	[sflag:s23] =	ssyncset.done $0x0  }
0x8d: {  	[sflag:s23] =	ssyncadd.s32 $0xFFFFEC00  }
0x8e: {  	[spmem:s1] =	stream.indirect.scatter.add.f32 [tilespmem:s17], [sflag:$0x5], $0x40, s15, s16, $0xb8;
	[tilespmem:$0x13A60] =	vst v63  }
0x8f: {  	_ =	swait.ge [sflag:s13], $0x1400  }
0x90: {  	[sflag:s13] =	ssyncset.done $0x0  }
0x91: {  	[sflag:s13] =	ssyncadd.s32 $0xFFFFEC00  }
0x92: {  	[bflag:$0x0] =	sbarrier.arrive $0xFFFF  }
0x93: {  	[hbm:s9], [sflag:s5] =	dma.local [spmem:s12], $0x1380  }
0x94: {  	s19 =	sadd.s32 $0x1, s19;
	_ =	swait.ge [sflag:s13], $0x1380  }
0x95: {  	p1 =	sne.s32 s19, s11;
	[sflag:s13] =	ssyncset.done $0x0  }
.Ltmp1:
0x96: {  	s21 =	simm.s32 @!p0 $0x5;
	[sflag:s13] =	ssyncadd.s32 $0xFFFFEC80;
	(pc) =	sbr.rel @p1 .LBB2_1-.Ltmp1, $4  }
0x97: {  	[hbm:s10], [sflag:s5] =	dma.local @!p0 [spmem:s14], $0x80  }
0x98: {  	_ =	swait.ge @!p0 [sflag:s21], $0x80  }
0x99: {  	[sflag:s21] =	ssyncset.done @!p0 $0x0  }
0x9a: {  	[sflag:s21] =	ssyncadd.s32 @!p0 $0xFFFFFF80  }
0x9b: {  	_ =	sfence.sel $0x180000  }
0x9c: {  	[bflag:$0x0] =	sbarrier.arrive $0xFFFF  }
0x9d: {  	_ =	strace $0x9000004A  }
0x9e: {  	[bflag:$0x2] =	sbarrier.arrive $0xFFFF  }
0x9f: {  	s0 =	rddreg [dreg:$0x2]  }
0xa0: {  	s0 =	sadd.s32 @!p0 $0x100000, s0  }
0xa1: {  	[sflag:s0] =	ssyncadd.tile.s32 @!p0 $0x1;
	_ =	shalt  }
.Lfunc_end2:
_tile_overlayer_lowered:
.L_overlay_start_2:
0xa2: {  	(tag) =	ssettag $0x2  }
0xa3: {  	s0 =	rddreg [dreg:$0x0];
	s2 =	stileid.u32  }
0xa4: {  	s1 =	rddreg [dreg:$0x1];
	p0 =	sne.s32 s2, $0x0  }
0xa5: {  	s3 =	rddreg [dreg:$0x2];
	[bflag:$0x3] =	sbarrier.arrive $0xFFFF;
	s2 =	simm.s32 @!p0 $0x1C05  }
0xa6: {  	[timem:s3], [sflag:s2] =	dma.local @!p0 [hbm:s0], s1  }
0xa7: {  	s0 =	simm.s32 @!p0 $0x5  }
0xa8: {  	_ =	swait.ge @!p0 [sflag:s0], s1  }
0xa9: {  	s1 =	ssub.s32 @!p0 $0x0, s1;
	[sflag:s0] =	ssyncset.done @!p0 $0x0  }
0xaa: {  	[sflag:s0] =	ssyncadd.s32 @!p0 s1  }
0xab: {  	[bflag:$0x3] =	sbarrier.arrive $0xFFFF  }
0xac: {  	_ =	shalt  }

// kernel: kernel.17.cloned.1.call-start
scs
__scs_entry_jumppad:
0x0: {  	(pc) =	sbr.rel $0x88, $3  }
0x1: {  	(tag) =	ssettag $0x0;
	lr =	simm.s32 $0x1  }
0x2: {  	[smem:$0x3F88] =	sst lr;
	_ =	strace $0xD0000000  }
0x3: {  	_ = 	snop  }
0x4: {  	_ = 	snop  }
0x5: {  	_ = 	snop  }
0x6: {  	_ = 	snop  }
0x7: {  	_ = 	snop  }
__scs_overlays_trampoline_lowered:
0x8: {  	[smem:$0x3F97] =	sst s0  }
0x9: {  	[smem:$0x3F98] =	sst s1  }
0xa: {  	[smem:$0x3F99] =	sst s2  }
0xb: {  	[smem:$0x3F9A] =	sst s3  }
0xc: {  	[smem:$0x3F9B] =	sst s4  }
0xd: {  	[smem:$0x3F9C] =	sst s5  }
0xe: {  	[smem:$0x3F9D] =	sst s6  }
0xf: {  	[smem:$0x3F9E] =	sst s7  }
0x10: {  	[smem:$0x3F9F] =	sst s8  }
0x11: {  	[smem:$0x3FA0] =	sst s9;
	s0 =	simm.s32 @!p0 $0x0  }
0x12: {  	s1 =	sld [smem:$0x3F86];
	s0 =	simm.s32 @p0 $0x1  }
0x13: {  	[smem:$0x3FA1] =	sst s0;
	s0 =	simm.s32 @!p1 $0x0  }
0x14: {  	s2 =	sld [smem:$0x3F85];
	s0 =	simm.s32 @p1 $0x1  }
0x15: {  	[smem:$0x3FA2] =	sst s0;
	s0 =	simm.s32 @!p2 $0x0  }
0x16: {  	s3 =	sld [smem:$0x3FDB];
	s0 =	simm.s32 @p2 $0x1  }
0x17: {  	s4 =	simm.s32 $0x1BF5;
	[smem:$0x3FA4] =	sst s0  }
0x18: {  	s0 =	sld [smem:$0x3F87];
	_ =	swait.ge [sflag:s4], $0x0  }
0x19: {  	s7 =	sld [smem:$0x3F88]  }
0x1a: {  	s8 =	sadd.s32 $0xFFFFE003, lr  }
0x1b: {  	s9 =	sadd.s32 $0xFFFFFEF7, lr;
	s5 =	simm.s32 $0xFFFFFFFF;
	p2 =	slt.u32 s8, $0xFFFFF086  }
0x1c: {  	p1 =	slt.u32 s9, $0xF7A;
	s5 =	simm.s32 @!p2 $0x0  }
0x1d: {  	s5 =	simm.s32 @p1 $0x1;
	p0 =	seq.s32 s7, s2  }
0x1e: {  	s7 =	smul.u32 @!p0 $0xF7A, s2;
	p2 =	seq.s32 @!p0 s5, $0x0  }
0x1f: {  	s9 =	smul.u32 $0xF7A, s1;
	s8 =	simm.s32 @!p0 $0x1BF5;
	p2 =	por !p2, p0  }
0x20: {  	[sflag:s8] =	ssyncset.s32 @!p0 $0xFFFFF086;
	s6 =	sadd.s32 @!p0 s3, s7;
	s7 =	simm.s32 @!p0 $0x108  }
0x21: {  	s3 =	sadd.s32 s3, s9;
	s6 =	sadd.s32 @!p0 $0x88, s6;
	s7 =	simm.s32 @p2 $0x1082  }
0x22: {  	[simem:s7], [sflag:s8] =	dma.local @!p0 [hbm:s6], $0xF7A  }
0x23: {  	s9 =	sor.u32 $0xD0000000, s2;
	s6 =	simm.s32 $0x108;
	_ =	swait.ge @!p0 [sflag:s8], $0x0  }
0x24: {  	s3 =	sadd.s32 $0x88, s3;
	s6 =	simm.s32 @!p1 $0x1082;
	[sflag:s4] =	ssyncset.s32 $0xFFFFF086  }
0x25: {  	[simem:s6], [sflag:s4] =	dma.local [hbm:s3], $0xF7A  }
0x26: {  	[smem:$0x3F88] =	sst s1;
	(tag) =	ssettag s2;
	_ =	strace s9  }
0x27: {  	s1 =	sld [smem:$0x3F98]  }
0x28: {  	s2 =	sld [smem:$0x3F99]  }
0x29: {  	s4 =	sld [smem:$0x3F9B]  }
0x2a: {  	p0 =	seq.s32 s5, $0x0;
	s5 =	sld [smem:$0x3F9C]  }
0x2b: {  	s6 =	sld [smem:$0x3F9D]  }
0x2c: {  	s7 =	sld [smem:$0x3F9E]  }
0x2d: {  	s3 =	simm.s32 $0x108;
	s8 =	sld [smem:$0x3F9F]  }
0x2e: {  	s3 =	simm.s32 @!p0 $0x1082;
	s9 =	sld [smem:$0x3FA0]  }
0x2f: {  	lr =	sadd.s32 s0, s3;
	s0 =	sld [smem:$0x3F97]  }
0x30: {  	s3 =	sld [smem:$0x3F9A]  }
0x31: {  	[smem:$0x3FA3] =	sst s10  }
0x32: {  	s10 =	sld [smem:$0x3FA1];
	_ =	sdelay $0x3  }
0x33: {  	p0 =	seq.s32 s10, $0x1;
	s10 =	sld [smem:$0x3FA3];
	_ =	sdelay $0x3  }
0x34: {  	[smem:$0x3FA3] =	sst s10  }
0x35: {  	s10 =	sld [smem:$0x3FA2];
	_ =	sdelay $0x3  }
0x36: {  	p1 =	seq.s32 s10, $0x1;
	s10 =	sld [smem:$0x3FA3];
	_ =	sdelay $0x3  }
0x37: {  	[smem:$0x3FA3] =	sst s10  }
0x38: {  	s10 =	sld [smem:$0x3FA4]  }
0x39: {  	_ = 	snop;
	(pc) =	sbr.ind lr, $3  }
0x3a: {  	_ = 	snop  }
0x3b: {  	_ = 	snop  }
0x3c: {  	p2 =	seq.s32 s10, $0x1;
	s10 =	sld [smem:$0x3FA3]  }
0x3d: {  	_ =	shalt  }
0x3e: {  	_ =	shalt  }
0x3f: {  	_ =	shalt  }
0x40: {  	_ =	shalt  }
0x41: {  	_ =	shalt  }
0x42: {  	_ =	shalt  }
0x43: {  	_ =	shalt  }
0x44: {  	_ =	shalt  }
0x45: {  	_ =	shalt  }
0x46: {  	_ =	shalt  }
0x47: {  	_ =	shalt  }
0x48: {  	_ =	shalt  }
0x49: {  	_ =	shalt  }
0x4a: {  	_ =	shalt  }
0x4b: {  	_ =	shalt  }
0x4c: {  	_ =	shalt  }
0x4d: {  	_ =	shalt  }
0x4e: {  	_ =	shalt  }
0x4f: {  	_ =	shalt  }
0x50: {  	_ =	shalt  }
0x51: {  	_ =	shalt  }
0x52: {  	_ =	shalt  }
0x53: {  	_ =	shalt  }
0x54: {  	_ =	shalt  }
0x55: {  	_ =	shalt  }
0x56: {  	_ =	shalt  }
0x57: {  	_ =	shalt  }
0x58: {  	_ =	shalt  }
0x59: {  	_ =	shalt  }
0x5a: {  	_ =	shalt  }
0x5b: {  	_ =	shalt  }
0x5c: {  	_ =	shalt  }
0x5d: {  	_ =	shalt  }
0x5e: {  	_ =	shalt  }
0x5f: {  	_ =	shalt  }
0x60: {  	_ =	shalt  }
0x61: {  	_ =	shalt  }
0x62: {  	_ =	shalt  }
0x63: {  	_ =	shalt  }
0x64: {  	_ =	shalt  }
0x65: {  	_ =	shalt  }
0x66: {  	_ =	shalt  }
0x67: {  	_ =	shalt  }
0x68: {  	_ =	shalt  }
0x69: {  	_ =	shalt  }
0x6a: {  	_ =	shalt  }
0x6b: {  	_ =	shalt  }
0x6c: {  	_ =	shalt  }
0x6d: {  	_ =	shalt  }
0x6e: {  	_ =	shalt  }
0x6f: {  	_ =	shalt  }
0x70: {  	_ =	shalt  }
0x71: {  	_ =	shalt  }
0x72: {  	_ =	shalt  }
0x73: {  	_ =	shalt  }
0x74: {  	_ =	shalt  }
0x75: {  	_ =	shalt  }
0x76: {  	_ =	shalt  }
0x77: {  	_ =	shalt  }
0x78: {  	_ =	shalt  }
0x79: {  	_ =	shalt  }
0x7a: {  	_ =	shalt  }
0x7b: {  	_ =	shalt  }
0x7c: {  	_ =	shalt  }
0x7d: {  	_ =	shalt  }
0x7e: {  	_ =	shalt  }
0x7f: {  	_ =	shalt  }
0x80: {  	_ =	shalt  }
0x81: {  	_ =	shalt  }
0x82: {  	_ =	shalt  }
0x83: {  	_ =	shalt  }
0x84: {  	_ =	shalt  }
0x85: {  	_ =	shalt  }
0x86: {  	_ =	shalt  }
0x87: {  	_ =	shalt  }
.Lfunc_end0:
.L_simem_size_0:
called_computation.2_lowered:
.L_overlay_start_0:
0x88: {  	s2 =	sld [smem:$0x3FD9]  }
0x89: {  	s3 =	sld [smem:$0x3FFE];
	_ =	sdelay $0x1  }
0x8a: {  	s1 =	srdreg.scid  }
0x8b: {  	s0 =	sand.u32 $0x1, s1  }
0x8c: {  	s16 =	sshll.u32 s0, $0xA;
	s2 =	sadd.s32 s3, s2  }
0x8d: {  	s2 =	sadd.s32 s2, s16  }
0x8e: {  	[smem:$0x3FAF] =	sst s2  }
0x8f: {  	_ = 	snop  }
0x90: {  	(tm) =	ssettm $0x1  }
0x91: {  	s17 =	sld [smem:$0x3FFB];
	_ =	sdelay $0x3  }
0x92: {  	_ =	strace s17  }
0x93: {  	s2 =	sld [smem:$0x3FFC];
	_ =	sdelay $0x3  }
0x94: {  	_ =	strace s2  }
0x95: {  	s2 =	sld [smem:$0x3FFD];
	_ =	sdelay $0x3  }
0x96: {  	_ =	strace s2  }
0x97: {  	_ =	strace $0x8FFFFFFF  }
0x98: {  	s18 =	sld [smem:$0x3FDB];
	_ =	sdelay $0x1  }
0x99: {  	s19 =	simm.s32 $_scs_section_size  }
0x9a: {  	s4 =	simm.s32 $_size__tile_overlayer_lowered;
	s5 =	simm.s32 $_tile_overlayer_lowered  }
0x9b: {  	s22 =	simm.s32 $0x1BFF;
	s21 =	sshll.u32 s5, $0x1;
	s2 =	sadd.s32 s19, s18  }
0x9c: {  	s6 =	simm.s32 $0x0;
	s20 =	sshll.u32 s4, $0x1;
	s4 =	sadd.s32 s21, s2  }
0x9d: {  	[timem:s6], [sflag:s22] =	dma.local [hbm:s4], s20  }
0x9e: {  	_ =	swait.ge [sflag:s22], s20  }
0x9f: {  	s3 =	ssub.s32 $0x0, s20;
	[sflag:s22] =	ssyncset.done $0x0  }
0xa0: {  	[sflag:s22] =	ssyncadd.s32 s3;
	_ =	sdelay $0x1  }
0xa1: {  	s23 =	simm.s32 $0x1B8B  }
0xa2: {  	_ =	swait.ge [sflag:s23], $0x1  }
0xa3: {  	[sflag:s23] =	ssyncset.done $0x0  }
0xa4: {  	s25 =	simm.s32 $0x1B8E;
	s24 =	sld [smem:$0x3FFE];
	[sflag:s23] =	ssyncadd.s32 $0xFFFFFFFF  }
0xa5: {  	s26 =	simm.s32 $execute0_lowered;
	[smem:$0x3FD2] =	sst s25  }
0xa6: {  	s4 =	sshll.u32 s26, $0x1;
	_ =	strace $0x8000004C;
	[dreg:$0x1] =	wrdreg $0xFFFFFFFF  }
0xa7: {  	s28 =	simm.s32 $_size_execute0_lowered;
	s2 =	sadd.s32 s2, s4;
	[dreg:$0x0] =	wrdreg $0x0  }
0xa8: {  	s4 =	sshll.u32 s28, $0x1;
	[dreg:$0x2] =	wrdreg s2  }
0xa9: {  	[dreg:$0x3] =	wrdreg s4  }
0xaa: {  	[dreg:$0x4] =	wrdreg $0xC0  }
0xab: {  	_ =	task [dreg:s6], $0x5FFFF  }
0xac: {  	[dreg:$0x1] =	wrdreg $0xFFFFFFFF  }
0xad: {  	[dreg:$0x0] =	wrdreg $0x60  }
0xae: {  	[dreg:$0x2] =	wrdreg s24  }
0xaf: {  	[dreg:$0x3] =	wrdreg $0x9E200  }
0xb0: {  	[dreg:$0x4] =	wrdreg $0x9  }
0xb1: {  	_ =	task.clear_ibuf [dreg:s6], $0x5FFFF;
	_ =	strace $0x9000004C  }
0xb2: {  	s29 =	simm.s32 $0x9;
	_ =	strace $0x8000004E  }
0xb3: {  	_ =	swait.ge [sflag:s29], $0x1  }
0xb4: {  	[sflag:s29] =	ssyncadd.s32 $0xFFFFFFFF  }
0xb5: {  	_ =	strace $0x9000004E  }
0xb6: {  	_ =	sfence  }
0xb7: {  	s30 =	sld [smem:$0x0];
	_ =	sdelay $0x2  }
0xb8: {  	s31 =	sshll.u32 s1, $0xD;
	s1 =	sshrl.u32 s1, $0x2  }
0xb9: {  	s3 =	sand.u32 $0x4000, s31;
	s1 =	sadd.s32 s1, s30  }
0xba: {  	s0 =	sor.u32 s3, s0;
	s1 =	sshll.u32 s1, $0x11  }
0xbb: {  	s0 =	sor.u32 s1, s0  }
0xbc: {  	s0 =	sadd.s32 $0x8F2B, s0  }
0xbd: {  	[sflag:s0] =	ssyncadd.remote.s32 $0x1  }
0xbe: {  	_ =	sfence.sel $0xFFFF  }
0xbf: {  	[dreg:$0x0] =	wrdreg $0xFFFFFFFF;
	(pc) =	sbr.abs _section_cstart, $3  }
0xc0: {  	[dreg:$0x1] =	wrdreg $0xFFFFFFFF  }
0xc1: {  	_ =	task.clear_ibuf [dreg:s6], $0x2FFFF;
	_ =	strace $0x9FFFFFFF  }
0xc2: {  	(tm) =	ssettm $0x7FFFFFFF  }
0xc3: {  	_ =	shalt  }
tec
execute0_lowered:
.L_overlay_start_1:
0x0: {  	(tag) =	ssettag $0x1  }
0x1: {  	s0 =	rddreg [dreg:$0x0]  }
0x2: {  	s1 =	rddreg [dreg:$0x1]  }
0x3: {  	s2 =	srdreg.scid;
	s12 =	stileid.u32  }
0x4: {  	s17 =	simm.s32 $0x4E20;
	s18 =	simm.s32 $0x6220;
	s20 =	simm.s32 $0x7620  }
0x5: {  	s22 =	simm.s32 $0x8A20;
	s30 =	simm.s32 $0x4CE0;
	s31 =	simm.s32 $0x4D30  }
0x6: {  	s19 =	simm.s32 $0x0;
	s6 =	sand.u32 $0x1, s2;
	s4 =	smul.u32 $0x9C00, s12  }
0x7: {  	s2 =	simm.s32 $0x0;
	s10 =	sadd.s32 $0x40E00, s0;
	s25 =	smul.u32 $0x1380, s12  }
0x8: {  	s26 =	sshll.u32 s12, $0x6;
	s16 =	sadd.s32 $0x9C000, s1;
	p0 =	sne.s32 s12, $0x0  }
0x9: {  	s3 =	sshll.u32 s6, $0x4;
	[smem:$0x7FF] =	sst s2;
	s14 =	smul.u32 $0x9C400, s6  }
0xa: {  	s8 =	ssub.s32 $0x2, s6;
	s15 =	smul.u32 $0x13880, s6;
	s6 =	sadd.s32 $0x40C00, s0  }
0xb: {  	s3 =	sor.u32 s12, s3;
	_ =	strace $0x8000004D;
	s7 =	sshrl.u32 s4, $0x3  }
0xc: {  	s24 =	sshrl.u32 s8, $0x1;
	s13 =	sadd.s32 s4, s1;
	s5 =	smul.u32 $0x4E2, s3  }
0xd: {  	s3 =	sadd.s32 $0x19A00, s0;
	s23 =	sadd.s32 s7, s0;
	s11 =	ssub.s32 s8, s24  }
0xe: {  	s28 =	sshrl.u32 s14, $0x3;
	s29 =	sadd.s32 s25, s15;
	s12 =	sshrl.u32 s13, $0x3  }
0xf: {  	s13 =	simm.s32 $0x5;
	s14 =	sshrl.u32 @!p0 s16, $0x3;
	s16 =	simm.s32 $0x50  }
0x10: {  	s24 =	simm.s32 $0x2;
	s25 =	simm.s32 $0x3;
	s15 =	simm.s32 $0x4DD0  }
0x11: {  	s4 =	sadd.s32 $0x2D400, s23;
	s11 =	smax.u32 s11, $0x1;
	s23 =	simm.s32 $0x1  }
0x12: {  	s9 =	sadd.s32 s5, s0;
	s5 =	sor.u32 $0x1C05, s26;
	s0 =	sadd.s32 s10, s28  }
0x13: {  	s26 =	simm.s32 $0x4;
	s7 =	sadd.s32 $0xFC00, s9;
	s8 =	sadd.s32 $0x5E00, s9  }
0x14: {  	s9 =	sadd.s32 s10, s29;
	s10 =	sadd.s32 $0x13800, s0;
	s0 =	simm.s32 $0x4D80  }
.LBB2_1:
0x15: {  	[spmem:s12], [sflag:s5] =	dma.local [hbm:s4], $0x1380  }
0x16: {  	_ =	swait.ge [sflag:s13], $0x1380  }
0x17: {  	[sflag:s13] =	ssyncset.done $0x0  }
0x18: {  	s21 =	simm.s32 @!p0 $0x5;
	[sflag:s13] =	ssyncadd.s32 $0xFFFFEC80  }
0x19: {  	[spmem:s14], [sflag:s5] =	dma.local @!p0 [hbm:s6], $0x80  }
0x1a: {  	_ =	swait.ge @!p0 [sflag:s21], $0x80  }
0x1b: {  	[sflag:s21] =	ssyncset.done @!p0 $0x0  }
0x1c: {  	[sflag:s21] =	ssyncadd.s32 @!p0 $0xFFFFFF80  }
0x1d: {  	[tilespmem:s2], [sflag:$0x5] =	stream.linear.gather [hbm4b:s7+s2], $0x2710, $0x38;
	[tilespmem:$0x13A60] =	vst v63  }
0x1e: {  	_ =	swait.ge [sflag:s13], $0x2710  }
0x1f: {  	[sflag:s13] =	ssyncset.done $0x0  }
0x20: {  	s29 =	simm.s32 $0x2710;
	[sflag:s13] =	ssyncadd.s32 $0xFFFFD8F0  }
0x21: {  	[tilespmem:s29], [sflag:$0x5] =	stream.linear.gather [hbm4b:s8+s2], $0x2710, $0x38;
	[tilespmem:$0x13A60] =	vst v63  }
0x22: {  	_ =	swait.ge [sflag:s13], $0x2710  }
0x23: {  	[sflag:s13] =	ssyncset.done $0x0  }
0x24: {  	[sflag:s13] =	ssyncadd.s32 $0xFFFFD8F0  }
0x25: {  	[bflag:$0x0] =	sbarrier.arrive $0xFFFF  }
0x26: {  	[tilespmem:s17], [sflag:$0x1] =	stream.indirect.gather [hbm4b:s3+s16], $0x40, s2, s16, $0xb8;
	[tilespmem:$0x13A60] =	vst v63  }
0x27: {  	_ = 	snop  }
0x28: {  	[tilespmem:s18], [sflag:$0x2] =	stream.indirect.gather [hbm4b:s3+s16], $0x40, s16, s16, $0xb8;
	[tilespmem:$0x13A60] =	vst v63  }
0x29: {  	s29 =	simm.s32 $0xA0  }
0x2a: {  	[tilespmem:s20], [sflag:$0x3] =	stream.indirect.gather [hbm4b:s3+s16], $0x40, s29, s16, $0xb8;
	[tilespmem:$0x13A60] =	vst v63  }
0x2b: {  	s29 =	simm.s32 $0xF0  }
0x2c: {  	[tilespmem:s22], [sflag:$0x4] =	stream.indirect.gather [hbm4b:s3+s16], $0x40, s29, s16, $0xb8;
	[tilespmem:$0x13A60] =	vst v63  }
0x2d: {  	_ =	swait.ge [sflag:s23], $0x1400  }
0x2e: {  	[sflag:s23] =	ssyncset.done $0x0  }
0x2f: {  	s29 =	simm.s32 $0x2710;
	[sflag:s23] =	ssyncadd.s32 $0xFFFFEC00  }
0x30: {  	[spmem:s1] =	stream.indirect.scatter.add.f32 [tilespmem:s17], [sflag:$0x5], $0x40, s29, s16, $0xb8;
	[tilespmem:$0x13A60] =	vst v63  }
0x31: {  	_ =	swait.ge [sflag:s13], $0x1400  }
0x32: {  	[sflag:s13] =	ssyncset.done $0x0  }
0x33: {  	s29 =	simm.s32 $0x140;
	[sflag:s13] =	ssyncadd.s32 $0xFFFFEC00  }
0x34: {  	[tilespmem:s17], [sflag:$0x1] =	stream.indirect.gather [hbm4b:s3+s16], $0x40, s29, s16, $0xb8;
	[tilespmem:$0x13A60] =	vst v63  }
0x35: {  	_ =	swait.ge [sflag:s24], $0x1400  }
0x36: {  	[sflag:s24] =	ssyncset.done $0x0  }
0x37: {  	s29 =	simm.s32 $0x2760;
	[sflag:s24] =	ssyncadd.s32 $0xFFFFEC00  }
0x38: {  	[spmem:s1] =	stream.indirect.scatter.add.f32 [tilespmem:s18], [sflag:$0x5], $0x40, s29, s16, $0xb8;
	[tilespmem:$0x13A60] =	vst v63  }
0x39: {  	_ =	swait.ge [sflag:s13], $0x1400  }
0x3a: {  	[sflag:s13] =	ssyncset.done $0x0  }
0x3b: {  	s29 =	simm.s32 $0x190;
	[sflag:s13] =	ssyncadd.s32 $0xFFFFEC00  }
0x3c: {  	[tilespmem:s18], [sflag:$0x2] =	stream.indirect.gather [hbm4b:s3+s16], $0x40, s29, s16, $0xb8;
	[tilespmem:$0x13A60] =	vst v63  }
0x3d: {  	_ =	swait.ge [sflag:s25], $0x1400  }
0x3e: {  	[sflag:s25] =	ssyncset.done $0x0  }
0x3f: {  	s29 =	simm.s32 $0x27B0;
	[sflag:s25] =	ssyncadd.s32 $0xFFFFEC00  }
0x40: {  	[spmem:s1] =	stream.indirect.scatter.add.f32 [tilespmem:s20], [sflag:$0x5], $0x40, s29, s16, $0xb8;
	[tilespmem:$0x13A60] =	vst v63  }
0x41: {  	_ =	swait.ge [sflag:s13], $0x1400  }
0x42: {  	[sflag:s13] =	ssyncset.done $0x0  }
0x43: {  	s29 =	simm.s32 $0x1E0;
	[sflag:s13] =	ssyncadd.s32 $0xFFFFEC00  }
0x44: {  	[tilespmem:s20], [sflag:$0x3] =	stream.indirect.gather [hbm4b:s3+s16], $0x40, s29, s16, $0xb8;
	[tilespmem:$0x13A60] =	vst v63  }
0x45: {  	_ =	swait.ge [sflag:s26], $0x1400  }
0x46: {  	[sflag:s26] =	ssyncset.done $0x0  }
0x47: {  	s29 =	simm.s32 $0x2800;
	[sflag:s26] =	ssyncadd.s32 $0xFFFFEC00  }
0x48: {  	[spmem:s1] =	stream.indirect.scatter.add.f32 [tilespmem:s22], [sflag:$0x5], $0x40, s29, s16, $0xb8;
	[tilespmem:$0x13A60] =	vst v63  }
0x49: {  	_ =	swait.ge [sflag:s13], $0x1400  }
0x4a: {  	[sflag:s13] =	ssyncset.done $0x0  }
0x4b: {  	s28 =	simm.s32 $0x230;
	s21 =	simm.s32 $0x500;
	[sflag:s13] =	ssyncadd.s32 $0xFFFFEC00  }
.LBB2_2:
0x4c: {  	[tilespmem:s22], [sflag:$0x4] =	stream.indirect.gather [hbm4b:s3+s16], $0x40, s28, s16, $0xb8;
	[tilespmem:$0x13A60] =	vst v63  }
0x4d: {  	s28 =	smov.u32 s21  }
0x4e: {  	p1 =	sne.s32 s21, $0x9100;
	s21 =	sadd.s32 $0x500, s21;
	_ =	swait.ge [sflag:s23], $0x1400  }
0x4f: {  	s28 =	sshra.s32 s28, $0x2;
	[sflag:s23] =	ssyncset.done $0x0  }
0x50: {  	s29 =	sadd.s32 $0x2710, s28;
	[sflag:s23] =	ssyncadd.s32 $0xFFFFEC00  }
0x51: {  	[spmem:s1] =	stream.indirect.scatter.add.f32 [tilespmem:s17], [sflag:$0x5], $0x40, s29, s16, $0xb8;
	[tilespmem:$0x13A60] =	vst v63  }
0x52: {  	_ =	swait.ge [sflag:s13], $0x1400  }
0x53: {  	[sflag:s13] =	ssyncset.done $0x0  }
0x54: {  	s29 =	sadd.s32 $0x140, s28;
	[sflag:s13] =	ssyncadd.s32 $0xFFFFEC00  }
0x55: {  	[tilespmem:s17], [sflag:$0x1] =	stream.indirect.gather [hbm4b:s3+s16], $0x40, s29, s16, $0xb8;
	[tilespmem:$0x13A60] =	vst v63  }
0x56: {  	_ =	swait.ge [sflag:s24], $0x1400  }
0x57: {  	[sflag:s24] =	ssyncset.done $0x0  }
0x58: {  	s29 =	sadd.s32 $0x2760, s28;
	[sflag:s24] =	ssyncadd.s32 $0xFFFFEC00  }
0x59: {  	[spmem:s1] =	stream.indirect.scatter.add.f32 [tilespmem:s18], [sflag:$0x5], $0x40, s29, s16, $0xb8;
	[tilespmem:$0x13A60] =	vst v63  }
0x5a: {  	_ =	swait.ge [sflag:s13], $0x1400  }
0x5b: {  	[sflag:s13] =	ssyncset.done $0x0  }
0x5c: {  	s29 =	sadd.s32 $0x190, s28;
	[sflag:s13] =	ssyncadd.s32 $0xFFFFEC00  }
0x5d: {  	[tilespmem:s18], [sflag:$0x2] =	stream.indirect.gather [hbm4b:s3+s16], $0x40, s29, s16, $0xb8;
	[tilespmem:$0x13A60] =	vst v63  }
0x5e: {  	_ =	swait.ge [sflag:s25], $0x1400  }
0x5f: {  	[sflag:s25] =	ssyncset.done $0x0  }
0x60: {  	s29 =	sadd.s32 $0x27B0, s28;
	[sflag:s25] =	ssyncadd.s32 $0xFFFFEC00  }
0x61: {  	[spmem:s1] =	stream.indirect.scatter.add.f32 [tilespmem:s20], [sflag:$0x5], $0x40, s29, s16, $0xb8;
	[tilespmem:$0x13A60] =	vst v63  }
0x62: {  	_ =	swait.ge [sflag:s13], $0x1400  }
0x63: {  	[sflag:s13] =	ssyncset.done $0x0  }
0x64: {  	s29 =	sadd.s32 $0x1E0, s28;
	[sflag:s13] =	ssyncadd.s32 $0xFFFFEC00  }
0x65: {  	[tilespmem:s20], [sflag:$0x3] =	stream.indirect.gather [hbm4b:s3+s16], $0x40, s29, s16, $0xb8;
	[tilespmem:$0x13A60] =	vst v63  }
0x66: {  	_ =	swait.ge [sflag:s26], $0x1400  }
0x67: {  	[sflag:s26] =	ssyncset.done $0x0  }
.Ltmp0:
0x68: {  	s29 =	sadd.s32 $0x2800, s28;
	[sflag:s26] =	ssyncadd.s32 $0xFFFFEC00;
	(pc) =	sbr.rel @p1 .LBB2_2-.Ltmp0, $4  }
0x69: {  	[spmem:s1] =	stream.indirect.scatter.add.f32 [tilespmem:s22], [sflag:$0x5], $0x40, s29, s16, $0xb8;
	[tilespmem:$0x13A60] =	vst v63  }
0x6a: {  	_ =	swait.ge [sflag:s13], $0x1400  }
0x6b: {  	[sflag:s13] =	ssyncset.done $0x0  }
0x6c: {  	s28 =	sadd.s32 $0x230, s28;
	[sflag:s13] =	ssyncadd.s32 $0xFFFFEC00  }
0x6d: {  	[tilespmem:s22], [sflag:$0x4] =	stream.indirect.gather [hbm4b:s3+s16], $0x40, s28, s16, $0xb8;
	[tilespmem:$0x13A60] =	vst v63  }
0x6e: {  	_ =	swait.ge [sflag:s23], $0x1400  }
0x6f: {  	[sflag:s23] =	ssyncset.done $0x0  }
0x70: {  	s21 =	simm.s32 $0x4C90;
	[sflag:s23] =	ssyncadd.s32 $0xFFFFEC00  }
0x71: {  	[spmem:s1] =	stream.indirect.scatter.add.f32 [tilespmem:s17], [sflag:$0x5], $0x40, s21, s16, $0xb8;
	[tilespmem:$0x13A60] =	vst v63  }
0x72: {  	_ =	swait.ge [sflag:s13], $0x1400  }
0x73: {  	[sflag:s13] =	ssyncset.done $0x0  }
0x74: {  	s29 =	simm.s32 $0x26C0;
	[sflag:s13] =	ssyncadd.s32 $0xFFFFEC00  }
0x75: {  	[tilespmem:s17], [sflag:$0x1] =	stream.indirect.gather [hbm4b:s3+s16], $0x40, s29, s16, $0xb8;
	[tilespmem:$0x13A60] =	vst v63  }
0x76: {  	_ =	swait.ge [sflag:s24], $0x1400  }
0x77: {  	[sflag:s24] =	ssyncset.done $0x0  }
0x78: {  	[sflag:s24] =	ssyncadd.s32 $0xFFFFEC00  }
0x79: {  	[spmem:s1] =	stream.indirect.scatter.add.f32 [tilespmem:s18], [sflag:$0x5], $0x40, s30, s16, $0xb8;
	[tilespmem:$0x13A60] =	vst v63  }
0x7a: {  	_ =	swait.ge [sflag:s13], $0x1400  }
0x7b: {  	[sflag:s13] =	ssyncset.done $0x0  }
0x7c: {  	[sflag:s13] =	ssyncadd.s32 $0xFFFFEC00  }
0x7d: {  	_ =	swait.ge [sflag:s25], $0x1400  }
0x7e: {  	[sflag:s25] =	ssyncset.done $0x0  }
0x7f: {  	[sflag:s25] =	ssyncadd.s32 $0xFFFFEC00  }
0x80: {  	[spmem:s1] =	stream.indirect.scatter.add.f32 [tilespmem:s20], [sflag:$0x5], $0x40, s31, s16, $0xb8;
	[tilespmem:$0x13A60] =	vst v63  }
0x81: {  	_ =	swait.ge [sflag:s13], $0x1400  }
0x82: {  	[sflag:s13] =	ssyncset.done $0x0  }
0x83: {  	[sflag:s13] =	ssyncadd.s32 $0xFFFFEC00  }
0x84: {  	_ =	swait.ge [sflag:s26], $0x1400  }
0x85: {  	[sflag:s26] =	ssyncset.done $0x0  }
0x86: {  	[sflag:s26] =	ssyncadd.s32 $0xFFFFEC00  }
0x87: {  	[spmem:s1] =	stream.indirect.scatter.add.f32 [tilespmem:s22], [sflag:$0x5], $0x40, s0, s16, $0xb8;
	[tilespmem:$0x13A60] =	vst v63  }
0x88: {  	_ =	swait.ge [sflag:s13], $0x1400  }
0x89: {  	[sflag:s13] =	ssyncset.done $0x0  }
0x8a: {  	[sflag:s13] =	ssyncadd.s32 $0xFFFFEC00  }
0x8b: {  	_ =	swait.ge [sflag:s23], $0x1400  }
0x8c: {  	[sflag:s23] =	ssyncset.done $0x0  }
0x8d: {  	[sflag:s23] =	ssyncadd.s32 $0xFFFFEC00  }
0x8e: {  	[spmem:s1] =	stream.indirect.scatter.add.f32 [tilespmem:s17], [sflag:$0x5], $0x40, s15, s16, $0xb8;
	[tilespmem:$0x13A60] =	vst v63  }
0x8f: {  	_ =	swait.ge [sflag:s13], $0x1400  }
0x90: {  	[sflag:s13] =	ssyncset.done $0x0  }
0x91: {  	[sflag:s13] =	ssyncadd.s32 $0xFFFFEC00  }
0x92: {  	[bflag:$0x0] =	sbarrier.arrive $0xFFFF  }
0x93: {  	[hbm:s9], [sflag:s5] =	dma.local [spmem:s12], $0x1380  }
0x94: {  	s19 =	sadd.s32 $0x1, s19;
	_ =	swait.ge [sflag:s13], $0x1380  }
0x95: {  	p1 =	sne.s32 s19, s11;
	[sflag:s13] =	ssyncset.done $0x0  }
.Ltmp1:
0x96: {  	s21 =	simm.s32 @!p0 $0x5;
	[sflag:s13] =	ssyncadd.s32 $0xFFFFEC80;
	(pc) =	sbr.rel @p1 .LBB2_1-.Ltmp1, $4  }
0x97: {  	[hbm:s10], [sflag:s5] =	dma.local @!p0 [spmem:s14], $0x80  }
0x98: {  	_ =	swait.ge @!p0 [sflag:s21], $0x80  }
0x99: {  	[sflag:s21] =	ssyncset.done @!p0 $0x0  }
0x9a: {  	[sflag:s21] =	ssyncadd.s32 @!p0 $0xFFFFFF80  }
0x9b: {  	_ =	sfence.sel $0x180000  }
0x9c: {  	[bflag:$0x0] =	sbarrier.arrive $0xFFFF  }
0x9d: {  	_ =	strace $0x9000004D  }
0x9e: {  	[bflag:$0x2] =	sbarrier.arrive $0xFFFF  }
0x9f: {  	s0 =	rddreg [dreg:$0x2]  }
0xa0: {  	s0 =	sadd.s32 @!p0 $0x100000, s0  }
0xa1: {  	[sflag:s0] =	ssyncadd.tile.s32 @!p0 $0x1;
	_ =	shalt  }
.Lfunc_end2:
_tile_overlayer_lowered:
.L_overlay_start_2:
0xa2: {  	(tag) =	ssettag $0x2  }
0xa3: {  	s0 =	rddreg [dreg:$0x0];
	s2 =	stileid.u32  }
0xa4: {  	s1 =	rddreg [dreg:$0x1];
	p0 =	sne.s32 s2, $0x0  }
0xa5: {  	s3 =	rddreg [dreg:$0x2];
	[bflag:$0x3] =	sbarrier.arrive $0xFFFF;
	s2 =	simm.s32 @!p0 $0x1C05  }
0xa6: {  	[timem:s3], [sflag:s2] =	dma.local @!p0 [hbm:s0], s1  }
0xa7: {  	s0 =	simm.s32 @!p0 $0x5  }
0xa8: {  	_ =	swait.ge @!p0 [sflag:s0], s1  }
0xa9: {  	s1 =	ssub.s32 @!p0 $0x0, s1;
	[sflag:s0] =	ssyncset.done @!p0 $0x0  }
0xaa: {  	[sflag:s0] =	ssyncadd.s32 @!p0 s1  }
0xab: {  	[bflag:$0x3] =	sbarrier.arrive $0xFFFF  }
0xac: {  	_ =	shalt  }

// kernel: kernel.20.cloned.1.call-start
scs
__scs_entry_jumppad:
0x0: {  	(pc) =	sbr.rel $0x88, $3  }
0x1: {  	(tag) =	ssettag $0x0;
	lr =	simm.s32 $0x1  }
0x2: {  	[smem:$0x3F88] =	sst lr;
	_ =	strace $0xD0000000  }
0x3: {  	_ = 	snop  }
0x4: {  	_ = 	snop  }
0x5: {  	_ = 	snop  }
0x6: {  	_ = 	snop  }
0x7: {  	_ = 	snop  }
__scs_overlays_trampoline_lowered:
0x8: {  	[smem:$0x3F97] =	sst s0  }
0x9: {  	[smem:$0x3F98] =	sst s1  }
0xa: {  	[smem:$0x3F99] =	sst s2  }
0xb: {  	[smem:$0x3F9A] =	sst s3  }
0xc: {  	[smem:$0x3F9B] =	sst s4  }
0xd: {  	[smem:$0x3F9C] =	sst s5  }
0xe: {  	[smem:$0x3F9D] =	sst s6  }
0xf: {  	[smem:$0x3F9E] =	sst s7  }
0x10: {  	[smem:$0x3F9F] =	sst s8  }
0x11: {  	[smem:$0x3FA0] =	sst s9;
	s0 =	simm.s32 @!p0 $0x0  }
0x12: {  	s1 =	sld [smem:$0x3F86];
	s0 =	simm.s32 @p0 $0x1  }
0x13: {  	[smem:$0x3FA1] =	sst s0;
	s0 =	simm.s32 @!p1 $0x0  }
0x14: {  	s2 =	sld [smem:$0x3F85];
	s0 =	simm.s32 @p1 $0x1  }
0x15: {  	[smem:$0x3FA2] =	sst s0;
	s0 =	simm.s32 @!p2 $0x0  }
0x16: {  	s3 =	sld [smem:$0x3FDB];
	s0 =	simm.s32 @p2 $0x1  }
0x17: {  	s4 =	simm.s32 $0x1BF5;
	[smem:$0x3FA4] =	sst s0  }
0x18: {  	s0 =	sld [smem:$0x3F87];
	_ =	swait.ge [sflag:s4], $0x0  }
0x19: {  	s7 =	sld [smem:$0x3F88]  }
0x1a: {  	s8 =	sadd.s32 $0xFFFFE003, lr  }
0x1b: {  	s9 =	sadd.s32 $0xFFFFFEF7, lr;
	s5 =	simm.s32 $0xFFFFFFFF;
	p2 =	slt.u32 s8, $0xFFFFF086  }
0x1c: {  	p1 =	slt.u32 s9, $0xF7A;
	s5 =	simm.s32 @!p2 $0x0  }
0x1d: {  	s5 =	simm.s32 @p1 $0x1;
	p0 =	seq.s32 s7, s2  }
0x1e: {  	s7 =	smul.u32 @!p0 $0xF7A, s2;
	p2 =	seq.s32 @!p0 s5, $0x0  }
0x1f: {  	s9 =	smul.u32 $0xF7A, s1;
	s8 =	simm.s32 @!p0 $0x1BF5;
	p2 =	por !p2, p0  }
0x20: {  	[sflag:s8] =	ssyncset.s32 @!p0 $0xFFFFF086;
	s6 =	sadd.s32 @!p0 s3, s7;
	s7 =	simm.s32 @!p0 $0x108  }
0x21: {  	s3 =	sadd.s32 s3, s9;
	s6 =	sadd.s32 @!p0 $0x88, s6;
	s7 =	simm.s32 @p2 $0x1082  }
0x22: {  	[simem:s7], [sflag:s8] =	dma.local @!p0 [hbm:s6], $0xF7A  }
0x23: {  	s9 =	sor.u32 $0xD0000000, s2;
	s6 =	simm.s32 $0x108;
	_ =	swait.ge @!p0 [sflag:s8], $0x0  }
0x24: {  	s3 =	sadd.s32 $0x88, s3;
	s6 =	simm.s32 @!p1 $0x1082;
	[sflag:s4] =	ssyncset.s32 $0xFFFFF086  }
0x25: {  	[simem:s6], [sflag:s4] =	dma.local [hbm:s3], $0xF7A  }
0x26: {  	[smem:$0x3F88] =	sst s1;
	(tag) =	ssettag s2;
	_ =	strace s9  }
0x27: {  	s1 =	sld [smem:$0x3F98]  }
0x28: {  	s2 =	sld [smem:$0x3F99]  }
0x29: {  	s4 =	sld [smem:$0x3F9B]  }
0x2a: {  	p0 =	seq.s32 s5, $0x0;
	s5 =	sld [smem:$0x3F9C]  }
0x2b: {  	s6 =	sld [smem:$0x3F9D]  }
0x2c: {  	s7 =	sld [smem:$0x3F9E]  }
0x2d: {  	s3 =	simm.s32 $0x108;
	s8 =	sld [smem:$0x3F9F]  }
0x2e: {  	s3 =	simm.s32 @!p0 $0x1082;
	s9 =	sld [smem:$0x3FA0]  }
0x2f: {  	lr =	sadd.s32 s0, s3;
	s0 =	sld [smem:$0x3F97]  }
0x30: {  	s3 =	sld [smem:$0x3F9A]  }
0x31: {  	[smem:$0x3FA3] =	sst s10  }
0x32: {  	s10 =	sld [smem:$0x3FA1];
	_ =	sdelay $0x3  }
0x33: {  	p0 =	seq.s32 s10, $0x1;
	s10 =	sld [smem:$0x3FA3];
	_ =	sdelay $0x3  }
0x34: {  	[smem:$0x3FA3] =	sst s10  }
0x35: {  	s10 =	sld [smem:$0x3FA2];
	_ =	sdelay $0x3  }
0x36: {  	p1 =	seq.s32 s10, $0x1;
	s10 =	sld [smem:$0x3FA3];
	_ =	sdelay $0x3  }
0x37: {  	[smem:$0x3FA3] =	sst s10  }
0x38: {  	s10 =	sld [smem:$0x3FA4]  }
0x39: {  	_ = 	snop;
	(pc) =	sbr.ind lr, $3  }
0x3a: {  	_ = 	snop  }
0x3b: {  	_ = 	snop  }
0x3c: {  	p2 =	seq.s32 s10, $0x1;
	s10 =	sld [smem:$0x3FA3]  }
0x3d: {  	_ =	shalt  }
0x3e: {  	_ =	shalt  }
0x3f: {  	_ =	shalt  }
0x40: {  	_ =	shalt  }
0x41: {  	_ =	shalt  }
0x42: {  	_ =	shalt  }
0x43: {  	_ =	shalt  }
0x44: {  	_ =	shalt  }
0x45: {  	_ =	shalt  }
0x46: {  	_ =	shalt  }
0x47: {  	_ =	shalt  }
0x48: {  	_ =	shalt  }
0x49: {  	_ =	shalt  }
0x4a: {  	_ =	shalt  }
0x4b: {  	_ =	shalt  }
0x4c: {  	_ =	shalt  }
0x4d: {  	_ =	shalt  }
0x4e: {  	_ =	shalt  }
0x4f: {  	_ =	shalt  }
0x50: {  	_ =	shalt  }
0x51: {  	_ =	shalt  }
0x52: {  	_ =	shalt  }
0x53: {  	_ =	shalt  }
0x54: {  	_ =	shalt  }
0x55: {  	_ =	shalt  }
0x56: {  	_ =	shalt  }
0x57: {  	_ =	shalt  }
0x58: {  	_ =	shalt  }
0x59: {  	_ =	shalt  }
0x5a: {  	_ =	shalt  }
0x5b: {  	_ =	shalt  }
0x5c: {  	_ =	shalt  }
0x5d: {  	_ =	shalt  }
0x5e: {  	_ =	shalt  }
0x5f: {  	_ =	shalt  }
0x60: {  	_ =	shalt  }
0x61: {  	_ =	shalt  }
0x62: {  	_ =	shalt  }
0x63: {  	_ =	shalt  }
0x64: {  	_ =	shalt  }
0x65: {  	_ =	shalt  }
0x66: {  	_ =	shalt  }
0x67: {  	_ =	shalt  }
0x68: {  	_ =	shalt  }
0x69: {  	_ =	shalt  }
0x6a: {  	_ =	shalt  }
0x6b: {  	_ =	shalt  }
0x6c: {  	_ =	shalt  }
0x6d: {  	_ =	shalt  }
0x6e: {  	_ =	shalt  }
0x6f: {  	_ =	shalt  }
0x70: {  	_ =	shalt  }
0x71: {  	_ =	shalt  }
0x72: {  	_ =	shalt  }
0x73: {  	_ =	shalt  }
0x74: {  	_ =	shalt  }
0x75: {  	_ =	shalt  }
0x76: {  	_ =	shalt  }
0x77: {  	_ =	shalt  }
0x78: {  	_ =	shalt  }
0x79: {  	_ =	shalt  }
0x7a: {  	_ =	shalt  }
0x7b: {  	_ =	shalt  }
0x7c: {  	_ =	shalt  }
0x7d: {  	_ =	shalt  }
0x7e: {  	_ =	shalt  }
0x7f: {  	_ =	shalt  }
0x80: {  	_ =	shalt  }
0x81: {  	_ =	shalt  }
0x82: {  	_ =	shalt  }
0x83: {  	_ =	shalt  }
0x84: {  	_ =	shalt  }
0x85: {  	_ =	shalt  }
0x86: {  	_ =	shalt  }
0x87: {  	_ =	shalt  }
.Lfunc_end0:
.L_simem_size_0:
called_computation.3_lowered:
.L_overlay_start_0:
0x88: {  	s2 =	sld [smem:$0x3FD9]  }
0x89: {  	s3 =	sld [smem:$0x3FFE];
	_ =	sdelay $0x1  }
0x8a: {  	s1 =	srdreg.scid  }
0x8b: {  	s0 =	sand.u32 $0x1, s1  }
0x8c: {  	s17 =	sshll.u32 s0, $0xA;
	s2 =	sadd.s32 s3, s2  }
0x8d: {  	s2 =	sadd.s32 s2, s17  }
0x8e: {  	[smem:$0x3FAF] =	sst s2  }
0x8f: {  	_ = 	snop  }
0x90: {  	s2 =	sld [smem:$0x3FD0];
	(tm) =	ssettm $0x1  }
0x91: {  	s18 =	sld [smem:$0x3FFB];
	_ =	sdelay $0x3  }
0x92: {  	_ =	strace s18  }
0x93: {  	s3 =	sld [smem:$0x3FFC];
	_ =	sdelay $0x3  }
0x94: {  	_ =	strace s3  }
0x95: {  	s3 =	sld [smem:$0x3FFD];
	_ =	sdelay $0x3  }
0x96: {  	_ =	strace s3  }
0x97: {  	_ =	strace $0x8FFFFFFF  }
0x98: {  	s19 =	sld [smem:$0x3FDB];
	_ =	sdelay $0x1  }
0x99: {  	s4 =	simm.s32 $_scs_section_size  }
0x9a: {  	s5 =	simm.s32 $_size__tile_overlayer_lowered;
	s6 =	simm.s32 $_tile_overlayer_lowered  }
0x9b: {  	s22 =	simm.s32 $0x1BFF;
	s21 =	sshll.u32 s6, $0x1;
	s3 =	sadd.s32 s4, s19  }
0x9c: {  	s7 =	simm.s32 $0x0;
	s20 =	sshll.u32 s5, $0x1;
	s5 =	sadd.s32 s21, s3  }
0x9d: {  	[timem:s7], [sflag:s22] =	dma.local [hbm:s5], s20  }
0x9e: {  	_ =	swait.ge [sflag:s22], s20  }
0x9f: {  	s4 =	ssub.s32 $0x0, s20;
	[sflag:s22] =	ssyncset.done $0x0  }
0xa0: {  	[sflag:s22] =	ssyncadd.s32 s4;
	_ =	sdelay $0x1  }
0xa1: {  	s23 =	simm.s32 $0x1B8B  }
0xa2: {  	_ =	swait.ge [sflag:s23], $0x1  }
0xa3: {  	[sflag:s23] =	ssyncset.done $0x0  }
0xa4: {  	s25 =	simm.s32 $0x1B8E;
	s24 =	sld [smem:$0x3FFE];
	[sflag:s23] =	ssyncadd.s32 $0xFFFFFFFF  }
0xa5: {  	s26 =	simm.s32 $execute0_lowered;
	[smem:$0x3FD2] =	sst s25  }
0xa6: {  	s5 =	sshll.u32 s26, $0x1;
	_ =	strace $0x8000004F;
	[dreg:$0x1] =	wrdreg $0xFFFFFFFF  }
0xa7: {  	s28 =	simm.s32 $_size_execute0_lowered;
	s3 =	sadd.s32 s3, s5;
	[dreg:$0x0] =	wrdreg $0x0  }
0xa8: {  	s5 =	sshll.u32 s28, $0x1;
	[dreg:$0x2] =	wrdreg s3  }
0xa9: {  	[dreg:$0x3] =	wrdreg s5  }
0xaa: {  	[dreg:$0x4] =	wrdreg $0xC0  }
0xab: {  	_ =	task [dreg:s7], $0x5FFFF  }
0xac: {  	[dreg:$0x1] =	wrdreg $0xFFFFFFFF  }
0xad: {  	[dreg:$0x0] =	wrdreg $0x60  }
0xae: {  	[dreg:$0x2] =	wrdreg s24  }
0xaf: {  	[dreg:$0x3] =	wrdreg s2  }
0xb0: {  	[dreg:$0x4] =	wrdreg $0xE5400  }
0xb1: {  	[dreg:$0x5] =	wrdreg $0x9  }
0xb2: {  	_ =	task.clear_ibuf [dreg:s7], $0x6FFFF;
	_ =	strace $0x9000004F  }
0xb3: {  	s29 =	simm.s32 $0x9;
	_ =	strace $0x80000051  }
0xb4: {  	_ =	swait.ge [sflag:s29], $0x1  }
0xb5: {  	[sflag:s29] =	ssyncadd.s32 $0xFFFFFFFF  }
0xb6: {  	_ =	strace $0x90000051  }
0xb7: {  	_ =	sfence  }
0xb8: {  	s30 =	sld [smem:$0x0];
	_ =	sdelay $0x2  }
0xb9: {  	s31 =	sshll.u32 s1, $0xD;
	s1 =	sshrl.u32 s1, $0x2  }
0xba: {  	s3 =	sand.u32 $0x4000, s31;
	s1 =	sadd.s32 s1, s30  }
0xbb: {  	s0 =	sor.u32 s3, s0;
	s1 =	sshll.u32 s1, $0x11  }
0xbc: {  	s0 =	sor.u32 s1, s0  }
0xbd: {  	s0 =	sadd.s32 $0x8F2B, s0  }
0xbe: {  	[sflag:s0] =	ssyncadd.remote.s32 $0x1  }
0xbf: {  	_ =	sfence.sel $0xFFFF  }
0xc0: {  	[dreg:$0x0] =	wrdreg $0xFFFFFFFF;
	(pc) =	sbr.abs _section_cstart, $3  }
0xc1: {  	[dreg:$0x1] =	wrdreg $0xFFFFFFFF  }
0xc2: {  	_ =	task.clear_ibuf [dreg:s7], $0x2FFFF;
	_ =	strace $0x9FFFFFFF  }
0xc3: {  	(tm) =	ssettm $0x7FFFFFFF  }
tec
execute0_lowered:
.L_overlay_start_1:
0x0: {  	(tag) =	ssettag $0x1  }
0x1: {  	s6 =	rddreg [dreg:$0x0]  }
0x2: {  	s0 =	srdreg.scid;
	s10 =	rddreg [dreg:$0x1]  }
0x3: {  	s1 =	stileid.u32;
	s2 =	rddreg [dreg:$0x2];
	s3 =	simm.s32 $0x0  }
0x4: {  	s15 =	simm.s32 $0xA140;
	s18 =	simm.s32 $0x0;
	s9 =	sand.u32 $0x1, s0  }
0x5: {  	[smem:$0x7FF] =	sst s3;
	s30 =	sshll.u32 s1, $0x7;
	s31 =	sshll.u32 s1, $0xA  }
0x6: {  	p0 =	sne.s32 s1, $0x0;
	s0 =	sshll.u32 s9, $0x4;
	s12 =	ssub.s32 $0x2, s9  }
0x7: {  	s14 =	sshll.u32 s9, $0xB;
	s10 =	sadd.s32 s10, s30;
	s17 =	sadd.s32 s31, s2  }
0x8: {  	s16 =	sshrl.u32 @!p0 s2, $0x3;
	s4 =	sor.u32 s1, s0;
	s0 =	rddreg [dreg:$0x3]  }
0x9: {  	_ =	strace $0x80000050;
	s13 =	sshrl.u32 s12, $0x1;
	s5 =	smul.u32 $0xA00, s4  }
0xa: {  	vm0 =	vmmov $0x1;
	s10 =	sadd.s32 s14, s10;
	s14 =	simm.s32 $0x5140;
	s7 =	smul.u32 $0x28, s4  }
0xb: {  	vm1 =	vcmask $0x308;
	vm2 =	vcmask $0x70C;
	vm3 =	vcmask $0xB10;
	s17 =	sshrl.u32 s17, $0x3;
	s11 =	smul.u32 $0x880, s4;
	s4 =	sadd.s32 $0x2E800, s6  }
0xc: {  	vm4 =	vcmask $0xF14;
	vm5 =	vcmask $0x1318;
	vm6 =	vcmask $0x171C;
	s12 =	ssub.s32 s12, s13;
	s13 =	simm.s32 $0x140;
	s8 =	sadd.s32 s5, s6  }
0xd: {  	vm7 =	vcmask $0x1B20;
	vm8 =	vcmask $0x1F24;
	vm9 =	vcmask $0x2328;
	s7 =	sadd.s32 s7, s6;
	s5 =	sadd.s32 $0x2DE00, s6;
	s11 =	sadd.s32 s11, s6  }
0xe: {  	vm10 =	vcmask $0x272C;
	vm11 =	vcmask $0x2B30;
	vm12 =	vcmask $0x2F34;
	s6 =	sadd.s32 $0x68000, s7;
	s7 =	sadd.s32 $0x5E00, s8;
	s8 =	sadd.s32 $0x19E00, s8  }
0xf: {  	vm13 =	vcmask $0x3338;
	vm14 =	vcmask $0x373C;
	vm15 =	vmmov $0x7fff;
	s9 =	sadd.s32 $0x2F200, s11;
	s11 =	smax.u32 s12, $0x1;
	s12 =	simm.s32 $0x1  }
.LBB2_1:
0x10: {  	[tilespmem:s3], [sflag:$0x1] =	stream.linear.gather [hbm4b:s6+s3], $0x140, $0x38;
	[tilespmem:$0xE980] =	vst v63  }
0x11: {  	_ =	swait.ge [sflag:s12], $0x140  }
0x12: {  	[sflag:s12] =	ssyncset.done $0x0  }
0x13: {  	[sflag:s12] =	ssyncadd.s32 $0xFFFFFEC0  }
0x14: {  	[tilespmem:s13], [sflag:$0x1] =	stream.linear.gather [hbm4b:s7+s3], $0x5000, $0x38;
	[tilespmem:$0xE980] =	vst v63  }
0x15: {  	_ =	swait.ge [sflag:s12], $0x5000  }
0x16: {  	[sflag:s12] =	ssyncset.done $0x0  }
0x17: {  	[sflag:s12] =	ssyncadd.s32 $0xFFFFB000  }
0x18: {  	[tilespmem:s14], [sflag:$0x1] =	stream.linear.gather [hbm4b:s8+s3], $0x5000, $0x38;
	[tilespmem:$0xE980] =	vst v63  }
0x19: {  	_ =	swait.ge [sflag:s12], $0x5000  }
0x1a: {  	[sflag:s12] =	ssyncset.done $0x0  }
0x1b: {  	[sflag:s12] =	ssyncadd.s32 $0xFFFFB000  }
0x1c: {  	[tilespmem:s15], [sflag:$0x1] =	stream.linear.gather [hbm4b:s5+s3], $0x4400, $0x38;
	[tilespmem:$0xE980] =	vst v63  }
0x1d: {  	_ =	swait.ge [sflag:s12], $0x4400  }
0x1e: {  	[sflag:s12] =	ssyncset.done $0x0  }
0x1f: {  	s19 =	simm.s32 @!p0 $0x1C01;
	[sflag:s12] =	ssyncadd.s32 $0xFFFFBC00  }
0x20: {  	[spmem:s16], [sflag:s19] =	dma.local @!p0 [hbm:s4], $0x880  }
0x21: {  	s19 =	simm.s32 @!p0 $0x1  }
0x22: {  	_ =	swait.ge @!p0 [sflag:s19], $0x880  }
0x23: {  	[sflag:s19] =	ssyncset.done @!p0 $0x0  }
0x24: {  	[sflag:s19] =	ssyncadd.s32 @!p0 $0xFFFFF780  }
0x25: {  	[bflag:$0x0] =	sbarrier.arrive $0xFFFF  }
0x26: {  	[spmem:s2] =	stream.indirect.scatter.add.f32 [tilespmem:s14], [sflag:$0x1], $0x40, s3, s13, $0xb8;
	[tilespmem:$0xE980] =	vst v63  }
0x27: {  	_ =	swait.ge [sflag:s12], $0x5000  }
0x28: {  	[sflag:s12] =	ssyncset.done $0x0  }
0x29: {  	s20 =	simm.s32 $0x0;
	s19 =	simm.s32 $0x340;
	[sflag:s12] =	ssyncadd.s32 $0xFFFFB000  }
.LBB2_2:
0x2a: {  	s21 =	sshra.s32 s20, $0x2  }
0x2b: {  	v0 =	vld [tilespmem:s21+$0x0];
	_ =	sdelay $0x4  }
0x2c: {  	v1 =	vnsel vm0, $0x0, v0  }
0x2d: {  	(xrf0) =	vadd.scan.msk.s32 $0xffff, v1;
	_ =	sdelay $0x5  }
0x2e: {  	v1, _, _ =	vpop (xrf0)  }
0x2f: {  	(v2sf) =	vpush v1, $0xF;
	_ =	sdelay $0xe  }
0x30: {  	s25 =	spop (v2sf)  }
0x31: {  	s21 =	sshll.u32 s25, $0x8  }
0x32: {  	v2 =	vld [tilespmem:s19+$0xFFFFFE00];
	s21 =	sshra.s32 s21, $0x2  }
0x33: {  	v55 =	vld [tilespmem:s21+$0xA140];
	_ =	sdelay $0x1  }
0x34: {  	v3 =	vsel vm1, $0x0, v0  }
0x35: {  	(xrf0) =	vadd.scan.msk.s32 $0xffff, v3;
	_ =	sdelay $0x1  }
0x36: {  	v1 =	vmax.f32 v55, v2  }
0x37: {  	v56 =	vld [tilespmem:s21+$0xA150];
	[tilespmem:s21+$0xA140] =	vst v1  }
0x38: {  	v57 =	vld [tilespmem:s19+$0xFFFFFE10];
	_ =	sdelay $0x1  }
0x39: {  	v3, _, _ =	vpop (xrf0)  }
0x3a: {  	(v2sf) =	vpush v3, $0xF;
	_ =	sdelay $0x1  }
0x3b: {  	v1 =	vmax.f32 v56, v57  }
0x3c: {  	v58 =	vld [tilespmem:s21+$0xA160];
	[tilespmem:s21+$0xA150] =	vst v1  }
0x3d: {  	v59 =	vld [tilespmem:s19+$0xFFFFFE20];
	_ =	sdelay $0x4  }
0x3e: {  	v1 =	vmax.f32 v58, v59  }
0x3f: {  	v60 =	vld [tilespmem:s21+$0xA170];
	[tilespmem:s21+$0xA160] =	vst v1  }
0x40: {  	v61 =	vld [tilespmem:s19+$0xFFFFFE30];
	_ =	sdelay $0x3  }
0x41: {  	s22 =	spop (v2sf)  }
0x42: {  	s22 =	sshll.u32 s22, $0x8;
	v1 =	vmax.f32 v60, v61  }
0x43: {  	s26 =	sshra.s32 s22, $0x2;
	[tilespmem:s21+$0xA170] =	vst v1  }
0x44: {  	v1 =	vld [tilespmem:s26+$0xA140]  }
0x45: {  	v62 =	vld [tilespmem:s19+$0xFFFFFE40];
	_ =	sdelay $0x1  }
0x46: {  	v63 =	vsel vm2, $0x0, v0  }
0x47: {  	(xrf0) =	vadd.scan.msk.s32 $0xffff, v63;
	_ =	sdelay $0x1  }
0x48: {  	v1 =	vmax.f32 v1, v62  }
0x49: {  	v6 =	vld [tilespmem:s26+$0xA150];
	[tilespmem:s26+$0xA140] =	vst v1  }
0x4a: {  	v7 =	vld [tilespmem:s19+$0xFFFFFE50];
	_ =	sdelay $0x1  }
0x4b: {  	v3, _, _ =	vpop (xrf0)  }
0x4c: {  	(v2sf) =	vpush v3, $0xF;
	_ =	sdelay $0x1  }
0x4d: {  	v1 =	vmax.f32 v6, v7  }
0x4e: {  	v8 =	vld [tilespmem:s26+$0xA160];
	[tilespmem:s26+$0xA150] =	vst v1  }
0x4f: {  	v9 =	vld [tilespmem:s19+$0xFFFFFE60];
	_ =	sdelay $0x4  }
0x50: {  	v1 =	vmax.f32 v8, v9  }
0x51: {  	v10 =	vld [tilespmem:s26+$0xA170];
	[tilespmem:s26+$0xA160] =	vst v1  }
0x52: {  	v11 =	vld [tilespmem:s19+$0xFFFFFE70];
	_ =	sdelay $0x3  }
0x53: {  	s28 =	spop (v2sf)  }
0x54: {  	s22 =	sshll.u32 s28, $0x8;
	v1 =	vmax.f32 v10, v11  }
0x55: {  	s29 =	sshra.s32 s22, $0x2;
	[tilespmem:s26+$0xA170] =	vst v1  }
0x56: {  	v1 =	vld [tilespmem:s29+$0xA140]  }
0x57: {  	v12 =	vld [tilespmem:s19+$0xFFFFFE80];
	_ =	sdelay $0x1  }
0x58: {  	v13 =	vsel vm3, $0x0, v0  }
0x59: {  	(xrf0) =	vadd.scan.msk.s32 $0xffff, v13;
	_ =	sdelay $0x1  }
0x5a: {  	v1 =	vmax.f32 v1, v12  }
0x5b: {  	v14 =	vld [tilespmem:s29+$0xA150];
	[tilespmem:s29+$0xA140] =	vst v1  }
0x5c: {  	v15 =	vld [tilespmem:s19+$0xFFFFFE90];
	_ =	sdelay $0x1  }
0x5d: {  	v3, _, _ =	vpop (xrf0)  }
0x5e: {  	(v2sf) =	vpush v3, $0xF;
	_ =	sdelay $0x1  }
0x5f: {  	v1 =	vmax.f32 v14, v15  }
0x60: {  	v16 =	vld [tilespmem:s29+$0xA160];
	[tilespmem:s29+$0xA150] =	vst v1  }
0x61: {  	v17 =	vld [tilespmem:s19+$0xFFFFFEA0];
	_ =	sdelay $0x4  }
0x62: {  	v1 =	vmax.f32 v16, v17  }
0x63: {  	v18 =	vld [tilespmem:s29+$0xA170];
	[tilespmem:s29+$0xA160] =	vst v1  }
0x64: {  	v19 =	vld [tilespmem:s19+$0xFFFFFEB0];
	_ =	sdelay $0x3  }
0x65: {  	s30 =	spop (v2sf)  }
0x66: {  	s22 =	sshll.u32 s30, $0x8;
	v1 =	vmax.f32 v18, v19  }
0x67: {  	s31 =	sshra.s32 s22, $0x2;
	[tilespmem:s29+$0xA170] =	vst v1  }
0x68: {  	v1 =	vld [tilespmem:s31+$0xA140]  }
0x69: {  	v20 =	vld [tilespmem:s19+$0xFFFFFEC0];
	_ =	sdelay $0x1  }
0x6a: {  	v21 =	vsel vm4, $0x0, v0  }
0x6b: {  	(xrf0) =	vadd.scan.msk.s32 $0xffff, v21;
	_ =	sdelay $0x1  }
0x6c: {  	v1 =	vmax.f32 v1, v20  }
0x6d: {  	v22 =	vld [tilespmem:s31+$0xA150];
	[tilespmem:s31+$0xA140] =	vst v1  }
0x6e: {  	v23 =	vld [tilespmem:s19+$0xFFFFFED0];
	_ =	sdelay $0x1  }
0x6f: {  	v3, _, _ =	vpop (xrf0)  }
0x70: {  	(v2sf) =	vpush v3, $0xF;
	_ =	sdelay $0x1  }
0x71: {  	v1 =	vmax.f32 v22, v23  }
0x72: {  	v24 =	vld [tilespmem:s31+$0xA160];
	[tilespmem:s31+$0xA150] =	vst v1  }
0x73: {  	v25 =	vld [tilespmem:s19+$0xFFFFFEE0];
	_ =	sdelay $0x4  }
0x74: {  	v1 =	vmax.f32 v24, v25  }
0x75: {  	v26 =	vld [tilespmem:s31+$0xA170];
	[tilespmem:s31+$0xA160] =	vst v1  }
0x76: {  	v27 =	vld [tilespmem:s19+$0xFFFFFEF0];
	_ =	sdelay $0x3  }
0x77: {  	s23 =	spop (v2sf)  }
0x78: {  	s22 =	sshll.u32 s23, $0x8;
	v1 =	vmax.f32 v26, v27  }
0x79: {  	s24 =	sshra.s32 s22, $0x2;
	[tilespmem:s31+$0xA170] =	vst v1  }
0x7a: {  	v1 =	vld [tilespmem:s24+$0xA140]  }
0x7b: {  	v28 =	vld [tilespmem:s19+$0xFFFFFF00];
	_ =	sdelay $0x1  }
0x7c: {  	v29 =	vsel vm5, $0x0, v0  }
0x7d: {  	(xrf0) =	vadd.scan.msk.s32 $0xffff, v29;
	_ =	sdelay $0x1  }
0x7e: {  	v1 =	vmax.f32 v1, v28  }
0x7f: {  	v30 =	vld [tilespmem:s24+$0xA150];
	[tilespmem:s24+$0xA140] =	vst v1  }
0x80: {  	v31 =	vld [tilespmem:s19+$0xFFFFFF10];
	_ =	sdelay $0x1  }
0x81: {  	v3, _, _ =	vpop (xrf0)  }
0x82: {  	(v2sf) =	vpush v3, $0xF;
	_ =	sdelay $0x1  }
0x83: {  	v1 =	vmax.f32 v30, v31  }
0x84: {  	v32 =	vld [tilespmem:s24+$0xA160];
	[tilespmem:s24+$0xA150] =	vst v1  }
0x85: {  	v33 =	vld [tilespmem:s19+$0xFFFFFF20];
	_ =	sdelay $0x4  }
0x86: {  	v1 =	vmax.f32 v32, v33  }
0x87: {  	v34 =	vld [tilespmem:s24+$0xA170];
	[tilespmem:s24+$0xA160] =	vst v1  }
0x88: {  	v35 =	vld [tilespmem:s19+$0xFFFFFF30];
	_ =	sdelay $0x3  }
0x89: {  	s25 =	spop (v2sf)  }
0x8a: {  	s22 =	sshll.u32 s25, $0x8;
	v1 =	vmax.f32 v34, v35  }
0x8b: {  	s26 =	sshra.s32 s22, $0x2;
	[tilespmem:s24+$0xA170] =	vst v1  }
0x8c: {  	v1 =	vld [tilespmem:s26+$0xA140]  }
0x8d: {  	v36 =	vld [tilespmem:s19+$0xFFFFFF40];
	_ =	sdelay $0x1  }
0x8e: {  	v37 =	vsel vm6, $0x0, v0  }
0x8f: {  	(xrf0) =	vadd.scan.msk.s32 $0xffff, v37;
	_ =	sdelay $0x1  }
0x90: {  	v1 =	vmax.f32 v1, v36  }
0x91: {  	v38 =	vld [tilespmem:s26+$0xA150];
	[tilespmem:s26+$0xA140] =	vst v1  }
0x92: {  	v39 =	vld [tilespmem:s19+$0xFFFFFF50];
	_ =	sdelay $0x1  }
0x93: {  	v3, _, _ =	vpop (xrf0)  }
0x94: {  	(v2sf) =	vpush v3, $0xF;
	_ =	sdelay $0x1  }
0x95: {  	v1 =	vmax.f32 v38, v39  }
0x96: {  	v40 =	vld [tilespmem:s26+$0xA160];
	[tilespmem:s26+$0xA150] =	vst v1  }
0x97: {  	v41 =	vld [tilespmem:s19+$0xFFFFFF60];
	_ =	sdelay $0x4  }
0x98: {  	v1 =	vmax.f32 v40, v41  }
0x99: {  	v42 =	vld [tilespmem:s26+$0xA170];
	[tilespmem:s26+$0xA160] =	vst v1  }
0x9a: {  	v43 =	vld [tilespmem:s19+$0xFFFFFF70];
	_ =	sdelay $0x3  }
0x9b: {  	s28 =	spop (v2sf)  }
0x9c: {  	s22 =	sshll.u32 s28, $0x8;
	v1 =	vmax.f32 v42, v43  }
0x9d: {  	s29 =	sshra.s32 s22, $0x2;
	[tilespmem:s26+$0xA170] =	vst v1  }
0x9e: {  	v1 =	vld [tilespmem:s29+$0xA140]  }
0x9f: {  	v44 =	vld [tilespmem:s19+$0xFFFFFF80];
	_ =	sdelay $0x1  }
0xa0: {  	v45 =	vsel vm7, $0x0, v0  }
0xa1: {  	(xrf0) =	vadd.scan.msk.s32 $0xffff, v45;
	_ =	sdelay $0x1  }
0xa2: {  	v1 =	vmax.f32 v1, v44  }
0xa3: {  	v46 =	vld [tilespmem:s29+$0xA150];
	[tilespmem:s29+$0xA140] =	vst v1  }
0xa4: {  	v47 =	vld [tilespmem:s19+$0xFFFFFF90];
	_ =	sdelay $0x1  }
0xa5: {  	v3, _, _ =	vpop (xrf0)  }
0xa6: {  	(v2sf) =	vpush v3, $0xF;
	_ =	sdelay $0x1  }
0xa7: {  	v1 =	vmax.f32 v46, v47  }
0xa8: {  	v48 =	vld [tilespmem:s29+$0xA160];
	[tilespmem:s29+$0xA150] =	vst v1  }
0xa9: {  	v49 =	vld [tilespmem:s19+$0xFFFFFFA0];
	_ =	sdelay $0x4  }
0xaa: {  	v1 =	vmax.f32 v48, v49  }
0xab: {  	v50 =	vld [tilespmem:s29+$0xA170];
	[tilespmem:s29+$0xA160] =	vst v1  }
0xac: {  	v51 =	vld [tilespmem:s19+$0xFFFFFFB0];
	_ =	sdelay $0x3  }
0xad: {  	s30 =	spop (v2sf)  }
0xae: {  	s22 =	sshll.u32 s30, $0x8;
	v1 =	vmax.f32 v50, v51  }
0xaf: {  	s31 =	sshra.s32 s22, $0x2;
	[tilespmem:s29+$0xA170] =	vst v1  }
0xb0: {  	v1 =	vld [tilespmem:s31+$0xA140]  }
0xb1: {  	v52 =	vld [tilespmem:s19+$0xFFFFFFC0];
	_ =	sdelay $0x1  }
0xb2: {  	v53 =	vsel vm8, $0x0, v0  }
0xb3: {  	(xrf0) =	vadd.scan.msk.s32 $0xffff, v53;
	_ =	sdelay $0x1  }
0xb4: {  	v1 =	vmax.f32 v1, v52  }
0xb5: {  	v54 =	vld [tilespmem:s31+$0xA150];
	[tilespmem:s31+$0xA140] =	vst v1  }
0xb6: {  	v55 =	vld [tilespmem:s19+$0xFFFFFFD0];
	_ =	sdelay $0x1  }
0xb7: {  	v3, _, _ =	vpop (xrf0)  }
0xb8: {  	(v2sf) =	vpush v3, $0xF;
	_ =	sdelay $0x1  }
0xb9: {  	v1 =	vmax.f32 v54, v55  }
0xba: {  	v56 =	vld [tilespmem:s31+$0xA160];
	[tilespmem:s31+$0xA150] =	vst v1  }
0xbb: {  	v57 =	vld [tilespmem:s19+$0xFFFFFFE0];
	_ =	sdelay $0x4  }
0xbc: {  	v1 =	vmax.f32 v56, v57  }
0xbd: {  	v58 =	vld [tilespmem:s31+$0xA170];
	[tilespmem:s31+$0xA160] =	vst v1  }
0xbe: {  	v59 =	vld [tilespmem:s19+$0xFFFFFFF0];
	_ =	sdelay $0x3  }
0xbf: {  	s23 =	spop (v2sf)  }
0xc0: {  	s22 =	sshll.u32 s23, $0x8;
	v1 =	vmax.f32 v58, v59  }
0xc1: {  	s24 =	sshra.s32 s22, $0x2;
	[tilespmem:s31+$0xA170] =	vst v1  }
0xc2: {  	v1 =	vld [tilespmem:s24+$0xA140]  }
0xc3: {  	v60 =	vld [tilespmem:s19+$0x0];
	_ =	sdelay $0x1  }
0xc4: {  	v61 =	vsel vm9, $0x0, v0  }
0xc5: {  	(xrf0) =	vadd.scan.msk.s32 $0xffff, v61;
	_ =	sdelay $0x1  }
0xc6: {  	v1 =	vmax.f32 v1, v60  }
0xc7: {  	v62 =	vld [tilespmem:s24+$0xA150];
	[tilespmem:s24+$0xA140] =	vst v1  }
0xc8: {  	v63 =	vld [tilespmem:s19+$0x10];
	_ =	sdelay $0x1  }
0xc9: {  	v3, _, _ =	vpop (xrf0)  }
0xca: {  	(v2sf) =	vpush v3, $0xF;
	_ =	sdelay $0x1  }
0xcb: {  	v1 =	vmax.f32 v62, v63  }
0xcc: {  	v4 =	vld [tilespmem:s24+$0xA160];
	[tilespmem:s24+$0xA150] =	vst v1  }
0xcd: {  	v5 =	vld [tilespmem:s19+$0x20];
	_ =	sdelay $0x4  }
0xce: {  	v1 =	vmax.f32 v4, v5  }
0xcf: {  	v6 =	vld [tilespmem:s24+$0xA170];
	[tilespmem:s24+$0xA160] =	vst v1  }
0xd0: {  	v7 =	vld [tilespmem:s19+$0x30];
	_ =	sdelay $0x3  }
0xd1: {  	s25 =	spop (v2sf)  }
0xd2: {  	s22 =	sshll.u32 s25, $0x8;
	v1 =	vmax.f32 v6, v7  }
0xd3: {  	s26 =	sshra.s32 s22, $0x2;
	[tilespmem:s24+$0xA170] =	vst v1  }
0xd4: {  	v1 =	vld [tilespmem:s26+$0xA140]  }
0xd5: {  	v8 =	vld [tilespmem:s19+$0x40];
	_ =	sdelay $0x1  }
0xd6: {  	v9 =	vsel vm10, $0x0, v0  }
0xd7: {  	(xrf0) =	vadd.scan.msk.s32 $0xffff, v9;
	_ =	sdelay $0x1  }
0xd8: {  	v1 =	vmax.f32 v1, v8  }
0xd9: {  	v10 =	vld [tilespmem:s26+$0xA150];
	[tilespmem:s26+$0xA140] =	vst v1  }
0xda: {  	v11 =	vld [tilespmem:s19+$0x50];
	_ =	sdelay $0x1  }
0xdb: {  	v3, _, _ =	vpop (xrf0)  }
0xdc: {  	(v2sf) =	vpush v3, $0xF;
	_ =	sdelay $0x1  }
0xdd: {  	v1 =	vmax.f32 v10, v11  }
0xde: {  	v12 =	vld [tilespmem:s26+$0xA160];
	[tilespmem:s26+$0xA150] =	vst v1  }
0xdf: {  	v13 =	vld [tilespmem:s19+$0x60];
	_ =	sdelay $0x4  }
0xe0: {  	v1 =	vmax.f32 v12, v13  }
0xe1: {  	v14 =	vld [tilespmem:s26+$0xA170];
	[tilespmem:s26+$0xA160] =	vst v1  }
0xe2: {  	v15 =	vld [tilespmem:s19+$0x70];
	_ =	sdelay $0x3  }
0xe3: {  	s28 =	spop (v2sf)  }
0xe4: {  	s22 =	sshll.u32 s28, $0x8;
	v1 =	vmax.f32 v14, v15  }
0xe5: {  	s29 =	sshra.s32 s22, $0x2;
	[tilespmem:s26+$0xA170] =	vst v1  }
0xe6: {  	v1 =	vld [tilespmem:s29+$0xA140]  }
0xe7: {  	v16 =	vld [tilespmem:s19+$0x80];
	_ =	sdelay $0x1  }
0xe8: {  	v17 =	vsel vm11, $0x0, v0  }
0xe9: {  	(xrf0) =	vadd.scan.msk.s32 $0xffff, v17;
	_ =	sdelay $0x1  }
0xea: {  	v1 =	vmax.f32 v1, v16  }
0xeb: {  	v18 =	vld [tilespmem:s29+$0xA150];
	[tilespmem:s29+$0xA140] =	vst v1  }
0xec: {  	v19 =	vld [tilespmem:s19+$0x90];
	_ =	sdelay $0x1  }
0xed: {  	v3, _, _ =	vpop (xrf0)  }
0xee: {  	(v2sf) =	vpush v3, $0xF;
	_ =	sdelay $0x1  }
0xef: {  	v1 =	vmax.f32 v18, v19  }
0xf0: {  	v20 =	vld [tilespmem:s29+$0xA160];
	[tilespmem:s29+$0xA150] =	vst v1  }
0xf1: {  	v21 =	vld [tilespmem:s19+$0xA0];
	_ =	sdelay $0x4  }
0xf2: {  	v1 =	vmax.f32 v20, v21  }
0xf3: {  	v22 =	vld [tilespmem:s29+$0xA170];
	[tilespmem:s29+$0xA160] =	vst v1  }
0xf4: {  	v23 =	vld [tilespmem:s19+$0xB0];
	_ =	sdelay $0x3  }
0xf5: {  	s30 =	spop (v2sf)  }
0xf6: {  	s22 =	sshll.u32 s30, $0x8;
	v1 =	vmax.f32 v22, v23  }
0xf7: {  	s31 =	sshra.s32 s22, $0x2;
	[tilespmem:s29+$0xA170] =	vst v1  }
0xf8: {  	v1 =	vld [tilespmem:s31+$0xA140]  }
0xf9: {  	v24 =	vld [tilespmem:s19+$0xC0];
	_ =	sdelay $0x1  }
0xfa: {  	v25 =	vsel vm12, $0x0, v0  }
0xfb: {  	(xrf0) =	vadd.scan.msk.s32 $0xffff, v25;
	_ =	sdelay $0x1  }
0xfc: {  	v1 =	vmax.f32 v1, v24  }
0xfd: {  	v26 =	vld [tilespmem:s31+$0xA150];
	[tilespmem:s31+$0xA140] =	vst v1  }
0xfe: {  	v27 =	vld [tilespmem:s19+$0xD0];
	_ =	sdelay $0x1  }
0xff: {  	v3, _, _ =	vpop (xrf0)  }
0x100: {  	(v2sf) =	vpush v3, $0xF;
	_ =	sdelay $0x1  }
0x101: {  	v1 =	vmax.f32 v26, v27  }
0x102: {  	v28 =	vld [tilespmem:s31+$0xA160];
	[tilespmem:s31+$0xA150] =	vst v1  }
0x103: {  	v29 =	vld [tilespmem:s19+$0xE0];
	_ =	sdelay $0x4  }
0x104: {  	v1 =	vmax.f32 v28, v29  }
0x105: {  	v30 =	vld [tilespmem:s31+$0xA170];
	[tilespmem:s31+$0xA160] =	vst v1  }
0x106: {  	v31 =	vld [tilespmem:s19+$0xF0];
	_ =	sdelay $0x3  }
0x107: {  	s23 =	spop (v2sf)  }
0x108: {  	s22 =	sshll.u32 s23, $0x8;
	v1 =	vmax.f32 v30, v31  }
0x109: {  	s24 =	sshra.s32 s22, $0x2;
	[tilespmem:s31+$0xA170] =	vst v1  }
0x10a: {  	v1 =	vld [tilespmem:s24+$0xA140]  }
0x10b: {  	v32 =	vld [tilespmem:s19+$0x100];
	_ =	sdelay $0x1  }
0x10c: {  	v33 =	vsel vm13, $0x0, v0  }
0x10d: {  	(xrf0) =	vadd.scan.msk.s32 $0xffff, v33;
	_ =	sdelay $0x1  }
0x10e: {  	v1 =	vmax.f32 v1, v32  }
0x10f: {  	v34 =	vld [tilespmem:s24+$0xA150];
	[tilespmem:s24+$0xA140] =	vst v1  }
0x110: {  	v35 =	vld [tilespmem:s19+$0x110];
	_ =	sdelay $0x1  }
0x111: {  	v3, _, _ =	vpop (xrf0)  }
0x112: {  	(v2sf) =	vpush v3, $0xF;
	_ =	sdelay $0x1  }
0x113: {  	v1 =	vmax.f32 v34, v35  }
0x114: {  	v36 =	vld [tilespmem:s24+$0xA160];
	[tilespmem:s24+$0xA150] =	vst v1  }
0x115: {  	v37 =	vld [tilespmem:s19+$0x120];
	_ =	sdelay $0x4  }
0x116: {  	v1 =	vmax.f32 v36, v37  }
0x117: {  	v38 =	vld [tilespmem:s24+$0xA170];
	[tilespmem:s24+$0xA160] =	vst v1  }
0x118: {  	v39 =	vld [tilespmem:s19+$0x130];
	_ =	sdelay $0x3  }
0x119: {  	s25 =	spop (v2sf)  }
0x11a: {  	s22 =	sshll.u32 s25, $0x8;
	v1 =	vmax.f32 v38, v39  }
0x11b: {  	s26 =	sshra.s32 s22, $0x2;
	[tilespmem:s24+$0xA170] =	vst v1  }
0x11c: {  	v1 =	vld [tilespmem:s26+$0xA140]  }
0x11d: {  	v40 =	vld [tilespmem:s19+$0x140];
	_ =	sdelay $0x1  }
0x11e: {  	v41 =	vsel vm14, $0x0, v0  }
0x11f: {  	(xrf0) =	vadd.scan.msk.s32 $0xffff, v41;
	_ =	sdelay $0x1  }
0x120: {  	v1 =	vmax.f32 v1, v40  }
0x121: {  	v42 =	vld [tilespmem:s26+$0xA150];
	[tilespmem:s26+$0xA140] =	vst v1  }
0x122: {  	v43 =	vld [tilespmem:s19+$0x150];
	_ =	sdelay $0x1  }
0x123: {  	v3, _, _ =	vpop (xrf0)  }
0x124: {  	(v2sf) =	vpush v3, $0xF;
	_ =	sdelay $0x1  }
0x125: {  	v1 =	vmax.f32 v42, v43  }
0x126: {  	v44 =	vld [tilespmem:s26+$0xA160];
	[tilespmem:s26+$0xA150] =	vst v1  }
0x127: {  	v45 =	vld [tilespmem:s19+$0x160];
	_ =	sdelay $0x4  }
0x128: {  	v1 =	vmax.f32 v44, v45  }
0x129: {  	v46 =	vld [tilespmem:s26+$0xA170];
	[tilespmem:s26+$0xA160] =	vst v1  }
0x12a: {  	v47 =	vld [tilespmem:s19+$0x170];
	_ =	sdelay $0x3  }
0x12b: {  	s28 =	spop (v2sf)  }
0x12c: {  	s22 =	sshll.u32 s28, $0x8;
	v1 =	vmax.f32 v46, v47  }
0x12d: {  	s29 =	sshra.s32 s22, $0x2;
	[tilespmem:s26+$0xA170] =	vst v1  }
0x12e: {  	v1 =	vld [tilespmem:s29+$0xA140]  }
0x12f: {  	v48 =	vld [tilespmem:s19+$0x180];
	_ =	sdelay $0x1  }
0x130: {  	v0 =	vsel vm15, $0x0, v0  }
0x131: {  	(xrf0) =	vadd.scan.msk.s32 $0xffff, v0;
	_ =	sdelay $0x1  }
0x132: {  	v49 =	vmax.f32 v1, v48  }
0x133: {  	v50 =	vld [tilespmem:s29+$0xA150];
	[tilespmem:s29+$0xA140] =	vst v49  }
0x134: {  	v51 =	vld [tilespmem:s19+$0x190];
	_ =	sdelay $0x1  }
0x135: {  	v52, _, _ =	vpop (xrf0)  }
0x136: {  	(v2sf) =	vpush v52, $0xF;
	_ =	sdelay $0x1  }
0x137: {  	v0 =	vmax.f32 v50, v51  }
0x138: {  	v53 =	vld [tilespmem:s29+$0xA160];
	[tilespmem:s29+$0xA150] =	vst v0  }
0x139: {  	v54 =	vld [tilespmem:s19+$0x1A0];
	_ =	sdelay $0x4  }
0x13a: {  	v0 =	vmax.f32 v53, v54  }
0x13b: {  	v55 =	vld [tilespmem:s29+$0xA170];
	[tilespmem:s29+$0xA160] =	vst v0  }
0x13c: {  	v56 =	vld [tilespmem:s19+$0x1B0];
	_ =	sdelay $0x3  }
0x13d: {  	s30 =	spop (v2sf)  }
0x13e: {  	s22 =	sshll.u32 s30, $0x8;
	v0 =	vmax.f32 v55, v56  }
0x13f: {  	s31 =	sshra.s32 s22, $0x2;
	[tilespmem:s29+$0xA170] =	vst v0  }
0x140: {  	v0 =	vld [tilespmem:s31+$0xA140]  }
0x141: {  	v57 =	vld [tilespmem:s19+$0x1C0];
	_ =	sdelay $0x4  }
0x142: {  	v0 =	vmax.f32 v0, v57  }
0x143: {  	v58 =	vld [tilespmem:s31+$0xA150];
	[tilespmem:s31+$0xA140] =	vst v0  }
0x144: {  	v59 =	vld [tilespmem:s19+$0x1D0];
	_ =	sdelay $0x4  }
0x145: {  	v0 =	vmax.f32 v58, v59  }
0x146: {  	v60 =	vld [tilespmem:s31+$0xA160];
	[tilespmem:s31+$0xA150] =	vst v0  }
0x147: {  	v61 =	vld [tilespmem:s19+$0x1E0];
	_ =	sdelay $0x4  }
0x148: {  	v0 =	vmax.f32 v60, v61  }
0x149: {  	v62 =	vld [tilespmem:s31+$0xA170];
	[tilespmem:s31+$0xA160] =	vst v0  }
0x14a: {  	v63 =	vld [tilespmem:s19+$0x1F0]  }
0x14b: {  	p1 =	sne.s32 s20, $0x4C0  }
.Ltmp0:
0x14c: {  	_ = 	snop;
	(pc) =	sbr.rel @p1 .LBB2_2-.Ltmp0, $3  }
0x14d: {  	_ =	sdelay $0x1  }
0x14e: {  	v0 =	vmax.f32 v62, v63  }
0x14f: {  	s20 =	sadd.s32 $0x40, s20;
	s19 =	sadd.s32 $0x400, s19;
	[tilespmem:s31+$0xA170] =	vst v0  }
0x150: {  	[hbm4b:s9+s3] =	stream.linear.scatter [tilespmem:s15], [sflag:$0x1], $0x4400, $0x38;
	[tilespmem:$0xE980] =	vst v63  }
0x151: {  	_ =	swait.ge [sflag:s12], $0x4400  }
0x152: {  	s18 =	sadd.s32 $0x1, s18;
	[sflag:s12] =	ssyncset.done $0x0  }
0x153: {  	s19 =	sshll.u32 s1, $0x6;
	p1 =	sne.s32 s18, s11;
	[sflag:s12] =	ssyncadd.s32 $0xFFFFBC00  }
.Ltmp1:
0x154: {  	s19 =	sor.u32 $0x1C01, s19;
	[bflag:$0x0] =	sbarrier.arrive $0xFFFF;
	(pc) =	sbr.rel @p1 .LBB2_1-.Ltmp1, $4  }
0x155: {  	[hbm:s10], [sflag:s19] =	dma.local [spmem:s17], $0x80  }
0x156: {  	_ =	swait.ge [sflag:s12], $0x80  }
0x157: {  	[sflag:s12] =	ssyncset.done $0x0  }
0x158: {  	[sflag:s12] =	ssyncadd.s32 $0xFFFFFF80  }
0x159: {  	_ =	sfence.sel $0x180000  }
0x15a: {  	[bflag:$0x0] =	sbarrier.arrive $0xFFFF  }
0x15b: {  	_ =	strace $0x90000050  }
0x15c: {  	s0 =	sadd.s32 @!p0 $0x100000, s0;
	[bflag:$0x2] =	sbarrier.arrive $0xFFFF  }
0x15d: {  	[sflag:s0] =	ssyncadd.tile.s32 @!p0 $0x1;
	_ =	shalt  }
.Lfunc_end2:
_tile_overlayer_lowered:
.L_overlay_start_2:
0x15e: {  	(tag) =	ssettag $0x2  }
0x15f: {  	s0 =	rddreg [dreg:$0x0];
	s2 =	stileid.u32  }
0x160: {  	s1 =	rddreg [dreg:$0x1];
	p0 =	sne.s32 s2, $0x0  }
0x161: {  	s3 =	rddreg [dreg:$0x2];
	[bflag:$0x3] =	sbarrier.arrive $0xFFFF;
	s2 =	simm.s32 @!p0 $0x1C01  }
0x162: {  	[timem:s3], [sflag:s2] =	dma.local @!p0 [hbm:s0], s1  }
0x163: {  	s0 =	simm.s32 @!p0 $0x1  }
0x164: {  	_ =	swait.ge @!p0 [sflag:s0], s1  }
0x165: {  	s1 =	ssub.s32 @!p0 $0x0, s1;
	[sflag:s0] =	ssyncset.done @!p0 $0x0  }
0x166: {  	[sflag:s0] =	ssyncadd.s32 @!p0 s1  }
0x167: {  	[bflag:$0x3] =	sbarrier.arrive $0xFFFF  }
0x168: {  	_ =	shalt  }

</sc_bundles>
